<compile_context>
chip_gen: v7x
topology: tpu7x:2x2x1
jax: 0.10.2.dev20260603
libtpu: 0.0.44.dev20260713+nightly
codegen_flags: <defaults>
</compile_context>

<pallas_src>
import functools

import jax
import jax.numpy as jnp
from jax import lax
from jax.experimental import pallas as pl
from jax.experimental.pallas import tpu as pltpu
from jax.experimental.pallas import tpu_sc as plsc

M = 16384
N_VOCAB = 1000000
E = 64
SL = 8
NC = 2
NS = 16
NW = NC * NS
BPW = M // NW
CH = 32
NCHUNK = BPW // CH

_mesh = plsc.VectorSubcoreMesh(core_axis_name="c", subcore_axis_name="s")


@functools.partial(
    pl.kernel,
    mesh=_mesh,
    out_type=jax.ShapeDtypeStruct((M, E), jnp.float32),
    scratch_types=[
        pltpu.VMEM((BPW + 16,), jnp.int32),
        pltpu.VMEM((3, CH, SL, E), jnp.float32),
        pltpu.VMEM((CH, E), jnp.float32),
        pltpu.SemaphoreType.DMA,
    ],
)
def _gather(idx_hbm, tab_hbm, out_hbm, idx_v, slabs_v, out_v, sem):
    wid = lax.axis_index("s") * NC + lax.axis_index("c")
    base = wid * BPW
    pltpu.sync_copy(idx_hbm.at[pl.ds(base, BPW)], idx_v.at[pl.ds(0, BPW)])

    def fire_chunk(j, buf):
        def fire(k, carry):
            i_val = idx_v[pl.ds(j * CH + k, 16)][0]
            slab = lax.shift_right_logical(i_val, 3)
            pltpu.async_copy(
                tab_hbm.at[slab],
                slabs_v.at[buf, k],
                sem,
            )
            return carry

        lax.fori_loop(0, CH, fire, 0)

    def drain_chunk(buf):
        def drain(k, carry):
            pltpu.make_async_copy(
                tab_hbm.at[0],
                slabs_v.at[buf, k],
                sem,
            ).wait()
            return carry

        lax.fori_loop(0, CH, drain, 0)

    fire_chunk(0, 0)
    fire_chunk(1, 1)
    for j in range(NCHUNK):
        if j + 2 < NCHUNK:
            fire_chunk(j + 2, (j + 2) % 3)
        drain_chunk(j % 3)

        def select(k, carry, j=j):
            i_val = idx_v[pl.ds(j * CH + k, 16)][0]
            s = i_val & (SL - 1)
            for c in range(E // 16):
                out_v[k, pl.ds(c * 16, 16)] = (
                    slabs_v[j % 3, k, s, pl.ds(c * 16, 16)]
                )
            return carry

        lax.fori_loop(0, CH, select, 0)
        pltpu.sync_copy(out_v, out_hbm.at[pl.ds(base + j * CH, CH), :])


def kernel(input, embed_weight):
    idx = input.astype(jnp.int32)
    tab = embed_weight.reshape(N_VOCAB // SL, SL, E)
    return _gather(idx, tab)

# --- scband reference (transcript-rebuilt; emitter-appended) ---
"""Pipeline reference for scband-dummy-model-embed-86706799772348 (READ-ONLY COPY).

The authoritative reference and input builder live on the scoring server;
editing this copy changes nothing except your own understanding.
"""

import jax, jax.numpy as jnp
import numpy as np

M = 16384
N = 1000000
E = 64

def setup_inputs(seed: int = 0) -> dict:
    key = jax.random.key(seed)
    k1, k2 = jax.random.split(key)
    input_ids = jax.random.randint(k1, (M,), 0, N, dtype=jnp.int64 if jax.config.jax_enable_x64 else jnp.int32)
    # module initializes embed_weight to ones; keep faithful
    embed_weight = jnp.ones((N, E), dtype=jnp.float32)
    return {"input": input_ids, "embed_weight": embed_weight}

def reference(input, embed_weight):
    # tp_size == 1 path: plain embedding lookup
    return jnp.take(embed_weight, input, axis=0)

if __name__ == "__main__":
    import jax
    _d = setup_inputs()
    print(jax.jit(kernel)(*tuple(_d.values())))

</pallas_src>

<mosaic_0001>
#map = affine_map<(d0, d1) -> (0)>
#map1 = affine_map<(d0, d1) -> (0, 0, 0)>
#map2 = affine_map<(d0, d1) -> (0, 0)>
module attributes {stable_mosaic.version = 14 : i64} {
  func.func @_gather(%arg0: i32, %arg1: i32, %arg2: memref<16384xi32, #tpu.memory_space<hbm>>, %arg3: memref<125000x8x64xf32, #tpu.memory_space<hbm>>, %arg4: memref<16384x64xf32, #tpu.memory_space<hbm>>, %arg5: memref<528xi32, #tpu.memory_space<vmem>>, %arg6: memref<3x32x8x64xf32, #tpu.memory_space<vmem>>, %arg7: memref<32x64xf32, #tpu.memory_space<vmem>>, %arg8: memref<!tpu.dma_semaphore, #tpu.memory_space<semaphore_mem>>) attributes {dimension_semantics = [#tpu.dimension_semantics<core_parallel>, #tpu.dimension_semantics<subcore_parallel>], iteration_bounds = array<i64: 2, 16>, scalar_prefetch = 0 : i64, scratch_operands = 4 : i64, tpu.core_type = #tpu.core_type<sc_vector_subcore>, window_params = [{transform_indices = #map}, {transform_indices = #map1}, {transform_indices = #map2}]} {
    %mul3A = arith.constant 2 : i32
    %mul3A_0 = arith.muli %arg1, %mul3A : i32
    %add3A = arith.addi %mul3A_0, %arg0 : i32
    %mul3A_1 = arith.constant 512 : i32
    %mul3A_2 = arith.muli %add3A, %mul3A_1 : i32
    "tpu.region"() ({
      %run_scoped3A = tpu.sem_alloc : memref<!tpu.dma_semaphore, #tpu.memory_space<semaphore_mem>>
      %dma_start3A = arith.constant 0 : i32
      %dma_start3A_322 = tpu.memref_slice %arg5[%dma_start3A] : memref<528xi32, #tpu.memory_space<vmem>> -> memref<512xi32, #tpu.memory_space<vmem>>
      %dma_start3A_323 = tpu.memref_slice %arg2[%mul3A_2] : memref<16384xi32, #tpu.memory_space<hbm>> -> memref<512xi32, #tpu.memory_space<hbm>>
      %dma_start3A_324 = arith.constant 0 : i32
      %dma_start3A_325 = tpu.memref_slice %arg5[%dma_start3A_324] : memref<528xi32, #tpu.memory_space<vmem>> -> memref<512xi32, #tpu.memory_space<vmem>>
      %dma_start3A_326 = tpu.memref_slice %arg2[%mul3A_2] : memref<16384xi32, #tpu.memory_space<hbm>> -> memref<512xi32, #tpu.memory_space<hbm>>
      tpu.enqueue_dma source(%dma_start3A_326 : memref<512xi32, #tpu.memory_space<hbm>>) target(%dma_start3A_325 : memref<512xi32, #tpu.memory_space<vmem>>) target_semaphore(%run_scoped3A : memref<!tpu.dma_semaphore, #tpu.memory_space<semaphore_mem>>)
      %dma_wait3A = arith.constant 0 : i32
      %dma_wait3A_327 = tpu.memref_slice %arg5[%dma_wait3A] : memref<528xi32, #tpu.memory_space<vmem>> -> memref<512xi32, #tpu.memory_space<vmem>>
      %dma_wait3A_328 = tpu.memref_slice %arg2[%mul3A_2] : memref<16384xi32, #tpu.memory_space<hbm>> -> memref<512xi32, #tpu.memory_space<hbm>>
      %dma_wait3A_329 = arith.constant 0 : i32
      %dma_wait3A_330 = tpu.memref_slice %arg5[%dma_wait3A_329] : memref<528xi32, #tpu.memory_space<vmem>> -> memref<512xi32, #tpu.memory_space<vmem>>
      %dma_wait3A_331 = tpu.memref_slice %arg2[%mul3A_2] : memref<16384xi32, #tpu.memory_space<hbm>> -> memref<512xi32, #tpu.memory_space<hbm>>
      tpu.wait_dma2 semaphore(%run_scoped3A : memref<!tpu.dma_semaphore, #tpu.memory_space<semaphore_mem>>) src(%dma_wait3A_331 : memref<512xi32, #tpu.memory_space<hbm>>) dst(%dma_wait3A_330 : memref<512xi32, #tpu.memory_space<vmem>>)
      tpu.yield
    }) : () -> ()
    %scan3A = arith.constant 0 : i32
    %scan3A_3 = arith.constant 0 : i32
    %scan3A_4 = arith.constant 32 : i32
    %scan3A_5 = arith.addi %scan3A_3, %scan3A_4 : i32
    %scan3A_6 = arith.constant 1 : i32
    scf.for %scan3A_322 = %scan3A_3 to %scan3A_5 step %scan3A_6  : i32 {
      %add3A_323 = arith.constant 0 : i32
      %add3A_324 = arith.addi %add3A_323, %scan3A_322 : i32
      %get3A = arith.index_cast %add3A_324 : i32 to index
      %get3A_325 = tpu.vector_load %arg5[%get3A] {strides = array<i32>} : memref<528xi32, #tpu.memory_space<vmem>>, vector<16xi32>,
      %get3A_326 = vector.shape_cast %get3A_325 : vector<16xi32> to vector<16xi32>
      %slice3A = vector.extract_strided_slice %get3A_326 {offsets = [0], sizes = [1], strides = [1]} : vector<16xi32> to vector<1xi32>
      %squeeze3A = vector.extract %slice3A[0] : i32 from vector<1xi32>
      %shift_right_logical3A = arith.constant 3 : i32
      %shift_right_logical3A_327 = arith.shrui %squeeze3A, %shift_right_logical3A : i32
      %dma_start3A = arith.constant 0 : i32
      %dma_start3A_328 = arith.constant 0 : i32
      %dma_start3A_329 = arith.constant 0 : i32
      %dma_start3A_330 = tpu.memref_slice %arg6[%dma_start3A, %scan3A_322, %dma_start3A_328, %dma_start3A_329] : memref<3x32x8x64xf32, #tpu.memory_space<vmem>> -> memref<1x1x8x64xf32, #tpu.memory_space<vmem>>
      %dma_start3A_331 = tpu.memref_squeeze %dma_start3A_330 : memref<1x1x8x64xf32, #tpu.memory_space<vmem>> -> memref<8x64xf32, #tpu.memory_space<vmem>>
      %dma_start3A_332 = arith.constant 0 : i32
      %dma_start3A_333 = arith.constant 0 : i32
      %dma_start3A_334 = tpu.memref_slice %arg3[%shift_right_logical3A_327, %dma_start3A_332, %dma_start3A_333] : memref<125000x8x64xf32, #tpu.memory_space<hbm>> -> memref<1x8x64xf32, #tpu.memory_space<hbm>>
      %dma_start3A_335 = tpu.memref_squeeze %dma_start3A_334 : memref<1x8x64xf32, #tpu.memory_space<hbm>> -> memref<8x64xf32, #tpu.memory_space<hbm>>
      %dma_start3A_336 = arith.constant 0 : i32
      %dma_start3A_337 = arith.constant 0 : i32
      %dma_start3A_338 = tpu.memref_slice %arg6[%dma_start3A, %scan3A_322, %dma_start3A_336, %dma_start3A_337] : memref<3x32x8x64xf32, #tpu.memory_space<vmem>> -> memref<1x1x8x64xf32, #tpu.memory_space<vmem>>
      %dma_start3A_339 = tpu.memref_squeeze %dma_start3A_338 : memref<1x1x8x64xf32, #tpu.memory_space<vmem>> -> memref<8x64xf32, #tpu.memory_space<vmem>>
      %dma_start3A_340 = arith.constant 0 : i32
      %dma_start3A_341 = arith.constant 0 : i32
      %dma_start3A_342 = tpu.memref_slice %arg3[%shift_right_logical3A_327, %dma_start3A_340, %dma_start3A_341] : memref<125000x8x64xf32, #tpu.memory_space<hbm>> -> memref<1x8x64xf32, #tpu.memory_space<hbm>>
      %dma_start3A_343 = tpu.memref_squeeze %dma_start3A_342 : memref<1x8x64xf32, #tpu.memory_space<hbm>> -> memref<8x64xf32, #tpu.memory_space<hbm>>
      tpu.enqueue_dma source(%dma_start3A_343 : memref<8x64xf32, #tpu.memory_space<hbm>>) target(%dma_start3A_339 : memref<8x64xf32, #tpu.memory_space<vmem>>) target_semaphore(%arg8 : memref<!tpu.dma_semaphore, #tpu.memory_space<semaphore_mem>>)
    }
    %scan3A_7 = arith.constant 32 : i32
    %scan3A_8 = arith.constant 0 : i32
    %scan3A_9 = arith.constant 0 : i32
    %scan3A_10 = arith.constant 32 : i32
    %scan3A_11 = arith.addi %scan3A_9, %scan3A_10 : i32
    %scan3A_12 = arith.constant 1 : i32
    scf.for %scan3A_322 = %scan3A_9 to %scan3A_11 step %scan3A_12  : i32 {
      %add3A_323 = arith.constant 32 : i32
      %add3A_324 = arith.addi %add3A_323, %scan3A_322 : i32
      %get3A = arith.index_cast %add3A_324 : i32 to index
      %get3A_325 = tpu.vector_load %arg5[%get3A] {strides = array<i32>} : memref<528xi32, #tpu.memory_space<vmem>>, vector<16xi32>,
      %get3A_326 = vector.shape_cast %get3A_325 : vector<16xi32> to vector<16xi32>
      %slice3A = vector.extract_strided_slice %get3A_326 {offsets = [0], sizes = [1], strides = [1]} : vector<16xi32> to vector<1xi32>
      %squeeze3A = vector.extract %slice3A[0] : i32 from vector<1xi32>
      %shift_right_logical3A = arith.constant 3 : i32
      %shift_right_logical3A_327 = arith.shrui %squeeze3A, %shift_right_logical3A : i32
      %dma_start3A = arith.constant 1 : i32
      %dma_start3A_328 = arith.constant 0 : i32
      %dma_start3A_329 = arith.constant 0 : i32
      %dma_start3A_330 = tpu.memref_slice %arg6[%dma_start3A, %scan3A_322, %dma_start3A_328, %dma_start3A_329] : memref<3x32x8x64xf32, #tpu.memory_space<vmem>> -> memref<1x1x8x64xf32, #tpu.memory_space<vmem>>
      %dma_start3A_331 = tpu.memref_squeeze %dma_start3A_330 : memref<1x1x8x64xf32, #tpu.memory_space<vmem>> -> memref<8x64xf32, #tpu.memory_space<vmem>>
      %dma_start3A_332 = arith.constant 0 : i32
      %dma_start3A_333 = arith.constant 0 : i32
      %dma_start3A_334 = tpu.memref_slice %arg3[%shift_right_logical3A_327, %dma_start3A_332, %dma_start3A_333] : memref<125000x8x64xf32, #tpu.memory_space<hbm>> -> memref<1x8x64xf32, #tpu.memory_space<hbm>>
      %dma_start3A_335 = tpu.memref_squeeze %dma_start3A_334 : memref<1x8x64xf32, #tpu.memory_space<hbm>> -> memref<8x64xf32, #tpu.memory_space<hbm>>
      %dma_start3A_336 = arith.constant 0 : i32
      %dma_start3A_337 = arith.constant 0 : i32
      %dma_start3A_338 = tpu.memref_slice %arg6[%dma_start3A, %scan3A_322, %dma_start3A_336, %dma_start3A_337] : memref<3x32x8x64xf32, #tpu.memory_space<vmem>> -> memref<1x1x8x64xf32, #tpu.memory_space<vmem>>
      %dma_start3A_339 = tpu.memref_squeeze %dma_start3A_338 : memref<1x1x8x64xf32, #tpu.memory_space<vmem>> -> memref<8x64xf32, #tpu.memory_space<vmem>>
      %dma_start3A_340 = arith.constant 0 : i32
      %dma_start3A_341 = arith.constant 0 : i32
      %dma_start3A_342 = tpu.memref_slice %arg3[%shift_right_logical3A_327, %dma_start3A_340, %dma_start3A_341] : memref<125000x8x64xf32, #tpu.memory_space<hbm>> -> memref<1x8x64xf32, #tpu.memory_space<hbm>>
      %dma_start3A_343 = tpu.memref_squeeze %dma_start3A_342 : memref<1x8x64xf32, #tpu.memory_space<hbm>> -> memref<8x64xf32, #tpu.memory_space<hbm>>
      tpu.enqueue_dma source(%dma_start3A_343 : memref<8x64xf32, #tpu.memory_space<hbm>>) target(%dma_start3A_339 : memref<8x64xf32, #tpu.memory_space<vmem>>) target_semaphore(%arg8 : memref<!tpu.dma_semaphore, #tpu.memory_space<semaphore_mem>>)
    }
    %scan3A_13 = arith.constant 32 : i32
    %scan3A_14 = arith.constant 0 : i32
    %scan3A_15 = arith.constant 0 : i32
    %scan3A_16 = arith.constant 32 : i32
    %scan3A_17 = arith.addi %scan3A_15, %scan3A_16 : i32
    %scan3A_18 = arith.constant 1 : i32
    scf.for %scan3A_322 = %scan3A_15 to %scan3A_17 step %scan3A_18  : i32 {
      %add3A_323 = arith.constant 64 : i32
      %add3A_324 = arith.addi %add3A_323, %scan3A_322 : i32
      %get3A = arith.index_cast %add3A_324 : i32 to index
      %get3A_325 = tpu.vector_load %arg5[%get3A] {strides = array<i32>} : memref<528xi32, #tpu.memory_space<vmem>>, vector<16xi32>,
      %get3A_326 = vector.shape_cast %get3A_325 : vector<16xi32> to vector<16xi32>
      %slice3A = vector.extract_strided_slice %get3A_326 {offsets = [0], sizes = [1], strides = [1]} : vector<16xi32> to vector<1xi32>
      %squeeze3A = vector.extract %slice3A[0] : i32 from vector<1xi32>
      %shift_right_logical3A = arith.constant 3 : i32
      %shift_right_logical3A_327 = arith.shrui %squeeze3A, %shift_right_logical3A : i32
      %dma_start3A = arith.constant 2 : i32
      %dma_start3A_328 = arith.constant 0 : i32
      %dma_start3A_329 = arith.constant 0 : i32
      %dma_start3A_330 = tpu.memref_slice %arg6[%dma_start3A, %scan3A_322, %dma_start3A_328, %dma_start3A_329] : memref<3x32x8x64xf32, #tpu.memory_space<vmem>> -> memref<1x1x8x64xf32, #tpu.memory_space<vmem>>
      %dma_start3A_331 = tpu.memref_squeeze %dma_start3A_330 : memref<1x1x8x64xf32, #tpu.memory_space<vmem>> -> memref<8x64xf32, #tpu.memory_space<vmem>>
      %dma_start3A_332 = arith.constant 0 : i32
      %dma_start3A_333 = arith.constant 0 : i32
      %dma_start3A_334 = tpu.memref_slice %arg3[%shift_right_logical3A_327, %dma_start3A_332, %dma_start3A_333] : memref<125000x8x64xf32, #tpu.memory_space<hbm>> -> memref<1x8x64xf32, #tpu.memory_space<hbm>>
      %dma_start3A_335 = tpu.memref_squeeze %dma_start3A_334 : memref<1x8x64xf32, #tpu.memory_space<hbm>> -> memref<8x64xf32, #tpu.memory_space<hbm>>
      %dma_start3A_336 = arith.constant 0 : i32
      %dma_start3A_337 = arith.constant 0 : i32
      %dma_start3A_338 = tpu.memref_slice %arg6[%dma_start3A, %scan3A_322, %dma_start3A_336, %dma_start3A_337] : memref<3x32x8x64xf32, #tpu.memory_space<vmem>> -> memref<1x1x8x64xf32, #tpu.memory_space<vmem>>
      %dma_start3A_339 = tpu.memref_squeeze %dma_start3A_338 : memref<1x1x8x64xf32, #tpu.memory_space<vmem>> -> memref<8x64xf32, #tpu.memory_space<vmem>>
      %dma_start3A_340 = arith.constant 0 : i32
      %dma_start3A_341 = arith.constant 0 : i32
      %dma_start3A_342 = tpu.memref_slice %arg3[%shift_right_logical3A_327, %dma_start3A_340, %dma_start3A_341] : memref<125000x8x64xf32, #tpu.memory_space<hbm>> -> memref<1x8x64xf32, #tpu.memory_space<hbm>>
      %dma_start3A_343 = tpu.memref_squeeze %dma_start3A_342 : memref<1x8x64xf32, #tpu.memory_space<hbm>> -> memref<8x64xf32, #tpu.memory_space<hbm>>
      tpu.enqueue_dma source(%dma_start3A_343 : memref<8x64xf32, #tpu.memory_space<hbm>>) target(%dma_start3A_339 : memref<8x64xf32, #tpu.memory_space<vmem>>) target_semaphore(%arg8 : memref<!tpu.dma_semaphore, #tpu.memory_space<semaphore_mem>>)
    }
    %scan3A_19 = arith.constant 32 : i32
    %scan3A_20 = arith.constant 0 : i32
    %scan3A_21 = arith.constant 0 : i32
    %scan3A_22 = arith.constant 32 : i32
    %scan3A_23 = arith.addi %scan3A_21, %scan3A_22 : i32
    %scan3A_24 = arith.constant 1 : i32
    scf.for %scan3A_322 = %scan3A_21 to %scan3A_23 step %scan3A_24  : i32 {
      %dma_wait3A = arith.constant 0 : i32
      %dma_wait3A_323 = arith.constant 0 : i32
      %dma_wait3A_324 = arith.constant 0 : i32
      %dma_wait3A_325 = arith.constant 0 : i32
      %dma_wait3A_326 = tpu.memref_slice %arg6[%dma_wait3A_323, %scan3A_322, %dma_wait3A_324, %dma_wait3A_325] : memref<3x32x8x64xf32, #tpu.memory_space<vmem>> -> memref<1x1x8x64xf32, #tpu.memory_space<vmem>>
      %dma_wait3A_327 = tpu.memref_squeeze %dma_wait3A_326 : memref<1x1x8x64xf32, #tpu.memory_space<vmem>> -> memref<8x64xf32, #tpu.memory_space<vmem>>
      %dma_wait3A_328 = arith.constant 0 : i32
      %dma_wait3A_329 = arith.constant 0 : i32
      %dma_wait3A_330 = tpu.memref_slice %arg3[%dma_wait3A, %dma_wait3A_328, %dma_wait3A_329] : memref<125000x8x64xf32, #tpu.memory_space<hbm>> -> memref<1x8x64xf32, #tpu.memory_space<hbm>>
      %dma_wait3A_331 = tpu.memref_squeeze %dma_wait3A_330 : memref<1x8x64xf32, #tpu.memory_space<hbm>> -> memref<8x64xf32, #tpu.memory_space<hbm>>
      %dma_wait3A_332 = arith.constant 0 : i32
      %dma_wait3A_333 = arith.constant 0 : i32
      %dma_wait3A_334 = tpu.memref_slice %arg6[%dma_wait3A_323, %scan3A_322, %dma_wait3A_332, %dma_wait3A_333] : memref<3x32x8x64xf32, #tpu.memory_space<vmem>> -> memref<1x1x8x64xf32, #tpu.memory_space<vmem>>
      %dma_wait3A_335 = tpu.memref_squeeze %dma_wait3A_334 : memref<1x1x8x64xf32, #tpu.memory_space<vmem>> -> memref<8x64xf32, #tpu.memory_space<vmem>>
      %dma_wait3A_336 = arith.constant 0 : i32
      %dma_wait3A_337 = arith.constant 0 : i32
      %dma_wait3A_338 = tpu.memref_slice %arg3[%dma_wait3A, %dma_wait3A_336, %dma_wait3A_337] : memref<125000x8x64xf32, #tpu.memory_space<hbm>> -> memref<1x8x64xf32, #tpu.memory_space<hbm>>
      %dma_wait3A_339 = tpu.memref_squeeze %dma_wait3A_338 : memref<1x8x64xf32, #tpu.memory_space<hbm>> -> memref<8x64xf32, #tpu.memory_space<hbm>>
      tpu.wait_dma2 semaphore(%arg8 : memref<!tpu.dma_semaphore, #tpu.memory_space<semaphore_mem>>) src(%dma_wait3A_339 : memref<8x64xf32, #tpu.memory_space<hbm>>) dst(%dma_wait3A_335 : memref<8x64xf32, #tpu.memory_space<vmem>>)
    }
    %scan3A_25 = arith.constant 32 : i32
    %scan3A_26 = arith.constant 0 : i32
    %scan3A_27 = arith.constant 0 : i32
    %scan3A_28 = arith.constant 32 : i32
    %scan3A_29 = arith.addi %scan3A_27, %scan3A_28 : i32
    %scan3A_30 = arith.constant 1 : i32
    scf.for %scan3A_322 = %scan3A_27 to %scan3A_29 step %scan3A_30  : i32 {
      %add3A_323 = arith.constant 0 : i32
      %add3A_324 = arith.addi %add3A_323, %scan3A_322 : i32
      %get3A = arith.index_cast %add3A_324 : i32 to index
      %get3A_325 = tpu.vector_load %arg5[%get3A] {strides = array<i32>} : memref<528xi32, #tpu.memory_space<vmem>>, vector<16xi32>,
      %get3A_326 = vector.shape_cast %get3A_325 : vector<16xi32> to vector<16xi32>
      %slice3A = vector.extract_strided_slice %get3A_326 {offsets = [0], sizes = [1], strides = [1]} : vector<16xi32> to vector<1xi32>
      %squeeze3A = vector.extract %slice3A[0] : i32 from vector<1xi32>
      %and3A = arith.constant 7 : i32
      %and3A_327 = arith.andi %squeeze3A, %and3A : i32
      %get3A_328 = arith.constant 0 : i32
      %get3A_329 = arith.index_cast %get3A_328 : i32 to index
      %get3A_330 = arith.index_cast %scan3A_322 : i32 to index
      %get3A_331 = arith.index_cast %and3A_327 : i32 to index
      %get3A_332 = arith.constant 0 : index
      %get3A_333 = tpu.vector_load %arg6[%get3A_329, %get3A_330, %get3A_331, %get3A_332] {strides = array<i32>} : memref<3x32x8x64xf32, #tpu.memory_space<vmem>>, vector<1x1x1x16xf32>,
      %get3A_334 = vector.shape_cast %get3A_333 : vector<1x1x1x16xf32> to vector<16xf32>
      %swap3A = arith.index_cast %scan3A_322 : i32 to index
      %swap3A_335 = arith.constant 0 : index
      %swap3A_336 = tpu.vector_load %arg7[%swap3A, %swap3A_335] {strides = array<i32>} : memref<32x64xf32, #tpu.memory_space<vmem>>, vector<1x16xf32>,
      %swap3A_337 = vector.shape_cast %swap3A_336 : vector<1x16xf32> to vector<16xf32>
      %swap3A_338 = vector.shape_cast %get3A_334 : vector<16xf32> to vector<1x16xf32>
      tpu.vector_store %arg7[%swap3A, %swap3A_335], %swap3A_338 {strides = array<i32>} : memref<32x64xf32, #tpu.memory_space<vmem>>, vector<1x16xf32>,
      %get3A_339 = arith.constant 0 : i32
      %get3A_340 = arith.index_cast %get3A_339 : i32 to index
      %get3A_341 = arith.index_cast %scan3A_322 : i32 to index
      %get3A_342 = arith.index_cast %and3A_327 : i32 to index
      %get3A_343 = arith.constant 16 : index
      %get3A_344 = tpu.vector_load %arg6[%get3A_340, %get3A_341, %get3A_342, %get3A_343] {strides = array<i32>} : memref<3x32x8x64xf32, #tpu.memory_space<vmem>>, vector<1x1x1x16xf32>,
      %get3A_345 = vector.shape_cast %get3A_344 : vector<1x1x1x16xf32> to vector<16xf32>
      %swap3A_346 = arith.index_cast %scan3A_322 : i32 to index
      %swap3A_347 = arith.constant 16 : index
      %swap3A_348 = tpu.vector_load %arg7[%swap3A_346, %swap3A_347] {strides = array<i32>} : memref<32x64xf32, #tpu.memory_space<vmem>>, vector<1x16xf32>,
      %swap3A_349 = vector.shape_cast %swap3A_348 : vector<1x16xf32> to vector<16xf32>
      %swap3A_350 = vector.shape_cast %get3A_345 : vector<16xf32> to vector<1x16xf32>
      tpu.vector_store %arg7[%swap3A_346, %swap3A_347], %swap3A_350 {strides = array<i32>} : memref<32x64xf32, #tpu.memory_space<vmem>>, vector<1x16xf32>,
      %get3A_351 = arith.constant 0 : i32
      %get3A_352 = arith.index_cast %get3A_351 : i32 to index
      %get3A_353 = arith.index_cast %scan3A_322 : i32 to index
      %get3A_354 = arith.index_cast %and3A_327 : i32 to index
      %get3A_355 = arith.constant 32 : index
      %get3A_356 = tpu.vector_load %arg6[%get3A_352, %get3A_353, %get3A_354, %get3A_355] {strides = array<i32>} : memref<3x32x8x64xf32, #tpu.memory_space<vmem>>, vector<1x1x1x16xf32>,
      %get3A_357 = vector.shape_cast %get3A_356 : vector<1x1x1x16xf32> to vector<16xf32>
      %swap3A_358 = arith.index_cast %scan3A_322 : i32 to index
      %swap3A_359 = arith.constant 32 : index
      %swap3A_360 = tpu.vector_load %arg7[%swap3A_358, %swap3A_359] {strides = array<i32>} : memref<32x64xf32, #tpu.memory_space<vmem>>, vector<1x16xf32>,
      %swap3A_361 = vector.shape_cast %swap3A_360 : vector<1x16xf32> to vector<16xf32>
      %swap3A_362 = vector.shape_cast %get3A_357 : vector<16xf32> to vector<1x16xf32>
      tpu.vector_store %arg7[%swap3A_358, %swap3A_359], %swap3A_362 {strides = array<i32>} : memref<32x64xf32, #tpu.memory_space<vmem>>, vector<1x16xf32>,
      %get3A_363 = arith.constant 0 : i32
      %get3A_364 = arith.index_cast %get3A_363 : i32 to index
      %get3A_365 = arith.index_cast %scan3A_322 : i32 to index
      %get3A_366 = arith.index_cast %and3A_327 : i32 to index
      %get3A_367 = arith.constant 48 : index
      %get3A_368 = tpu.vector_load %arg6[%get3A_364, %get3A_365, %get3A_366, %get3A_367] {strides = array<i32>} : memref<3x32x8x64xf32, #tpu.memory_space<vmem>>, vector<1x1x1x16xf32>,
      %get3A_369 = vector.shape_cast %get3A_368 : vector<1x1x1x16xf32> to vector<16xf32>
      %swap3A_370 = arith.index_cast %scan3A_322 : i32 to index
      %swap3A_371 = arith.constant 48 : index
      %swap3A_372 = tpu.vector_load %arg7[%swap3A_370, %swap3A_371] {strides = array<i32>} : memref<32x64xf32, #tpu.memory_space<vmem>>, vector<1x16xf32>,
      %swap3A_373 = vector.shape_cast %swap3A_372 : vector<1x16xf32> to vector<16xf32>
      %swap3A_374 = vector.shape_cast %get3A_369 : vector<16xf32> to vector<1x16xf32>
      tpu.vector_store %arg7[%swap3A_370, %swap3A_371], %swap3A_374 {strides = array<i32>} : memref<32x64xf32, #tpu.memory_space<vmem>>, vector<1x16xf32>,
    }
    %scan3A_31 = arith.constant 32 : i32
    %add3A_32 = arith.constant 0 : i32
    %add3A_33 = arith.addi %mul3A_2, %add3A_32 : i32
    "tpu.region"() ({
      %run_scoped3A = tpu.sem_alloc : memref<!tpu.dma_semaphore, #tpu.memory_space<semaphore_mem>>
      %dma_start3A = arith.constant 0 : i32
      %dma_start3A_322 = tpu.memref_slice %arg4[%add3A_33, %dma_start3A] : memref<16384x64xf32, #tpu.memory_space<hbm>> -> memref<32x64xf32, #tpu.memory_space<hbm>>
      %dma_start3A_323 = arith.constant 0 : i32
      %dma_start3A_324 = tpu.memref_slice %arg4[%add3A_33, %dma_start3A_323] : memref<16384x64xf32, #tpu.memory_space<hbm>> -> memref<32x64xf32, #tpu.memory_space<hbm>>
      tpu.enqueue_dma source(%arg7 : memref<32x64xf32, #tpu.memory_space<vmem>>) target(%dma_start3A_324 : memref<32x64xf32, #tpu.memory_space<hbm>>) target_semaphore(%run_scoped3A : memref<!tpu.dma_semaphore, #tpu.memory_space<semaphore_mem>>)
      %dma_wait3A = arith.constant 0 : i32
      %dma_wait3A_325 = tpu.memref_slice %arg4[%add3A_33, %dma_wait3A] : memref<16384x64xf32, #tpu.memory_space<hbm>> -> memref<32x64xf32, #tpu.memory_space<hbm>>
      %dma_wait3A_326 = arith.constant 0 : i32
      %dma_wait3A_327 = tpu.memref_slice %arg4[%add3A_33, %dma_wait3A_326] : memref<16384x64xf32, #tpu.memory_space<hbm>> -> memref<32x64xf32, #tpu.memory_space<hbm>>
      tpu.wait_dma2 semaphore(%run_scoped3A : memref<!tpu.dma_semaphore, #tpu.memory_space<semaphore_mem>>) src(%arg7 : memref<32x64xf32, #tpu.memory_space<vmem>>) dst(%dma_wait3A_327 : memref<32x64xf32, #tpu.memory_space<hbm>>)
      tpu.yield
    }) : () -> ()
    %scan3A_34 = arith.constant 0 : i32
    %scan3A_35 = arith.constant 0 : i32
    %scan3A_36 = arith.constant 32 : i32
    %scan3A_37 = arith.addi %scan3A_35, %scan3A_36 : i32
    %scan3A_38 = arith.constant 1 : i32
    scf.for %scan3A_322 = %scan3A_35 to %scan3A_37 step %scan3A_38  : i32 {
      %add3A_323 = arith.constant 96 : i32
      %add3A_324 = arith.addi %add3A_323, %scan3A_322 : i32
      %get3A = arith.index_cast %add3A_324 : i32 to index
      %get3A_325 = tpu.vector_load %arg5[%get3A] {strides = array<i32>} : memref<528xi32, #tpu.memory_space<vmem>>, vector<16xi32>,
      %get3A_326 = vector.shape_cast %get3A_325 : vector<16xi32> to vector<16xi32>
      %slice3A = vector.extract_strided_slice %get3A_326 {offsets = [0], sizes = [1], strides = [1]} : vector<16xi32> to vector<1xi32>
      %squeeze3A = vector.extract %slice3A[0] : i32 from vector<1xi32>
      %shift_right_logical3A = arith.constant 3 : i32
      %shift_right_logical3A_327 = arith.shrui %squeeze3A, %shift_right_logical3A : i32
      %dma_start3A = arith.constant 0 : i32
      %dma_start3A_328 = arith.constant 0 : i32
      %dma_start3A_329 = arith.constant 0 : i32
      %dma_start3A_330 = tpu.memref_slice %arg6[%dma_start3A, %scan3A_322, %dma_start3A_328, %dma_start3A_329] : memref<3x32x8x64xf32, #tpu.memory_space<vmem>> -> memref<1x1x8x64xf32, #tpu.memory_space<vmem>>
      %dma_start3A_331 = tpu.memref_squeeze %dma_start3A_330 : memref<1x1x8x64xf32, #tpu.memory_space<vmem>> -> memref<8x64xf32, #tpu.memory_space<vmem>>
      %dma_start3A_332 = arith.constant 0 : i32
      %dma_start3A_333 = arith.constant 0 : i32
      %dma_start3A_334 = tpu.memref_slice %arg3[%shift_right_logical3A_327, %dma_start3A_332, %dma_start3A_333] : memref<125000x8x64xf32, #tpu.memory_space<hbm>> -> memref<1x8x64xf32, #tpu.memory_space<hbm>>
      %dma_start3A_335 = tpu.memref_squeeze %dma_start3A_334 : memref<1x8x64xf32, #tpu.memory_space<hbm>> -> memref<8x64xf32, #tpu.memory_space<hbm>>
      %dma_start3A_336 = arith.constant 0 : i32
      %dma_start3A_337 = arith.constant 0 : i32
      %dma_start3A_338 = tpu.memref_slice %arg6[%dma_start3A, %scan3A_322, %dma_start3A_336, %dma_start3A_337] : memref<3x32x8x64xf32, #tpu.memory_space<vmem>> -> memref<1x1x8x64xf32, #tpu.memory_space<vmem>>
      %dma_start3A_339 = tpu.memref_squeeze %dma_start3A_338 : memref<1x1x8x64xf32, #tpu.memory_space<vmem>> -> memref<8x64xf32, #tpu.memory_space<vmem>>
      %dma_start3A_340 = arith.constant 0 : i32
      %dma_start3A_341 = arith.constant 0 : i32
      %dma_start3A_342 = tpu.memref_slice %arg3[%shift_right_logical3A_327, %dma_start3A_340, %dma_start3A_341] : memref<125000x8x64xf32, #tpu.memory_space<hbm>> -> memref<1x8x64xf32, #tpu.memory_space<hbm>>
      %dma_start3A_343 = tpu.memref_squeeze %dma_start3A_342 : memref<1x8x64xf32, #tpu.memory_space<hbm>> -> memref<8x64xf32, #tpu.memory_space<hbm>>
      tpu.enqueue_dma source(%dma_start3A_343 : memref<8x64xf32, #tpu.memory_space<hbm>>) target(%dma_start3A_339 : memref<8x64xf32, #tpu.memory_space<vmem>>) target_semaphore(%arg8 : memref<!tpu.dma_semaphore, #tpu.memory_space<semaphore_mem>>)
    }
    %scan3A_39 = arith.constant 32 : i32
    %scan3A_40 = arith.constant 0 : i32
    %scan3A_41 = arith.constant 0 : i32
    %scan3A_42 = arith.constant 32 : i32
    %scan3A_43 = arith.addi %scan3A_41, %scan3A_42 : i32
    %scan3A_44 = arith.constant 1 : i32
    scf.for %scan3A_322 = %scan3A_41 to %scan3A_43 step %scan3A_44  : i32 {
      %dma_wait3A = arith.constant 0 : i32
      %dma_wait3A_323 = arith.constant 1 : i32
      %dma_wait3A_324 = arith.constant 0 : i32
      %dma_wait3A_325 = arith.constant 0 : i32
      %dma_wait3A_326 = tpu.memref_slice %arg6[%dma_wait3A_323, %scan3A_322, %dma_wait3A_324, %dma_wait3A_325] : memref<3x32x8x64xf32, #tpu.memory_space<vmem>> -> memref<1x1x8x64xf32, #tpu.memory_space<vmem>>
      %dma_wait3A_327 = tpu.memref_squeeze %dma_wait3A_326 : memref<1x1x8x64xf32, #tpu.memory_space<vmem>> -> memref<8x64xf32, #tpu.memory_space<vmem>>
      %dma_wait3A_328 = arith.constant 0 : i32
      %dma_wait3A_329 = arith.constant 0 : i32
      %dma_wait3A_330 = tpu.memref_slice %arg3[%dma_wait3A, %dma_wait3A_328, %dma_wait3A_329] : memref<125000x8x64xf32, #tpu.memory_space<hbm>> -> memref<1x8x64xf32, #tpu.memory_space<hbm>>
      %dma_wait3A_331 = tpu.memref_squeeze %dma_wait3A_330 : memref<1x8x64xf32, #tpu.memory_space<hbm>> -> memref<8x64xf32, #tpu.memory_space<hbm>>
      %dma_wait3A_332 = arith.constant 0 : i32
      %dma_wait3A_333 = arith.constant 0 : i32
      %dma_wait3A_334 = tpu.memref_slice %arg6[%dma_wait3A_323, %scan3A_322, %dma_wait3A_332, %dma_wait3A_333] : memref<3x32x8x64xf32, #tpu.memory_space<vmem>> -> memref<1x1x8x64xf32, #tpu.memory_space<vmem>>
      %dma_wait3A_335 = tpu.memref_squeeze %dma_wait3A_334 : memref<1x1x8x64xf32, #tpu.memory_space<vmem>> -> memref<8x64xf32, #tpu.memory_space<vmem>>
      %dma_wait3A_336 = arith.constant 0 : i32
      %dma_wait3A_337 = arith.constant 0 : i32
      %dma_wait3A_338 = tpu.memref_slice %arg3[%dma_wait3A, %dma_wait3A_336, %dma_wait3A_337] : memref<125000x8x64xf32, #tpu.memory_space<hbm>> -> memref<1x8x64xf32, #tpu.memory_space<hbm>>
      %dma_wait3A_339 = tpu.memref_squeeze %dma_wait3A_338 : memref<1x8x64xf32, #tpu.memory_space<hbm>> -> memref<8x64xf32, #tpu.memory_space<hbm>>
      tpu.wait_dma2 semaphore(%arg8 : memref<!tpu.dma_semaphore, #tpu.memory_space<semaphore_mem>>) src(%dma_wait3A_339 : memref<8x64xf32, #tpu.memory_space<hbm>>) dst(%dma_wait3A_335 : memref<8x64xf32, #tpu.memory_space<vmem>>)
    }
    %scan3A_45 = arith.constant 32 : i32
    %scan3A_46 = arith.constant 0 : i32
    %scan3A_47 = arith.constant 0 : i32
    %scan3A_48 = arith.constant 32 : i32
    %scan3A_49 = arith.addi %scan3A_47, %scan3A_48 : i32
    %scan3A_50 = arith.constant 1 : i32
    scf.for %scan3A_322 = %scan3A_47 to %scan3A_49 step %scan3A_50  : i32 {
      %add3A_323 = arith.constant 32 : i32
      %add3A_324 = arith.addi %add3A_323, %scan3A_322 : i32
      %get3A = arith.index_cast %add3A_324 : i32 to index
      %get3A_325 = tpu.vector_load %arg5[%get3A] {strides = array<i32>} : memref<528xi32, #tpu.memory_space<vmem>>, vector<16xi32>,
      %get3A_326 = vector.shape_cast %get3A_325 : vector<16xi32> to vector<16xi32>
      %slice3A = vector.extract_strided_slice %get3A_326 {offsets = [0], sizes = [1], strides = [1]} : vector<16xi32> to vector<1xi32>
      %squeeze3A = vector.extract %slice3A[0] : i32 from vector<1xi32>
      %and3A = arith.constant 7 : i32
      %and3A_327 = arith.andi %squeeze3A, %and3A : i32
      %get3A_328 = arith.constant 1 : i32
      %get3A_329 = arith.index_cast %get3A_328 : i32 to index
      %get3A_330 = arith.index_cast %scan3A_322 : i32 to index
      %get3A_331 = arith.index_cast %and3A_327 : i32 to index
      %get3A_332 = arith.constant 0 : index
      %get3A_333 = tpu.vector_load %arg6[%get3A_329, %get3A_330, %get3A_331, %get3A_332] {strides = array<i32>} : memref<3x32x8x64xf32, #tpu.memory_space<vmem>>, vector<1x1x1x16xf32>,
      %get3A_334 = vector.shape_cast %get3A_333 : vector<1x1x1x16xf32> to vector<16xf32>
      %swap3A = arith.index_cast %scan3A_322 : i32 to index
      %swap3A_335 = arith.constant 0 : index
      %swap3A_336 = tpu.vector_load %arg7[%swap3A, %swap3A_335] {strides = array<i32>} : memref<32x64xf32, #tpu.memory_space<vmem>>, vector<1x16xf32>,
      %swap3A_337 = vector.shape_cast %swap3A_336 : vector<1x16xf32> to vector<16xf32>
      %swap3A_338 = vector.shape_cast %get3A_334 : vector<16xf32> to vector<1x16xf32>
      tpu.vector_store %arg7[%swap3A, %swap3A_335], %swap3A_338 {strides = array<i32>} : memref<32x64xf32, #tpu.memory_space<vmem>>, vector<1x16xf32>,
      %get3A_339 = arith.constant 1 : i32
      %get3A_340 = arith.index_cast %get3A_339 : i32 to index
      %get3A_341 = arith.index_cast %scan3A_322 : i32 to index
      %get3A_342 = arith.index_cast %and3A_327 : i32 to index
      %get3A_343 = arith.constant 16 : index
      %get3A_344 = tpu.vector_load %arg6[%get3A_340, %get3A_341, %get3A_342, %get3A_343] {strides = array<i32>} : memref<3x32x8x64xf32, #tpu.memory_space<vmem>>, vector<1x1x1x16xf32>,
      %get3A_345 = vector.shape_cast %get3A_344 : vector<1x1x1x16xf32> to vector<16xf32>
      %swap3A_346 = arith.index_cast %scan3A_322 : i32 to index
      %swap3A_347 = arith.constant 16 : index
      %swap3A_348 = tpu.vector_load %arg7[%swap3A_346, %swap3A_347] {strides = array<i32>} : memref<32x64xf32, #tpu.memory_space<vmem>>, vector<1x16xf32>,
      %swap3A_349 = vector.shape_cast %swap3A_348 : vector<1x16xf32> to vector<16xf32>
      %swap3A_350 = vector.shape_cast %get3A_345 : vector<16xf32> to vector<1x16xf32>
      tpu.vector_store %arg7[%swap3A_346, %swap3A_347], %swap3A_350 {strides = array<i32>} : memref<32x64xf32, #tpu.memory_space<vmem>>, vector<1x16xf32>,
      %get3A_351 = arith.constant 1 : i32
      %get3A_352 = arith.index_cast %get3A_351 : i32 to index
      %get3A_353 = arith.index_cast %scan3A_322 : i32 to index
      %get3A_354 = arith.index_cast %and3A_327 : i32 to index
      %get3A_355 = arith.constant 32 : index
      %get3A_356 = tpu.vector_load %arg6[%get3A_352, %get3A_353, %get3A_354, %get3A_355] {strides = array<i32>} : memref<3x32x8x64xf32, #tpu.memory_space<vmem>>, vector<1x1x1x16xf32>,
      %get3A_357 = vector.shape_cast %get3A_356 : vector<1x1x1x16xf32> to vector<16xf32>
      %swap3A_358 = arith.index_cast %scan3A_322 : i32 to index
      %swap3A_359 = arith.constant 32 : index
      %swap3A_360 = tpu.vector_load %arg7[%swap3A_358, %swap3A_359] {strides = array<i32>} : memref<32x64xf32, #tpu.memory_space<vmem>>, vector<1x16xf32>,
      %swap3A_361 = vector.shape_cast %swap3A_360 : vector<1x16xf32> to vector<16xf32>
      %swap3A_362 = vector.shape_cast %get3A_357 : vector<16xf32> to vector<1x16xf32>
      tpu.vector_store %arg7[%swap3A_358, %swap3A_359], %swap3A_362 {strides = array<i32>} : memref<32x64xf32, #tpu.memory_space<vmem>>, vector<1x16xf32>,
      %get3A_363 = arith.constant 1 : i32
      %get3A_364 = arith.index_cast %get3A_363 : i32 to index
      %get3A_365 = arith.index_cast %scan3A_322 : i32 to index
      %get3A_366 = arith.index_cast %and3A_327 : i32 to index
      %get3A_367 = arith.constant 48 : index
      %get3A_368 = tpu.vector_load %arg6[%get3A_364, %get3A_365, %get3A_366, %get3A_367] {strides = array<i32>} : memref<3x32x8x64xf32, #tpu.memory_space<vmem>>, vector<1x1x1x16xf32>,
      %get3A_369 = vector.shape_cast %get3A_368 : vector<1x1x1x16xf32> to vector<16xf32>
      %swap3A_370 = arith.index_cast %scan3A_322 : i32 to index
      %swap3A_371 = arith.constant 48 : index
      %swap3A_372 = tpu.vector_load %arg7[%swap3A_370, %swap3A_371] {strides = array<i32>} : memref<32x64xf32, #tpu.memory_space<vmem>>, vector<1x16xf32>,
      %swap3A_373 = vector.shape_cast %swap3A_372 : vector<1x16xf32> to vector<16xf32>
      %swap3A_374 = vector.shape_cast %get3A_369 : vector<16xf32> to vector<1x16xf32>
      tpu.vector_store %arg7[%swap3A_370, %swap3A_371], %swap3A_374 {strides = array<i32>} : memref<32x64xf32, #tpu.memory_space<vmem>>, vector<1x16xf32>,
    }
    %scan3A_51 = arith.constant 32 : i32
    %add3A_52 = arith.constant 32 : i32
    %add3A_53 = arith.addi %mul3A_2, %add3A_52 : i32
    "tpu.region"() ({
      %run_scoped3A = tpu.sem_alloc : memref<!tpu.dma_semaphore, #tpu.memory_space<semaphore_mem>>
      %dma_start3A = arith.constant 0 : i32
      %dma_start3A_322 = tpu.memref_slice %arg4[%add3A_53, %dma_start3A] : memref<16384x64xf32, #tpu.memory_space<hbm>> -> memref<32x64xf32, #tpu.memory_space<hbm>>
      %dma_start3A_323 = arith.constant 0 : i32
      %dma_start3A_324 = tpu.memref_slice %arg4[%add3A_53, %dma_start3A_323] : memref<16384x64xf32, #tpu.memory_space<hbm>> -> memref<32x64xf32, #tpu.memory_space<hbm>>
      tpu.enqueue_dma source(%arg7 : memref<32x64xf32, #tpu.memory_space<vmem>>) target(%dma_start3A_324 : memref<32x64xf32, #tpu.memory_space<hbm>>) target_semaphore(%run_scoped3A : memref<!tpu.dma_semaphore, #tpu.memory_space<semaphore_mem>>)
      %dma_wait3A = arith.constant 0 : i32
      %dma_wait3A_325 = tpu.memref_slice %arg4[%add3A_53, %dma_wait3A] : memref<16384x64xf32, #tpu.memory_space<hbm>> -> memref<32x64xf32, #tpu.memory_space<hbm>>
      %dma_wait3A_326 = arith.constant 0 : i32
      %dma_wait3A_327 = tpu.memref_slice %arg4[%add3A_53, %dma_wait3A_326] : memref<16384x64xf32, #tpu.memory_space<hbm>> -> memref<32x64xf32, #tpu.memory_space<hbm>>
      tpu.wait_dma2 semaphore(%run_scoped3A : memref<!tpu.dma_semaphore, #tpu.memory_space<semaphore_mem>>) src(%arg7 : memref<32x64xf32, #tpu.memory_space<vmem>>) dst(%dma_wait3A_327 : memref<32x64xf32, #tpu.memory_space<hbm>>)
      tpu.yield
    }) : () -> ()
    %scan3A_54 = arith.constant 0 : i32
    %scan3A_55 = arith.constant 0 : i32
    %scan3A_56 = arith.constant 32 : i32
    %scan3A_57 = arith.addi %scan3A_55, %scan3A_56 : i32
    %scan3A_58 = arith.constant 1 : i32
    scf.for %scan3A_322 = %scan3A_55 to %scan3A_57 step %scan3A_58  : i32 {
      %add3A_323 = arith.constant 128 : i32
      %add3A_324 = arith.addi %add3A_323, %scan3A_322 : i32
      %get3A = arith.index_cast %add3A_324 : i32 to index
      %get3A_325 = tpu.vector_load %arg5[%get3A] {strides = array<i32>} : memref<528xi32, #tpu.memory_space<vmem>>, vector<16xi32>,
      %get3A_326 = vector.shape_cast %get3A_325 : vector<16xi32> to vector<16xi32>
      %slice3A = vector.extract_strided_slice %get3A_326 {offsets = [0], sizes = [1], strides = [1]} : vector<16xi32> to vector<1xi32>
      %squeeze3A = vector.extract %slice3A[0] : i32 from vector<1xi32>
      %shift_right_logical3A = arith.constant 3 : i32
      %shift_right_logical3A_327 = arith.shrui %squeeze3A, %shift_right_logical3A : i32
      %dma_start3A = arith.constant 1 : i32
      %dma_start3A_328 = arith.constant 0 : i32
      %dma_start3A_329 = arith.constant 0 : i32
      %dma_start3A_330 = tpu.memref_slice %arg6[%dma_start3A, %scan3A_322, %dma_start3A_328, %dma_start3A_329] : memref<3x32x8x64xf32, #tpu.memory_space<vmem>> -> memref<1x1x8x64xf32, #tpu.memory_space<vmem>>
      %dma_start3A_331 = tpu.memref_squeeze %dma_start3A_330 : memref<1x1x8x64xf32, #tpu.memory_space<vmem>> -> memref<8x64xf32, #tpu.memory_space<vmem>>
      %dma_start3A_332 = arith.constant 0 : i32
      %dma_start3A_333 = arith.constant 0 : i32
      %dma_start3A_334 = tpu.memref_slice %arg3[%shift_right_logical3A_327, %dma_start3A_332, %dma_start3A_333] : memref<125000x8x64xf32, #tpu.memory_space<hbm>> -> memref<1x8x64xf32, #tpu.memory_space<hbm>>
      %dma_start3A_335 = tpu.memref_squeeze %dma_start3A_334 : memref<1x8x64xf32, #tpu.memory_space<hbm>> -> memref<8x64xf32, #tpu.memory_space<hbm>>
      %dma_start3A_336 = arith.constant 0 : i32
      %dma_start3A_337 = arith.constant 0 : i32
      %dma_start3A_338 = tpu.memref_slice %arg6[%dma_start3A, %scan3A_322, %dma_start3A_336, %dma_start3A_337] : memref<3x32x8x64xf32, #tpu.memory_space<vmem>> -> memref<1x1x8x64xf32, #tpu.memory_space<vmem>>
      %dma_start3A_339 = tpu.memref_squeeze %dma_start3A_338 : memref<1x1x8x64xf32, #tpu.memory_space<vmem>> -> memref<8x64xf32, #tpu.memory_space<vmem>>
      %dma_start3A_340 = arith.constant 0 : i32
      %dma_start3A_341 = arith.constant 0 : i32
      %dma_start3A_342 = tpu.memref_slice %arg3[%shift_right_logical3A_327, %dma_start3A_340, %dma_start3A_341] : memref<125000x8x64xf32, #tpu.memory_space<hbm>> -> memref<1x8x64xf32, #tpu.memory_space<hbm>>
      %dma_start3A_343 = tpu.memref_squeeze %dma_start3A_342 : memref<1x8x64xf32, #tpu.memory_space<hbm>> -> memref<8x64xf32, #tpu.memory_space<hbm>>
      tpu.enqueue_dma source(%dma_start3A_343 : memref<8x64xf32, #tpu.memory_space<hbm>>) target(%dma_start3A_339 : memref<8x64xf32, #tpu.memory_space<vmem>>) target_semaphore(%arg8 : memref<!tpu.dma_semaphore, #tpu.memory_space<semaphore_mem>>)
    }
    %scan3A_59 = arith.constant 32 : i32
    %scan3A_60 = arith.constant 0 : i32
    %scan3A_61 = arith.constant 0 : i32
    %scan3A_62 = arith.constant 32 : i32
    %scan3A_63 = arith.addi %scan3A_61, %scan3A_62 : i32
    %scan3A_64 = arith.constant 1 : i32
    scf.for %scan3A_322 = %scan3A_61 to %scan3A_63 step %scan3A_64  : i32 {
      %dma_wait3A = arith.constant 0 : i32
      %dma_wait3A_323 = arith.constant 2 : i32
      %dma_wait3A_324 = arith.constant 0 : i32
      %dma_wait3A_325 = arith.constant 0 : i32
      %dma_wait3A_326 = tpu.memref_slice %arg6[%dma_wait3A_323, %scan3A_322, %dma_wait3A_324, %dma_wait3A_325] : memref<3x32x8x64xf32, #tpu.memory_space<vmem>> -> memref<1x1x8x64xf32, #tpu.memory_space<vmem>>
      %dma_wait3A_327 = tpu.memref_squeeze %dma_wait3A_326 : memref<1x1x8x64xf32, #tpu.memory_space<vmem>> -> memref<8x64xf32, #tpu.memory_space<vmem>>
      %dma_wait3A_328 = arith.constant 0 : i32
      %dma_wait3A_329 = arith.constant 0 : i32
      %dma_wait3A_330 = tpu.memref_slice %arg3[%dma_wait3A, %dma_wait3A_328, %dma_wait3A_329] : memref<125000x8x64xf32, #tpu.memory_space<hbm>> -> memref<1x8x64xf32, #tpu.memory_space<hbm>>
      %dma_wait3A_331 = tpu.memref_squeeze %dma_wait3A_330 : memref<1x8x64xf32, #tpu.memory_space<hbm>> -> memref<8x64xf32, #tpu.memory_space<hbm>>
      %dma_wait3A_332 = arith.constant 0 : i32
      %dma_wait3A_333 = arith.constant 0 : i32
      %dma_wait3A_334 = tpu.memref_slice %arg6[%dma_wait3A_323, %scan3A_322, %dma_wait3A_332, %dma_wait3A_333] : memref<3x32x8x64xf32, #tpu.memory_space<vmem>> -> memref<1x1x8x64xf32, #tpu.memory_space<vmem>>
      %dma_wait3A_335 = tpu.memref_squeeze %dma_wait3A_334 : memref<1x1x8x64xf32, #tpu.memory_space<vmem>> -> memref<8x64xf32, #tpu.memory_space<vmem>>
      %dma_wait3A_336 = arith.constant 0 : i32
      %dma_wait3A_337 = arith.constant 0 : i32
      %dma_wait3A_338 = tpu.memref_slice %arg3[%dma_wait3A, %dma_wait3A_336, %dma_wait3A_337] : memref<125000x8x64xf32, #tpu.memory_space<hbm>> -> memref<1x8x64xf32, #tpu.memory_space<hbm>>
      %dma_wait3A_339 = tpu.memref_squeeze %dma_wait3A_338 : memref<1x8x64xf32, #tpu.memory_space<hbm>> -> memref<8x64xf32, #tpu.memory_space<hbm>>
      tpu.wait_dma2 semaphore(%arg8 : memref<!tpu.dma_semaphore, #tpu.memory_space<semaphore_mem>>) src(%dma_wait3A_339 : memref<8x64xf32, #tpu.memory_space<hbm>>) dst(%dma_wait3A_335 : memref<8x64xf32, #tpu.memory_space<vmem>>)
    }
    %scan3A_65 = arith.constant 32 : i32
    %scan3A_66 = arith.constant 0 : i32
    %scan3A_67 = arith.constant 0 : i32
    %scan3A_68 = arith.constant 32 : i32
    %scan3A_69 = arith.addi %scan3A_67, %scan3A_68 : i32
    %scan3A_70 = arith.constant 1 : i32
    scf.for %scan3A_322 = %scan3A_67 to %scan3A_69 step %scan3A_70  : i32 {
      %add3A_323 = arith.constant 64 : i32
      %add3A_324 = arith.addi %add3A_323, %scan3A_322 : i32
      %get3A = arith.index_cast %add3A_324 : i32 to index
      %get3A_325 = tpu.vector_load %arg5[%get3A] {strides = array<i32>} : memref<528xi32, #tpu.memory_space<vmem>>, vector<16xi32>,
      %get3A_326 = vector.shape_cast %get3A_325 : vector<16xi32> to vector<16xi32>
      %slice3A = vector.extract_strided_slice %get3A_326 {offsets = [0], sizes = [1], strides = [1]} : vector<16xi32> to vector<1xi32>
      %squeeze3A = vector.extract %slice3A[0] : i32 from vector<1xi32>
      %and3A = arith.constant 7 : i32
      %and3A_327 = arith.andi %squeeze3A, %and3A : i32
      %get3A_328 = arith.constant 2 : i32
      %get3A_329 = arith.index_cast %get3A_328 : i32 to index
      %get3A_330 = arith.index_cast %scan3A_322 : i32 to index
      %get3A_331 = arith.index_cast %and3A_327 : i32 to index
      %get3A_332 = arith.constant 0 : index
      %get3A_333 = tpu.vector_load %arg6[%get3A_329, %get3A_330, %get3A_331, %get3A_332] {strides = array<i32>} : memref<3x32x8x64xf32, #tpu.memory_space<vmem>>, vector<1x1x1x16xf32>,
      %get3A_334 = vector.shape_cast %get3A_333 : vector<1x1x1x16xf32> to vector<16xf32>
      %swap3A = arith.index_cast %scan3A_322 : i32 to index
      %swap3A_335 = arith.constant 0 : index
      %swap3A_336 = tpu.vector_load %arg7[%swap3A, %swap3A_335] {strides = array<i32>} : memref<32x64xf32, #tpu.memory_space<vmem>>, vector<1x16xf32>,
      %swap3A_337 = vector.shape_cast %swap3A_336 : vector<1x16xf32> to vector<16xf32>
      %swap3A_338 = vector.shape_cast %get3A_334 : vector<16xf32> to vector<1x16xf32>
      tpu.vector_store %arg7[%swap3A, %swap3A_335], %swap3A_338 {strides = array<i32>} : memref<32x64xf32, #tpu.memory_space<vmem>>, vector<1x16xf32>,
      %get3A_339 = arith.constant 2 : i32
      %get3A_340 = arith.index_cast %get3A_339 : i32 to index
      %get3A_341 = arith.index_cast %scan3A_322 : i32 to index
      %get3A_342 = arith.index_cast %and3A_327 : i32 to index
      %get3A_343 = arith.constant 16 : index
      %get3A_344 = tpu.vector_load %arg6[%get3A_340, %get3A_341, %get3A_342, %get3A_343] {strides = array<i32>} : memref<3x32x8x64xf32, #tpu.memory_space<vmem>>, vector<1x1x1x16xf32>,
      %get3A_345 = vector.shape_cast %get3A_344 : vector<1x1x1x16xf32> to vector<16xf32>
      %swap3A_346 = arith.index_cast %scan3A_322 : i32 to index
      %swap3A_347 = arith.constant 16 : index
      %swap3A_348 = tpu.vector_load %arg7[%swap3A_346, %swap3A_347] {strides = array<i32>} : memref<32x64xf32, #tpu.memory_space<vmem>>, vector<1x16xf32>,
      %swap3A_349 = vector.shape_cast %swap3A_348 : vector<1x16xf32> to vector<16xf32>
      %swap3A_350 = vector.shape_cast %get3A_345 : vector<16xf32> to vector<1x16xf32>
      tpu.vector_store %arg7[%swap3A_346, %swap3A_347], %swap3A_350 {strides = array<i32>} : memref<32x64xf32, #tpu.memory_space<vmem>>, vector<1x16xf32>,
      %get3A_351 = arith.constant 2 : i32
      %get3A_352 = arith.index_cast %get3A_351 : i32 to index
      %get3A_353 = arith.index_cast %scan3A_322 : i32 to index
      %get3A_354 = arith.index_cast %and3A_327 : i32 to index
      %get3A_355 = arith.constant 32 : index
      %get3A_356 = tpu.vector_load %arg6[%get3A_352, %get3A_353, %get3A_354, %get3A_355] {strides = array<i32>} : memref<3x32x8x64xf32, #tpu.memory_space<vmem>>, vector<1x1x1x16xf32>,
      %get3A_357 = vector.shape_cast %get3A_356 : vector<1x1x1x16xf32> to vector<16xf32>
      %swap3A_358 = arith.index_cast %scan3A_322 : i32 to index
      %swap3A_359 = arith.constant 32 : index
      %swap3A_360 = tpu.vector_load %arg7[%swap3A_358, %swap3A_359] {strides = array<i32>} : memref<32x64xf32, #tpu.memory_space<vmem>>, vector<1x16xf32>,
      %swap3A_361 = vector.shape_cast %swap3A_360 : vector<1x16xf32> to vector<16xf32>
      %swap3A_362 = vector.shape_cast %get3A_357 : vector<16xf32> to vector<1x16xf32>
      tpu.vector_store %arg7[%swap3A_358, %swap3A_359], %swap3A_362 {strides = array<i32>} : memref<32x64xf32, #tpu.memory_space<vmem>>, vector<1x16xf32>,
      %get3A_363 = arith.constant 2 : i32
      %get3A_364 = arith.index_cast %get3A_363 : i32 to index
      %get3A_365 = arith.index_cast %scan3A_322 : i32 to index
      %get3A_366 = arith.index_cast %and3A_327 : i32 to index
      %get3A_367 = arith.constant 48 : index
      %get3A_368 = tpu.vector_load %arg6[%get3A_364, %get3A_365, %get3A_366, %get3A_367] {strides = array<i32>} : memref<3x32x8x64xf32, #tpu.memory_space<vmem>>, vector<1x1x1x16xf32>,
      %get3A_369 = vector.shape_cast %get3A_368 : vector<1x1x1x16xf32> to vector<16xf32>
      %swap3A_370 = arith.index_cast %scan3A_322 : i32 to index
      %swap3A_371 = arith.constant 48 : index
      %swap3A_372 = tpu.vector_load %arg7[%swap3A_370, %swap3A_371] {strides = array<i32>} : memref<32x64xf32, #tpu.memory_space<vmem>>, vector<1x16xf32>,
      %swap3A_373 = vector.shape_cast %swap3A_372 : vector<1x16xf32> to vector<16xf32>
      %swap3A_374 = vector.shape_cast %get3A_369 : vector<16xf32> to vector<1x16xf32>
      tpu.vector_store %arg7[%swap3A_370, %swap3A_371], %swap3A_374 {strides = array<i32>} : memref<32x64xf32, #tpu.memory_space<vmem>>, vector<1x16xf32>,
    }
    %scan3A_71 = arith.constant 32 : i32
    %add3A_72 = arith.constant 64 : i32
    %add3A_73 = arith.addi %mul3A_2, %add3A_72 : i32
    "tpu.region"() ({
      %run_scoped3A = tpu.sem_alloc : memref<!tpu.dma_semaphore, #tpu.memory_space<semaphore_mem>>
      %dma_start3A = arith.constant 0 : i32
      %dma_start3A_322 = tpu.memref_slice %arg4[%add3A_73, %dma_start3A] : memref<16384x64xf32, #tpu.memory_space<hbm>> -> memref<32x64xf32, #tpu.memory_space<hbm>>
      %dma_start3A_323 = arith.constant 0 : i32
      %dma_start3A_324 = tpu.memref_slice %arg4[%add3A_73, %dma_start3A_323] : memref<16384x64xf32, #tpu.memory_space<hbm>> -> memref<32x64xf32, #tpu.memory_space<hbm>>
      tpu.enqueue_dma source(%arg7 : memref<32x64xf32, #tpu.memory_space<vmem>>) target(%dma_start3A_324 : memref<32x64xf32, #tpu.memory_space<hbm>>) target_semaphore(%run_scoped3A : memref<!tpu.dma_semaphore, #tpu.memory_space<semaphore_mem>>)
      %dma_wait3A = arith.constant 0 : i32
      %dma_wait3A_325 = tpu.memref_slice %arg4[%add3A_73, %dma_wait3A] : memref<16384x64xf32, #tpu.memory_space<hbm>> -> memref<32x64xf32, #tpu.memory_space<hbm>>
      %dma_wait3A_326 = arith.constant 0 : i32
      %dma_wait3A_327 = tpu.memref_slice %arg4[%add3A_73, %dma_wait3A_326] : memref<16384x64xf32, #tpu.memory_space<hbm>> -> memref<32x64xf32, #tpu.memory_space<hbm>>
      tpu.wait_dma2 semaphore(%run_scoped3A : memref<!tpu.dma_semaphore, #tpu.memory_space<semaphore_mem>>) src(%arg7 : memref<32x64xf32, #tpu.memory_space<vmem>>) dst(%dma_wait3A_327 : memref<32x64xf32, #tpu.memory_space<hbm>>)
      tpu.yield
    }) : () -> ()
    %scan3A_74 = arith.constant 0 : i32
    %scan3A_75 = arith.constant 0 : i32
    %scan3A_76 = arith.constant 32 : i32
    %scan3A_77 = arith.addi %scan3A_75, %scan3A_76 : i32
    %scan3A_78 = arith.constant 1 : i32
    scf.for %scan3A_322 = %scan3A_75 to %scan3A_77 step %scan3A_78  : i32 {
      %add3A_323 = arith.constant 160 : i32
      %add3A_324 = arith.addi %add3A_323, %scan3A_322 : i32
      %get3A = arith.index_cast %add3A_324 : i32 to index
      %get3A_325 = tpu.vector_load %arg5[%get3A] {strides = array<i32>} : memref<528xi32, #tpu.memory_space<vmem>>, vector<16xi32>,
      %get3A_326 = vector.shape_cast %get3A_325 : vector<16xi32> to vector<16xi32>
      %slice3A = vector.extract_strided_slice %get3A_326 {offsets = [0], sizes = [1], strides = [1]} : vector<16xi32> to vector<1xi32>
      %squeeze3A = vector.extract %slice3A[0] : i32 from vector<1xi32>
      %shift_right_logical3A = arith.constant 3 : i32
      %shift_right_logical3A_327 = arith.shrui %squeeze3A, %shift_right_logical3A : i32
      %dma_start3A = arith.constant 2 : i32
      %dma_start3A_328 = arith.constant 0 : i32
      %dma_start3A_329 = arith.constant 0 : i32
      %dma_start3A_330 = tpu.memref_slice %arg6[%dma_start3A, %scan3A_322, %dma_start3A_328, %dma_start3A_329] : memref<3x32x8x64xf32, #tpu.memory_space<vmem>> -> memref<1x1x8x64xf32, #tpu.memory_space<vmem>>
      %dma_start3A_331 = tpu.memref_squeeze %dma_start3A_330 : memref<1x1x8x64xf32, #tpu.memory_space<vmem>> -> memref<8x64xf32, #tpu.memory_space<vmem>>
      %dma_start3A_332 = arith.constant 0 : i32
      %dma_start3A_333 = arith.constant 0 : i32
      %dma_start3A_334 = tpu.memref_slice %arg3[%shift_right_logical3A_327, %dma_start3A_332, %dma_start3A_333] : memref<125000x8x64xf32, #tpu.memory_space<hbm>> -> memref<1x8x64xf32, #tpu.memory_space<hbm>>
      %dma_start3A_335 = tpu.memref_squeeze %dma_start3A_334 : memref<1x8x64xf32, #tpu.memory_space<hbm>> -> memref<8x64xf32, #tpu.memory_space<hbm>>
      %dma_start3A_336 = arith.constant 0 : i32
      %dma_start3A_337 = arith.constant 0 : i32
      %dma_start3A_338 = tpu.memref_slice %arg6[%dma_start3A, %scan3A_322, %dma_start3A_336, %dma_start3A_337] : memref<3x32x8x64xf32, #tpu.memory_space<vmem>> -> memref<1x1x8x64xf32, #tpu.memory_space<vmem>>
      %dma_start3A_339 = tpu.memref_squeeze %dma_start3A_338 : memref<1x1x8x64xf32, #tpu.memory_space<vmem>> -> memref<8x64xf32, #tpu.memory_space<vmem>>
      %dma_start3A_340 = arith.constant 0 : i32
      %dma_start3A_341 = arith.constant 0 : i32
      %dma_start3A_342 = tpu.memref_slice %arg3[%shift_right_logical3A_327, %dma_start3A_340, %dma_start3A_341] : memref<125000x8x64xf32, #tpu.memory_space<hbm>> -> memref<1x8x64xf32, #tpu.memory_space<hbm>>
      %dma_start3A_343 = tpu.memref_squeeze %dma_start3A_342 : memref<1x8x64xf32, #tpu.memory_space<hbm>> -> memref<8x64xf32, #tpu.memory_space<hbm>>
      tpu.enqueue_dma source(%dma_start3A_343 : memref<8x64xf32, #tpu.memory_space<hbm>>) target(%dma_start3A_339 : memref<8x64xf32, #tpu.memory_space<vmem>>) target_semaphore(%arg8 : memref<!tpu.dma_semaphore, #tpu.memory_space<semaphore_mem>>)
    }
    %scan3A_79 = arith.constant 32 : i32
    %scan3A_80 = arith.constant 0 : i32
    %scan3A_81 = arith.constant 0 : i32
    %scan3A_82 = arith.constant 32 : i32
    %scan3A_83 = arith.addi %scan3A_81, %scan3A_82 : i32
    %scan3A_84 = arith.constant 1 : i32
    scf.for %scan3A_322 = %scan3A_81 to %scan3A_83 step %scan3A_84  : i32 {
      %dma_wait3A = arith.constant 0 : i32
      %dma_wait3A_323 = arith.constant 0 : i32
      %dma_wait3A_324 = arith.constant 0 : i32
      %dma_wait3A_325 = arith.constant 0 : i32
      %dma_wait3A_326 = tpu.memref_slice %arg6[%dma_wait3A_323, %scan3A_322, %dma_wait3A_324, %dma_wait3A_325] : memref<3x32x8x64xf32, #tpu.memory_space<vmem>> -> memref<1x1x8x64xf32, #tpu.memory_space<vmem>>
      %dma_wait3A_327 = tpu.memref_squeeze %dma_wait3A_326 : memref<1x1x8x64xf32, #tpu.memory_space<vmem>> -> memref<8x64xf32, #tpu.memory_space<vmem>>
      %dma_wait3A_328 = arith.constant 0 : i32
      %dma_wait3A_329 = arith.constant 0 : i32
      %dma_wait3A_330 = tpu.memref_slice %arg3[%dma_wait3A, %dma_wait3A_328, %dma_wait3A_329] : memref<125000x8x64xf32, #tpu.memory_space<hbm>> -> memref<1x8x64xf32, #tpu.memory_space<hbm>>
      %dma_wait3A_331 = tpu.memref_squeeze %dma_wait3A_330 : memref<1x8x64xf32, #tpu.memory_space<hbm>> -> memref<8x64xf32, #tpu.memory_space<hbm>>
      %dma_wait3A_332 = arith.constant 0 : i32
      %dma_wait3A_333 = arith.constant 0 : i32
      %dma_wait3A_334 = tpu.memref_slice %arg6[%dma_wait3A_323, %scan3A_322, %dma_wait3A_332, %dma_wait3A_333] : memref<3x32x8x64xf32, #tpu.memory_space<vmem>> -> memref<1x1x8x64xf32, #tpu.memory_space<vmem>>
      %dma_wait3A_335 = tpu.memref_squeeze %dma_wait3A_334 : memref<1x1x8x64xf32, #tpu.memory_space<vmem>> -> memref<8x64xf32, #tpu.memory_space<vmem>>
      %dma_wait3A_336 = arith.constant 0 : i32
      %dma_wait3A_337 = arith.constant 0 : i32
      %dma_wait3A_338 = tpu.memref_slice %arg3[%dma_wait3A, %dma_wait3A_336, %dma_wait3A_337] : memref<125000x8x64xf32, #tpu.memory_space<hbm>> -> memref<1x8x64xf32, #tpu.memory_space<hbm>>
      %dma_wait3A_339 = tpu.memref_squeeze %dma_wait3A_338 : memref<1x8x64xf32, #tpu.memory_space<hbm>> -> memref<8x64xf32, #tpu.memory_space<hbm>>
      tpu.wait_dma2 semaphore(%arg8 : memref<!tpu.dma_semaphore, #tpu.memory_space<semaphore_mem>>) src(%dma_wait3A_339 : memref<8x64xf32, #tpu.memory_space<hbm>>) dst(%dma_wait3A_335 : memref<8x64xf32, #tpu.memory_space<vmem>>)
    }
    %scan3A_85 = arith.constant 32 : i32
    %scan3A_86 = arith.constant 0 : i32
    %scan3A_87 = arith.constant 0 : i32
    %scan3A_88 = arith.constant 32 : i32
    %scan3A_89 = arith.addi %scan3A_87, %scan3A_88 : i32
    %scan3A_90 = arith.constant 1 : i32
    scf.for %scan3A_322 = %scan3A_87 to %scan3A_89 step %scan3A_90  : i32 {
      %add3A_323 = arith.constant 96 : i32
      %add3A_324 = arith.addi %add3A_323, %scan3A_322 : i32
      %get3A = arith.index_cast %add3A_324 : i32 to index
      %get3A_325 = tpu.vector_load %arg5[%get3A] {strides = array<i32>} : memref<528xi32, #tpu.memory_space<vmem>>, vector<16xi32>,
      %get3A_326 = vector.shape_cast %get3A_325 : vector<16xi32> to vector<16xi32>
      %slice3A = vector.extract_strided_slice %get3A_326 {offsets = [0], sizes = [1], strides = [1]} : vector<16xi32> to vector<1xi32>
      %squeeze3A = vector.extract %slice3A[0] : i32 from vector<1xi32>
      %and3A = arith.constant 7 : i32
      %and3A_327 = arith.andi %squeeze3A, %and3A : i32
      %get3A_328 = arith.constant 0 : i32
      %get3A_329 = arith.index_cast %get3A_328 : i32 to index
      %get3A_330 = arith.index_cast %scan3A_322 : i32 to index
      %get3A_331 = arith.index_cast %and3A_327 : i32 to index
      %get3A_332 = arith.constant 0 : index
      %get3A_333 = tpu.vector_load %arg6[%get3A_329, %get3A_330, %get3A_331, %get3A_332] {strides = array<i32>} : memref<3x32x8x64xf32, #tpu.memory_space<vmem>>, vector<1x1x1x16xf32>,
      %get3A_334 = vector.shape_cast %get3A_333 : vector<1x1x1x16xf32> to vector<16xf32>
      %swap3A = arith.index_cast %scan3A_322 : i32 to index
      %swap3A_335 = arith.constant 0 : index
      %swap3A_336 = tpu.vector_load %arg7[%swap3A, %swap3A_335] {strides = array<i32>} : memref<32x64xf32, #tpu.memory_space<vmem>>, vector<1x16xf32>,
      %swap3A_337 = vector.shape_cast %swap3A_336 : vector<1x16xf32> to vector<16xf32>
      %swap3A_338 = vector.shape_cast %get3A_334 : vector<16xf32> to vector<1x16xf32>
      tpu.vector_store %arg7[%swap3A, %swap3A_335], %swap3A_338 {strides = array<i32>} : memref<32x64xf32, #tpu.memory_space<vmem>>, vector<1x16xf32>,
      %get3A_339 = arith.constant 0 : i32
      %get3A_340 = arith.index_cast %get3A_339 : i32 to index
      %get3A_341 = arith.index_cast %scan3A_322 : i32 to index
      %get3A_342 = arith.index_cast %and3A_327 : i32 to index
      %get3A_343 = arith.constant 16 : index
      %get3A_344 = tpu.vector_load %arg6[%get3A_340, %get3A_341, %get3A_342, %get3A_343] {strides = array<i32>} : memref<3x32x8x64xf32, #tpu.memory_space<vmem>>, vector<1x1x1x16xf32>,
      %get3A_345 = vector.shape_cast %get3A_344 : vector<1x1x1x16xf32> to vector<16xf32>
      %swap3A_346 = arith.index_cast %scan3A_322 : i32 to index
      %swap3A_347 = arith.constant 16 : index
      %swap3A_348 = tpu.vector_load %arg7[%swap3A_346, %swap3A_347] {strides = array<i32>} : memref<32x64xf32, #tpu.memory_space<vmem>>, vector<1x16xf32>,
      %swap3A_349 = vector.shape_cast %swap3A_348 : vector<1x16xf32> to vector<16xf32>
      %swap3A_350 = vector.shape_cast %get3A_345 : vector<16xf32> to vector<1x16xf32>
      tpu.vector_store %arg7[%swap3A_346, %swap3A_347], %swap3A_350 {strides = array<i32>} : memref<32x64xf32, #tpu.memory_space<vmem>>, vector<1x16xf32>,
      %get3A_351 = arith.constant 0 : i32
      %get3A_352 = arith.index_cast %get3A_351 : i32 to index
      %get3A_353 = arith.index_cast %scan3A_322 : i32 to index
      %get3A_354 = arith.index_cast %and3A_327 : i32 to index
      %get3A_355 = arith.constant 32 : index
      %get3A_356 = tpu.vector_load %arg6[%get3A_352, %get3A_353, %get3A_354, %get3A_355] {strides = array<i32>} : memref<3x32x8x64xf32, #tpu.memory_space<vmem>>, vector<1x1x1x16xf32>,
      %get3A_357 = vector.shape_cast %get3A_356 : vector<1x1x1x16xf32> to vector<16xf32>
      %swap3A_358 = arith.index_cast %scan3A_322 : i32 to index
      %swap3A_359 = arith.constant 32 : index
      %swap3A_360 = tpu.vector_load %arg7[%swap3A_358, %swap3A_359] {strides = array<i32>} : memref<32x64xf32, #tpu.memory_space<vmem>>, vector<1x16xf32>,
      %swap3A_361 = vector.shape_cast %swap3A_360 : vector<1x16xf32> to vector<16xf32>
      %swap3A_362 = vector.shape_cast %get3A_357 : vector<16xf32> to vector<1x16xf32>
      tpu.vector_store %arg7[%swap3A_358, %swap3A_359], %swap3A_362 {strides = array<i32>} : memref<32x64xf32, #tpu.memory_space<vmem>>, vector<1x16xf32>,
      %get3A_363 = arith.constant 0 : i32
      %get3A_364 = arith.index_cast %get3A_363 : i32 to index
      %get3A_365 = arith.index_cast %scan3A_322 : i32 to index
      %get3A_366 = arith.index_cast %and3A_327 : i32 to index
      %get3A_367 = arith.constant 48 : index
      %get3A_368 = tpu.vector_load %arg6[%get3A_364, %get3A_365, %get3A_366, %get3A_367] {strides = array<i32>} : memref<3x32x8x64xf32, #tpu.memory_space<vmem>>, vector<1x1x1x16xf32>,
      %get3A_369 = vector.shape_cast %get3A_368 : vector<1x1x1x16xf32> to vector<16xf32>
      %swap3A_370 = arith.index_cast %scan3A_322 : i32 to index
      %swap3A_371 = arith.constant 48 : index
      %swap3A_372 = tpu.vector_load %arg7[%swap3A_370, %swap3A_371] {strides = array<i32>} : memref<32x64xf32, #tpu.memory_space<vmem>>, vector<1x16xf32>,
      %swap3A_373 = vector.shape_cast %swap3A_372 : vector<1x16xf32> to vector<16xf32>
      %swap3A_374 = vector.shape_cast %get3A_369 : vector<16xf32> to vector<1x16xf32>
      tpu.vector_store %arg7[%swap3A_370, %swap3A_371], %swap3A_374 {strides = array<i32>} : memref<32x64xf32, #tpu.memory_space<vmem>>, vector<1x16xf32>,
    }
    %scan3A_91 = arith.constant 32 : i32
    %add3A_92 = arith.constant 96 : i32
    %add3A_93 = arith.addi %mul3A_2, %add3A_92 : i32
    "tpu.region"() ({
      %run_scoped3A = tpu.sem_alloc : memref<!tpu.dma_semaphore, #tpu.memory_space<semaphore_mem>>
      %dma_start3A = arith.constant 0 : i32
      %dma_start3A_322 = tpu.memref_slice %arg4[%add3A_93, %dma_start3A] : memref<16384x64xf32, #tpu.memory_space<hbm>> -> memref<32x64xf32, #tpu.memory_space<hbm>>
      %dma_start3A_323 = arith.constant 0 : i32
      %dma_start3A_324 = tpu.memref_slice %arg4[%add3A_93, %dma_start3A_323] : memref<16384x64xf32, #tpu.memory_space<hbm>> -> memref<32x64xf32, #tpu.memory_space<hbm>>
      tpu.enqueue_dma source(%arg7 : memref<32x64xf32, #tpu.memory_space<vmem>>) target(%dma_start3A_324 : memref<32x64xf32, #tpu.memory_space<hbm>>) target_semaphore(%run_scoped3A : memref<!tpu.dma_semaphore, #tpu.memory_space<semaphore_mem>>)
      %dma_wait3A = arith.constant 0 : i32
      %dma_wait3A_325 = tpu.memref_slice %arg4[%add3A_93, %dma_wait3A] : memref<16384x64xf32, #tpu.memory_space<hbm>> -> memref<32x64xf32, #tpu.memory_space<hbm>>
      %dma_wait3A_326 = arith.constant 0 : i32
      %dma_wait3A_327 = tpu.memref_slice %arg4[%add3A_93, %dma_wait3A_326] : memref<16384x64xf32, #tpu.memory_space<hbm>> -> memref<32x64xf32, #tpu.memory_space<hbm>>
      tpu.wait_dma2 semaphore(%run_scoped3A : memref<!tpu.dma_semaphore, #tpu.memory_space<semaphore_mem>>) src(%arg7 : memref<32x64xf32, #tpu.memory_space<vmem>>) dst(%dma_wait3A_327 : memref<32x64xf32, #tpu.memory_space<hbm>>)
      tpu.yield
    }) : () -> ()
    %scan3A_94 = arith.constant 0 : i32
    %scan3A_95 = arith.constant 0 : i32
    %scan3A_96 = arith.constant 32 : i32
    %scan3A_97 = arith.addi %scan3A_95, %scan3A_96 : i32
    %scan3A_98 = arith.constant 1 : i32
    scf.for %scan3A_322 = %scan3A_95 to %scan3A_97 step %scan3A_98  : i32 {
      %add3A_323 = arith.constant 192 : i32
      %add3A_324 = arith.addi %add3A_323, %scan3A_322 : i32
      %get3A = arith.index_cast %add3A_324 : i32 to index
      %get3A_325 = tpu.vector_load %arg5[%get3A] {strides = array<i32>} : memref<528xi32, #tpu.memory_space<vmem>>, vector<16xi32>,
      %get3A_326 = vector.shape_cast %get3A_325 : vector<16xi32> to vector<16xi32>
      %slice3A = vector.extract_strided_slice %get3A_326 {offsets = [0], sizes = [1], strides = [1]} : vector<16xi32> to vector<1xi32>
      %squeeze3A = vector.extract %slice3A[0] : i32 from vector<1xi32>
      %shift_right_logical3A = arith.constant 3 : i32
      %shift_right_logical3A_327 = arith.shrui %squeeze3A, %shift_right_logical3A : i32
      %dma_start3A = arith.constant 0 : i32
      %dma_start3A_328 = arith.constant 0 : i32
      %dma_start3A_329 = arith.constant 0 : i32
      %dma_start3A_330 = tpu.memref_slice %arg6[%dma_start3A, %scan3A_322, %dma_start3A_328, %dma_start3A_329] : memref<3x32x8x64xf32, #tpu.memory_space<vmem>> -> memref<1x1x8x64xf32, #tpu.memory_space<vmem>>
      %dma_start3A_331 = tpu.memref_squeeze %dma_start3A_330 : memref<1x1x8x64xf32, #tpu.memory_space<vmem>> -> memref<8x64xf32, #tpu.memory_space<vmem>>
      %dma_start3A_332 = arith.constant 0 : i32
      %dma_start3A_333 = arith.constant 0 : i32
      %dma_start3A_334 = tpu.memref_slice %arg3[%shift_right_logical3A_327, %dma_start3A_332, %dma_start3A_333] : memref<125000x8x64xf32, #tpu.memory_space<hbm>> -> memref<1x8x64xf32, #tpu.memory_space<hbm>>
      %dma_start3A_335 = tpu.memref_squeeze %dma_start3A_334 : memref<1x8x64xf32, #tpu.memory_space<hbm>> -> memref<8x64xf32, #tpu.memory_space<hbm>>
      %dma_start3A_336 = arith.constant 0 : i32
      %dma_start3A_337 = arith.constant 0 : i32
      %dma_start3A_338 = tpu.memref_slice %arg6[%dma_start3A, %scan3A_322, %dma_start3A_336, %dma_start3A_337] : memref<3x32x8x64xf32, #tpu.memory_space<vmem>> -> memref<1x1x8x64xf32, #tpu.memory_space<vmem>>
      %dma_start3A_339 = tpu.memref_squeeze %dma_start3A_338 : memref<1x1x8x64xf32, #tpu.memory_space<vmem>> -> memref<8x64xf32, #tpu.memory_space<vmem>>
      %dma_start3A_340 = arith.constant 0 : i32
      %dma_start3A_341 = arith.constant 0 : i32
      %dma_start3A_342 = tpu.memref_slice %arg3[%shift_right_logical3A_327, %dma_start3A_340, %dma_start3A_341] : memref<125000x8x64xf32, #tpu.memory_space<hbm>> -> memref<1x8x64xf32, #tpu.memory_space<hbm>>
      %dma_start3A_343 = tpu.memref_squeeze %dma_start3A_342 : memref<1x8x64xf32, #tpu.memory_space<hbm>> -> memref<8x64xf32, #tpu.memory_space<hbm>>
      tpu.enqueue_dma source(%dma_start3A_343 : memref<8x64xf32, #tpu.memory_space<hbm>>) target(%dma_start3A_339 : memref<8x64xf32, #tpu.memory_space<vmem>>) target_semaphore(%arg8 : memref<!tpu.dma_semaphore, #tpu.memory_space<semaphore_mem>>)
    }
    %scan3A_99 = arith.constant 32 : i32
    %scan3A_100 = arith.constant 0 : i32
    %scan3A_101 = arith.constant 0 : i32
    %scan3A_102 = arith.constant 32 : i32
    %scan3A_103 = arith.addi %scan3A_101, %scan3A_102 : i32
    %scan3A_104 = arith.constant 1 : i32
    scf.for %scan3A_322 = %scan3A_101 to %scan3A_103 step %scan3A_104  : i32 {
      %dma_wait3A = arith.constant 0 : i32
      %dma_wait3A_323 = arith.constant 1 : i32
      %dma_wait3A_324 = arith.constant 0 : i32
      %dma_wait3A_325 = arith.constant 0 : i32
      %dma_wait3A_326 = tpu.memref_slice %arg6[%dma_wait3A_323, %scan3A_322, %dma_wait3A_324, %dma_wait3A_325] : memref<3x32x8x64xf32, #tpu.memory_space<vmem>> -> memref<1x1x8x64xf32, #tpu.memory_space<vmem>>
      %dma_wait3A_327 = tpu.memref_squeeze %dma_wait3A_326 : memref<1x1x8x64xf32, #tpu.memory_space<vmem>> -> memref<8x64xf32, #tpu.memory_space<vmem>>
      %dma_wait3A_328 = arith.constant 0 : i32
      %dma_wait3A_329 = arith.constant 0 : i32
      %dma_wait3A_330 = tpu.memref_slice %arg3[%dma_wait3A, %dma_wait3A_328, %dma_wait3A_329] : memref<125000x8x64xf32, #tpu.memory_space<hbm>> -> memref<1x8x64xf32, #tpu.memory_space<hbm>>
      %dma_wait3A_331 = tpu.memref_squeeze %dma_wait3A_330 : memref<1x8x64xf32, #tpu.memory_space<hbm>> -> memref<8x64xf32, #tpu.memory_space<hbm>>
      %dma_wait3A_332 = arith.constant 0 : i32
      %dma_wait3A_333 = arith.constant 0 : i32
      %dma_wait3A_334 = tpu.memref_slice %arg6[%dma_wait3A_323, %scan3A_322, %dma_wait3A_332, %dma_wait3A_333] : memref<3x32x8x64xf32, #tpu.memory_space<vmem>> -> memref<1x1x8x64xf32, #tpu.memory_space<vmem>>
      %dma_wait3A_335 = tpu.memref_squeeze %dma_wait3A_334 : memref<1x1x8x64xf32, #tpu.memory_space<vmem>> -> memref<8x64xf32, #tpu.memory_space<vmem>>
      %dma_wait3A_336 = arith.constant 0 : i32
      %dma_wait3A_337 = arith.constant 0 : i32
      %dma_wait3A_338 = tpu.memref_slice %arg3[%dma_wait3A, %dma_wait3A_336, %dma_wait3A_337] : memref<125000x8x64xf32, #tpu.memory_space<hbm>> -> memref<1x8x64xf32, #tpu.memory_space<hbm>>
      %dma_wait3A_339 = tpu.memref_squeeze %dma_wait3A_338 : memref<1x8x64xf32, #tpu.memory_space<hbm>> -> memref<8x64xf32, #tpu.memory_space<hbm>>
      tpu.wait_dma2 semaphore(%arg8 : memref<!tpu.dma_semaphore, #tpu.memory_space<semaphore_mem>>) src(%dma_wait3A_339 : memref<8x64xf32, #tpu.memory_space<hbm>>) dst(%dma_wait3A_335 : memref<8x64xf32, #tpu.memory_space<vmem>>)
    }
    %scan3A_105 = arith.constant 32 : i32
    %scan3A_106 = arith.constant 0 : i32
    %scan3A_107 = arith.constant 0 : i32
    %scan3A_108 = arith.constant 32 : i32
    %scan3A_109 = arith.addi %scan3A_107, %scan3A_108 : i32
    %scan3A_110 = arith.constant 1 : i32
    scf.for %scan3A_322 = %scan3A_107 to %scan3A_109 step %scan3A_110  : i32 {
      %add3A_323 = arith.constant 128 : i32
      %add3A_324 = arith.addi %add3A_323, %scan3A_322 : i32
      %get3A = arith.index_cast %add3A_324 : i32 to index
      %get3A_325 = tpu.vector_load %arg5[%get3A] {strides = array<i32>} : memref<528xi32, #tpu.memory_space<vmem>>, vector<16xi32>,
      %get3A_326 = vector.shape_cast %get3A_325 : vector<16xi32> to vector<16xi32>
      %slice3A = vector.extract_strided_slice %get3A_326 {offsets = [0], sizes = [1], strides = [1]} : vector<16xi32> to vector<1xi32>
      %squeeze3A = vector.extract %slice3A[0] : i32 from vector<1xi32>
      %and3A = arith.constant 7 : i32
      %and3A_327 = arith.andi %squeeze3A, %and3A : i32
      %get3A_328 = arith.constant 1 : i32
      %get3A_329 = arith.index_cast %get3A_328 : i32 to index
      %get3A_330 = arith.index_cast %scan3A_322 : i32 to index
      %get3A_331 = arith.index_cast %and3A_327 : i32 to index
      %get3A_332 = arith.constant 0 : index
      %get3A_333 = tpu.vector_load %arg6[%get3A_329, %get3A_330, %get3A_331, %get3A_332] {strides = array<i32>} : memref<3x32x8x64xf32, #tpu.memory_space<vmem>>, vector<1x1x1x16xf32>,
      %get3A_334 = vector.shape_cast %get3A_333 : vector<1x1x1x16xf32> to vector<16xf32>
      %swap3A = arith.index_cast %scan3A_322 : i32 to index
      %swap3A_335 = arith.constant 0 : index
      %swap3A_336 = tpu.vector_load %arg7[%swap3A, %swap3A_335] {strides = array<i32>} : memref<32x64xf32, #tpu.memory_space<vmem>>, vector<1x16xf32>,
      %swap3A_337 = vector.shape_cast %swap3A_336 : vector<1x16xf32> to vector<16xf32>
      %swap3A_338 = vector.shape_cast %get3A_334 : vector<16xf32> to vector<1x16xf32>
      tpu.vector_store %arg7[%swap3A, %swap3A_335], %swap3A_338 {strides = array<i32>} : memref<32x64xf32, #tpu.memory_space<vmem>>, vector<1x16xf32>,
      %get3A_339 = arith.constant 1 : i32
      %get3A_340 = arith.index_cast %get3A_339 : i32 to index
      %get3A_341 = arith.index_cast %scan3A_322 : i32 to index
      %get3A_342 = arith.index_cast %and3A_327 : i32 to index
      %get3A_343 = arith.constant 16 : index
      %get3A_344 = tpu.vector_load %arg6[%get3A_340, %get3A_341, %get3A_342, %get3A_343] {strides = array<i32>} : memref<3x32x8x64xf32, #tpu.memory_space<vmem>>, vector<1x1x1x16xf32>,
      %get3A_345 = vector.shape_cast %get3A_344 : vector<1x1x1x16xf32> to vector<16xf32>
      %swap3A_346 = arith.index_cast %scan3A_322 : i32 to index
      %swap3A_347 = arith.constant 16 : index
      %swap3A_348 = tpu.vector_load %arg7[%swap3A_346, %swap3A_347] {strides = array<i32>} : memref<32x64xf32, #tpu.memory_space<vmem>>, vector<1x16xf32>,
      %swap3A_349 = vector.shape_cast %swap3A_348 : vector<1x16xf32> to vector<16xf32>
      %swap3A_350 = vector.shape_cast %get3A_345 : vector<16xf32> to vector<1x16xf32>
      tpu.vector_store %arg7[%swap3A_346, %swap3A_347], %swap3A_350 {strides = array<i32>} : memref<32x64xf32, #tpu.memory_space<vmem>>, vector<1x16xf32>,
      %get3A_351 = arith.constant 1 : i32
      %get3A_352 = arith.index_cast %get3A_351 : i32 to index
      %get3A_353 = arith.index_cast %scan3A_322 : i32 to index
      %get3A_354 = arith.index_cast %and3A_327 : i32 to index
      %get3A_355 = arith.constant 32 : index
      %get3A_356 = tpu.vector_load %arg6[%get3A_352, %get3A_353, %get3A_354, %get3A_355] {strides = array<i32>} : memref<3x32x8x64xf32, #tpu.memory_space<vmem>>, vector<1x1x1x16xf32>,
      %get3A_357 = vector.shape_cast %get3A_356 : vector<1x1x1x16xf32> to vector<16xf32>
      %swap3A_358 = arith.index_cast %scan3A_322 : i32 to index
      %swap3A_359 = arith.constant 32 : index
      %swap3A_360 = tpu.vector_load %arg7[%swap3A_358, %swap3A_359] {strides = array<i32>} : memref<32x64xf32, #tpu.memory_space<vmem>>, vector<1x16xf32>,
      %swap3A_361 = vector.shape_cast %swap3A_360 : vector<1x16xf32> to vector<16xf32>
      %swap3A_362 = vector.shape_cast %get3A_357 : vector<16xf32> to vector<1x16xf32>
      tpu.vector_store %arg7[%swap3A_358, %swap3A_359], %swap3A_362 {strides = array<i32>} : memref<32x64xf32, #tpu.memory_space<vmem>>, vector<1x16xf32>,
      %get3A_363 = arith.constant 1 : i32
      %get3A_364 = arith.index_cast %get3A_363 : i32 to index
      %get3A_365 = arith.index_cast %scan3A_322 : i32 to index
      %get3A_366 = arith.index_cast %and3A_327 : i32 to index
      %get3A_367 = arith.constant 48 : index
      %get3A_368 = tpu.vector_load %arg6[%get3A_364, %get3A_365, %get3A_366, %get3A_367] {strides = array<i32>} : memref<3x32x8x64xf32, #tpu.memory_space<vmem>>, vector<1x1x1x16xf32>,
      %get3A_369 = vector.shape_cast %get3A_368 : vector<1x1x1x16xf32> to vector<16xf32>
      %swap3A_370 = arith.index_cast %scan3A_322 : i32 to index
      %swap3A_371 = arith.constant 48 : index
      %swap3A_372 = tpu.vector_load %arg7[%swap3A_370, %swap3A_371] {strides = array<i32>} : memref<32x64xf32, #tpu.memory_space<vmem>>, vector<1x16xf32>,
      %swap3A_373 = vector.shape_cast %swap3A_372 : vector<1x16xf32> to vector<16xf32>
      %swap3A_374 = vector.shape_cast %get3A_369 : vector<16xf32> to vector<1x16xf32>
      tpu.vector_store %arg7[%swap3A_370, %swap3A_371], %swap3A_374 {strides = array<i32>} : memref<32x64xf32, #tpu.memory_space<vmem>>, vector<1x16xf32>,
    }
    %scan3A_111 = arith.constant 32 : i32
    %add3A_112 = arith.constant 128 : i32
    %add3A_113 = arith.addi %mul3A_2, %add3A_112 : i32
    "tpu.region"() ({
      %run_scoped3A = tpu.sem_alloc : memref<!tpu.dma_semaphore, #tpu.memory_space<semaphore_mem>>
      %dma_start3A = arith.constant 0 : i32
      %dma_start3A_322 = tpu.memref_slice %arg4[%add3A_113, %dma_start3A] : memref<16384x64xf32, #tpu.memory_space<hbm>> -> memref<32x64xf32, #tpu.memory_space<hbm>>
      %dma_start3A_323 = arith.constant 0 : i32
      %dma_start3A_324 = tpu.memref_slice %arg4[%add3A_113, %dma_start3A_323] : memref<16384x64xf32, #tpu.memory_space<hbm>> -> memref<32x64xf32, #tpu.memory_space<hbm>>
      tpu.enqueue_dma source(%arg7 : memref<32x64xf32, #tpu.memory_space<vmem>>) target(%dma_start3A_324 : memref<32x64xf32, #tpu.memory_space<hbm>>) target_semaphore(%run_scoped3A : memref<!tpu.dma_semaphore, #tpu.memory_space<semaphore_mem>>)
      %dma_wait3A = arith.constant 0 : i32
      %dma_wait3A_325 = tpu.memref_slice %arg4[%add3A_113, %dma_wait3A] : memref<16384x64xf32, #tpu.memory_space<hbm>> -> memref<32x64xf32, #tpu.memory_space<hbm>>
      %dma_wait3A_326 = arith.constant 0 : i32
      %dma_wait3A_327 = tpu.memref_slice %arg4[%add3A_113, %dma_wait3A_326] : memref<16384x64xf32, #tpu.memory_space<hbm>> -> memref<32x64xf32, #tpu.memory_space<hbm>>
      tpu.wait_dma2 semaphore(%run_scoped3A : memref<!tpu.dma_semaphore, #tpu.memory_space<semaphore_mem>>) src(%arg7 : memref<32x64xf32, #tpu.memory_space<vmem>>) dst(%dma_wait3A_327 : memref<32x64xf32, #tpu.memory_space<hbm>>)
      tpu.yield
    }) : () -> ()
    %scan3A_114 = arith.constant 0 : i32
    %scan3A_115 = arith.constant 0 : i32
    %scan3A_116 = arith.constant 32 : i32
    %scan3A_117 = arith.addi %scan3A_115, %scan3A_116 : i32
    %scan3A_118 = arith.constant 1 : i32
    scf.for %scan3A_322 = %scan3A_115 to %scan3A_117 step %scan3A_118  : i32 {
      %add3A_323 = arith.constant 224 : i32
      %add3A_324 = arith.addi %add3A_323, %scan3A_322 : i32
      %get3A = arith.index_cast %add3A_324 : i32 to index
      %get3A_325 = tpu.vector_load %arg5[%get3A] {strides = array<i32>} : memref<528xi32, #tpu.memory_space<vmem>>, vector<16xi32>,
      %get3A_326 = vector.shape_cast %get3A_325 : vector<16xi32> to vector<16xi32>
      %slice3A = vector.extract_strided_slice %get3A_326 {offsets = [0], sizes = [1], strides = [1]} : vector<16xi32> to vector<1xi32>
      %squeeze3A = vector.extract %slice3A[0] : i32 from vector<1xi32>
      %shift_right_logical3A = arith.constant 3 : i32
      %shift_right_logical3A_327 = arith.shrui %squeeze3A, %shift_right_logical3A : i32
      %dma_start3A = arith.constant 1 : i32
      %dma_start3A_328 = arith.constant 0 : i32
      %dma_start3A_329 = arith.constant 0 : i32
      %dma_start3A_330 = tpu.memref_slice %arg6[%dma_start3A, %scan3A_322, %dma_start3A_328, %dma_start3A_329] : memref<3x32x8x64xf32, #tpu.memory_space<vmem>> -> memref<1x1x8x64xf32, #tpu.memory_space<vmem>>
      %dma_start3A_331 = tpu.memref_squeeze %dma_start3A_330 : memref<1x1x8x64xf32, #tpu.memory_space<vmem>> -> memref<8x64xf32, #tpu.memory_space<vmem>>
      %dma_start3A_332 = arith.constant 0 : i32
      %dma_start3A_333 = arith.constant 0 : i32
      %dma_start3A_334 = tpu.memref_slice %arg3[%shift_right_logical3A_327, %dma_start3A_332, %dma_start3A_333] : memref<125000x8x64xf32, #tpu.memory_space<hbm>> -> memref<1x8x64xf32, #tpu.memory_space<hbm>>
      %dma_start3A_335 = tpu.memref_squeeze %dma_start3A_334 : memref<1x8x64xf32, #tpu.memory_space<hbm>> -> memref<8x64xf32, #tpu.memory_space<hbm>>
      %dma_start3A_336 = arith.constant 0 : i32
      %dma_start3A_337 = arith.constant 0 : i32
      %dma_start3A_338 = tpu.memref_slice %arg6[%dma_start3A, %scan3A_322, %dma_start3A_336, %dma_start3A_337] : memref<3x32x8x64xf32, #tpu.memory_space<vmem>> -> memref<1x1x8x64xf32, #tpu.memory_space<vmem>>
      %dma_start3A_339 = tpu.memref_squeeze %dma_start3A_338 : memref<1x1x8x64xf32, #tpu.memory_space<vmem>> -> memref<8x64xf32, #tpu.memory_space<vmem>>
      %dma_start3A_340 = arith.constant 0 : i32
      %dma_start3A_341 = arith.constant 0 : i32
      %dma_start3A_342 = tpu.memref_slice %arg3[%shift_right_logical3A_327, %dma_start3A_340, %dma_start3A_341] : memref<125000x8x64xf32, #tpu.memory_space<hbm>> -> memref<1x8x64xf32, #tpu.memory_space<hbm>>
      %dma_start3A_343 = tpu.memref_squeeze %dma_start3A_342 : memref<1x8x64xf32, #tpu.memory_space<hbm>> -> memref<8x64xf32, #tpu.memory_space<hbm>>
      tpu.enqueue_dma source(%dma_start3A_343 : memref<8x64xf32, #tpu.memory_space<hbm>>) target(%dma_start3A_339 : memref<8x64xf32, #tpu.memory_space<vmem>>) target_semaphore(%arg8 : memref<!tpu.dma_semaphore, #tpu.memory_space<semaphore_mem>>)
    }
    %scan3A_119 = arith.constant 32 : i32
    %scan3A_120 = arith.constant 0 : i32
    %scan3A_121 = arith.constant 0 : i32
    %scan3A_122 = arith.constant 32 : i32
    %scan3A_123 = arith.addi %scan3A_121, %scan3A_122 : i32
    %scan3A_124 = arith.constant 1 : i32
    scf.for %scan3A_322 = %scan3A_121 to %scan3A_123 step %scan3A_124  : i32 {
      %dma_wait3A = arith.constant 0 : i32
      %dma_wait3A_323 = arith.constant 2 : i32
      %dma_wait3A_324 = arith.constant 0 : i32
      %dma_wait3A_325 = arith.constant 0 : i32
      %dma_wait3A_326 = tpu.memref_slice %arg6[%dma_wait3A_323, %scan3A_322, %dma_wait3A_324, %dma_wait3A_325] : memref<3x32x8x64xf32, #tpu.memory_space<vmem>> -> memref<1x1x8x64xf32, #tpu.memory_space<vmem>>
      %dma_wait3A_327 = tpu.memref_squeeze %dma_wait3A_326 : memref<1x1x8x64xf32, #tpu.memory_space<vmem>> -> memref<8x64xf32, #tpu.memory_space<vmem>>
      %dma_wait3A_328 = arith.constant 0 : i32
      %dma_wait3A_329 = arith.constant 0 : i32
      %dma_wait3A_330 = tpu.memref_slice %arg3[%dma_wait3A, %dma_wait3A_328, %dma_wait3A_329] : memref<125000x8x64xf32, #tpu.memory_space<hbm>> -> memref<1x8x64xf32, #tpu.memory_space<hbm>>
      %dma_wait3A_331 = tpu.memref_squeeze %dma_wait3A_330 : memref<1x8x64xf32, #tpu.memory_space<hbm>> -> memref<8x64xf32, #tpu.memory_space<hbm>>
      %dma_wait3A_332 = arith.constant 0 : i32
      %dma_wait3A_333 = arith.constant 0 : i32
      %dma_wait3A_334 = tpu.memref_slice %arg6[%dma_wait3A_323, %scan3A_322, %dma_wait3A_332, %dma_wait3A_333] : memref<3x32x8x64xf32, #tpu.memory_space<vmem>> -> memref<1x1x8x64xf32, #tpu.memory_space<vmem>>
      %dma_wait3A_335 = tpu.memref_squeeze %dma_wait3A_334 : memref<1x1x8x64xf32, #tpu.memory_space<vmem>> -> memref<8x64xf32, #tpu.memory_space<vmem>>
      %dma_wait3A_336 = arith.constant 0 : i32
      %dma_wait3A_337 = arith.constant 0 : i32
      %dma_wait3A_338 = tpu.memref_slice %arg3[%dma_wait3A, %dma_wait3A_336, %dma_wait3A_337] : memref<125000x8x64xf32, #tpu.memory_space<hbm>> -> memref<1x8x64xf32, #tpu.memory_space<hbm>>
      %dma_wait3A_339 = tpu.memref_squeeze %dma_wait3A_338 : memref<1x8x64xf32, #tpu.memory_space<hbm>> -> memref<8x64xf32, #tpu.memory_space<hbm>>
      tpu.wait_dma2 semaphore(%arg8 : memref<!tpu.dma_semaphore, #tpu.memory_space<semaphore_mem>>) src(%dma_wait3A_339 : memref<8x64xf32, #tpu.memory_space<hbm>>) dst(%dma_wait3A_335 : memref<8x64xf32, #tpu.memory_space<vmem>>)
    }
    %scan3A_125 = arith.constant 32 : i32
    %scan3A_126 = arith.constant 0 : i32
    %scan3A_127 = arith.constant 0 : i32
    %scan3A_128 = arith.constant 32 : i32
    %scan3A_129 = arith.addi %scan3A_127, %scan3A_128 : i32
    %scan3A_130 = arith.constant 1 : i32
    scf.for %scan3A_322 = %scan3A_127 to %scan3A_129 step %scan3A_130  : i32 {
      %add3A_323 = arith.constant 160 : i32
      %add3A_324 = arith.addi %add3A_323, %scan3A_322 : i32
      %get3A = arith.index_cast %add3A_324 : i32 to index
      %get3A_325 = tpu.vector_load %arg5[%get3A] {strides = array<i32>} : memref<528xi32, #tpu.memory_space<vmem>>, vector<16xi32>,
      %get3A_326 = vector.shape_cast %get3A_325 : vector<16xi32> to vector<16xi32>
      %slice3A = vector.extract_strided_slice %get3A_326 {offsets = [0], sizes = [1], strides = [1]} : vector<16xi32> to vector<1xi32>
      %squeeze3A = vector.extract %slice3A[0] : i32 from vector<1xi32>
      %and3A = arith.constant 7 : i32
      %and3A_327 = arith.andi %squeeze3A, %and3A : i32
      %get3A_328 = arith.constant 2 : i32
      %get3A_329 = arith.index_cast %get3A_328 : i32 to index
      %get3A_330 = arith.index_cast %scan3A_322 : i32 to index
      %get3A_331 = arith.index_cast %and3A_327 : i32 to index
      %get3A_332 = arith.constant 0 : index
      %get3A_333 = tpu.vector_load %arg6[%get3A_329, %get3A_330, %get3A_331, %get3A_332] {strides = array<i32>} : memref<3x32x8x64xf32, #tpu.memory_space<vmem>>, vector<1x1x1x16xf32>,
      %get3A_334 = vector.shape_cast %get3A_333 : vector<1x1x1x16xf32> to vector<16xf32>
      %swap3A = arith.index_cast %scan3A_322 : i32 to index
      %swap3A_335 = arith.constant 0 : index
      %swap3A_336 = tpu.vector_load %arg7[%swap3A, %swap3A_335] {strides = array<i32>} : memref<32x64xf32, #tpu.memory_space<vmem>>, vector<1x16xf32>,
      %swap3A_337 = vector.shape_cast %swap3A_336 : vector<1x16xf32> to vector<16xf32>
      %swap3A_338 = vector.shape_cast %get3A_334 : vector<16xf32> to vector<1x16xf32>
      tpu.vector_store %arg7[%swap3A, %swap3A_335], %swap3A_338 {strides = array<i32>} : memref<32x64xf32, #tpu.memory_space<vmem>>, vector<1x16xf32>,
      %get3A_339 = arith.constant 2 : i32
      %get3A_340 = arith.index_cast %get3A_339 : i32 to index
      %get3A_341 = arith.index_cast %scan3A_322 : i32 to index
      %get3A_342 = arith.index_cast %and3A_327 : i32 to index
      %get3A_343 = arith.constant 16 : index
      %get3A_344 = tpu.vector_load %arg6[%get3A_340, %get3A_341, %get3A_342, %get3A_343] {strides = array<i32>} : memref<3x32x8x64xf32, #tpu.memory_space<vmem>>, vector<1x1x1x16xf32>,
      %get3A_345 = vector.shape_cast %get3A_344 : vector<1x1x1x16xf32> to vector<16xf32>
      %swap3A_346 = arith.index_cast %scan3A_322 : i32 to index
      %swap3A_347 = arith.constant 16 : index
      %swap3A_348 = tpu.vector_load %arg7[%swap3A_346, %swap3A_347] {strides = array<i32>} : memref<32x64xf32, #tpu.memory_space<vmem>>, vector<1x16xf32>,
      %swap3A_349 = vector.shape_cast %swap3A_348 : vector<1x16xf32> to vector<16xf32>
      %swap3A_350 = vector.shape_cast %get3A_345 : vector<16xf32> to vector<1x16xf32>
      tpu.vector_store %arg7[%swap3A_346, %swap3A_347], %swap3A_350 {strides = array<i32>} : memref<32x64xf32, #tpu.memory_space<vmem>>, vector<1x16xf32>,
      %get3A_351 = arith.constant 2 : i32
      %get3A_352 = arith.index_cast %get3A_351 : i32 to index
      %get3A_353 = arith.index_cast %scan3A_322 : i32 to index
      %get3A_354 = arith.index_cast %and3A_327 : i32 to index
      %get3A_355 = arith.constant 32 : index
      %get3A_356 = tpu.vector_load %arg6[%get3A_352, %get3A_353, %get3A_354, %get3A_355] {strides = array<i32>} : memref<3x32x8x64xf32, #tpu.memory_space<vmem>>, vector<1x1x1x16xf32>,
      %get3A_357 = vector.shape_cast %get3A_356 : vector<1x1x1x16xf32> to vector<16xf32>
      %swap3A_358 = arith.index_cast %scan3A_322 : i32 to index
      %swap3A_359 = arith.constant 32 : index
      %swap3A_360 = tpu.vector_load %arg7[%swap3A_358, %swap3A_359] {strides = array<i32>} : memref<32x64xf32, #tpu.memory_space<vmem>>, vector<1x16xf32>,
      %swap3A_361 = vector.shape_cast %swap3A_360 : vector<1x16xf32> to vector<16xf32>
      %swap3A_362 = vector.shape_cast %get3A_357 : vector<16xf32> to vector<1x16xf32>
      tpu.vector_store %arg7[%swap3A_358, %swap3A_359], %swap3A_362 {strides = array<i32>} : memref<32x64xf32, #tpu.memory_space<vmem>>, vector<1x16xf32>,
      %get3A_363 = arith.constant 2 : i32
      %get3A_364 = arith.index_cast %get3A_363 : i32 to index
      %get3A_365 = arith.index_cast %scan3A_322 : i32 to index
      %get3A_366 = arith.index_cast %and3A_327 : i32 to index
      %get3A_367 = arith.constant 48 : index
      %get3A_368 = tpu.vector_load %arg6[%get3A_364, %get3A_365, %get3A_366, %get3A_367] {strides = array<i32>} : memref<3x32x8x64xf32, #tpu.memory_space<vmem>>, vector<1x1x1x16xf32>,
      %get3A_369 = vector.shape_cast %get3A_368 : vector<1x1x1x16xf32> to vector<16xf32>
      %swap3A_370 = arith.index_cast %scan3A_322 : i32 to index
      %swap3A_371 = arith.constant 48 : index
      %swap3A_372 = tpu.vector_load %arg7[%swap3A_370, %swap3A_371] {strides = array<i32>} : memref<32x64xf32, #tpu.memory_space<vmem>>, vector<1x16xf32>,
      %swap3A_373 = vector.shape_cast %swap3A_372 : vector<1x16xf32> to vector<16xf32>
      %swap3A_374 = vector.shape_cast %get3A_369 : vector<16xf32> to vector<1x16xf32>
      tpu.vector_store %arg7[%swap3A_370, %swap3A_371], %swap3A_374 {strides = array<i32>} : memref<32x64xf32, #tpu.memory_space<vmem>>, vector<1x16xf32>,
    }
    %scan3A_131 = arith.constant 32 : i32
    %add3A_132 = arith.constant 160 : i32
    %add3A_133 = arith.addi %mul3A_2, %add3A_132 : i32
    "tpu.region"() ({
      %run_scoped3A = tpu.sem_alloc : memref<!tpu.dma_semaphore, #tpu.memory_space<semaphore_mem>>
      %dma_start3A = arith.constant 0 : i32
      %dma_start3A_322 = tpu.memref_slice %arg4[%add3A_133, %dma_start3A] : memref<16384x64xf32, #tpu.memory_space<hbm>> -> memref<32x64xf32, #tpu.memory_space<hbm>>
      %dma_start3A_323 = arith.constant 0 : i32
      %dma_start3A_324 = tpu.memref_slice %arg4[%add3A_133, %dma_start3A_323] : memref<16384x64xf32, #tpu.memory_space<hbm>> -> memref<32x64xf32, #tpu.memory_space<hbm>>
      tpu.enqueue_dma source(%arg7 : memref<32x64xf32, #tpu.memory_space<vmem>>) target(%dma_start3A_324 : memref<32x64xf32, #tpu.memory_space<hbm>>) target_semaphore(%run_scoped3A : memref<!tpu.dma_semaphore, #tpu.memory_space<semaphore_mem>>)
      %dma_wait3A = arith.constant 0 : i32
      %dma_wait3A_325 = tpu.memref_slice %arg4[%add3A_133, %dma_wait3A] : memref<16384x64xf32, #tpu.memory_space<hbm>> -> memref<32x64xf32, #tpu.memory_space<hbm>>
      %dma_wait3A_326 = arith.constant 0 : i32
      %dma_wait3A_327 = tpu.memref_slice %arg4[%add3A_133, %dma_wait3A_326] : memref<16384x64xf32, #tpu.memory_space<hbm>> -> memref<32x64xf32, #tpu.memory_space<hbm>>
      tpu.wait_dma2 semaphore(%run_scoped3A : memref<!tpu.dma_semaphore, #tpu.memory_space<semaphore_mem>>) src(%arg7 : memref<32x64xf32, #tpu.memory_space<vmem>>) dst(%dma_wait3A_327 : memref<32x64xf32, #tpu.memory_space<hbm>>)
      tpu.yield
    }) : () -> ()
    %scan3A_134 = arith.constant 0 : i32
    %scan3A_135 = arith.constant 0 : i32
    %scan3A_136 = arith.constant 32 : i32
    %scan3A_137 = arith.addi %scan3A_135, %scan3A_136 : i32
    %scan3A_138 = arith.constant 1 : i32
    scf.for %scan3A_322 = %scan3A_135 to %scan3A_137 step %scan3A_138  : i32 {
      %add3A_323 = arith.constant 256 : i32
      %add3A_324 = arith.addi %add3A_323, %scan3A_322 : i32
      %get3A = arith.index_cast %add3A_324 : i32 to index
      %get3A_325 = tpu.vector_load %arg5[%get3A] {strides = array<i32>} : memref<528xi32, #tpu.memory_space<vmem>>, vector<16xi32>,
      %get3A_326 = vector.shape_cast %get3A_325 : vector<16xi32> to vector<16xi32>
      %slice3A = vector.extract_strided_slice %get3A_326 {offsets = [0], sizes = [1], strides = [1]} : vector<16xi32> to vector<1xi32>
      %squeeze3A = vector.extract %slice3A[0] : i32 from vector<1xi32>
      %shift_right_logical3A = arith.constant 3 : i32
      %shift_right_logical3A_327 = arith.shrui %squeeze3A, %shift_right_logical3A : i32
      %dma_start3A = arith.constant 2 : i32
      %dma_start3A_328 = arith.constant 0 : i32
      %dma_start3A_329 = arith.constant 0 : i32
      %dma_start3A_330 = tpu.memref_slice %arg6[%dma_start3A, %scan3A_322, %dma_start3A_328, %dma_start3A_329] : memref<3x32x8x64xf32, #tpu.memory_space<vmem>> -> memref<1x1x8x64xf32, #tpu.memory_space<vmem>>
      %dma_start3A_331 = tpu.memref_squeeze %dma_start3A_330 : memref<1x1x8x64xf32, #tpu.memory_space<vmem>> -> memref<8x64xf32, #tpu.memory_space<vmem>>
      %dma_start3A_332 = arith.constant 0 : i32
      %dma_start3A_333 = arith.constant 0 : i32
      %dma_start3A_334 = tpu.memref_slice %arg3[%shift_right_logical3A_327, %dma_start3A_332, %dma_start3A_333] : memref<125000x8x64xf32, #tpu.memory_space<hbm>> -> memref<1x8x64xf32, #tpu.memory_space<hbm>>
      %dma_start3A_335 = tpu.memref_squeeze %dma_start3A_334 : memref<1x8x64xf32, #tpu.memory_space<hbm>> -> memref<8x64xf32, #tpu.memory_space<hbm>>
      %dma_start3A_336 = arith.constant 0 : i32
      %dma_start3A_337 = arith.constant 0 : i32
      %dma_start3A_338 = tpu.memref_slice %arg6[%dma_start3A, %scan3A_322, %dma_start3A_336, %dma_start3A_337] : memref<3x32x8x64xf32, #tpu.memory_space<vmem>> -> memref<1x1x8x64xf32, #tpu.memory_space<vmem>>
      %dma_start3A_339 = tpu.memref_squeeze %dma_start3A_338 : memref<1x1x8x64xf32, #tpu.memory_space<vmem>> -> memref<8x64xf32, #tpu.memory_space<vmem>>
      %dma_start3A_340 = arith.constant 0 : i32
      %dma_start3A_341 = arith.constant 0 : i32
      %dma_start3A_342 = tpu.memref_slice %arg3[%shift_right_logical3A_327, %dma_start3A_340, %dma_start3A_341] : memref<125000x8x64xf32, #tpu.memory_space<hbm>> -> memref<1x8x64xf32, #tpu.memory_space<hbm>>
      %dma_start3A_343 = tpu.memref_squeeze %dma_start3A_342 : memref<1x8x64xf32, #tpu.memory_space<hbm>> -> memref<8x64xf32, #tpu.memory_space<hbm>>
      tpu.enqueue_dma source(%dma_start3A_343 : memref<8x64xf32, #tpu.memory_space<hbm>>) target(%dma_start3A_339 : memref<8x64xf32, #tpu.memory_space<vmem>>) target_semaphore(%arg8 : memref<!tpu.dma_semaphore, #tpu.memory_space<semaphore_mem>>)
    }
    %scan3A_139 = arith.constant 32 : i32
    %scan3A_140 = arith.constant 0 : i32
    %scan3A_141 = arith.constant 0 : i32
    %scan3A_142 = arith.constant 32 : i32
    %scan3A_143 = arith.addi %scan3A_141, %scan3A_142 : i32
    %scan3A_144 = arith.constant 1 : i32
    scf.for %scan3A_322 = %scan3A_141 to %scan3A_143 step %scan3A_144  : i32 {
      %dma_wait3A = arith.constant 0 : i32
      %dma_wait3A_323 = arith.constant 0 : i32
      %dma_wait3A_324 = arith.constant 0 : i32
      %dma_wait3A_325 = arith.constant 0 : i32
      %dma_wait3A_326 = tpu.memref_slice %arg6[%dma_wait3A_323, %scan3A_322, %dma_wait3A_324, %dma_wait3A_325] : memref<3x32x8x64xf32, #tpu.memory_space<vmem>> -> memref<1x1x8x64xf32, #tpu.memory_space<vmem>>
      %dma_wait3A_327 = tpu.memref_squeeze %dma_wait3A_326 : memref<1x1x8x64xf32, #tpu.memory_space<vmem>> -> memref<8x64xf32, #tpu.memory_space<vmem>>
      %dma_wait3A_328 = arith.constant 0 : i32
      %dma_wait3A_329 = arith.constant 0 : i32
      %dma_wait3A_330 = tpu.memref_slice %arg3[%dma_wait3A, %dma_wait3A_328, %dma_wait3A_329] : memref<125000x8x64xf32, #tpu.memory_space<hbm>> -> memref<1x8x64xf32, #tpu.memory_space<hbm>>
      %dma_wait3A_331 = tpu.memref_squeeze %dma_wait3A_330 : memref<1x8x64xf32, #tpu.memory_space<hbm>> -> memref<8x64xf32, #tpu.memory_space<hbm>>
      %dma_wait3A_332 = arith.constant 0 : i32
      %dma_wait3A_333 = arith.constant 0 : i32
      %dma_wait3A_334 = tpu.memref_slice %arg6[%dma_wait3A_323, %scan3A_322, %dma_wait3A_332, %dma_wait3A_333] : memref<3x32x8x64xf32, #tpu.memory_space<vmem>> -> memref<1x1x8x64xf32, #tpu.memory_space<vmem>>
      %dma_wait3A_335 = tpu.memref_squeeze %dma_wait3A_334 : memref<1x1x8x64xf32, #tpu.memory_space<vmem>> -> memref<8x64xf32, #tpu.memory_space<vmem>>
      %dma_wait3A_336 = arith.constant 0 : i32
      %dma_wait3A_337 = arith.constant 0 : i32
      %dma_wait3A_338 = tpu.memref_slice %arg3[%dma_wait3A, %dma_wait3A_336, %dma_wait3A_337] : memref<125000x8x64xf32, #tpu.memory_space<hbm>> -> memref<1x8x64xf32, #tpu.memory_space<hbm>>
      %dma_wait3A_339 = tpu.memref_squeeze %dma_wait3A_338 : memref<1x8x64xf32, #tpu.memory_space<hbm>> -> memref<8x64xf32, #tpu.memory_space<hbm>>
      tpu.wait_dma2 semaphore(%arg8 : memref<!tpu.dma_semaphore, #tpu.memory_space<semaphore_mem>>) src(%dma_wait3A_339 : memref<8x64xf32, #tpu.memory_space<hbm>>) dst(%dma_wait3A_335 : memref<8x64xf32, #tpu.memory_space<vmem>>)
    }
    %scan3A_145 = arith.constant 32 : i32
    %scan3A_146 = arith.constant 0 : i32
    %scan3A_147 = arith.constant 0 : i32
    %scan3A_148 = arith.constant 32 : i32
    %scan3A_149 = arith.addi %scan3A_147, %scan3A_148 : i32
    %scan3A_150 = arith.constant 1 : i32
    scf.for %scan3A_322 = %scan3A_147 to %scan3A_149 step %scan3A_150  : i32 {
      %add3A_323 = arith.constant 192 : i32
      %add3A_324 = arith.addi %add3A_323, %scan3A_322 : i32
      %get3A = arith.index_cast %add3A_324 : i32 to index
      %get3A_325 = tpu.vector_load %arg5[%get3A] {strides = array<i32>} : memref<528xi32, #tpu.memory_space<vmem>>, vector<16xi32>,
      %get3A_326 = vector.shape_cast %get3A_325 : vector<16xi32> to vector<16xi32>
      %slice3A = vector.extract_strided_slice %get3A_326 {offsets = [0], sizes = [1], strides = [1]} : vector<16xi32> to vector<1xi32>
      %squeeze3A = vector.extract %slice3A[0] : i32 from vector<1xi32>
      %and3A = arith.constant 7 : i32
      %and3A_327 = arith.andi %squeeze3A, %and3A : i32
      %get3A_328 = arith.constant 0 : i32
      %get3A_329 = arith.index_cast %get3A_328 : i32 to index
      %get3A_330 = arith.index_cast %scan3A_322 : i32 to index
      %get3A_331 = arith.index_cast %and3A_327 : i32 to index
      %get3A_332 = arith.constant 0 : index
      %get3A_333 = tpu.vector_load %arg6[%get3A_329, %get3A_330, %get3A_331, %get3A_332] {strides = array<i32>} : memref<3x32x8x64xf32, #tpu.memory_space<vmem>>, vector<1x1x1x16xf32>,
      %get3A_334 = vector.shape_cast %get3A_333 : vector<1x1x1x16xf32> to vector<16xf32>
      %swap3A = arith.index_cast %scan3A_322 : i32 to index
      %swap3A_335 = arith.constant 0 : index
      %swap3A_336 = tpu.vector_load %arg7[%swap3A, %swap3A_335] {strides = array<i32>} : memref<32x64xf32, #tpu.memory_space<vmem>>, vector<1x16xf32>,
      %swap3A_337 = vector.shape_cast %swap3A_336 : vector<1x16xf32> to vector<16xf32>
      %swap3A_338 = vector.shape_cast %get3A_334 : vector<16xf32> to vector<1x16xf32>
      tpu.vector_store %arg7[%swap3A, %swap3A_335], %swap3A_338 {strides = array<i32>} : memref<32x64xf32, #tpu.memory_space<vmem>>, vector<1x16xf32>,
      %get3A_339 = arith.constant 0 : i32
      %get3A_340 = arith.index_cast %get3A_339 : i32 to index
      %get3A_341 = arith.index_cast %scan3A_322 : i32 to index
      %get3A_342 = arith.index_cast %and3A_327 : i32 to index
      %get3A_343 = arith.constant 16 : index
      %get3A_344 = tpu.vector_load %arg6[%get3A_340, %get3A_341, %get3A_342, %get3A_343] {strides = array<i32>} : memref<3x32x8x64xf32, #tpu.memory_space<vmem>>, vector<1x1x1x16xf32>,
      %get3A_345 = vector.shape_cast %get3A_344 : vector<1x1x1x16xf32> to vector<16xf32>
      %swap3A_346 = arith.index_cast %scan3A_322 : i32 to index
      %swap3A_347 = arith.constant 16 : index
      %swap3A_348 = tpu.vector_load %arg7[%swap3A_346, %swap3A_347] {strides = array<i32>} : memref<32x64xf32, #tpu.memory_space<vmem>>, vector<1x16xf32>,
      %swap3A_349 = vector.shape_cast %swap3A_348 : vector<1x16xf32> to vector<16xf32>
      %swap3A_350 = vector.shape_cast %get3A_345 : vector<16xf32> to vector<1x16xf32>
      tpu.vector_store %arg7[%swap3A_346, %swap3A_347], %swap3A_350 {strides = array<i32>} : memref<32x64xf32, #tpu.memory_space<vmem>>, vector<1x16xf32>,
      %get3A_351 = arith.constant 0 : i32
      %get3A_352 = arith.index_cast %get3A_351 : i32 to index
      %get3A_353 = arith.index_cast %scan3A_322 : i32 to index
      %get3A_354 = arith.index_cast %and3A_327 : i32 to index
      %get3A_355 = arith.constant 32 : index
      %get3A_356 = tpu.vector_load %arg6[%get3A_352, %get3A_353, %get3A_354, %get3A_355] {strides = array<i32>} : memref<3x32x8x64xf32, #tpu.memory_space<vmem>>, vector<1x1x1x16xf32>,
      %get3A_357 = vector.shape_cast %get3A_356 : vector<1x1x1x16xf32> to vector<16xf32>
      %swap3A_358 = arith.index_cast %scan3A_322 : i32 to index
      %swap3A_359 = arith.constant 32 : index
      %swap3A_360 = tpu.vector_load %arg7[%swap3A_358, %swap3A_359] {strides = array<i32>} : memref<32x64xf32, #tpu.memory_space<vmem>>, vector<1x16xf32>,
      %swap3A_361 = vector.shape_cast %swap3A_360 : vector<1x16xf32> to vector<16xf32>
      %swap3A_362 = vector.shape_cast %get3A_357 : vector<16xf32> to vector<1x16xf32>
      tpu.vector_store %arg7[%swap3A_358, %swap3A_359], %swap3A_362 {strides = array<i32>} : memref<32x64xf32, #tpu.memory_space<vmem>>, vector<1x16xf32>,
      %get3A_363 = arith.constant 0 : i32
      %get3A_364 = arith.index_cast %get3A_363 : i32 to index
      %get3A_365 = arith.index_cast %scan3A_322 : i32 to index
      %get3A_366 = arith.index_cast %and3A_327 : i32 to index
      %get3A_367 = arith.constant 48 : index
      %get3A_368 = tpu.vector_load %arg6[%get3A_364, %get3A_365, %get3A_366, %get3A_367] {strides = array<i32>} : memref<3x32x8x64xf32, #tpu.memory_space<vmem>>, vector<1x1x1x16xf32>,
      %get3A_369 = vector.shape_cast %get3A_368 : vector<1x1x1x16xf32> to vector<16xf32>
      %swap3A_370 = arith.index_cast %scan3A_322 : i32 to index
      %swap3A_371 = arith.constant 48 : index
      %swap3A_372 = tpu.vector_load %arg7[%swap3A_370, %swap3A_371] {strides = array<i32>} : memref<32x64xf32, #tpu.memory_space<vmem>>, vector<1x16xf32>,
      %swap3A_373 = vector.shape_cast %swap3A_372 : vector<1x16xf32> to vector<16xf32>
      %swap3A_374 = vector.shape_cast %get3A_369 : vector<16xf32> to vector<1x16xf32>
      tpu.vector_store %arg7[%swap3A_370, %swap3A_371], %swap3A_374 {strides = array<i32>} : memref<32x64xf32, #tpu.memory_space<vmem>>, vector<1x16xf32>,
    }
    %scan3A_151 = arith.constant 32 : i32
    %add3A_152 = arith.constant 192 : i32
    %add3A_153 = arith.addi %mul3A_2, %add3A_152 : i32
    "tpu.region"() ({
      %run_scoped3A = tpu.sem_alloc : memref<!tpu.dma_semaphore, #tpu.memory_space<semaphore_mem>>
      %dma_start3A = arith.constant 0 : i32
      %dma_start3A_322 = tpu.memref_slice %arg4[%add3A_153, %dma_start3A] : memref<16384x64xf32, #tpu.memory_space<hbm>> -> memref<32x64xf32, #tpu.memory_space<hbm>>
      %dma_start3A_323 = arith.constant 0 : i32
      %dma_start3A_324 = tpu.memref_slice %arg4[%add3A_153, %dma_start3A_323] : memref<16384x64xf32, #tpu.memory_space<hbm>> -> memref<32x64xf32, #tpu.memory_space<hbm>>
      tpu.enqueue_dma source(%arg7 : memref<32x64xf32, #tpu.memory_space<vmem>>) target(%dma_start3A_324 : memref<32x64xf32, #tpu.memory_space<hbm>>) target_semaphore(%run_scoped3A : memref<!tpu.dma_semaphore, #tpu.memory_space<semaphore_mem>>)
      %dma_wait3A = arith.constant 0 : i32
      %dma_wait3A_325 = tpu.memref_slice %arg4[%add3A_153, %dma_wait3A] : memref<16384x64xf32, #tpu.memory_space<hbm>> -> memref<32x64xf32, #tpu.memory_space<hbm>>
      %dma_wait3A_326 = arith.constant 0 : i32
      %dma_wait3A_327 = tpu.memref_slice %arg4[%add3A_153, %dma_wait3A_326] : memref<16384x64xf32, #tpu.memory_space<hbm>> -> memref<32x64xf32, #tpu.memory_space<hbm>>
      tpu.wait_dma2 semaphore(%run_scoped3A : memref<!tpu.dma_semaphore, #tpu.memory_space<semaphore_mem>>) src(%arg7 : memref<32x64xf32, #tpu.memory_space<vmem>>) dst(%dma_wait3A_327 : memref<32x64xf32, #tpu.memory_space<hbm>>)
      tpu.yield
    }) : () -> ()
    %scan3A_154 = arith.constant 0 : i32
    %scan3A_155 = arith.constant 0 : i32
    %scan3A_156 = arith.constant 32 : i32
    %scan3A_157 = arith.addi %scan3A_155, %scan3A_156 : i32
    %scan3A_158 = arith.constant 1 : i32
    scf.for %scan3A_322 = %scan3A_155 to %scan3A_157 step %scan3A_158  : i32 {
      %add3A_323 = arith.constant 288 : i32
      %add3A_324 = arith.addi %add3A_323, %scan3A_322 : i32
      %get3A = arith.index_cast %add3A_324 : i32 to index
      %get3A_325 = tpu.vector_load %arg5[%get3A] {strides = array<i32>} : memref<528xi32, #tpu.memory_space<vmem>>, vector<16xi32>,
      %get3A_326 = vector.shape_cast %get3A_325 : vector<16xi32> to vector<16xi32>
      %slice3A = vector.extract_strided_slice %get3A_326 {offsets = [0], sizes = [1], strides = [1]} : vector<16xi32> to vector<1xi32>
      %squeeze3A = vector.extract %slice3A[0] : i32 from vector<1xi32>
      %shift_right_logical3A = arith.constant 3 : i32
      %shift_right_logical3A_327 = arith.shrui %squeeze3A, %shift_right_logical3A : i32
      %dma_start3A = arith.constant 0 : i32
      %dma_start3A_328 = arith.constant 0 : i32
      %dma_start3A_329 = arith.constant 0 : i32
      %dma_start3A_330 = tpu.memref_slice %arg6[%dma_start3A, %scan3A_322, %dma_start3A_328, %dma_start3A_329] : memref<3x32x8x64xf32, #tpu.memory_space<vmem>> -> memref<1x1x8x64xf32, #tpu.memory_space<vmem>>
      %dma_start3A_331 = tpu.memref_squeeze %dma_start3A_330 : memref<1x1x8x64xf32, #tpu.memory_space<vmem>> -> memref<8x64xf32, #tpu.memory_space<vmem>>
      %dma_start3A_332 = arith.constant 0 : i32
      %dma_start3A_333 = arith.constant 0 : i32
      %dma_start3A_334 = tpu.memref_slice %arg3[%shift_right_logical3A_327, %dma_start3A_332, %dma_start3A_333] : memref<125000x8x64xf32, #tpu.memory_space<hbm>> -> memref<1x8x64xf32, #tpu.memory_space<hbm>>
      %dma_start3A_335 = tpu.memref_squeeze %dma_start3A_334 : memref<1x8x64xf32, #tpu.memory_space<hbm>> -> memref<8x64xf32, #tpu.memory_space<hbm>>
      %dma_start3A_336 = arith.constant 0 : i32
      %dma_start3A_337 = arith.constant 0 : i32
      %dma_start3A_338 = tpu.memref_slice %arg6[%dma_start3A, %scan3A_322, %dma_start3A_336, %dma_start3A_337] : memref<3x32x8x64xf32, #tpu.memory_space<vmem>> -> memref<1x1x8x64xf32, #tpu.memory_space<vmem>>
      %dma_start3A_339 = tpu.memref_squeeze %dma_start3A_338 : memref<1x1x8x64xf32, #tpu.memory_space<vmem>> -> memref<8x64xf32, #tpu.memory_space<vmem>>
      %dma_start3A_340 = arith.constant 0 : i32
      %dma_start3A_341 = arith.constant 0 : i32
      %dma_start3A_342 = tpu.memref_slice %arg3[%shift_right_logical3A_327, %dma_start3A_340, %dma_start3A_341] : memref<125000x8x64xf32, #tpu.memory_space<hbm>> -> memref<1x8x64xf32, #tpu.memory_space<hbm>>
      %dma_start3A_343 = tpu.memref_squeeze %dma_start3A_342 : memref<1x8x64xf32, #tpu.memory_space<hbm>> -> memref<8x64xf32, #tpu.memory_space<hbm>>
      tpu.enqueue_dma source(%dma_start3A_343 : memref<8x64xf32, #tpu.memory_space<hbm>>) target(%dma_start3A_339 : memref<8x64xf32, #tpu.memory_space<vmem>>) target_semaphore(%arg8 : memref<!tpu.dma_semaphore, #tpu.memory_space<semaphore_mem>>)
    }
    %scan3A_159 = arith.constant 32 : i32
    %scan3A_160 = arith.constant 0 : i32
    %scan3A_161 = arith.constant 0 : i32
    %scan3A_162 = arith.constant 32 : i32
    %scan3A_163 = arith.addi %scan3A_161, %scan3A_162 : i32
    %scan3A_164 = arith.constant 1 : i32
    scf.for %scan3A_322 = %scan3A_161 to %scan3A_163 step %scan3A_164  : i32 {
      %dma_wait3A = arith.constant 0 : i32
      %dma_wait3A_323 = arith.constant 1 : i32
      %dma_wait3A_324 = arith.constant 0 : i32
      %dma_wait3A_325 = arith.constant 0 : i32
      %dma_wait3A_326 = tpu.memref_slice %arg6[%dma_wait3A_323, %scan3A_322, %dma_wait3A_324, %dma_wait3A_325] : memref<3x32x8x64xf32, #tpu.memory_space<vmem>> -> memref<1x1x8x64xf32, #tpu.memory_space<vmem>>
      %dma_wait3A_327 = tpu.memref_squeeze %dma_wait3A_326 : memref<1x1x8x64xf32, #tpu.memory_space<vmem>> -> memref<8x64xf32, #tpu.memory_space<vmem>>
      %dma_wait3A_328 = arith.constant 0 : i32
      %dma_wait3A_329 = arith.constant 0 : i32
      %dma_wait3A_330 = tpu.memref_slice %arg3[%dma_wait3A, %dma_wait3A_328, %dma_wait3A_329] : memref<125000x8x64xf32, #tpu.memory_space<hbm>> -> memref<1x8x64xf32, #tpu.memory_space<hbm>>
      %dma_wait3A_331 = tpu.memref_squeeze %dma_wait3A_330 : memref<1x8x64xf32, #tpu.memory_space<hbm>> -> memref<8x64xf32, #tpu.memory_space<hbm>>
      %dma_wait3A_332 = arith.constant 0 : i32
      %dma_wait3A_333 = arith.constant 0 : i32
      %dma_wait3A_334 = tpu.memref_slice %arg6[%dma_wait3A_323, %scan3A_322, %dma_wait3A_332, %dma_wait3A_333] : memref<3x32x8x64xf32, #tpu.memory_space<vmem>> -> memref<1x1x8x64xf32, #tpu.memory_space<vmem>>
      %dma_wait3A_335 = tpu.memref_squeeze %dma_wait3A_334 : memref<1x1x8x64xf32, #tpu.memory_space<vmem>> -> memref<8x64xf32, #tpu.memory_space<vmem>>
      %dma_wait3A_336 = arith.constant 0 : i32
      %dma_wait3A_337 = arith.constant 0 : i32
      %dma_wait3A_338 = tpu.memref_slice %arg3[%dma_wait3A, %dma_wait3A_336, %dma_wait3A_337] : memref<125000x8x64xf32, #tpu.memory_space<hbm>> -> memref<1x8x64xf32, #tpu.memory_space<hbm>>
      %dma_wait3A_339 = tpu.memref_squeeze %dma_wait3A_338 : memref<1x8x64xf32, #tpu.memory_space<hbm>> -> memref<8x64xf32, #tpu.memory_space<hbm>>
      tpu.wait_dma2 semaphore(%arg8 : memref<!tpu.dma_semaphore, #tpu.memory_space<semaphore_mem>>) src(%dma_wait3A_339 : memref<8x64xf32, #tpu.memory_space<hbm>>) dst(%dma_wait3A_335 : memref<8x64xf32, #tpu.memory_space<vmem>>)
    }
    %scan3A_165 = arith.constant 32 : i32
    %scan3A_166 = arith.constant 0 : i32
    %scan3A_167 = arith.constant 0 : i32
    %scan3A_168 = arith.constant 32 : i32
    %scan3A_169 = arith.addi %scan3A_167, %scan3A_168 : i32
    %scan3A_170 = arith.constant 1 : i32
    scf.for %scan3A_322 = %scan3A_167 to %scan3A_169 step %scan3A_170  : i32 {
      %add3A_323 = arith.constant 224 : i32
      %add3A_324 = arith.addi %add3A_323, %scan3A_322 : i32
      %get3A = arith.index_cast %add3A_324 : i32 to index
      %get3A_325 = tpu.vector_load %arg5[%get3A] {strides = array<i32>} : memref<528xi32, #tpu.memory_space<vmem>>, vector<16xi32>,
      %get3A_326 = vector.shape_cast %get3A_325 : vector<16xi32> to vector<16xi32>
      %slice3A = vector.extract_strided_slice %get3A_326 {offsets = [0], sizes = [1], strides = [1]} : vector<16xi32> to vector<1xi32>
      %squeeze3A = vector.extract %slice3A[0] : i32 from vector<1xi32>
      %and3A = arith.constant 7 : i32
      %and3A_327 = arith.andi %squeeze3A, %and3A : i32
      %get3A_328 = arith.constant 1 : i32
      %get3A_329 = arith.index_cast %get3A_328 : i32 to index
      %get3A_330 = arith.index_cast %scan3A_322 : i32 to index
      %get3A_331 = arith.index_cast %and3A_327 : i32 to index
      %get3A_332 = arith.constant 0 : index
      %get3A_333 = tpu.vector_load %arg6[%get3A_329, %get3A_330, %get3A_331, %get3A_332] {strides = array<i32>} : memref<3x32x8x64xf32, #tpu.memory_space<vmem>>, vector<1x1x1x16xf32>,
      %get3A_334 = vector.shape_cast %get3A_333 : vector<1x1x1x16xf32> to vector<16xf32>
      %swap3A = arith.index_cast %scan3A_322 : i32 to index
      %swap3A_335 = arith.constant 0 : index
      %swap3A_336 = tpu.vector_load %arg7[%swap3A, %swap3A_335] {strides = array<i32>} : memref<32x64xf32, #tpu.memory_space<vmem>>, vector<1x16xf32>,
      %swap3A_337 = vector.shape_cast %swap3A_336 : vector<1x16xf32> to vector<16xf32>
      %swap3A_338 = vector.shape_cast %get3A_334 : vector<16xf32> to vector<1x16xf32>
      tpu.vector_store %arg7[%swap3A, %swap3A_335], %swap3A_338 {strides = array<i32>} : memref<32x64xf32, #tpu.memory_space<vmem>>, vector<1x16xf32>,
      %get3A_339 = arith.constant 1 : i32
      %get3A_340 = arith.index_cast %get3A_339 : i32 to index
      %get3A_341 = arith.index_cast %scan3A_322 : i32 to index
      %get3A_342 = arith.index_cast %and3A_327 : i32 to index
      %get3A_343 = arith.constant 16 : index
      %get3A_344 = tpu.vector_load %arg6[%get3A_340, %get3A_341, %get3A_342, %get3A_343] {strides = array<i32>} : memref<3x32x8x64xf32, #tpu.memory_space<vmem>>, vector<1x1x1x16xf32>,
      %get3A_345 = vector.shape_cast %get3A_344 : vector<1x1x1x16xf32> to vector<16xf32>
      %swap3A_346 = arith.index_cast %scan3A_322 : i32 to index
      %swap3A_347 = arith.constant 16 : index
      %swap3A_348 = tpu.vector_load %arg7[%swap3A_346, %swap3A_347] {strides = array<i32>} : memref<32x64xf32, #tpu.memory_space<vmem>>, vector<1x16xf32>,
      %swap3A_349 = vector.shape_cast %swap3A_348 : vector<1x16xf32> to vector<16xf32>
      %swap3A_350 = vector.shape_cast %get3A_345 : vector<16xf32> to vector<1x16xf32>
      tpu.vector_store %arg7[%swap3A_346, %swap3A_347], %swap3A_350 {strides = array<i32>} : memref<32x64xf32, #tpu.memory_space<vmem>>, vector<1x16xf32>,
      %get3A_351 = arith.constant 1 : i32
      %get3A_352 = arith.index_cast %get3A_351 : i32 to index
      %get3A_353 = arith.index_cast %scan3A_322 : i32 to index
      %get3A_354 = arith.index_cast %and3A_327 : i32 to index
      %get3A_355 = arith.constant 32 : index
      %get3A_356 = tpu.vector_load %arg6[%get3A_352, %get3A_353, %get3A_354, %get3A_355] {strides = array<i32>} : memref<3x32x8x64xf32, #tpu.memory_space<vmem>>, vector<1x1x1x16xf32>,
      %get3A_357 = vector.shape_cast %get3A_356 : vector<1x1x1x16xf32> to vector<16xf32>
      %swap3A_358 = arith.index_cast %scan3A_322 : i32 to index
      %swap3A_359 = arith.constant 32 : index
      %swap3A_360 = tpu.vector_load %arg7[%swap3A_358, %swap3A_359] {strides = array<i32>} : memref<32x64xf32, #tpu.memory_space<vmem>>, vector<1x16xf32>,
      %swap3A_361 = vector.shape_cast %swap3A_360 : vector<1x16xf32> to vector<16xf32>
      %swap3A_362 = vector.shape_cast %get3A_357 : vector<16xf32> to vector<1x16xf32>
      tpu.vector_store %arg7[%swap3A_358, %swap3A_359], %swap3A_362 {strides = array<i32>} : memref<32x64xf32, #tpu.memory_space<vmem>>, vector<1x16xf32>,
      %get3A_363 = arith.constant 1 : i32
      %get3A_364 = arith.index_cast %get3A_363 : i32 to index
      %get3A_365 = arith.index_cast %scan3A_322 : i32 to index
      %get3A_366 = arith.index_cast %and3A_327 : i32 to index
      %get3A_367 = arith.constant 48 : index
      %get3A_368 = tpu.vector_load %arg6[%get3A_364, %get3A_365, %get3A_366, %get3A_367] {strides = array<i32>} : memref<3x32x8x64xf32, #tpu.memory_space<vmem>>, vector<1x1x1x16xf32>,
      %get3A_369 = vector.shape_cast %get3A_368 : vector<1x1x1x16xf32> to vector<16xf32>
      %swap3A_370 = arith.index_cast %scan3A_322 : i32 to index
      %swap3A_371 = arith.constant 48 : index
      %swap3A_372 = tpu.vector_load %arg7[%swap3A_370, %swap3A_371] {strides = array<i32>} : memref<32x64xf32, #tpu.memory_space<vmem>>, vector<1x16xf32>,
      %swap3A_373 = vector.shape_cast %swap3A_372 : vector<1x16xf32> to vector<16xf32>
      %swap3A_374 = vector.shape_cast %get3A_369 : vector<16xf32> to vector<1x16xf32>
      tpu.vector_store %arg7[%swap3A_370, %swap3A_371], %swap3A_374 {strides = array<i32>} : memref<32x64xf32, #tpu.memory_space<vmem>>, vector<1x16xf32>,
    }
    %scan3A_171 = arith.constant 32 : i32
    %add3A_172 = arith.constant 224 : i32
    %add3A_173 = arith.addi %mul3A_2, %add3A_172 : i32
    "tpu.region"() ({
      %run_scoped3A = tpu.sem_alloc : memref<!tpu.dma_semaphore, #tpu.memory_space<semaphore_mem>>
      %dma_start3A = arith.constant 0 : i32
      %dma_start3A_322 = tpu.memref_slice %arg4[%add3A_173, %dma_start3A] : memref<16384x64xf32, #tpu.memory_space<hbm>> -> memref<32x64xf32, #tpu.memory_space<hbm>>
      %dma_start3A_323 = arith.constant 0 : i32
      %dma_start3A_324 = tpu.memref_slice %arg4[%add3A_173, %dma_start3A_323] : memref<16384x64xf32, #tpu.memory_space<hbm>> -> memref<32x64xf32, #tpu.memory_space<hbm>>
      tpu.enqueue_dma source(%arg7 : memref<32x64xf32, #tpu.memory_space<vmem>>) target(%dma_start3A_324 : memref<32x64xf32, #tpu.memory_space<hbm>>) target_semaphore(%run_scoped3A : memref<!tpu.dma_semaphore, #tpu.memory_space<semaphore_mem>>)
      %dma_wait3A = arith.constant 0 : i32
      %dma_wait3A_325 = tpu.memref_slice %arg4[%add3A_173, %dma_wait3A] : memref<16384x64xf32, #tpu.memory_space<hbm>> -> memref<32x64xf32, #tpu.memory_space<hbm>>
      %dma_wait3A_326 = arith.constant 0 : i32
      %dma_wait3A_327 = tpu.memref_slice %arg4[%add3A_173, %dma_wait3A_326] : memref<16384x64xf32, #tpu.memory_space<hbm>> -> memref<32x64xf32, #tpu.memory_space<hbm>>
      tpu.wait_dma2 semaphore(%run_scoped3A : memref<!tpu.dma_semaphore, #tpu.memory_space<semaphore_mem>>) src(%arg7 : memref<32x64xf32, #tpu.memory_space<vmem>>) dst(%dma_wait3A_327 : memref<32x64xf32, #tpu.memory_space<hbm>>)
      tpu.yield
    }) : () -> ()
    %scan3A_174 = arith.constant 0 : i32
    %scan3A_175 = arith.constant 0 : i32
    %scan3A_176 = arith.constant 32 : i32
    %scan3A_177 = arith.addi %scan3A_175, %scan3A_176 : i32
    %scan3A_178 = arith.constant 1 : i32
    scf.for %scan3A_322 = %scan3A_175 to %scan3A_177 step %scan3A_178  : i32 {
      %add3A_323 = arith.constant 320 : i32
      %add3A_324 = arith.addi %add3A_323, %scan3A_322 : i32
      %get3A = arith.index_cast %add3A_324 : i32 to index
      %get3A_325 = tpu.vector_load %arg5[%get3A] {strides = array<i32>} : memref<528xi32, #tpu.memory_space<vmem>>, vector<16xi32>,
      %get3A_326 = vector.shape_cast %get3A_325 : vector<16xi32> to vector<16xi32>
      %slice3A = vector.extract_strided_slice %get3A_326 {offsets = [0], sizes = [1], strides = [1]} : vector<16xi32> to vector<1xi32>
      %squeeze3A = vector.extract %slice3A[0] : i32 from vector<1xi32>
      %shift_right_logical3A = arith.constant 3 : i32
      %shift_right_logical3A_327 = arith.shrui %squeeze3A, %shift_right_logical3A : i32
      %dma_start3A = arith.constant 1 : i32
      %dma_start3A_328 = arith.constant 0 : i32
      %dma_start3A_329 = arith.constant 0 : i32
      %dma_start3A_330 = tpu.memref_slice %arg6[%dma_start3A, %scan3A_322, %dma_start3A_328, %dma_start3A_329] : memref<3x32x8x64xf32, #tpu.memory_space<vmem>> -> memref<1x1x8x64xf32, #tpu.memory_space<vmem>>
      %dma_start3A_331 = tpu.memref_squeeze %dma_start3A_330 : memref<1x1x8x64xf32, #tpu.memory_space<vmem>> -> memref<8x64xf32, #tpu.memory_space<vmem>>
      %dma_start3A_332 = arith.constant 0 : i32
      %dma_start3A_333 = arith.constant 0 : i32
      %dma_start3A_334 = tpu.memref_slice %arg3[%shift_right_logical3A_327, %dma_start3A_332, %dma_start3A_333] : memref<125000x8x64xf32, #tpu.memory_space<hbm>> -> memref<1x8x64xf32, #tpu.memory_space<hbm>>
      %dma_start3A_335 = tpu.memref_squeeze %dma_start3A_334 : memref<1x8x64xf32, #tpu.memory_space<hbm>> -> memref<8x64xf32, #tpu.memory_space<hbm>>
      %dma_start3A_336 = arith.constant 0 : i32
      %dma_start3A_337 = arith.constant 0 : i32
      %dma_start3A_338 = tpu.memref_slice %arg6[%dma_start3A, %scan3A_322, %dma_start3A_336, %dma_start3A_337] : memref<3x32x8x64xf32, #tpu.memory_space<vmem>> -> memref<1x1x8x64xf32, #tpu.memory_space<vmem>>
      %dma_start3A_339 = tpu.memref_squeeze %dma_start3A_338 : memref<1x1x8x64xf32, #tpu.memory_space<vmem>> -> memref<8x64xf32, #tpu.memory_space<vmem>>
      %dma_start3A_340 = arith.constant 0 : i32
      %dma_start3A_341 = arith.constant 0 : i32
      %dma_start3A_342 = tpu.memref_slice %arg3[%shift_right_logical3A_327, %dma_start3A_340, %dma_start3A_341] : memref<125000x8x64xf32, #tpu.memory_space<hbm>> -> memref<1x8x64xf32, #tpu.memory_space<hbm>>
      %dma_start3A_343 = tpu.memref_squeeze %dma_start3A_342 : memref<1x8x64xf32, #tpu.memory_space<hbm>> -> memref<8x64xf32, #tpu.memory_space<hbm>>
      tpu.enqueue_dma source(%dma_start3A_343 : memref<8x64xf32, #tpu.memory_space<hbm>>) target(%dma_start3A_339 : memref<8x64xf32, #tpu.memory_space<vmem>>) target_semaphore(%arg8 : memref<!tpu.dma_semaphore, #tpu.memory_space<semaphore_mem>>)
    }
    %scan3A_179 = arith.constant 32 : i32
    %scan3A_180 = arith.constant 0 : i32
    %scan3A_181 = arith.constant 0 : i32
    %scan3A_182 = arith.constant 32 : i32
    %scan3A_183 = arith.addi %scan3A_181, %scan3A_182 : i32
    %scan3A_184 = arith.constant 1 : i32
    scf.for %scan3A_322 = %scan3A_181 to %scan3A_183 step %scan3A_184  : i32 {
      %dma_wait3A = arith.constant 0 : i32
      %dma_wait3A_323 = arith.constant 2 : i32
      %dma_wait3A_324 = arith.constant 0 : i32
      %dma_wait3A_325 = arith.constant 0 : i32
      %dma_wait3A_326 = tpu.memref_slice %arg6[%dma_wait3A_323, %scan3A_322, %dma_wait3A_324, %dma_wait3A_325] : memref<3x32x8x64xf32, #tpu.memory_space<vmem>> -> memref<1x1x8x64xf32, #tpu.memory_space<vmem>>
      %dma_wait3A_327 = tpu.memref_squeeze %dma_wait3A_326 : memref<1x1x8x64xf32, #tpu.memory_space<vmem>> -> memref<8x64xf32, #tpu.memory_space<vmem>>
      %dma_wait3A_328 = arith.constant 0 : i32
      %dma_wait3A_329 = arith.constant 0 : i32
      %dma_wait3A_330 = tpu.memref_slice %arg3[%dma_wait3A, %dma_wait3A_328, %dma_wait3A_329] : memref<125000x8x64xf32, #tpu.memory_space<hbm>> -> memref<1x8x64xf32, #tpu.memory_space<hbm>>
      %dma_wait3A_331 = tpu.memref_squeeze %dma_wait3A_330 : memref<1x8x64xf32, #tpu.memory_space<hbm>> -> memref<8x64xf32, #tpu.memory_space<hbm>>
      %dma_wait3A_332 = arith.constant 0 : i32
      %dma_wait3A_333 = arith.constant 0 : i32
      %dma_wait3A_334 = tpu.memref_slice %arg6[%dma_wait3A_323, %scan3A_322, %dma_wait3A_332, %dma_wait3A_333] : memref<3x32x8x64xf32, #tpu.memory_space<vmem>> -> memref<1x1x8x64xf32, #tpu.memory_space<vmem>>
      %dma_wait3A_335 = tpu.memref_squeeze %dma_wait3A_334 : memref<1x1x8x64xf32, #tpu.memory_space<vmem>> -> memref<8x64xf32, #tpu.memory_space<vmem>>
      %dma_wait3A_336 = arith.constant 0 : i32
      %dma_wait3A_337 = arith.constant 0 : i32
      %dma_wait3A_338 = tpu.memref_slice %arg3[%dma_wait3A, %dma_wait3A_336, %dma_wait3A_337] : memref<125000x8x64xf32, #tpu.memory_space<hbm>> -> memref<1x8x64xf32, #tpu.memory_space<hbm>>
      %dma_wait3A_339 = tpu.memref_squeeze %dma_wait3A_338 : memref<1x8x64xf32, #tpu.memory_space<hbm>> -> memref<8x64xf32, #tpu.memory_space<hbm>>
      tpu.wait_dma2 semaphore(%arg8 : memref<!tpu.dma_semaphore, #tpu.memory_space<semaphore_mem>>) src(%dma_wait3A_339 : memref<8x64xf32, #tpu.memory_space<hbm>>) dst(%dma_wait3A_335 : memref<8x64xf32, #tpu.memory_space<vmem>>)
    }
    %scan3A_185 = arith.constant 32 : i32
    %scan3A_186 = arith.constant 0 : i32
    %scan3A_187 = arith.constant 0 : i32
    %scan3A_188 = arith.constant 32 : i32
    %scan3A_189 = arith.addi %scan3A_187, %scan3A_188 : i32
    %scan3A_190 = arith.constant 1 : i32
    scf.for %scan3A_322 = %scan3A_187 to %scan3A_189 step %scan3A_190  : i32 {
      %add3A_323 = arith.constant 256 : i32
      %add3A_324 = arith.addi %add3A_323, %scan3A_322 : i32
      %get3A = arith.index_cast %add3A_324 : i32 to index
      %get3A_325 = tpu.vector_load %arg5[%get3A] {strides = array<i32>} : memref<528xi32, #tpu.memory_space<vmem>>, vector<16xi32>,
      %get3A_326 = vector.shape_cast %get3A_325 : vector<16xi32> to vector<16xi32>
      %slice3A = vector.extract_strided_slice %get3A_326 {offsets = [0], sizes = [1], strides = [1]} : vector<16xi32> to vector<1xi32>
      %squeeze3A = vector.extract %slice3A[0] : i32 from vector<1xi32>
      %and3A = arith.constant 7 : i32
      %and3A_327 = arith.andi %squeeze3A, %and3A : i32
      %get3A_328 = arith.constant 2 : i32
      %get3A_329 = arith.index_cast %get3A_328 : i32 to index
      %get3A_330 = arith.index_cast %scan3A_322 : i32 to index
      %get3A_331 = arith.index_cast %and3A_327 : i32 to index
      %get3A_332 = arith.constant 0 : index
      %get3A_333 = tpu.vector_load %arg6[%get3A_329, %get3A_330, %get3A_331, %get3A_332] {strides = array<i32>} : memref<3x32x8x64xf32, #tpu.memory_space<vmem>>, vector<1x1x1x16xf32>,
      %get3A_334 = vector.shape_cast %get3A_333 : vector<1x1x1x16xf32> to vector<16xf32>
      %swap3A = arith.index_cast %scan3A_322 : i32 to index
      %swap3A_335 = arith.constant 0 : index
      %swap3A_336 = tpu.vector_load %arg7[%swap3A, %swap3A_335] {strides = array<i32>} : memref<32x64xf32, #tpu.memory_space<vmem>>, vector<1x16xf32>,
      %swap3A_337 = vector.shape_cast %swap3A_336 : vector<1x16xf32> to vector<16xf32>
      %swap3A_338 = vector.shape_cast %get3A_334 : vector<16xf32> to vector<1x16xf32>
      tpu.vector_store %arg7[%swap3A, %swap3A_335], %swap3A_338 {strides = array<i32>} : memref<32x64xf32, #tpu.memory_space<vmem>>, vector<1x16xf32>,
      %get3A_339 = arith.constant 2 : i32
      %get3A_340 = arith.index_cast %get3A_339 : i32 to index
      %get3A_341 = arith.index_cast %scan3A_322 : i32 to index
      %get3A_342 = arith.index_cast %and3A_327 : i32 to index
      %get3A_343 = arith.constant 16 : index
      %get3A_344 = tpu.vector_load %arg6[%get3A_340, %get3A_341, %get3A_342, %get3A_343] {strides = array<i32>} : memref<3x32x8x64xf32, #tpu.memory_space<vmem>>, vector<1x1x1x16xf32>,
      %get3A_345 = vector.shape_cast %get3A_344 : vector<1x1x1x16xf32> to vector<16xf32>
      %swap3A_346 = arith.index_cast %scan3A_322 : i32 to index
      %swap3A_347 = arith.constant 16 : index
      %swap3A_348 = tpu.vector_load %arg7[%swap3A_346, %swap3A_347] {strides = array<i32>} : memref<32x64xf32, #tpu.memory_space<vmem>>, vector<1x16xf32>,
      %swap3A_349 = vector.shape_cast %swap3A_348 : vector<1x16xf32> to vector<16xf32>
      %swap3A_350 = vector.shape_cast %get3A_345 : vector<16xf32> to vector<1x16xf32>
      tpu.vector_store %arg7[%swap3A_346, %swap3A_347], %swap3A_350 {strides = array<i32>} : memref<32x64xf32, #tpu.memory_space<vmem>>, vector<1x16xf32>,
      %get3A_351 = arith.constant 2 : i32
      %get3A_352 = arith.index_cast %get3A_351 : i32 to index
      %get3A_353 = arith.index_cast %scan3A_322 : i32 to index
      %get3A_354 = arith.index_cast %and3A_327 : i32 to index
      %get3A_355 = arith.constant 32 : index
      %get3A_356 = tpu.vector_load %arg6[%get3A_352, %get3A_353, %get3A_354, %get3A_355] {strides = array<i32>} : memref<3x32x8x64xf32, #tpu.memory_space<vmem>>, vector<1x1x1x16xf32>,
      %get3A_357 = vector.shape_cast %get3A_356 : vector<1x1x1x16xf32> to vector<16xf32>
      %swap3A_358 = arith.index_cast %scan3A_322 : i32 to index
      %swap3A_359 = arith.constant 32 : index
      %swap3A_360 = tpu.vector_load %arg7[%swap3A_358, %swap3A_359] {strides = array<i32>} : memref<32x64xf32, #tpu.memory_space<vmem>>, vector<1x16xf32>,
      %swap3A_361 = vector.shape_cast %swap3A_360 : vector<1x16xf32> to vector<16xf32>
      %swap3A_362 = vector.shape_cast %get3A_357 : vector<16xf32> to vector<1x16xf32>
      tpu.vector_store %arg7[%swap3A_358, %swap3A_359], %swap3A_362 {strides = array<i32>} : memref<32x64xf32, #tpu.memory_space<vmem>>, vector<1x16xf32>,
      %get3A_363 = arith.constant 2 : i32
      %get3A_364 = arith.index_cast %get3A_363 : i32 to index
      %get3A_365 = arith.index_cast %scan3A_322 : i32 to index
      %get3A_366 = arith.index_cast %and3A_327 : i32 to index
      %get3A_367 = arith.constant 48 : index
      %get3A_368 = tpu.vector_load %arg6[%get3A_364, %get3A_365, %get3A_366, %get3A_367] {strides = array<i32>} : memref<3x32x8x64xf32, #tpu.memory_space<vmem>>, vector<1x1x1x16xf32>,
      %get3A_369 = vector.shape_cast %get3A_368 : vector<1x1x1x16xf32> to vector<16xf32>
      %swap3A_370 = arith.index_cast %scan3A_322 : i32 to index
      %swap3A_371 = arith.constant 48 : index
      %swap3A_372 = tpu.vector_load %arg7[%swap3A_370, %swap3A_371] {strides = array<i32>} : memref<32x64xf32, #tpu.memory_space<vmem>>, vector<1x16xf32>,
      %swap3A_373 = vector.shape_cast %swap3A_372 : vector<1x16xf32> to vector<16xf32>
      %swap3A_374 = vector.shape_cast %get3A_369 : vector<16xf32> to vector<1x16xf32>
      tpu.vector_store %arg7[%swap3A_370, %swap3A_371], %swap3A_374 {strides = array<i32>} : memref<32x64xf32, #tpu.memory_space<vmem>>, vector<1x16xf32>,
    }
    %scan3A_191 = arith.constant 32 : i32
    %add3A_192 = arith.constant 256 : i32
    %add3A_193 = arith.addi %mul3A_2, %add3A_192 : i32
    "tpu.region"() ({
      %run_scoped3A = tpu.sem_alloc : memref<!tpu.dma_semaphore, #tpu.memory_space<semaphore_mem>>
      %dma_start3A = arith.constant 0 : i32
      %dma_start3A_322 = tpu.memref_slice %arg4[%add3A_193, %dma_start3A] : memref<16384x64xf32, #tpu.memory_space<hbm>> -> memref<32x64xf32, #tpu.memory_space<hbm>>
      %dma_start3A_323 = arith.constant 0 : i32
      %dma_start3A_324 = tpu.memref_slice %arg4[%add3A_193, %dma_start3A_323] : memref<16384x64xf32, #tpu.memory_space<hbm>> -> memref<32x64xf32, #tpu.memory_space<hbm>>
      tpu.enqueue_dma source(%arg7 : memref<32x64xf32, #tpu.memory_space<vmem>>) target(%dma_start3A_324 : memref<32x64xf32, #tpu.memory_space<hbm>>) target_semaphore(%run_scoped3A : memref<!tpu.dma_semaphore, #tpu.memory_space<semaphore_mem>>)
      %dma_wait3A = arith.constant 0 : i32
      %dma_wait3A_325 = tpu.memref_slice %arg4[%add3A_193, %dma_wait3A] : memref<16384x64xf32, #tpu.memory_space<hbm>> -> memref<32x64xf32, #tpu.memory_space<hbm>>
      %dma_wait3A_326 = arith.constant 0 : i32
      %dma_wait3A_327 = tpu.memref_slice %arg4[%add3A_193, %dma_wait3A_326] : memref<16384x64xf32, #tpu.memory_space<hbm>> -> memref<32x64xf32, #tpu.memory_space<hbm>>
      tpu.wait_dma2 semaphore(%run_scoped3A : memref<!tpu.dma_semaphore, #tpu.memory_space<semaphore_mem>>) src(%arg7 : memref<32x64xf32, #tpu.memory_space<vmem>>) dst(%dma_wait3A_327 : memref<32x64xf32, #tpu.memory_space<hbm>>)
      tpu.yield
    }) : () -> ()
    %scan3A_194 = arith.constant 0 : i32
    %scan3A_195 = arith.constant 0 : i32
    %scan3A_196 = arith.constant 32 : i32
    %scan3A_197 = arith.addi %scan3A_195, %scan3A_196 : i32
    %scan3A_198 = arith.constant 1 : i32
    scf.for %scan3A_322 = %scan3A_195 to %scan3A_197 step %scan3A_198  : i32 {
      %add3A_323 = arith.constant 352 : i32
      %add3A_324 = arith.addi %add3A_323, %scan3A_322 : i32
      %get3A = arith.index_cast %add3A_324 : i32 to index
      %get3A_325 = tpu.vector_load %arg5[%get3A] {strides = array<i32>} : memref<528xi32, #tpu.memory_space<vmem>>, vector<16xi32>,
      %get3A_326 = vector.shape_cast %get3A_325 : vector<16xi32> to vector<16xi32>
      %slice3A = vector.extract_strided_slice %get3A_326 {offsets = [0], sizes = [1], strides = [1]} : vector<16xi32> to vector<1xi32>
      %squeeze3A = vector.extract %slice3A[0] : i32 from vector<1xi32>
      %shift_right_logical3A = arith.constant 3 : i32
      %shift_right_logical3A_327 = arith.shrui %squeeze3A, %shift_right_logical3A : i32
      %dma_start3A = arith.constant 2 : i32
      %dma_start3A_328 = arith.constant 0 : i32
      %dma_start3A_329 = arith.constant 0 : i32
      %dma_start3A_330 = tpu.memref_slice %arg6[%dma_start3A, %scan3A_322, %dma_start3A_328, %dma_start3A_329] : memref<3x32x8x64xf32, #tpu.memory_space<vmem>> -> memref<1x1x8x64xf32, #tpu.memory_space<vmem>>
      %dma_start3A_331 = tpu.memref_squeeze %dma_start3A_330 : memref<1x1x8x64xf32, #tpu.memory_space<vmem>> -> memref<8x64xf32, #tpu.memory_space<vmem>>
      %dma_start3A_332 = arith.constant 0 : i32
      %dma_start3A_333 = arith.constant 0 : i32
      %dma_start3A_334 = tpu.memref_slice %arg3[%shift_right_logical3A_327, %dma_start3A_332, %dma_start3A_333] : memref<125000x8x64xf32, #tpu.memory_space<hbm>> -> memref<1x8x64xf32, #tpu.memory_space<hbm>>
      %dma_start3A_335 = tpu.memref_squeeze %dma_start3A_334 : memref<1x8x64xf32, #tpu.memory_space<hbm>> -> memref<8x64xf32, #tpu.memory_space<hbm>>
      %dma_start3A_336 = arith.constant 0 : i32
      %dma_start3A_337 = arith.constant 0 : i32
      %dma_start3A_338 = tpu.memref_slice %arg6[%dma_start3A, %scan3A_322, %dma_start3A_336, %dma_start3A_337] : memref<3x32x8x64xf32, #tpu.memory_space<vmem>> -> memref<1x1x8x64xf32, #tpu.memory_space<vmem>>
      %dma_start3A_339 = tpu.memref_squeeze %dma_start3A_338 : memref<1x1x8x64xf32, #tpu.memory_space<vmem>> -> memref<8x64xf32, #tpu.memory_space<vmem>>
      %dma_start3A_340 = arith.constant 0 : i32
      %dma_start3A_341 = arith.constant 0 : i32
      %dma_start3A_342 = tpu.memref_slice %arg3[%shift_right_logical3A_327, %dma_start3A_340, %dma_start3A_341] : memref<125000x8x64xf32, #tpu.memory_space<hbm>> -> memref<1x8x64xf32, #tpu.memory_space<hbm>>
      %dma_start3A_343 = tpu.memref_squeeze %dma_start3A_342 : memref<1x8x64xf32, #tpu.memory_space<hbm>> -> memref<8x64xf32, #tpu.memory_space<hbm>>
      tpu.enqueue_dma source(%dma_start3A_343 : memref<8x64xf32, #tpu.memory_space<hbm>>) target(%dma_start3A_339 : memref<8x64xf32, #tpu.memory_space<vmem>>) target_semaphore(%arg8 : memref<!tpu.dma_semaphore, #tpu.memory_space<semaphore_mem>>)
    }
    %scan3A_199 = arith.constant 32 : i32
    %scan3A_200 = arith.constant 0 : i32
    %scan3A_201 = arith.constant 0 : i32
    %scan3A_202 = arith.constant 32 : i32
    %scan3A_203 = arith.addi %scan3A_201, %scan3A_202 : i32
    %scan3A_204 = arith.constant 1 : i32
    scf.for %scan3A_322 = %scan3A_201 to %scan3A_203 step %scan3A_204  : i32 {
      %dma_wait3A = arith.constant 0 : i32
      %dma_wait3A_323 = arith.constant 0 : i32
      %dma_wait3A_324 = arith.constant 0 : i32
      %dma_wait3A_325 = arith.constant 0 : i32
      %dma_wait3A_326 = tpu.memref_slice %arg6[%dma_wait3A_323, %scan3A_322, %dma_wait3A_324, %dma_wait3A_325] : memref<3x32x8x64xf32, #tpu.memory_space<vmem>> -> memref<1x1x8x64xf32, #tpu.memory_space<vmem>>
      %dma_wait3A_327 = tpu.memref_squeeze %dma_wait3A_326 : memref<1x1x8x64xf32, #tpu.memory_space<vmem>> -> memref<8x64xf32, #tpu.memory_space<vmem>>
      %dma_wait3A_328 = arith.constant 0 : i32
      %dma_wait3A_329 = arith.constant 0 : i32
      %dma_wait3A_330 = tpu.memref_slice %arg3[%dma_wait3A, %dma_wait3A_328, %dma_wait3A_329] : memref<125000x8x64xf32, #tpu.memory_space<hbm>> -> memref<1x8x64xf32, #tpu.memory_space<hbm>>
      %dma_wait3A_331 = tpu.memref_squeeze %dma_wait3A_330 : memref<1x8x64xf32, #tpu.memory_space<hbm>> -> memref<8x64xf32, #tpu.memory_space<hbm>>
      %dma_wait3A_332 = arith.constant 0 : i32
      %dma_wait3A_333 = arith.constant 0 : i32
      %dma_wait3A_334 = tpu.memref_slice %arg6[%dma_wait3A_323, %scan3A_322, %dma_wait3A_332, %dma_wait3A_333] : memref<3x32x8x64xf32, #tpu.memory_space<vmem>> -> memref<1x1x8x64xf32, #tpu.memory_space<vmem>>
      %dma_wait3A_335 = tpu.memref_squeeze %dma_wait3A_334 : memref<1x1x8x64xf32, #tpu.memory_space<vmem>> -> memref<8x64xf32, #tpu.memory_space<vmem>>
      %dma_wait3A_336 = arith.constant 0 : i32
      %dma_wait3A_337 = arith.constant 0 : i32
      %dma_wait3A_338 = tpu.memref_slice %arg3[%dma_wait3A, %dma_wait3A_336, %dma_wait3A_337] : memref<125000x8x64xf32, #tpu.memory_space<hbm>> -> memref<1x8x64xf32, #tpu.memory_space<hbm>>
      %dma_wait3A_339 = tpu.memref_squeeze %dma_wait3A_338 : memref<1x8x64xf32, #tpu.memory_space<hbm>> -> memref<8x64xf32, #tpu.memory_space<hbm>>
      tpu.wait_dma2 semaphore(%arg8 : memref<!tpu.dma_semaphore, #tpu.memory_space<semaphore_mem>>) src(%dma_wait3A_339 : memref<8x64xf32, #tpu.memory_space<hbm>>) dst(%dma_wait3A_335 : memref<8x64xf32, #tpu.memory_space<vmem>>)
    }
    %scan3A_205 = arith.constant 32 : i32
    %scan3A_206 = arith.constant 0 : i32
    %scan3A_207 = arith.constant 0 : i32
    %scan3A_208 = arith.constant 32 : i32
    %scan3A_209 = arith.addi %scan3A_207, %scan3A_208 : i32
    %scan3A_210 = arith.constant 1 : i32
    scf.for %scan3A_322 = %scan3A_207 to %scan3A_209 step %scan3A_210  : i32 {
      %add3A_323 = arith.constant 288 : i32
      %add3A_324 = arith.addi %add3A_323, %scan3A_322 : i32
      %get3A = arith.index_cast %add3A_324 : i32 to index
      %get3A_325 = tpu.vector_load %arg5[%get3A] {strides = array<i32>} : memref<528xi32, #tpu.memory_space<vmem>>, vector<16xi32>,
      %get3A_326 = vector.shape_cast %get3A_325 : vector<16xi32> to vector<16xi32>
      %slice3A = vector.extract_strided_slice %get3A_326 {offsets = [0], sizes = [1], strides = [1]} : vector<16xi32> to vector<1xi32>
      %squeeze3A = vector.extract %slice3A[0] : i32 from vector<1xi32>
      %and3A = arith.constant 7 : i32
      %and3A_327 = arith.andi %squeeze3A, %and3A : i32
      %get3A_328 = arith.constant 0 : i32
      %get3A_329 = arith.index_cast %get3A_328 : i32 to index
      %get3A_330 = arith.index_cast %scan3A_322 : i32 to index
      %get3A_331 = arith.index_cast %and3A_327 : i32 to index
      %get3A_332 = arith.constant 0 : index
      %get3A_333 = tpu.vector_load %arg6[%get3A_329, %get3A_330, %get3A_331, %get3A_332] {strides = array<i32>} : memref<3x32x8x64xf32, #tpu.memory_space<vmem>>, vector<1x1x1x16xf32>,
      %get3A_334 = vector.shape_cast %get3A_333 : vector<1x1x1x16xf32> to vector<16xf32>
      %swap3A = arith.index_cast %scan3A_322 : i32 to index
      %swap3A_335 = arith.constant 0 : index
      %swap3A_336 = tpu.vector_load %arg7[%swap3A, %swap3A_335] {strides = array<i32>} : memref<32x64xf32, #tpu.memory_space<vmem>>, vector<1x16xf32>,
      %swap3A_337 = vector.shape_cast %swap3A_336 : vector<1x16xf32> to vector<16xf32>
      %swap3A_338 = vector.shape_cast %get3A_334 : vector<16xf32> to vector<1x16xf32>
      tpu.vector_store %arg7[%swap3A, %swap3A_335], %swap3A_338 {strides = array<i32>} : memref<32x64xf32, #tpu.memory_space<vmem>>, vector<1x16xf32>,
      %get3A_339 = arith.constant 0 : i32
      %get3A_340 = arith.index_cast %get3A_339 : i32 to index
      %get3A_341 = arith.index_cast %scan3A_322 : i32 to index
      %get3A_342 = arith.index_cast %and3A_327 : i32 to index
      %get3A_343 = arith.constant 16 : index
      %get3A_344 = tpu.vector_load %arg6[%get3A_340, %get3A_341, %get3A_342, %get3A_343] {strides = array<i32>} : memref<3x32x8x64xf32, #tpu.memory_space<vmem>>, vector<1x1x1x16xf32>,
      %get3A_345 = vector.shape_cast %get3A_344 : vector<1x1x1x16xf32> to vector<16xf32>
      %swap3A_346 = arith.index_cast %scan3A_322 : i32 to index
      %swap3A_347 = arith.constant 16 : index
      %swap3A_348 = tpu.vector_load %arg7[%swap3A_346, %swap3A_347] {strides = array<i32>} : memref<32x64xf32, #tpu.memory_space<vmem>>, vector<1x16xf32>,
      %swap3A_349 = vector.shape_cast %swap3A_348 : vector<1x16xf32> to vector<16xf32>
      %swap3A_350 = vector.shape_cast %get3A_345 : vector<16xf32> to vector<1x16xf32>
      tpu.vector_store %arg7[%swap3A_346, %swap3A_347], %swap3A_350 {strides = array<i32>} : memref<32x64xf32, #tpu.memory_space<vmem>>, vector<1x16xf32>,
      %get3A_351 = arith.constant 0 : i32
      %get3A_352 = arith.index_cast %get3A_351 : i32 to index
      %get3A_353 = arith.index_cast %scan3A_322 : i32 to index
      %get3A_354 = arith.index_cast %and3A_327 : i32 to index
      %get3A_355 = arith.constant 32 : index
      %get3A_356 = tpu.vector_load %arg6[%get3A_352, %get3A_353, %get3A_354, %get3A_355] {strides = array<i32>} : memref<3x32x8x64xf32, #tpu.memory_space<vmem>>, vector<1x1x1x16xf32>,
      %get3A_357 = vector.shape_cast %get3A_356 : vector<1x1x1x16xf32> to vector<16xf32>
      %swap3A_358 = arith.index_cast %scan3A_322 : i32 to index
      %swap3A_359 = arith.constant 32 : index
      %swap3A_360 = tpu.vector_load %arg7[%swap3A_358, %swap3A_359] {strides = array<i32>} : memref<32x64xf32, #tpu.memory_space<vmem>>, vector<1x16xf32>,
      %swap3A_361 = vector.shape_cast %swap3A_360 : vector<1x16xf32> to vector<16xf32>
      %swap3A_362 = vector.shape_cast %get3A_357 : vector<16xf32> to vector<1x16xf32>
      tpu.vector_store %arg7[%swap3A_358, %swap3A_359], %swap3A_362 {strides = array<i32>} : memref<32x64xf32, #tpu.memory_space<vmem>>, vector<1x16xf32>,
      %get3A_363 = arith.constant 0 : i32
      %get3A_364 = arith.index_cast %get3A_363 : i32 to index
      %get3A_365 = arith.index_cast %scan3A_322 : i32 to index
      %get3A_366 = arith.index_cast %and3A_327 : i32 to index
      %get3A_367 = arith.constant 48 : index
      %get3A_368 = tpu.vector_load %arg6[%get3A_364, %get3A_365, %get3A_366, %get3A_367] {strides = array<i32>} : memref<3x32x8x64xf32, #tpu.memory_space<vmem>>, vector<1x1x1x16xf32>,
      %get3A_369 = vector.shape_cast %get3A_368 : vector<1x1x1x16xf32> to vector<16xf32>
      %swap3A_370 = arith.index_cast %scan3A_322 : i32 to index
      %swap3A_371 = arith.constant 48 : index
      %swap3A_372 = tpu.vector_load %arg7[%swap3A_370, %swap3A_371] {strides = array<i32>} : memref<32x64xf32, #tpu.memory_space<vmem>>, vector<1x16xf32>,
      %swap3A_373 = vector.shape_cast %swap3A_372 : vector<1x16xf32> to vector<16xf32>
      %swap3A_374 = vector.shape_cast %get3A_369 : vector<16xf32> to vector<1x16xf32>
      tpu.vector_store %arg7[%swap3A_370, %swap3A_371], %swap3A_374 {strides = array<i32>} : memref<32x64xf32, #tpu.memory_space<vmem>>, vector<1x16xf32>,
    }
    %scan3A_211 = arith.constant 32 : i32
    %add3A_212 = arith.constant 288 : i32
    %add3A_213 = arith.addi %mul3A_2, %add3A_212 : i32
    "tpu.region"() ({
      %run_scoped3A = tpu.sem_alloc : memref<!tpu.dma_semaphore, #tpu.memory_space<semaphore_mem>>
      %dma_start3A = arith.constant 0 : i32
      %dma_start3A_322 = tpu.memref_slice %arg4[%add3A_213, %dma_start3A] : memref<16384x64xf32, #tpu.memory_space<hbm>> -> memref<32x64xf32, #tpu.memory_space<hbm>>
      %dma_start3A_323 = arith.constant 0 : i32
      %dma_start3A_324 = tpu.memref_slice %arg4[%add3A_213, %dma_start3A_323] : memref<16384x64xf32, #tpu.memory_space<hbm>> -> memref<32x64xf32, #tpu.memory_space<hbm>>
      tpu.enqueue_dma source(%arg7 : memref<32x64xf32, #tpu.memory_space<vmem>>) target(%dma_start3A_324 : memref<32x64xf32, #tpu.memory_space<hbm>>) target_semaphore(%run_scoped3A : memref<!tpu.dma_semaphore, #tpu.memory_space<semaphore_mem>>)
      %dma_wait3A = arith.constant 0 : i32
      %dma_wait3A_325 = tpu.memref_slice %arg4[%add3A_213, %dma_wait3A] : memref<16384x64xf32, #tpu.memory_space<hbm>> -> memref<32x64xf32, #tpu.memory_space<hbm>>
      %dma_wait3A_326 = arith.constant 0 : i32
      %dma_wait3A_327 = tpu.memref_slice %arg4[%add3A_213, %dma_wait3A_326] : memref<16384x64xf32, #tpu.memory_space<hbm>> -> memref<32x64xf32, #tpu.memory_space<hbm>>
      tpu.wait_dma2 semaphore(%run_scoped3A : memref<!tpu.dma_semaphore, #tpu.memory_space<semaphore_mem>>) src(%arg7 : memref<32x64xf32, #tpu.memory_space<vmem>>) dst(%dma_wait3A_327 : memref<32x64xf32, #tpu.memory_space<hbm>>)
      tpu.yield
    }) : () -> ()
    %scan3A_214 = arith.constant 0 : i32
    %scan3A_215 = arith.constant 0 : i32
    %scan3A_216 = arith.constant 32 : i32
    %scan3A_217 = arith.addi %scan3A_215, %scan3A_216 : i32
    %scan3A_218 = arith.constant 1 : i32
    scf.for %scan3A_322 = %scan3A_215 to %scan3A_217 step %scan3A_218  : i32 {
      %add3A_323 = arith.constant 384 : i32
      %add3A_324 = arith.addi %add3A_323, %scan3A_322 : i32
      %get3A = arith.index_cast %add3A_324 : i32 to index
      %get3A_325 = tpu.vector_load %arg5[%get3A] {strides = array<i32>} : memref<528xi32, #tpu.memory_space<vmem>>, vector<16xi32>,
      %get3A_326 = vector.shape_cast %get3A_325 : vector<16xi32> to vector<16xi32>
      %slice3A = vector.extract_strided_slice %get3A_326 {offsets = [0], sizes = [1], strides = [1]} : vector<16xi32> to vector<1xi32>
      %squeeze3A = vector.extract %slice3A[0] : i32 from vector<1xi32>
      %shift_right_logical3A = arith.constant 3 : i32
      %shift_right_logical3A_327 = arith.shrui %squeeze3A, %shift_right_logical3A : i32
      %dma_start3A = arith.constant 0 : i32
      %dma_start3A_328 = arith.constant 0 : i32
      %dma_start3A_329 = arith.constant 0 : i32
      %dma_start3A_330 = tpu.memref_slice %arg6[%dma_start3A, %scan3A_322, %dma_start3A_328, %dma_start3A_329] : memref<3x32x8x64xf32, #tpu.memory_space<vmem>> -> memref<1x1x8x64xf32, #tpu.memory_space<vmem>>
      %dma_start3A_331 = tpu.memref_squeeze %dma_start3A_330 : memref<1x1x8x64xf32, #tpu.memory_space<vmem>> -> memref<8x64xf32, #tpu.memory_space<vmem>>
      %dma_start3A_332 = arith.constant 0 : i32
      %dma_start3A_333 = arith.constant 0 : i32
      %dma_start3A_334 = tpu.memref_slice %arg3[%shift_right_logical3A_327, %dma_start3A_332, %dma_start3A_333] : memref<125000x8x64xf32, #tpu.memory_space<hbm>> -> memref<1x8x64xf32, #tpu.memory_space<hbm>>
      %dma_start3A_335 = tpu.memref_squeeze %dma_start3A_334 : memref<1x8x64xf32, #tpu.memory_space<hbm>> -> memref<8x64xf32, #tpu.memory_space<hbm>>
      %dma_start3A_336 = arith.constant 0 : i32
      %dma_start3A_337 = arith.constant 0 : i32
      %dma_start3A_338 = tpu.memref_slice %arg6[%dma_start3A, %scan3A_322, %dma_start3A_336, %dma_start3A_337] : memref<3x32x8x64xf32, #tpu.memory_space<vmem>> -> memref<1x1x8x64xf32, #tpu.memory_space<vmem>>
      %dma_start3A_339 = tpu.memref_squeeze %dma_start3A_338 : memref<1x1x8x64xf32, #tpu.memory_space<vmem>> -> memref<8x64xf32, #tpu.memory_space<vmem>>
      %dma_start3A_340 = arith.constant 0 : i32
      %dma_start3A_341 = arith.constant 0 : i32
      %dma_start3A_342 = tpu.memref_slice %arg3[%shift_right_logical3A_327, %dma_start3A_340, %dma_start3A_341] : memref<125000x8x64xf32, #tpu.memory_space<hbm>> -> memref<1x8x64xf32, #tpu.memory_space<hbm>>
      %dma_start3A_343 = tpu.memref_squeeze %dma_start3A_342 : memref<1x8x64xf32, #tpu.memory_space<hbm>> -> memref<8x64xf32, #tpu.memory_space<hbm>>
      tpu.enqueue_dma source(%dma_start3A_343 : memref<8x64xf32, #tpu.memory_space<hbm>>) target(%dma_start3A_339 : memref<8x64xf32, #tpu.memory_space<vmem>>) target_semaphore(%arg8 : memref<!tpu.dma_semaphore, #tpu.memory_space<semaphore_mem>>)
    }
    %scan3A_219 = arith.constant 32 : i32
    %scan3A_220 = arith.constant 0 : i32
    %scan3A_221 = arith.constant 0 : i32
    %scan3A_222 = arith.constant 32 : i32
    %scan3A_223 = arith.addi %scan3A_221, %scan3A_222 : i32
    %scan3A_224 = arith.constant 1 : i32
    scf.for %scan3A_322 = %scan3A_221 to %scan3A_223 step %scan3A_224  : i32 {
      %dma_wait3A = arith.constant 0 : i32
      %dma_wait3A_323 = arith.constant 1 : i32
      %dma_wait3A_324 = arith.constant 0 : i32
      %dma_wait3A_325 = arith.constant 0 : i32
      %dma_wait3A_326 = tpu.memref_slice %arg6[%dma_wait3A_323, %scan3A_322, %dma_wait3A_324, %dma_wait3A_325] : memref<3x32x8x64xf32, #tpu.memory_space<vmem>> -> memref<1x1x8x64xf32, #tpu.memory_space<vmem>>
      %dma_wait3A_327 = tpu.memref_squeeze %dma_wait3A_326 : memref<1x1x8x64xf32, #tpu.memory_space<vmem>> -> memref<8x64xf32, #tpu.memory_space<vmem>>
      %dma_wait3A_328 = arith.constant 0 : i32
      %dma_wait3A_329 = arith.constant 0 : i32
      %dma_wait3A_330 = tpu.memref_slice %arg3[%dma_wait3A, %dma_wait3A_328, %dma_wait3A_329] : memref<125000x8x64xf32, #tpu.memory_space<hbm>> -> memref<1x8x64xf32, #tpu.memory_space<hbm>>
      %dma_wait3A_331 = tpu.memref_squeeze %dma_wait3A_330 : memref<1x8x64xf32, #tpu.memory_space<hbm>> -> memref<8x64xf32, #tpu.memory_space<hbm>>
      %dma_wait3A_332 = arith.constant 0 : i32
      %dma_wait3A_333 = arith.constant 0 : i32
      %dma_wait3A_334 = tpu.memref_slice %arg6[%dma_wait3A_323, %scan3A_322, %dma_wait3A_332, %dma_wait3A_333] : memref<3x32x8x64xf32, #tpu.memory_space<vmem>> -> memref<1x1x8x64xf32, #tpu.memory_space<vmem>>
      %dma_wait3A_335 = tpu.memref_squeeze %dma_wait3A_334 : memref<1x1x8x64xf32, #tpu.memory_space<vmem>> -> memref<8x64xf32, #tpu.memory_space<vmem>>
      %dma_wait3A_336 = arith.constant 0 : i32
      %dma_wait3A_337 = arith.constant 0 : i32
      %dma_wait3A_338 = tpu.memref_slice %arg3[%dma_wait3A, %dma_wait3A_336, %dma_wait3A_337] : memref<125000x8x64xf32, #tpu.memory_space<hbm>> -> memref<1x8x64xf32, #tpu.memory_space<hbm>>
      %dma_wait3A_339 = tpu.memref_squeeze %dma_wait3A_338 : memref<1x8x64xf32, #tpu.memory_space<hbm>> -> memref<8x64xf32, #tpu.memory_space<hbm>>
      tpu.wait_dma2 semaphore(%arg8 : memref<!tpu.dma_semaphore, #tpu.memory_space<semaphore_mem>>) src(%dma_wait3A_339 : memref<8x64xf32, #tpu.memory_space<hbm>>) dst(%dma_wait3A_335 : memref<8x64xf32, #tpu.memory_space<vmem>>)
    }
    %scan3A_225 = arith.constant 32 : i32
    %scan3A_226 = arith.constant 0 : i32
    %scan3A_227 = arith.constant 0 : i32
    %scan3A_228 = arith.constant 32 : i32
    %scan3A_229 = arith.addi %scan3A_227, %scan3A_228 : i32
    %scan3A_230 = arith.constant 1 : i32
    scf.for %scan3A_322 = %scan3A_227 to %scan3A_229 step %scan3A_230  : i32 {
      %add3A_323 = arith.constant 320 : i32
      %add3A_324 = arith.addi %add3A_323, %scan3A_322 : i32
      %get3A = arith.index_cast %add3A_324 : i32 to index
      %get3A_325 = tpu.vector_load %arg5[%get3A] {strides = array<i32>} : memref<528xi32, #tpu.memory_space<vmem>>, vector<16xi32>,
      %get3A_326 = vector.shape_cast %get3A_325 : vector<16xi32> to vector<16xi32>
      %slice3A = vector.extract_strided_slice %get3A_326 {offsets = [0], sizes = [1], strides = [1]} : vector<16xi32> to vector<1xi32>
      %squeeze3A = vector.extract %slice3A[0] : i32 from vector<1xi32>
      %and3A = arith.constant 7 : i32
      %and3A_327 = arith.andi %squeeze3A, %and3A : i32
      %get3A_328 = arith.constant 1 : i32
      %get3A_329 = arith.index_cast %get3A_328 : i32 to index
      %get3A_330 = arith.index_cast %scan3A_322 : i32 to index
      %get3A_331 = arith.index_cast %and3A_327 : i32 to index
      %get3A_332 = arith.constant 0 : index
      %get3A_333 = tpu.vector_load %arg6[%get3A_329, %get3A_330, %get3A_331, %get3A_332] {strides = array<i32>} : memref<3x32x8x64xf32, #tpu.memory_space<vmem>>, vector<1x1x1x16xf32>,
      %get3A_334 = vector.shape_cast %get3A_333 : vector<1x1x1x16xf32> to vector<16xf32>
      %swap3A = arith.index_cast %scan3A_322 : i32 to index
      %swap3A_335 = arith.constant 0 : index
      %swap3A_336 = tpu.vector_load %arg7[%swap3A, %swap3A_335] {strides = array<i32>} : memref<32x64xf32, #tpu.memory_space<vmem>>, vector<1x16xf32>,
      %swap3A_337 = vector.shape_cast %swap3A_336 : vector<1x16xf32> to vector<16xf32>
      %swap3A_338 = vector.shape_cast %get3A_334 : vector<16xf32> to vector<1x16xf32>
      tpu.vector_store %arg7[%swap3A, %swap3A_335], %swap3A_338 {strides = array<i32>} : memref<32x64xf32, #tpu.memory_space<vmem>>, vector<1x16xf32>,
      %get3A_339 = arith.constant 1 : i32
      %get3A_340 = arith.index_cast %get3A_339 : i32 to index
      %get3A_341 = arith.index_cast %scan3A_322 : i32 to index
      %get3A_342 = arith.index_cast %and3A_327 : i32 to index
      %get3A_343 = arith.constant 16 : index
      %get3A_344 = tpu.vector_load %arg6[%get3A_340, %get3A_341, %get3A_342, %get3A_343] {strides = array<i32>} : memref<3x32x8x64xf32, #tpu.memory_space<vmem>>, vector<1x1x1x16xf32>,
      %get3A_345 = vector.shape_cast %get3A_344 : vector<1x1x1x16xf32> to vector<16xf32>
      %swap3A_346 = arith.index_cast %scan3A_322 : i32 to index
      %swap3A_347 = arith.constant 16 : index
      %swap3A_348 = tpu.vector_load %arg7[%swap3A_346, %swap3A_347] {strides = array<i32>} : memref<32x64xf32, #tpu.memory_space<vmem>>, vector<1x16xf32>,
      %swap3A_349 = vector.shape_cast %swap3A_348 : vector<1x16xf32> to vector<16xf32>
      %swap3A_350 = vector.shape_cast %get3A_345 : vector<16xf32> to vector<1x16xf32>
      tpu.vector_store %arg7[%swap3A_346, %swap3A_347], %swap3A_350 {strides = array<i32>} : memref<32x64xf32, #tpu.memory_space<vmem>>, vector<1x16xf32>,
      %get3A_351 = arith.constant 1 : i32
      %get3A_352 = arith.index_cast %get3A_351 : i32 to index
      %get3A_353 = arith.index_cast %scan3A_322 : i32 to index
      %get3A_354 = arith.index_cast %and3A_327 : i32 to index
      %get3A_355 = arith.constant 32 : index
      %get3A_356 = tpu.vector_load %arg6[%get3A_352, %get3A_353, %get3A_354, %get3A_355] {strides = array<i32>} : memref<3x32x8x64xf32, #tpu.memory_space<vmem>>, vector<1x1x1x16xf32>,
      %get3A_357 = vector.shape_cast %get3A_356 : vector<1x1x1x16xf32> to vector<16xf32>
      %swap3A_358 = arith.index_cast %scan3A_322 : i32 to index
      %swap3A_359 = arith.constant 32 : index
      %swap3A_360 = tpu.vector_load %arg7[%swap3A_358, %swap3A_359] {strides = array<i32>} : memref<32x64xf32, #tpu.memory_space<vmem>>, vector<1x16xf32>,
      %swap3A_361 = vector.shape_cast %swap3A_360 : vector<1x16xf32> to vector<16xf32>
      %swap3A_362 = vector.shape_cast %get3A_357 : vector<16xf32> to vector<1x16xf32>
      tpu.vector_store %arg7[%swap3A_358, %swap3A_359], %swap3A_362 {strides = array<i32>} : memref<32x64xf32, #tpu.memory_space<vmem>>, vector<1x16xf32>,
      %get3A_363 = arith.constant 1 : i32
      %get3A_364 = arith.index_cast %get3A_363 : i32 to index
      %get3A_365 = arith.index_cast %scan3A_322 : i32 to index
      %get3A_366 = arith.index_cast %and3A_327 : i32 to index
      %get3A_367 = arith.constant 48 : index
      %get3A_368 = tpu.vector_load %arg6[%get3A_364, %get3A_365, %get3A_366, %get3A_367] {strides = array<i32>} : memref<3x32x8x64xf32, #tpu.memory_space<vmem>>, vector<1x1x1x16xf32>,
      %get3A_369 = vector.shape_cast %get3A_368 : vector<1x1x1x16xf32> to vector<16xf32>
      %swap3A_370 = arith.index_cast %scan3A_322 : i32 to index
      %swap3A_371 = arith.constant 48 : index
      %swap3A_372 = tpu.vector_load %arg7[%swap3A_370, %swap3A_371] {strides = array<i32>} : memref<32x64xf32, #tpu.memory_space<vmem>>, vector<1x16xf32>,
      %swap3A_373 = vector.shape_cast %swap3A_372 : vector<1x16xf32> to vector<16xf32>
      %swap3A_374 = vector.shape_cast %get3A_369 : vector<16xf32> to vector<1x16xf32>
      tpu.vector_store %arg7[%swap3A_370, %swap3A_371], %swap3A_374 {strides = array<i32>} : memref<32x64xf32, #tpu.memory_space<vmem>>, vector<1x16xf32>,
    }
    %scan3A_231 = arith.constant 32 : i32
    %add3A_232 = arith.constant 320 : i32
    %add3A_233 = arith.addi %mul3A_2, %add3A_232 : i32
    "tpu.region"() ({
      %run_scoped3A = tpu.sem_alloc : memref<!tpu.dma_semaphore, #tpu.memory_space<semaphore_mem>>
      %dma_start3A = arith.constant 0 : i32
      %dma_start3A_322 = tpu.memref_slice %arg4[%add3A_233, %dma_start3A] : memref<16384x64xf32, #tpu.memory_space<hbm>> -> memref<32x64xf32, #tpu.memory_space<hbm>>
      %dma_start3A_323 = arith.constant 0 : i32
      %dma_start3A_324 = tpu.memref_slice %arg4[%add3A_233, %dma_start3A_323] : memref<16384x64xf32, #tpu.memory_space<hbm>> -> memref<32x64xf32, #tpu.memory_space<hbm>>
      tpu.enqueue_dma source(%arg7 : memref<32x64xf32, #tpu.memory_space<vmem>>) target(%dma_start3A_324 : memref<32x64xf32, #tpu.memory_space<hbm>>) target_semaphore(%run_scoped3A : memref<!tpu.dma_semaphore, #tpu.memory_space<semaphore_mem>>)
      %dma_wait3A = arith.constant 0 : i32
      %dma_wait3A_325 = tpu.memref_slice %arg4[%add3A_233, %dma_wait3A] : memref<16384x64xf32, #tpu.memory_space<hbm>> -> memref<32x64xf32, #tpu.memory_space<hbm>>
      %dma_wait3A_326 = arith.constant 0 : i32
      %dma_wait3A_327 = tpu.memref_slice %arg4[%add3A_233, %dma_wait3A_326] : memref<16384x64xf32, #tpu.memory_space<hbm>> -> memref<32x64xf32, #tpu.memory_space<hbm>>
      tpu.wait_dma2 semaphore(%run_scoped3A : memref<!tpu.dma_semaphore, #tpu.memory_space<semaphore_mem>>) src(%arg7 : memref<32x64xf32, #tpu.memory_space<vmem>>) dst(%dma_wait3A_327 : memref<32x64xf32, #tpu.memory_space<hbm>>)
      tpu.yield
    }) : () -> ()
    %scan3A_234 = arith.constant 0 : i32
    %scan3A_235 = arith.constant 0 : i32
    %scan3A_236 = arith.constant 32 : i32
    %scan3A_237 = arith.addi %scan3A_235, %scan3A_236 : i32
    %scan3A_238 = arith.constant 1 : i32
    scf.for %scan3A_322 = %scan3A_235 to %scan3A_237 step %scan3A_238  : i32 {
      %add3A_323 = arith.constant 416 : i32
      %add3A_324 = arith.addi %add3A_323, %scan3A_322 : i32
      %get3A = arith.index_cast %add3A_324 : i32 to index
      %get3A_325 = tpu.vector_load %arg5[%get3A] {strides = array<i32>} : memref<528xi32, #tpu.memory_space<vmem>>, vector<16xi32>,
      %get3A_326 = vector.shape_cast %get3A_325 : vector<16xi32> to vector<16xi32>
      %slice3A = vector.extract_strided_slice %get3A_326 {offsets = [0], sizes = [1], strides = [1]} : vector<16xi32> to vector<1xi32>
      %squeeze3A = vector.extract %slice3A[0] : i32 from vector<1xi32>
      %shift_right_logical3A = arith.constant 3 : i32
      %shift_right_logical3A_327 = arith.shrui %squeeze3A, %shift_right_logical3A : i32
      %dma_start3A = arith.constant 1 : i32
      %dma_start3A_328 = arith.constant 0 : i32
      %dma_start3A_329 = arith.constant 0 : i32
      %dma_start3A_330 = tpu.memref_slice %arg6[%dma_start3A, %scan3A_322, %dma_start3A_328, %dma_start3A_329] : memref<3x32x8x64xf32, #tpu.memory_space<vmem>> -> memref<1x1x8x64xf32, #tpu.memory_space<vmem>>
      %dma_start3A_331 = tpu.memref_squeeze %dma_start3A_330 : memref<1x1x8x64xf32, #tpu.memory_space<vmem>> -> memref<8x64xf32, #tpu.memory_space<vmem>>
      %dma_start3A_332 = arith.constant 0 : i32
      %dma_start3A_333 = arith.constant 0 : i32
      %dma_start3A_334 = tpu.memref_slice %arg3[%shift_right_logical3A_327, %dma_start3A_332, %dma_start3A_333] : memref<125000x8x64xf32, #tpu.memory_space<hbm>> -> memref<1x8x64xf32, #tpu.memory_space<hbm>>
      %dma_start3A_335 = tpu.memref_squeeze %dma_start3A_334 : memref<1x8x64xf32, #tpu.memory_space<hbm>> -> memref<8x64xf32, #tpu.memory_space<hbm>>
      %dma_start3A_336 = arith.constant 0 : i32
      %dma_start3A_337 = arith.constant 0 : i32
      %dma_start3A_338 = tpu.memref_slice %arg6[%dma_start3A, %scan3A_322, %dma_start3A_336, %dma_start3A_337] : memref<3x32x8x64xf32, #tpu.memory_space<vmem>> -> memref<1x1x8x64xf32, #tpu.memory_space<vmem>>
      %dma_start3A_339 = tpu.memref_squeeze %dma_start3A_338 : memref<1x1x8x64xf32, #tpu.memory_space<vmem>> -> memref<8x64xf32, #tpu.memory_space<vmem>>
      %dma_start3A_340 = arith.constant 0 : i32
      %dma_start3A_341 = arith.constant 0 : i32
      %dma_start3A_342 = tpu.memref_slice %arg3[%shift_right_logical3A_327, %dma_start3A_340, %dma_start3A_341] : memref<125000x8x64xf32, #tpu.memory_space<hbm>> -> memref<1x8x64xf32, #tpu.memory_space<hbm>>
      %dma_start3A_343 = tpu.memref_squeeze %dma_start3A_342 : memref<1x8x64xf32, #tpu.memory_space<hbm>> -> memref<8x64xf32, #tpu.memory_space<hbm>>
      tpu.enqueue_dma source(%dma_start3A_343 : memref<8x64xf32, #tpu.memory_space<hbm>>) target(%dma_start3A_339 : memref<8x64xf32, #tpu.memory_space<vmem>>) target_semaphore(%arg8 : memref<!tpu.dma_semaphore, #tpu.memory_space<semaphore_mem>>)
    }
    %scan3A_239 = arith.constant 32 : i32
    %scan3A_240 = arith.constant 0 : i32
    %scan3A_241 = arith.constant 0 : i32
    %scan3A_242 = arith.constant 32 : i32
    %scan3A_243 = arith.addi %scan3A_241, %scan3A_242 : i32
    %scan3A_244 = arith.constant 1 : i32
    scf.for %scan3A_322 = %scan3A_241 to %scan3A_243 step %scan3A_244  : i32 {
      %dma_wait3A = arith.constant 0 : i32
      %dma_wait3A_323 = arith.constant 2 : i32
      %dma_wait3A_324 = arith.constant 0 : i32
      %dma_wait3A_325 = arith.constant 0 : i32
      %dma_wait3A_326 = tpu.memref_slice %arg6[%dma_wait3A_323, %scan3A_322, %dma_wait3A_324, %dma_wait3A_325] : memref<3x32x8x64xf32, #tpu.memory_space<vmem>> -> memref<1x1x8x64xf32, #tpu.memory_space<vmem>>
      %dma_wait3A_327 = tpu.memref_squeeze %dma_wait3A_326 : memref<1x1x8x64xf32, #tpu.memory_space<vmem>> -> memref<8x64xf32, #tpu.memory_space<vmem>>
      %dma_wait3A_328 = arith.constant 0 : i32
      %dma_wait3A_329 = arith.constant 0 : i32
      %dma_wait3A_330 = tpu.memref_slice %arg3[%dma_wait3A, %dma_wait3A_328, %dma_wait3A_329] : memref<125000x8x64xf32, #tpu.memory_space<hbm>> -> memref<1x8x64xf32, #tpu.memory_space<hbm>>
      %dma_wait3A_331 = tpu.memref_squeeze %dma_wait3A_330 : memref<1x8x64xf32, #tpu.memory_space<hbm>> -> memref<8x64xf32, #tpu.memory_space<hbm>>
      %dma_wait3A_332 = arith.constant 0 : i32
      %dma_wait3A_333 = arith.constant 0 : i32
      %dma_wait3A_334 = tpu.memref_slice %arg6[%dma_wait3A_323, %scan3A_322, %dma_wait3A_332, %dma_wait3A_333] : memref<3x32x8x64xf32, #tpu.memory_space<vmem>> -> memref<1x1x8x64xf32, #tpu.memory_space<vmem>>
      %dma_wait3A_335 = tpu.memref_squeeze %dma_wait3A_334 : memref<1x1x8x64xf32, #tpu.memory_space<vmem>> -> memref<8x64xf32, #tpu.memory_space<vmem>>
      %dma_wait3A_336 = arith.constant 0 : i32
      %dma_wait3A_337 = arith.constant 0 : i32
      %dma_wait3A_338 = tpu.memref_slice %arg3[%dma_wait3A, %dma_wait3A_336, %dma_wait3A_337] : memref<125000x8x64xf32, #tpu.memory_space<hbm>> -> memref<1x8x64xf32, #tpu.memory_space<hbm>>
      %dma_wait3A_339 = tpu.memref_squeeze %dma_wait3A_338 : memref<1x8x64xf32, #tpu.memory_space<hbm>> -> memref<8x64xf32, #tpu.memory_space<hbm>>
      tpu.wait_dma2 semaphore(%arg8 : memref<!tpu.dma_semaphore, #tpu.memory_space<semaphore_mem>>) src(%dma_wait3A_339 : memref<8x64xf32, #tpu.memory_space<hbm>>) dst(%dma_wait3A_335 : memref<8x64xf32, #tpu.memory_space<vmem>>)
    }
    %scan3A_245 = arith.constant 32 : i32
    %scan3A_246 = arith.constant 0 : i32
    %scan3A_247 = arith.constant 0 : i32
    %scan3A_248 = arith.constant 32 : i32
    %scan3A_249 = arith.addi %scan3A_247, %scan3A_248 : i32
    %scan3A_250 = arith.constant 1 : i32
    scf.for %scan3A_322 = %scan3A_247 to %scan3A_249 step %scan3A_250  : i32 {
      %add3A_323 = arith.constant 352 : i32
      %add3A_324 = arith.addi %add3A_323, %scan3A_322 : i32
      %get3A = arith.index_cast %add3A_324 : i32 to index
      %get3A_325 = tpu.vector_load %arg5[%get3A] {strides = array<i32>} : memref<528xi32, #tpu.memory_space<vmem>>, vector<16xi32>,
      %get3A_326 = vector.shape_cast %get3A_325 : vector<16xi32> to vector<16xi32>
      %slice3A = vector.extract_strided_slice %get3A_326 {offsets = [0], sizes = [1], strides = [1]} : vector<16xi32> to vector<1xi32>
      %squeeze3A = vector.extract %slice3A[0] : i32 from vector<1xi32>
      %and3A = arith.constant 7 : i32
      %and3A_327 = arith.andi %squeeze3A, %and3A : i32
      %get3A_328 = arith.constant 2 : i32
      %get3A_329 = arith.index_cast %get3A_328 : i32 to index
      %get3A_330 = arith.index_cast %scan3A_322 : i32 to index
      %get3A_331 = arith.index_cast %and3A_327 : i32 to index
      %get3A_332 = arith.constant 0 : index
      %get3A_333 = tpu.vector_load %arg6[%get3A_329, %get3A_330, %get3A_331, %get3A_332] {strides = array<i32>} : memref<3x32x8x64xf32, #tpu.memory_space<vmem>>, vector<1x1x1x16xf32>,
      %get3A_334 = vector.shape_cast %get3A_333 : vector<1x1x1x16xf32> to vector<16xf32>
      %swap3A = arith.index_cast %scan3A_322 : i32 to index
      %swap3A_335 = arith.constant 0 : index
      %swap3A_336 = tpu.vector_load %arg7[%swap3A, %swap3A_335] {strides = array<i32>} : memref<32x64xf32, #tpu.memory_space<vmem>>, vector<1x16xf32>,
      %swap3A_337 = vector.shape_cast %swap3A_336 : vector<1x16xf32> to vector<16xf32>
      %swap3A_338 = vector.shape_cast %get3A_334 : vector<16xf32> to vector<1x16xf32>
      tpu.vector_store %arg7[%swap3A, %swap3A_335], %swap3A_338 {strides = array<i32>} : memref<32x64xf32, #tpu.memory_space<vmem>>, vector<1x16xf32>,
      %get3A_339 = arith.constant 2 : i32
      %get3A_340 = arith.index_cast %get3A_339 : i32 to index
      %get3A_341 = arith.index_cast %scan3A_322 : i32 to index
      %get3A_342 = arith.index_cast %and3A_327 : i32 to index
      %get3A_343 = arith.constant 16 : index
      %get3A_344 = tpu.vector_load %arg6[%get3A_340, %get3A_341, %get3A_342, %get3A_343] {strides = array<i32>} : memref<3x32x8x64xf32, #tpu.memory_space<vmem>>, vector<1x1x1x16xf32>,
      %get3A_345 = vector.shape_cast %get3A_344 : vector<1x1x1x16xf32> to vector<16xf32>
      %swap3A_346 = arith.index_cast %scan3A_322 : i32 to index
      %swap3A_347 = arith.constant 16 : index
      %swap3A_348 = tpu.vector_load %arg7[%swap3A_346, %swap3A_347] {strides = array<i32>} : memref<32x64xf32, #tpu.memory_space<vmem>>, vector<1x16xf32>,
      %swap3A_349 = vector.shape_cast %swap3A_348 : vector<1x16xf32> to vector<16xf32>
      %swap3A_350 = vector.shape_cast %get3A_345 : vector<16xf32> to vector<1x16xf32>
      tpu.vector_store %arg7[%swap3A_346, %swap3A_347], %swap3A_350 {strides = array<i32>} : memref<32x64xf32, #tpu.memory_space<vmem>>, vector<1x16xf32>,
      %get3A_351 = arith.constant 2 : i32
      %get3A_352 = arith.index_cast %get3A_351 : i32 to index
      %get3A_353 = arith.index_cast %scan3A_322 : i32 to index
      %get3A_354 = arith.index_cast %and3A_327 : i32 to index
      %get3A_355 = arith.constant 32 : index
      %get3A_356 = tpu.vector_load %arg6[%get3A_352, %get3A_353, %get3A_354, %get3A_355] {strides = array<i32>} : memref<3x32x8x64xf32, #tpu.memory_space<vmem>>, vector<1x1x1x16xf32>,
      %get3A_357 = vector.shape_cast %get3A_356 : vector<1x1x1x16xf32> to vector<16xf32>
      %swap3A_358 = arith.index_cast %scan3A_322 : i32 to index
      %swap3A_359 = arith.constant 32 : index
      %swap3A_360 = tpu.vector_load %arg7[%swap3A_358, %swap3A_359] {strides = array<i32>} : memref<32x64xf32, #tpu.memory_space<vmem>>, vector<1x16xf32>,
      %swap3A_361 = vector.shape_cast %swap3A_360 : vector<1x16xf32> to vector<16xf32>
      %swap3A_362 = vector.shape_cast %get3A_357 : vector<16xf32> to vector<1x16xf32>
      tpu.vector_store %arg7[%swap3A_358, %swap3A_359], %swap3A_362 {strides = array<i32>} : memref<32x64xf32, #tpu.memory_space<vmem>>, vector<1x16xf32>,
      %get3A_363 = arith.constant 2 : i32
      %get3A_364 = arith.index_cast %get3A_363 : i32 to index
      %get3A_365 = arith.index_cast %scan3A_322 : i32 to index
      %get3A_366 = arith.index_cast %and3A_327 : i32 to index
      %get3A_367 = arith.constant 48 : index
      %get3A_368 = tpu.vector_load %arg6[%get3A_364, %get3A_365, %get3A_366, %get3A_367] {strides = array<i32>} : memref<3x32x8x64xf32, #tpu.memory_space<vmem>>, vector<1x1x1x16xf32>,
      %get3A_369 = vector.shape_cast %get3A_368 : vector<1x1x1x16xf32> to vector<16xf32>
      %swap3A_370 = arith.index_cast %scan3A_322 : i32 to index
      %swap3A_371 = arith.constant 48 : index
      %swap3A_372 = tpu.vector_load %arg7[%swap3A_370, %swap3A_371] {strides = array<i32>} : memref<32x64xf32, #tpu.memory_space<vmem>>, vector<1x16xf32>,
      %swap3A_373 = vector.shape_cast %swap3A_372 : vector<1x16xf32> to vector<16xf32>
      %swap3A_374 = vector.shape_cast %get3A_369 : vector<16xf32> to vector<1x16xf32>
      tpu.vector_store %arg7[%swap3A_370, %swap3A_371], %swap3A_374 {strides = array<i32>} : memref<32x64xf32, #tpu.memory_space<vmem>>, vector<1x16xf32>,
    }
    %scan3A_251 = arith.constant 32 : i32
    %add3A_252 = arith.constant 352 : i32
    %add3A_253 = arith.addi %mul3A_2, %add3A_252 : i32
    "tpu.region"() ({
      %run_scoped3A = tpu.sem_alloc : memref<!tpu.dma_semaphore, #tpu.memory_space<semaphore_mem>>
      %dma_start3A = arith.constant 0 : i32
      %dma_start3A_322 = tpu.memref_slice %arg4[%add3A_253, %dma_start3A] : memref<16384x64xf32, #tpu.memory_space<hbm>> -> memref<32x64xf32, #tpu.memory_space<hbm>>
      %dma_start3A_323 = arith.constant 0 : i32
      %dma_start3A_324 = tpu.memref_slice %arg4[%add3A_253, %dma_start3A_323] : memref<16384x64xf32, #tpu.memory_space<hbm>> -> memref<32x64xf32, #tpu.memory_space<hbm>>
      tpu.enqueue_dma source(%arg7 : memref<32x64xf32, #tpu.memory_space<vmem>>) target(%dma_start3A_324 : memref<32x64xf32, #tpu.memory_space<hbm>>) target_semaphore(%run_scoped3A : memref<!tpu.dma_semaphore, #tpu.memory_space<semaphore_mem>>)
      %dma_wait3A = arith.constant 0 : i32
      %dma_wait3A_325 = tpu.memref_slice %arg4[%add3A_253, %dma_wait3A] : memref<16384x64xf32, #tpu.memory_space<hbm>> -> memref<32x64xf32, #tpu.memory_space<hbm>>
      %dma_wait3A_326 = arith.constant 0 : i32
      %dma_wait3A_327 = tpu.memref_slice %arg4[%add3A_253, %dma_wait3A_326] : memref<16384x64xf32, #tpu.memory_space<hbm>> -> memref<32x64xf32, #tpu.memory_space<hbm>>
      tpu.wait_dma2 semaphore(%run_scoped3A : memref<!tpu.dma_semaphore, #tpu.memory_space<semaphore_mem>>) src(%arg7 : memref<32x64xf32, #tpu.memory_space<vmem>>) dst(%dma_wait3A_327 : memref<32x64xf32, #tpu.memory_space<hbm>>)
      tpu.yield
    }) : () -> ()
    %scan3A_254 = arith.constant 0 : i32
    %scan3A_255 = arith.constant 0 : i32
    %scan3A_256 = arith.constant 32 : i32
    %scan3A_257 = arith.addi %scan3A_255, %scan3A_256 : i32
    %scan3A_258 = arith.constant 1 : i32
    scf.for %scan3A_322 = %scan3A_255 to %scan3A_257 step %scan3A_258  : i32 {
      %add3A_323 = arith.constant 448 : i32
      %add3A_324 = arith.addi %add3A_323, %scan3A_322 : i32
      %get3A = arith.index_cast %add3A_324 : i32 to index
      %get3A_325 = tpu.vector_load %arg5[%get3A] {strides = array<i32>} : memref<528xi32, #tpu.memory_space<vmem>>, vector<16xi32>,
      %get3A_326 = vector.shape_cast %get3A_325 : vector<16xi32> to vector<16xi32>
      %slice3A = vector.extract_strided_slice %get3A_326 {offsets = [0], sizes = [1], strides = [1]} : vector<16xi32> to vector<1xi32>
      %squeeze3A = vector.extract %slice3A[0] : i32 from vector<1xi32>
      %shift_right_logical3A = arith.constant 3 : i32
      %shift_right_logical3A_327 = arith.shrui %squeeze3A, %shift_right_logical3A : i32
      %dma_start3A = arith.constant 2 : i32
      %dma_start3A_328 = arith.constant 0 : i32
      %dma_start3A_329 = arith.constant 0 : i32
      %dma_start3A_330 = tpu.memref_slice %arg6[%dma_start3A, %scan3A_322, %dma_start3A_328, %dma_start3A_329] : memref<3x32x8x64xf32, #tpu.memory_space<vmem>> -> memref<1x1x8x64xf32, #tpu.memory_space<vmem>>
      %dma_start3A_331 = tpu.memref_squeeze %dma_start3A_330 : memref<1x1x8x64xf32, #tpu.memory_space<vmem>> -> memref<8x64xf32, #tpu.memory_space<vmem>>
      %dma_start3A_332 = arith.constant 0 : i32
      %dma_start3A_333 = arith.constant 0 : i32
      %dma_start3A_334 = tpu.memref_slice %arg3[%shift_right_logical3A_327, %dma_start3A_332, %dma_start3A_333] : memref<125000x8x64xf32, #tpu.memory_space<hbm>> -> memref<1x8x64xf32, #tpu.memory_space<hbm>>
      %dma_start3A_335 = tpu.memref_squeeze %dma_start3A_334 : memref<1x8x64xf32, #tpu.memory_space<hbm>> -> memref<8x64xf32, #tpu.memory_space<hbm>>
      %dma_start3A_336 = arith.constant 0 : i32
      %dma_start3A_337 = arith.constant 0 : i32
      %dma_start3A_338 = tpu.memref_slice %arg6[%dma_start3A, %scan3A_322, %dma_start3A_336, %dma_start3A_337] : memref<3x32x8x64xf32, #tpu.memory_space<vmem>> -> memref<1x1x8x64xf32, #tpu.memory_space<vmem>>
      %dma_start3A_339 = tpu.memref_squeeze %dma_start3A_338 : memref<1x1x8x64xf32, #tpu.memory_space<vmem>> -> memref<8x64xf32, #tpu.memory_space<vmem>>
      %dma_start3A_340 = arith.constant 0 : i32
      %dma_start3A_341 = arith.constant 0 : i32
      %dma_start3A_342 = tpu.memref_slice %arg3[%shift_right_logical3A_327, %dma_start3A_340, %dma_start3A_341] : memref<125000x8x64xf32, #tpu.memory_space<hbm>> -> memref<1x8x64xf32, #tpu.memory_space<hbm>>
      %dma_start3A_343 = tpu.memref_squeeze %dma_start3A_342 : memref<1x8x64xf32, #tpu.memory_space<hbm>> -> memref<8x64xf32, #tpu.memory_space<hbm>>
      tpu.enqueue_dma source(%dma_start3A_343 : memref<8x64xf32, #tpu.memory_space<hbm>>) target(%dma_start3A_339 : memref<8x64xf32, #tpu.memory_space<vmem>>) target_semaphore(%arg8 : memref<!tpu.dma_semaphore, #tpu.memory_space<semaphore_mem>>)
    }
    %scan3A_259 = arith.constant 32 : i32
    %scan3A_260 = arith.constant 0 : i32
    %scan3A_261 = arith.constant 0 : i32
    %scan3A_262 = arith.constant 32 : i32
    %scan3A_263 = arith.addi %scan3A_261, %scan3A_262 : i32
    %scan3A_264 = arith.constant 1 : i32
    scf.for %scan3A_322 = %scan3A_261 to %scan3A_263 step %scan3A_264  : i32 {
      %dma_wait3A = arith.constant 0 : i32
      %dma_wait3A_323 = arith.constant 0 : i32
      %dma_wait3A_324 = arith.constant 0 : i32
      %dma_wait3A_325 = arith.constant 0 : i32
      %dma_wait3A_326 = tpu.memref_slice %arg6[%dma_wait3A_323, %scan3A_322, %dma_wait3A_324, %dma_wait3A_325] : memref<3x32x8x64xf32, #tpu.memory_space<vmem>> -> memref<1x1x8x64xf32, #tpu.memory_space<vmem>>
      %dma_wait3A_327 = tpu.memref_squeeze %dma_wait3A_326 : memref<1x1x8x64xf32, #tpu.memory_space<vmem>> -> memref<8x64xf32, #tpu.memory_space<vmem>>
      %dma_wait3A_328 = arith.constant 0 : i32
      %dma_wait3A_329 = arith.constant 0 : i32
      %dma_wait3A_330 = tpu.memref_slice %arg3[%dma_wait3A, %dma_wait3A_328, %dma_wait3A_329] : memref<125000x8x64xf32, #tpu.memory_space<hbm>> -> memref<1x8x64xf32, #tpu.memory_space<hbm>>
      %dma_wait3A_331 = tpu.memref_squeeze %dma_wait3A_330 : memref<1x8x64xf32, #tpu.memory_space<hbm>> -> memref<8x64xf32, #tpu.memory_space<hbm>>
      %dma_wait3A_332 = arith.constant 0 : i32
      %dma_wait3A_333 = arith.constant 0 : i32
      %dma_wait3A_334 = tpu.memref_slice %arg6[%dma_wait3A_323, %scan3A_322, %dma_wait3A_332, %dma_wait3A_333] : memref<3x32x8x64xf32, #tpu.memory_space<vmem>> -> memref<1x1x8x64xf32, #tpu.memory_space<vmem>>
      %dma_wait3A_335 = tpu.memref_squeeze %dma_wait3A_334 : memref<1x1x8x64xf32, #tpu.memory_space<vmem>> -> memref<8x64xf32, #tpu.memory_space<vmem>>
      %dma_wait3A_336 = arith.constant 0 : i32
      %dma_wait3A_337 = arith.constant 0 : i32
      %dma_wait3A_338 = tpu.memref_slice %arg3[%dma_wait3A, %dma_wait3A_336, %dma_wait3A_337] : memref<125000x8x64xf32, #tpu.memory_space<hbm>> -> memref<1x8x64xf32, #tpu.memory_space<hbm>>
      %dma_wait3A_339 = tpu.memref_squeeze %dma_wait3A_338 : memref<1x8x64xf32, #tpu.memory_space<hbm>> -> memref<8x64xf32, #tpu.memory_space<hbm>>
      tpu.wait_dma2 semaphore(%arg8 : memref<!tpu.dma_semaphore, #tpu.memory_space<semaphore_mem>>) src(%dma_wait3A_339 : memref<8x64xf32, #tpu.memory_space<hbm>>) dst(%dma_wait3A_335 : memref<8x64xf32, #tpu.memory_space<vmem>>)
    }
    %scan3A_265 = arith.constant 32 : i32
    %scan3A_266 = arith.constant 0 : i32
    %scan3A_267 = arith.constant 0 : i32
    %scan3A_268 = arith.constant 32 : i32
    %scan3A_269 = arith.addi %scan3A_267, %scan3A_268 : i32
    %scan3A_270 = arith.constant 1 : i32
    scf.for %scan3A_322 = %scan3A_267 to %scan3A_269 step %scan3A_270  : i32 {
      %add3A_323 = arith.constant 384 : i32
      %add3A_324 = arith.addi %add3A_323, %scan3A_322 : i32
      %get3A = arith.index_cast %add3A_324 : i32 to index
      %get3A_325 = tpu.vector_load %arg5[%get3A] {strides = array<i32>} : memref<528xi32, #tpu.memory_space<vmem>>, vector<16xi32>,
      %get3A_326 = vector.shape_cast %get3A_325 : vector<16xi32> to vector<16xi32>
      %slice3A = vector.extract_strided_slice %get3A_326 {offsets = [0], sizes = [1], strides = [1]} : vector<16xi32> to vector<1xi32>
      %squeeze3A = vector.extract %slice3A[0] : i32 from vector<1xi32>
      %and3A = arith.constant 7 : i32
      %and3A_327 = arith.andi %squeeze3A, %and3A : i32
      %get3A_328 = arith.constant 0 : i32
      %get3A_329 = arith.index_cast %get3A_328 : i32 to index
      %get3A_330 = arith.index_cast %scan3A_322 : i32 to index
      %get3A_331 = arith.index_cast %and3A_327 : i32 to index
      %get3A_332 = arith.constant 0 : index
      %get3A_333 = tpu.vector_load %arg6[%get3A_329, %get3A_330, %get3A_331, %get3A_332] {strides = array<i32>} : memref<3x32x8x64xf32, #tpu.memory_space<vmem>>, vector<1x1x1x16xf32>,
      %get3A_334 = vector.shape_cast %get3A_333 : vector<1x1x1x16xf32> to vector<16xf32>
      %swap3A = arith.index_cast %scan3A_322 : i32 to index
      %swap3A_335 = arith.constant 0 : index
      %swap3A_336 = tpu.vector_load %arg7[%swap3A, %swap3A_335] {strides = array<i32>} : memref<32x64xf32, #tpu.memory_space<vmem>>, vector<1x16xf32>,
      %swap3A_337 = vector.shape_cast %swap3A_336 : vector<1x16xf32> to vector<16xf32>
      %swap3A_338 = vector.shape_cast %get3A_334 : vector<16xf32> to vector<1x16xf32>
      tpu.vector_store %arg7[%swap3A, %swap3A_335], %swap3A_338 {strides = array<i32>} : memref<32x64xf32, #tpu.memory_space<vmem>>, vector<1x16xf32>,
      %get3A_339 = arith.constant 0 : i32
      %get3A_340 = arith.index_cast %get3A_339 : i32 to index
      %get3A_341 = arith.index_cast %scan3A_322 : i32 to index
      %get3A_342 = arith.index_cast %and3A_327 : i32 to index
      %get3A_343 = arith.constant 16 : index
      %get3A_344 = tpu.vector_load %arg6[%get3A_340, %get3A_341, %get3A_342, %get3A_343] {strides = array<i32>} : memref<3x32x8x64xf32, #tpu.memory_space<vmem>>, vector<1x1x1x16xf32>,
      %get3A_345 = vector.shape_cast %get3A_344 : vector<1x1x1x16xf32> to vector<16xf32>
      %swap3A_346 = arith.index_cast %scan3A_322 : i32 to index
      %swap3A_347 = arith.constant 16 : index
      %swap3A_348 = tpu.vector_load %arg7[%swap3A_346, %swap3A_347] {strides = array<i32>} : memref<32x64xf32, #tpu.memory_space<vmem>>, vector<1x16xf32>,
      %swap3A_349 = vector.shape_cast %swap3A_348 : vector<1x16xf32> to vector<16xf32>
      %swap3A_350 = vector.shape_cast %get3A_345 : vector<16xf32> to vector<1x16xf32>
      tpu.vector_store %arg7[%swap3A_346, %swap3A_347], %swap3A_350 {strides = array<i32>} : memref<32x64xf32, #tpu.memory_space<vmem>>, vector<1x16xf32>,
      %get3A_351 = arith.constant 0 : i32
      %get3A_352 = arith.index_cast %get3A_351 : i32 to index
      %get3A_353 = arith.index_cast %scan3A_322 : i32 to index
      %get3A_354 = arith.index_cast %and3A_327 : i32 to index
      %get3A_355 = arith.constant 32 : index
      %get3A_356 = tpu.vector_load %arg6[%get3A_352, %get3A_353, %get3A_354, %get3A_355] {strides = array<i32>} : memref<3x32x8x64xf32, #tpu.memory_space<vmem>>, vector<1x1x1x16xf32>,
      %get3A_357 = vector.shape_cast %get3A_356 : vector<1x1x1x16xf32> to vector<16xf32>
      %swap3A_358 = arith.index_cast %scan3A_322 : i32 to index
      %swap3A_359 = arith.constant 32 : index
      %swap3A_360 = tpu.vector_load %arg7[%swap3A_358, %swap3A_359] {strides = array<i32>} : memref<32x64xf32, #tpu.memory_space<vmem>>, vector<1x16xf32>,
      %swap3A_361 = vector.shape_cast %swap3A_360 : vector<1x16xf32> to vector<16xf32>
      %swap3A_362 = vector.shape_cast %get3A_357 : vector<16xf32> to vector<1x16xf32>
      tpu.vector_store %arg7[%swap3A_358, %swap3A_359], %swap3A_362 {strides = array<i32>} : memref<32x64xf32, #tpu.memory_space<vmem>>, vector<1x16xf32>,
      %get3A_363 = arith.constant 0 : i32
      %get3A_364 = arith.index_cast %get3A_363 : i32 to index
      %get3A_365 = arith.index_cast %scan3A_322 : i32 to index
      %get3A_366 = arith.index_cast %and3A_327 : i32 to index
      %get3A_367 = arith.constant 48 : index
      %get3A_368 = tpu.vector_load %arg6[%get3A_364, %get3A_365, %get3A_366, %get3A_367] {strides = array<i32>} : memref<3x32x8x64xf32, #tpu.memory_space<vmem>>, vector<1x1x1x16xf32>,
      %get3A_369 = vector.shape_cast %get3A_368 : vector<1x1x1x16xf32> to vector<16xf32>
      %swap3A_370 = arith.index_cast %scan3A_322 : i32 to index
      %swap3A_371 = arith.constant 48 : index
      %swap3A_372 = tpu.vector_load %arg7[%swap3A_370, %swap3A_371] {strides = array<i32>} : memref<32x64xf32, #tpu.memory_space<vmem>>, vector<1x16xf32>,
      %swap3A_373 = vector.shape_cast %swap3A_372 : vector<1x16xf32> to vector<16xf32>
      %swap3A_374 = vector.shape_cast %get3A_369 : vector<16xf32> to vector<1x16xf32>
      tpu.vector_store %arg7[%swap3A_370, %swap3A_371], %swap3A_374 {strides = array<i32>} : memref<32x64xf32, #tpu.memory_space<vmem>>, vector<1x16xf32>,
    }
    %scan3A_271 = arith.constant 32 : i32
    %add3A_272 = arith.constant 384 : i32
    %add3A_273 = arith.addi %mul3A_2, %add3A_272 : i32
    "tpu.region"() ({
      %run_scoped3A = tpu.sem_alloc : memref<!tpu.dma_semaphore, #tpu.memory_space<semaphore_mem>>
      %dma_start3A = arith.constant 0 : i32
      %dma_start3A_322 = tpu.memref_slice %arg4[%add3A_273, %dma_start3A] : memref<16384x64xf32, #tpu.memory_space<hbm>> -> memref<32x64xf32, #tpu.memory_space<hbm>>
      %dma_start3A_323 = arith.constant 0 : i32
      %dma_start3A_324 = tpu.memref_slice %arg4[%add3A_273, %dma_start3A_323] : memref<16384x64xf32, #tpu.memory_space<hbm>> -> memref<32x64xf32, #tpu.memory_space<hbm>>
      tpu.enqueue_dma source(%arg7 : memref<32x64xf32, #tpu.memory_space<vmem>>) target(%dma_start3A_324 : memref<32x64xf32, #tpu.memory_space<hbm>>) target_semaphore(%run_scoped3A : memref<!tpu.dma_semaphore, #tpu.memory_space<semaphore_mem>>)
      %dma_wait3A = arith.constant 0 : i32
      %dma_wait3A_325 = tpu.memref_slice %arg4[%add3A_273, %dma_wait3A] : memref<16384x64xf32, #tpu.memory_space<hbm>> -> memref<32x64xf32, #tpu.memory_space<hbm>>
      %dma_wait3A_326 = arith.constant 0 : i32
      %dma_wait3A_327 = tpu.memref_slice %arg4[%add3A_273, %dma_wait3A_326] : memref<16384x64xf32, #tpu.memory_space<hbm>> -> memref<32x64xf32, #tpu.memory_space<hbm>>
      tpu.wait_dma2 semaphore(%run_scoped3A : memref<!tpu.dma_semaphore, #tpu.memory_space<semaphore_mem>>) src(%arg7 : memref<32x64xf32, #tpu.memory_space<vmem>>) dst(%dma_wait3A_327 : memref<32x64xf32, #tpu.memory_space<hbm>>)
      tpu.yield
    }) : () -> ()
    %scan3A_274 = arith.constant 0 : i32
    %scan3A_275 = arith.constant 0 : i32
    %scan3A_276 = arith.constant 32 : i32
    %scan3A_277 = arith.addi %scan3A_275, %scan3A_276 : i32
    %scan3A_278 = arith.constant 1 : i32
    scf.for %scan3A_322 = %scan3A_275 to %scan3A_277 step %scan3A_278  : i32 {
      %add3A_323 = arith.constant 480 : i32
      %add3A_324 = arith.addi %add3A_323, %scan3A_322 : i32
      %get3A = arith.index_cast %add3A_324 : i32 to index
      %get3A_325 = tpu.vector_load %arg5[%get3A] {strides = array<i32>} : memref<528xi32, #tpu.memory_space<vmem>>, vector<16xi32>,
      %get3A_326 = vector.shape_cast %get3A_325 : vector<16xi32> to vector<16xi32>
      %slice3A = vector.extract_strided_slice %get3A_326 {offsets = [0], sizes = [1], strides = [1]} : vector<16xi32> to vector<1xi32>
      %squeeze3A = vector.extract %slice3A[0] : i32 from vector<1xi32>
      %shift_right_logical3A = arith.constant 3 : i32
      %shift_right_logical3A_327 = arith.shrui %squeeze3A, %shift_right_logical3A : i32
      %dma_start3A = arith.constant 0 : i32
      %dma_start3A_328 = arith.constant 0 : i32
      %dma_start3A_329 = arith.constant 0 : i32
      %dma_start3A_330 = tpu.memref_slice %arg6[%dma_start3A, %scan3A_322, %dma_start3A_328, %dma_start3A_329] : memref<3x32x8x64xf32, #tpu.memory_space<vmem>> -> memref<1x1x8x64xf32, #tpu.memory_space<vmem>>
      %dma_start3A_331 = tpu.memref_squeeze %dma_start3A_330 : memref<1x1x8x64xf32, #tpu.memory_space<vmem>> -> memref<8x64xf32, #tpu.memory_space<vmem>>
      %dma_start3A_332 = arith.constant 0 : i32
      %dma_start3A_333 = arith.constant 0 : i32
      %dma_start3A_334 = tpu.memref_slice %arg3[%shift_right_logical3A_327, %dma_start3A_332, %dma_start3A_333] : memref<125000x8x64xf32, #tpu.memory_space<hbm>> -> memref<1x8x64xf32, #tpu.memory_space<hbm>>
      %dma_start3A_335 = tpu.memref_squeeze %dma_start3A_334 : memref<1x8x64xf32, #tpu.memory_space<hbm>> -> memref<8x64xf32, #tpu.memory_space<hbm>>
      %dma_start3A_336 = arith.constant 0 : i32
      %dma_start3A_337 = arith.constant 0 : i32
      %dma_start3A_338 = tpu.memref_slice %arg6[%dma_start3A, %scan3A_322, %dma_start3A_336, %dma_start3A_337] : memref<3x32x8x64xf32, #tpu.memory_space<vmem>> -> memref<1x1x8x64xf32, #tpu.memory_space<vmem>>
      %dma_start3A_339 = tpu.memref_squeeze %dma_start3A_338 : memref<1x1x8x64xf32, #tpu.memory_space<vmem>> -> memref<8x64xf32, #tpu.memory_space<vmem>>
      %dma_start3A_340 = arith.constant 0 : i32
      %dma_start3A_341 = arith.constant 0 : i32
      %dma_start3A_342 = tpu.memref_slice %arg3[%shift_right_logical3A_327, %dma_start3A_340, %dma_start3A_341] : memref<125000x8x64xf32, #tpu.memory_space<hbm>> -> memref<1x8x64xf32, #tpu.memory_space<hbm>>
      %dma_start3A_343 = tpu.memref_squeeze %dma_start3A_342 : memref<1x8x64xf32, #tpu.memory_space<hbm>> -> memref<8x64xf32, #tpu.memory_space<hbm>>
      tpu.enqueue_dma source(%dma_start3A_343 : memref<8x64xf32, #tpu.memory_space<hbm>>) target(%dma_start3A_339 : memref<8x64xf32, #tpu.memory_space<vmem>>) target_semaphore(%arg8 : memref<!tpu.dma_semaphore, #tpu.memory_space<semaphore_mem>>)
    }
    %scan3A_279 = arith.constant 32 : i32
    %scan3A_280 = arith.constant 0 : i32
    %scan3A_281 = arith.constant 0 : i32
    %scan3A_282 = arith.constant 32 : i32
    %scan3A_283 = arith.addi %scan3A_281, %scan3A_282 : i32
    %scan3A_284 = arith.constant 1 : i32
    scf.for %scan3A_322 = %scan3A_281 to %scan3A_283 step %scan3A_284  : i32 {
      %dma_wait3A = arith.constant 0 : i32
      %dma_wait3A_323 = arith.constant 1 : i32
      %dma_wait3A_324 = arith.constant 0 : i32
      %dma_wait3A_325 = arith.constant 0 : i32
      %dma_wait3A_326 = tpu.memref_slice %arg6[%dma_wait3A_323, %scan3A_322, %dma_wait3A_324, %dma_wait3A_325] : memref<3x32x8x64xf32, #tpu.memory_space<vmem>> -> memref<1x1x8x64xf32, #tpu.memory_space<vmem>>
      %dma_wait3A_327 = tpu.memref_squeeze %dma_wait3A_326 : memref<1x1x8x64xf32, #tpu.memory_space<vmem>> -> memref<8x64xf32, #tpu.memory_space<vmem>>
      %dma_wait3A_328 = arith.constant 0 : i32
      %dma_wait3A_329 = arith.constant 0 : i32
      %dma_wait3A_330 = tpu.memref_slice %arg3[%dma_wait3A, %dma_wait3A_328, %dma_wait3A_329] : memref<125000x8x64xf32, #tpu.memory_space<hbm>> -> memref<1x8x64xf32, #tpu.memory_space<hbm>>
      %dma_wait3A_331 = tpu.memref_squeeze %dma_wait3A_330 : memref<1x8x64xf32, #tpu.memory_space<hbm>> -> memref<8x64xf32, #tpu.memory_space<hbm>>
      %dma_wait3A_332 = arith.constant 0 : i32
      %dma_wait3A_333 = arith.constant 0 : i32
      %dma_wait3A_334 = tpu.memref_slice %arg6[%dma_wait3A_323, %scan3A_322, %dma_wait3A_332, %dma_wait3A_333] : memref<3x32x8x64xf32, #tpu.memory_space<vmem>> -> memref<1x1x8x64xf32, #tpu.memory_space<vmem>>
      %dma_wait3A_335 = tpu.memref_squeeze %dma_wait3A_334 : memref<1x1x8x64xf32, #tpu.memory_space<vmem>> -> memref<8x64xf32, #tpu.memory_space<vmem>>
      %dma_wait3A_336 = arith.constant 0 : i32
      %dma_wait3A_337 = arith.constant 0 : i32
      %dma_wait3A_338 = tpu.memref_slice %arg3[%dma_wait3A, %dma_wait3A_336, %dma_wait3A_337] : memref<125000x8x64xf32, #tpu.memory_space<hbm>> -> memref<1x8x64xf32, #tpu.memory_space<hbm>>
      %dma_wait3A_339 = tpu.memref_squeeze %dma_wait3A_338 : memref<1x8x64xf32, #tpu.memory_space<hbm>> -> memref<8x64xf32, #tpu.memory_space<hbm>>
      tpu.wait_dma2 semaphore(%arg8 : memref<!tpu.dma_semaphore, #tpu.memory_space<semaphore_mem>>) src(%dma_wait3A_339 : memref<8x64xf32, #tpu.memory_space<hbm>>) dst(%dma_wait3A_335 : memref<8x64xf32, #tpu.memory_space<vmem>>)
    }
    %scan3A_285 = arith.constant 32 : i32
    %scan3A_286 = arith.constant 0 : i32
    %scan3A_287 = arith.constant 0 : i32
    %scan3A_288 = arith.constant 32 : i32
    %scan3A_289 = arith.addi %scan3A_287, %scan3A_288 : i32
    %scan3A_290 = arith.constant 1 : i32
    scf.for %scan3A_322 = %scan3A_287 to %scan3A_289 step %scan3A_290  : i32 {
      %add3A_323 = arith.constant 416 : i32
      %add3A_324 = arith.addi %add3A_323, %scan3A_322 : i32
      %get3A = arith.index_cast %add3A_324 : i32 to index
      %get3A_325 = tpu.vector_load %arg5[%get3A] {strides = array<i32>} : memref<528xi32, #tpu.memory_space<vmem>>, vector<16xi32>,
      %get3A_326 = vector.shape_cast %get3A_325 : vector<16xi32> to vector<16xi32>
      %slice3A = vector.extract_strided_slice %get3A_326 {offsets = [0], sizes = [1], strides = [1]} : vector<16xi32> to vector<1xi32>
      %squeeze3A = vector.extract %slice3A[0] : i32 from vector<1xi32>
      %and3A = arith.constant 7 : i32
      %and3A_327 = arith.andi %squeeze3A, %and3A : i32
      %get3A_328 = arith.constant 1 : i32
      %get3A_329 = arith.index_cast %get3A_328 : i32 to index
      %get3A_330 = arith.index_cast %scan3A_322 : i32 to index
      %get3A_331 = arith.index_cast %and3A_327 : i32 to index
      %get3A_332 = arith.constant 0 : index
      %get3A_333 = tpu.vector_load %arg6[%get3A_329, %get3A_330, %get3A_331, %get3A_332] {strides = array<i32>} : memref<3x32x8x64xf32, #tpu.memory_space<vmem>>, vector<1x1x1x16xf32>,
      %get3A_334 = vector.shape_cast %get3A_333 : vector<1x1x1x16xf32> to vector<16xf32>
      %swap3A = arith.index_cast %scan3A_322 : i32 to index
      %swap3A_335 = arith.constant 0 : index
      %swap3A_336 = tpu.vector_load %arg7[%swap3A, %swap3A_335] {strides = array<i32>} : memref<32x64xf32, #tpu.memory_space<vmem>>, vector<1x16xf32>,
      %swap3A_337 = vector.shape_cast %swap3A_336 : vector<1x16xf32> to vector<16xf32>
      %swap3A_338 = vector.shape_cast %get3A_334 : vector<16xf32> to vector<1x16xf32>
      tpu.vector_store %arg7[%swap3A, %swap3A_335], %swap3A_338 {strides = array<i32>} : memref<32x64xf32, #tpu.memory_space<vmem>>, vector<1x16xf32>,
      %get3A_339 = arith.constant 1 : i32
      %get3A_340 = arith.index_cast %get3A_339 : i32 to index
      %get3A_341 = arith.index_cast %scan3A_322 : i32 to index
      %get3A_342 = arith.index_cast %and3A_327 : i32 to index
      %get3A_343 = arith.constant 16 : index
      %get3A_344 = tpu.vector_load %arg6[%get3A_340, %get3A_341, %get3A_342, %get3A_343] {strides = array<i32>} : memref<3x32x8x64xf32, #tpu.memory_space<vmem>>, vector<1x1x1x16xf32>,
      %get3A_345 = vector.shape_cast %get3A_344 : vector<1x1x1x16xf32> to vector<16xf32>
      %swap3A_346 = arith.index_cast %scan3A_322 : i32 to index
      %swap3A_347 = arith.constant 16 : index
      %swap3A_348 = tpu.vector_load %arg7[%swap3A_346, %swap3A_347] {strides = array<i32>} : memref<32x64xf32, #tpu.memory_space<vmem>>, vector<1x16xf32>,
      %swap3A_349 = vector.shape_cast %swap3A_348 : vector<1x16xf32> to vector<16xf32>
      %swap3A_350 = vector.shape_cast %get3A_345 : vector<16xf32> to vector<1x16xf32>
      tpu.vector_store %arg7[%swap3A_346, %swap3A_347], %swap3A_350 {strides = array<i32>} : memref<32x64xf32, #tpu.memory_space<vmem>>, vector<1x16xf32>,
      %get3A_351 = arith.constant 1 : i32
      %get3A_352 = arith.index_cast %get3A_351 : i32 to index
      %get3A_353 = arith.index_cast %scan3A_322 : i32 to index
      %get3A_354 = arith.index_cast %and3A_327 : i32 to index
      %get3A_355 = arith.constant 32 : index
      %get3A_356 = tpu.vector_load %arg6[%get3A_352, %get3A_353, %get3A_354, %get3A_355] {strides = array<i32>} : memref<3x32x8x64xf32, #tpu.memory_space<vmem>>, vector<1x1x1x16xf32>,
      %get3A_357 = vector.shape_cast %get3A_356 : vector<1x1x1x16xf32> to vector<16xf32>
      %swap3A_358 = arith.index_cast %scan3A_322 : i32 to index
      %swap3A_359 = arith.constant 32 : index
      %swap3A_360 = tpu.vector_load %arg7[%swap3A_358, %swap3A_359] {strides = array<i32>} : memref<32x64xf32, #tpu.memory_space<vmem>>, vector<1x16xf32>,
      %swap3A_361 = vector.shape_cast %swap3A_360 : vector<1x16xf32> to vector<16xf32>
      %swap3A_362 = vector.shape_cast %get3A_357 : vector<16xf32> to vector<1x16xf32>
      tpu.vector_store %arg7[%swap3A_358, %swap3A_359], %swap3A_362 {strides = array<i32>} : memref<32x64xf32, #tpu.memory_space<vmem>>, vector<1x16xf32>,
      %get3A_363 = arith.constant 1 : i32
      %get3A_364 = arith.index_cast %get3A_363 : i32 to index
      %get3A_365 = arith.index_cast %scan3A_322 : i32 to index
      %get3A_366 = arith.index_cast %and3A_327 : i32 to index
      %get3A_367 = arith.constant 48 : index
      %get3A_368 = tpu.vector_load %arg6[%get3A_364, %get3A_365, %get3A_366, %get3A_367] {strides = array<i32>} : memref<3x32x8x64xf32, #tpu.memory_space<vmem>>, vector<1x1x1x16xf32>,
      %get3A_369 = vector.shape_cast %get3A_368 : vector<1x1x1x16xf32> to vector<16xf32>
      %swap3A_370 = arith.index_cast %scan3A_322 : i32 to index
      %swap3A_371 = arith.constant 48 : index
      %swap3A_372 = tpu.vector_load %arg7[%swap3A_370, %swap3A_371] {strides = array<i32>} : memref<32x64xf32, #tpu.memory_space<vmem>>, vector<1x16xf32>,
      %swap3A_373 = vector.shape_cast %swap3A_372 : vector<1x16xf32> to vector<16xf32>
      %swap3A_374 = vector.shape_cast %get3A_369 : vector<16xf32> to vector<1x16xf32>
      tpu.vector_store %arg7[%swap3A_370, %swap3A_371], %swap3A_374 {strides = array<i32>} : memref<32x64xf32, #tpu.memory_space<vmem>>, vector<1x16xf32>,
    }
    %scan3A_291 = arith.constant 32 : i32
    %add3A_292 = arith.constant 416 : i32
    %add3A_293 = arith.addi %mul3A_2, %add3A_292 : i32
    "tpu.region"() ({
      %run_scoped3A = tpu.sem_alloc : memref<!tpu.dma_semaphore, #tpu.memory_space<semaphore_mem>>
      %dma_start3A = arith.constant 0 : i32
      %dma_start3A_322 = tpu.memref_slice %arg4[%add3A_293, %dma_start3A] : memref<16384x64xf32, #tpu.memory_space<hbm>> -> memref<32x64xf32, #tpu.memory_space<hbm>>
      %dma_start3A_323 = arith.constant 0 : i32
      %dma_start3A_324 = tpu.memref_slice %arg4[%add3A_293, %dma_start3A_323] : memref<16384x64xf32, #tpu.memory_space<hbm>> -> memref<32x64xf32, #tpu.memory_space<hbm>>
      tpu.enqueue_dma source(%arg7 : memref<32x64xf32, #tpu.memory_space<vmem>>) target(%dma_start3A_324 : memref<32x64xf32, #tpu.memory_space<hbm>>) target_semaphore(%run_scoped3A : memref<!tpu.dma_semaphore, #tpu.memory_space<semaphore_mem>>)
      %dma_wait3A = arith.constant 0 : i32
      %dma_wait3A_325 = tpu.memref_slice %arg4[%add3A_293, %dma_wait3A] : memref<16384x64xf32, #tpu.memory_space<hbm>> -> memref<32x64xf32, #tpu.memory_space<hbm>>
      %dma_wait3A_326 = arith.constant 0 : i32
      %dma_wait3A_327 = tpu.memref_slice %arg4[%add3A_293, %dma_wait3A_326] : memref<16384x64xf32, #tpu.memory_space<hbm>> -> memref<32x64xf32, #tpu.memory_space<hbm>>
      tpu.wait_dma2 semaphore(%run_scoped3A : memref<!tpu.dma_semaphore, #tpu.memory_space<semaphore_mem>>) src(%arg7 : memref<32x64xf32, #tpu.memory_space<vmem>>) dst(%dma_wait3A_327 : memref<32x64xf32, #tpu.memory_space<hbm>>)
      tpu.yield
    }) : () -> ()
    %scan3A_294 = arith.constant 0 : i32
    %scan3A_295 = arith.constant 0 : i32
    %scan3A_296 = arith.constant 32 : i32
    %scan3A_297 = arith.addi %scan3A_295, %scan3A_296 : i32
    %scan3A_298 = arith.constant 1 : i32
    scf.for %scan3A_322 = %scan3A_295 to %scan3A_297 step %scan3A_298  : i32 {
      %dma_wait3A = arith.constant 0 : i32
      %dma_wait3A_323 = arith.constant 2 : i32
      %dma_wait3A_324 = arith.constant 0 : i32
      %dma_wait3A_325 = arith.constant 0 : i32
      %dma_wait3A_326 = tpu.memref_slice %arg6[%dma_wait3A_323, %scan3A_322, %dma_wait3A_324, %dma_wait3A_325] : memref<3x32x8x64xf32, #tpu.memory_space<vmem>> -> memref<1x1x8x64xf32, #tpu.memory_space<vmem>>
      %dma_wait3A_327 = tpu.memref_squeeze %dma_wait3A_326 : memref<1x1x8x64xf32, #tpu.memory_space<vmem>> -> memref<8x64xf32, #tpu.memory_space<vmem>>
      %dma_wait3A_328 = arith.constant 0 : i32
      %dma_wait3A_329 = arith.constant 0 : i32
      %dma_wait3A_330 = tpu.memref_slice %arg3[%dma_wait3A, %dma_wait3A_328, %dma_wait3A_329] : memref<125000x8x64xf32, #tpu.memory_space<hbm>> -> memref<1x8x64xf32, #tpu.memory_space<hbm>>
      %dma_wait3A_331 = tpu.memref_squeeze %dma_wait3A_330 : memref<1x8x64xf32, #tpu.memory_space<hbm>> -> memref<8x64xf32, #tpu.memory_space<hbm>>
      %dma_wait3A_332 = arith.constant 0 : i32
      %dma_wait3A_333 = arith.constant 0 : i32
      %dma_wait3A_334 = tpu.memref_slice %arg6[%dma_wait3A_323, %scan3A_322, %dma_wait3A_332, %dma_wait3A_333] : memref<3x32x8x64xf32, #tpu.memory_space<vmem>> -> memref<1x1x8x64xf32, #tpu.memory_space<vmem>>
      %dma_wait3A_335 = tpu.memref_squeeze %dma_wait3A_334 : memref<1x1x8x64xf32, #tpu.memory_space<vmem>> -> memref<8x64xf32, #tpu.memory_space<vmem>>
      %dma_wait3A_336 = arith.constant 0 : i32
      %dma_wait3A_337 = arith.constant 0 : i32
      %dma_wait3A_338 = tpu.memref_slice %arg3[%dma_wait3A, %dma_wait3A_336, %dma_wait3A_337] : memref<125000x8x64xf32, #tpu.memory_space<hbm>> -> memref<1x8x64xf32, #tpu.memory_space<hbm>>
      %dma_wait3A_339 = tpu.memref_squeeze %dma_wait3A_338 : memref<1x8x64xf32, #tpu.memory_space<hbm>> -> memref<8x64xf32, #tpu.memory_space<hbm>>
      tpu.wait_dma2 semaphore(%arg8 : memref<!tpu.dma_semaphore, #tpu.memory_space<semaphore_mem>>) src(%dma_wait3A_339 : memref<8x64xf32, #tpu.memory_space<hbm>>) dst(%dma_wait3A_335 : memref<8x64xf32, #tpu.memory_space<vmem>>)
    }
    %scan3A_299 = arith.constant 32 : i32
    %scan3A_300 = arith.constant 0 : i32
    %scan3A_301 = arith.constant 0 : i32
    %scan3A_302 = arith.constant 32 : i32
    %scan3A_303 = arith.addi %scan3A_301, %scan3A_302 : i32
    %scan3A_304 = arith.constant 1 : i32
    scf.for %scan3A_322 = %scan3A_301 to %scan3A_303 step %scan3A_304  : i32 {
      %add3A_323 = arith.constant 448 : i32
      %add3A_324 = arith.addi %add3A_323, %scan3A_322 : i32
      %get3A = arith.index_cast %add3A_324 : i32 to index
      %get3A_325 = tpu.vector_load %arg5[%get3A] {strides = array<i32>} : memref<528xi32, #tpu.memory_space<vmem>>, vector<16xi32>,
      %get3A_326 = vector.shape_cast %get3A_325 : vector<16xi32> to vector<16xi32>
      %slice3A = vector.extract_strided_slice %get3A_326 {offsets = [0], sizes = [1], strides = [1]} : vector<16xi32> to vector<1xi32>
      %squeeze3A = vector.extract %slice3A[0] : i32 from vector<1xi32>
      %and3A = arith.constant 7 : i32
      %and3A_327 = arith.andi %squeeze3A, %and3A : i32
      %get3A_328 = arith.constant 2 : i32
      %get3A_329 = arith.index_cast %get3A_328 : i32 to index
      %get3A_330 = arith.index_cast %scan3A_322 : i32 to index
      %get3A_331 = arith.index_cast %and3A_327 : i32 to index
      %get3A_332 = arith.constant 0 : index
      %get3A_333 = tpu.vector_load %arg6[%get3A_329, %get3A_330, %get3A_331, %get3A_332] {strides = array<i32>} : memref<3x32x8x64xf32, #tpu.memory_space<vmem>>, vector<1x1x1x16xf32>,
      %get3A_334 = vector.shape_cast %get3A_333 : vector<1x1x1x16xf32> to vector<16xf32>
      %swap3A = arith.index_cast %scan3A_322 : i32 to index
      %swap3A_335 = arith.constant 0 : index
      %swap3A_336 = tpu.vector_load %arg7[%swap3A, %swap3A_335] {strides = array<i32>} : memref<32x64xf32, #tpu.memory_space<vmem>>, vector<1x16xf32>,
      %swap3A_337 = vector.shape_cast %swap3A_336 : vector<1x16xf32> to vector<16xf32>
      %swap3A_338 = vector.shape_cast %get3A_334 : vector<16xf32> to vector<1x16xf32>
      tpu.vector_store %arg7[%swap3A, %swap3A_335], %swap3A_338 {strides = array<i32>} : memref<32x64xf32, #tpu.memory_space<vmem>>, vector<1x16xf32>,
      %get3A_339 = arith.constant 2 : i32
      %get3A_340 = arith.index_cast %get3A_339 : i32 to index
      %get3A_341 = arith.index_cast %scan3A_322 : i32 to index
      %get3A_342 = arith.index_cast %and3A_327 : i32 to index
      %get3A_343 = arith.constant 16 : index
      %get3A_344 = tpu.vector_load %arg6[%get3A_340, %get3A_341, %get3A_342, %get3A_343] {strides = array<i32>} : memref<3x32x8x64xf32, #tpu.memory_space<vmem>>, vector<1x1x1x16xf32>,
      %get3A_345 = vector.shape_cast %get3A_344 : vector<1x1x1x16xf32> to vector<16xf32>
      %swap3A_346 = arith.index_cast %scan3A_322 : i32 to index
      %swap3A_347 = arith.constant 16 : index
      %swap3A_348 = tpu.vector_load %arg7[%swap3A_346, %swap3A_347] {strides = array<i32>} : memref<32x64xf32, #tpu.memory_space<vmem>>, vector<1x16xf32>,
      %swap3A_349 = vector.shape_cast %swap3A_348 : vector<1x16xf32> to vector<16xf32>
      %swap3A_350 = vector.shape_cast %get3A_345 : vector<16xf32> to vector<1x16xf32>
      tpu.vector_store %arg7[%swap3A_346, %swap3A_347], %swap3A_350 {strides = array<i32>} : memref<32x64xf32, #tpu.memory_space<vmem>>, vector<1x16xf32>,
      %get3A_351 = arith.constant 2 : i32
      %get3A_352 = arith.index_cast %get3A_351 : i32 to index
      %get3A_353 = arith.index_cast %scan3A_322 : i32 to index
      %get3A_354 = arith.index_cast %and3A_327 : i32 to index
      %get3A_355 = arith.constant 32 : index
      %get3A_356 = tpu.vector_load %arg6[%get3A_352, %get3A_353, %get3A_354, %get3A_355] {strides = array<i32>} : memref<3x32x8x64xf32, #tpu.memory_space<vmem>>, vector<1x1x1x16xf32>,
      %get3A_357 = vector.shape_cast %get3A_356 : vector<1x1x1x16xf32> to vector<16xf32>
      %swap3A_358 = arith.index_cast %scan3A_322 : i32 to index
      %swap3A_359 = arith.constant 32 : index
      %swap3A_360 = tpu.vector_load %arg7[%swap3A_358, %swap3A_359] {strides = array<i32>} : memref<32x64xf32, #tpu.memory_space<vmem>>, vector<1x16xf32>,
      %swap3A_361 = vector.shape_cast %swap3A_360 : vector<1x16xf32> to vector<16xf32>
      %swap3A_362 = vector.shape_cast %get3A_357 : vector<16xf32> to vector<1x16xf32>
      tpu.vector_store %arg7[%swap3A_358, %swap3A_359], %swap3A_362 {strides = array<i32>} : memref<32x64xf32, #tpu.memory_space<vmem>>, vector<1x16xf32>,
      %get3A_363 = arith.constant 2 : i32
      %get3A_364 = arith.index_cast %get3A_363 : i32 to index
      %get3A_365 = arith.index_cast %scan3A_322 : i32 to index
      %get3A_366 = arith.index_cast %and3A_327 : i32 to index
      %get3A_367 = arith.constant 48 : index
      %get3A_368 = tpu.vector_load %arg6[%get3A_364, %get3A_365, %get3A_366, %get3A_367] {strides = array<i32>} : memref<3x32x8x64xf32, #tpu.memory_space<vmem>>, vector<1x1x1x16xf32>,
      %get3A_369 = vector.shape_cast %get3A_368 : vector<1x1x1x16xf32> to vector<16xf32>
      %swap3A_370 = arith.index_cast %scan3A_322 : i32 to index
      %swap3A_371 = arith.constant 48 : index
      %swap3A_372 = tpu.vector_load %arg7[%swap3A_370, %swap3A_371] {strides = array<i32>} : memref<32x64xf32, #tpu.memory_space<vmem>>, vector<1x16xf32>,
      %swap3A_373 = vector.shape_cast %swap3A_372 : vector<1x16xf32> to vector<16xf32>
      %swap3A_374 = vector.shape_cast %get3A_369 : vector<16xf32> to vector<1x16xf32>
      tpu.vector_store %arg7[%swap3A_370, %swap3A_371], %swap3A_374 {strides = array<i32>} : memref<32x64xf32, #tpu.memory_space<vmem>>, vector<1x16xf32>,
    }
    %scan3A_305 = arith.constant 32 : i32
    %add3A_306 = arith.constant 448 : i32
    %add3A_307 = arith.addi %mul3A_2, %add3A_306 : i32
    "tpu.region"() ({
      %run_scoped3A = tpu.sem_alloc : memref<!tpu.dma_semaphore, #tpu.memory_space<semaphore_mem>>
      %dma_start3A = arith.constant 0 : i32
      %dma_start3A_322 = tpu.memref_slice %arg4[%add3A_307, %dma_start3A] : memref<16384x64xf32, #tpu.memory_space<hbm>> -> memref<32x64xf32, #tpu.memory_space<hbm>>
      %dma_start3A_323 = arith.constant 0 : i32
      %dma_start3A_324 = tpu.memref_slice %arg4[%add3A_307, %dma_start3A_323] : memref<16384x64xf32, #tpu.memory_space<hbm>> -> memref<32x64xf32, #tpu.memory_space<hbm>>
      tpu.enqueue_dma source(%arg7 : memref<32x64xf32, #tpu.memory_space<vmem>>) target(%dma_start3A_324 : memref<32x64xf32, #tpu.memory_space<hbm>>) target_semaphore(%run_scoped3A : memref<!tpu.dma_semaphore, #tpu.memory_space<semaphore_mem>>)
      %dma_wait3A = arith.constant 0 : i32
      %dma_wait3A_325 = tpu.memref_slice %arg4[%add3A_307, %dma_wait3A] : memref<16384x64xf32, #tpu.memory_space<hbm>> -> memref<32x64xf32, #tpu.memory_space<hbm>>
      %dma_wait3A_326 = arith.constant 0 : i32
      %dma_wait3A_327 = tpu.memref_slice %arg4[%add3A_307, %dma_wait3A_326] : memref<16384x64xf32, #tpu.memory_space<hbm>> -> memref<32x64xf32, #tpu.memory_space<hbm>>
      tpu.wait_dma2 semaphore(%run_scoped3A : memref<!tpu.dma_semaphore, #tpu.memory_space<semaphore_mem>>) src(%arg7 : memref<32x64xf32, #tpu.memory_space<vmem>>) dst(%dma_wait3A_327 : memref<32x64xf32, #tpu.memory_space<hbm>>)
      tpu.yield
    }) : () -> ()
    %scan3A_308 = arith.constant 0 : i32
    %scan3A_309 = arith.constant 0 : i32
    %scan3A_310 = arith.constant 32 : i32
    %scan3A_311 = arith.addi %scan3A_309, %scan3A_310 : i32
    %scan3A_312 = arith.constant 1 : i32
    scf.for %scan3A_322 = %scan3A_309 to %scan3A_311 step %scan3A_312  : i32 {
      %dma_wait3A = arith.constant 0 : i32
      %dma_wait3A_323 = arith.constant 0 : i32
      %dma_wait3A_324 = arith.constant 0 : i32
      %dma_wait3A_325 = arith.constant 0 : i32
      %dma_wait3A_326 = tpu.memref_slice %arg6[%dma_wait3A_323, %scan3A_322, %dma_wait3A_324, %dma_wait3A_325] : memref<3x32x8x64xf32, #tpu.memory_space<vmem>> -> memref<1x1x8x64xf32, #tpu.memory_space<vmem>>
      %dma_wait3A_327 = tpu.memref_squeeze %dma_wait3A_326 : memref<1x1x8x64xf32, #tpu.memory_space<vmem>> -> memref<8x64xf32, #tpu.memory_space<vmem>>
      %dma_wait3A_328 = arith.constant 0 : i32
      %dma_wait3A_329 = arith.constant 0 : i32
      %dma_wait3A_330 = tpu.memref_slice %arg3[%dma_wait3A, %dma_wait3A_328, %dma_wait3A_329] : memref<125000x8x64xf32, #tpu.memory_space<hbm>> -> memref<1x8x64xf32, #tpu.memory_space<hbm>>
      %dma_wait3A_331 = tpu.memref_squeeze %dma_wait3A_330 : memref<1x8x64xf32, #tpu.memory_space<hbm>> -> memref<8x64xf32, #tpu.memory_space<hbm>>
      %dma_wait3A_332 = arith.constant 0 : i32
      %dma_wait3A_333 = arith.constant 0 : i32
      %dma_wait3A_334 = tpu.memref_slice %arg6[%dma_wait3A_323, %scan3A_322, %dma_wait3A_332, %dma_wait3A_333] : memref<3x32x8x64xf32, #tpu.memory_space<vmem>> -> memref<1x1x8x64xf32, #tpu.memory_space<vmem>>
      %dma_wait3A_335 = tpu.memref_squeeze %dma_wait3A_334 : memref<1x1x8x64xf32, #tpu.memory_space<vmem>> -> memref<8x64xf32, #tpu.memory_space<vmem>>
      %dma_wait3A_336 = arith.constant 0 : i32
      %dma_wait3A_337 = arith.constant 0 : i32
      %dma_wait3A_338 = tpu.memref_slice %arg3[%dma_wait3A, %dma_wait3A_336, %dma_wait3A_337] : memref<125000x8x64xf32, #tpu.memory_space<hbm>> -> memref<1x8x64xf32, #tpu.memory_space<hbm>>
      %dma_wait3A_339 = tpu.memref_squeeze %dma_wait3A_338 : memref<1x8x64xf32, #tpu.memory_space<hbm>> -> memref<8x64xf32, #tpu.memory_space<hbm>>
      tpu.wait_dma2 semaphore(%arg8 : memref<!tpu.dma_semaphore, #tpu.memory_space<semaphore_mem>>) src(%dma_wait3A_339 : memref<8x64xf32, #tpu.memory_space<hbm>>) dst(%dma_wait3A_335 : memref<8x64xf32, #tpu.memory_space<vmem>>)
    }
    %scan3A_313 = arith.constant 32 : i32
    %scan3A_314 = arith.constant 0 : i32
    %scan3A_315 = arith.constant 0 : i32
    %scan3A_316 = arith.constant 32 : i32
    %scan3A_317 = arith.addi %scan3A_315, %scan3A_316 : i32
    %scan3A_318 = arith.constant 1 : i32
    scf.for %scan3A_322 = %scan3A_315 to %scan3A_317 step %scan3A_318  : i32 {
      %add3A_323 = arith.constant 480 : i32
      %add3A_324 = arith.addi %add3A_323, %scan3A_322 : i32
      %get3A = arith.index_cast %add3A_324 : i32 to index
      %get3A_325 = tpu.vector_load %arg5[%get3A] {strides = array<i32>} : memref<528xi32, #tpu.memory_space<vmem>>, vector<16xi32>,
      %get3A_326 = vector.shape_cast %get3A_325 : vector<16xi32> to vector<16xi32>
      %slice3A = vector.extract_strided_slice %get3A_326 {offsets = [0], sizes = [1], strides = [1]} : vector<16xi32> to vector<1xi32>
      %squeeze3A = vector.extract %slice3A[0] : i32 from vector<1xi32>
      %and3A = arith.constant 7 : i32
      %and3A_327 = arith.andi %squeeze3A, %and3A : i32
      %get3A_328 = arith.constant 0 : i32
      %get3A_329 = arith.index_cast %get3A_328 : i32 to index
      %get3A_330 = arith.index_cast %scan3A_322 : i32 to index
      %get3A_331 = arith.index_cast %and3A_327 : i32 to index
      %get3A_332 = arith.constant 0 : index
      %get3A_333 = tpu.vector_load %arg6[%get3A_329, %get3A_330, %get3A_331, %get3A_332] {strides = array<i32>} : memref<3x32x8x64xf32, #tpu.memory_space<vmem>>, vector<1x1x1x16xf32>,
      %get3A_334 = vector.shape_cast %get3A_333 : vector<1x1x1x16xf32> to vector<16xf32>
      %swap3A = arith.index_cast %scan3A_322 : i32 to index
      %swap3A_335 = arith.constant 0 : index
      %swap3A_336 = tpu.vector_load %arg7[%swap3A, %swap3A_335] {strides = array<i32>} : memref<32x64xf32, #tpu.memory_space<vmem>>, vector<1x16xf32>,
      %swap3A_337 = vector.shape_cast %swap3A_336 : vector<1x16xf32> to vector<16xf32>
      %swap3A_338 = vector.shape_cast %get3A_334 : vector<16xf32> to vector<1x16xf32>
      tpu.vector_store %arg7[%swap3A, %swap3A_335], %swap3A_338 {strides = array<i32>} : memref<32x64xf32, #tpu.memory_space<vmem>>, vector<1x16xf32>,
      %get3A_339 = arith.constant 0 : i32
      %get3A_340 = arith.index_cast %get3A_339 : i32 to index
      %get3A_341 = arith.index_cast %scan3A_322 : i32 to index
      %get3A_342 = arith.index_cast %and3A_327 : i32 to index
      %get3A_343 = arith.constant 16 : index
      %get3A_344 = tpu.vector_load %arg6[%get3A_340, %get3A_341, %get3A_342, %get3A_343] {strides = array<i32>} : memref<3x32x8x64xf32, #tpu.memory_space<vmem>>, vector<1x1x1x16xf32>,
      %get3A_345 = vector.shape_cast %get3A_344 : vector<1x1x1x16xf32> to vector<16xf32>
      %swap3A_346 = arith.index_cast %scan3A_322 : i32 to index
      %swap3A_347 = arith.constant 16 : index
      %swap3A_348 = tpu.vector_load %arg7[%swap3A_346, %swap3A_347] {strides = array<i32>} : memref<32x64xf32, #tpu.memory_space<vmem>>, vector<1x16xf32>,
      %swap3A_349 = vector.shape_cast %swap3A_348 : vector<1x16xf32> to vector<16xf32>
      %swap3A_350 = vector.shape_cast %get3A_345 : vector<16xf32> to vector<1x16xf32>
      tpu.vector_store %arg7[%swap3A_346, %swap3A_347], %swap3A_350 {strides = array<i32>} : memref<32x64xf32, #tpu.memory_space<vmem>>, vector<1x16xf32>,
      %get3A_351 = arith.constant 0 : i32
      %get3A_352 = arith.index_cast %get3A_351 : i32 to index
      %get3A_353 = arith.index_cast %scan3A_322 : i32 to index
      %get3A_354 = arith.index_cast %and3A_327 : i32 to index
      %get3A_355 = arith.constant 32 : index
      %get3A_356 = tpu.vector_load %arg6[%get3A_352, %get3A_353, %get3A_354, %get3A_355] {strides = array<i32>} : memref<3x32x8x64xf32, #tpu.memory_space<vmem>>, vector<1x1x1x16xf32>,
      %get3A_357 = vector.shape_cast %get3A_356 : vector<1x1x1x16xf32> to vector<16xf32>
      %swap3A_358 = arith.index_cast %scan3A_322 : i32 to index
      %swap3A_359 = arith.constant 32 : index
      %swap3A_360 = tpu.vector_load %arg7[%swap3A_358, %swap3A_359] {strides = array<i32>} : memref<32x64xf32, #tpu.memory_space<vmem>>, vector<1x16xf32>,
      %swap3A_361 = vector.shape_cast %swap3A_360 : vector<1x16xf32> to vector<16xf32>
      %swap3A_362 = vector.shape_cast %get3A_357 : vector<16xf32> to vector<1x16xf32>
      tpu.vector_store %arg7[%swap3A_358, %swap3A_359], %swap3A_362 {strides = array<i32>} : memref<32x64xf32, #tpu.memory_space<vmem>>, vector<1x16xf32>,
      %get3A_363 = arith.constant 0 : i32
      %get3A_364 = arith.index_cast %get3A_363 : i32 to index
      %get3A_365 = arith.index_cast %scan3A_322 : i32 to index
      %get3A_366 = arith.index_cast %and3A_327 : i32 to index
      %get3A_367 = arith.constant 48 : index
      %get3A_368 = tpu.vector_load %arg6[%get3A_364, %get3A_365, %get3A_366, %get3A_367] {strides = array<i32>} : memref<3x32x8x64xf32, #tpu.memory_space<vmem>>, vector<1x1x1x16xf32>,
      %get3A_369 = vector.shape_cast %get3A_368 : vector<1x1x1x16xf32> to vector<16xf32>
      %swap3A_370 = arith.index_cast %scan3A_322 : i32 to index
      %swap3A_371 = arith.constant 48 : index
      %swap3A_372 = tpu.vector_load %arg7[%swap3A_370, %swap3A_371] {strides = array<i32>} : memref<32x64xf32, #tpu.memory_space<vmem>>, vector<1x16xf32>,
      %swap3A_373 = vector.shape_cast %swap3A_372 : vector<1x16xf32> to vector<16xf32>
      %swap3A_374 = vector.shape_cast %get3A_369 : vector<16xf32> to vector<1x16xf32>
      tpu.vector_store %arg7[%swap3A_370, %swap3A_371], %swap3A_374 {strides = array<i32>} : memref<32x64xf32, #tpu.memory_space<vmem>>, vector<1x16xf32>,
    }
    %scan3A_319 = arith.constant 32 : i32
    %add3A_320 = arith.constant 480 : i32
    %add3A_321 = arith.addi %mul3A_2, %add3A_320 : i32
    "tpu.region"() ({
      %run_scoped3A = tpu.sem_alloc : memref<!tpu.dma_semaphore, #tpu.memory_space<semaphore_mem>>
      %dma_start3A = arith.constant 0 : i32
      %dma_start3A_322 = tpu.memref_slice %arg4[%add3A_321, %dma_start3A] : memref<16384x64xf32, #tpu.memory_space<hbm>> -> memref<32x64xf32, #tpu.memory_space<hbm>>
      %dma_start3A_323 = arith.constant 0 : i32
      %dma_start3A_324 = tpu.memref_slice %arg4[%add3A_321, %dma_start3A_323] : memref<16384x64xf32, #tpu.memory_space<hbm>> -> memref<32x64xf32, #tpu.memory_space<hbm>>
      tpu.enqueue_dma source(%arg7 : memref<32x64xf32, #tpu.memory_space<vmem>>) target(%dma_start3A_324 : memref<32x64xf32, #tpu.memory_space<hbm>>) target_semaphore(%run_scoped3A : memref<!tpu.dma_semaphore, #tpu.memory_space<semaphore_mem>>)
      %dma_wait3A = arith.constant 0 : i32
      %dma_wait3A_325 = tpu.memref_slice %arg4[%add3A_321, %dma_wait3A] : memref<16384x64xf32, #tpu.memory_space<hbm>> -> memref<32x64xf32, #tpu.memory_space<hbm>>
      %dma_wait3A_326 = arith.constant 0 : i32
      %dma_wait3A_327 = tpu.memref_slice %arg4[%add3A_321, %dma_wait3A_326] : memref<16384x64xf32, #tpu.memory_space<hbm>> -> memref<32x64xf32, #tpu.memory_space<hbm>>
      tpu.wait_dma2 semaphore(%run_scoped3A : memref<!tpu.dma_semaphore, #tpu.memory_space<semaphore_mem>>) src(%arg7 : memref<32x64xf32, #tpu.memory_space<vmem>>) dst(%dma_wait3A_327 : memref<32x64xf32, #tpu.memory_space<hbm>>)
      tpu.yield
    }) : () -> ()
    return
  }
}

</mosaic_0001>

<sc_bundles>
// kernel: kernel.3.cloned.1.call-start
scs
__scs_entry_jumppad:
0x0: {  	(pc) =	sbr.rel $0x88, $3  }
0x1: {  	(tag) =	ssettag $0x0;
	lr =	simm.s32 $0x1  }
0x2: {  	[smem:$0x3F9F] =	sst lr;
	_ =	strace $0xD0000000  }
0x3: {  	_ = 	snop  }
0x4: {  	_ = 	snop  }
0x5: {  	_ = 	snop  }
0x6: {  	_ = 	snop  }
0x7: {  	_ = 	snop  }
__scs_overlays_trampoline_lowered:
0x8: {  	[smem:$0x3FAE] =	sst s0  }
0x9: {  	[smem:$0x3FAF] =	sst s1  }
0xa: {  	[smem:$0x3FB0] =	sst s2  }
0xb: {  	[smem:$0x3FB1] =	sst s3  }
0xc: {  	[smem:$0x3FB2] =	sst s4  }
0xd: {  	[smem:$0x3FB3] =	sst s5  }
0xe: {  	[smem:$0x3FB4] =	sst s6  }
0xf: {  	[smem:$0x3FB5] =	sst s7  }
0x10: {  	[smem:$0x3FB6] =	sst s8  }
0x11: {  	[smem:$0x3FB7] =	sst s9;
	s0 =	simm.s32 @!p0 $0x0  }
0x12: {  	s1 =	sld [smem:$0x3F9D];
	s0 =	simm.s32 @p0 $0x1  }
0x13: {  	[smem:$0x3FB8] =	sst s0;
	s0 =	simm.s32 @!p1 $0x0  }
0x14: {  	s2 =	sld [smem:$0x3F9C];
	s0 =	simm.s32 @p1 $0x1  }
0x15: {  	[smem:$0x3FB9] =	sst s0;
	s0 =	simm.s32 @!p2 $0x0  }
0x16: {  	s3 =	sld [smem:$0x3FDB];
	s0 =	simm.s32 @p2 $0x1  }
0x17: {  	s4 =	simm.s32 $0x1BF5;
	[smem:$0x3FBB] =	sst s0  }
0x18: {  	s0 =	sld [smem:$0x3F9E];
	_ =	swait.ge [sflag:s4], $0x0  }
0x19: {  	s7 =	sld [smem:$0x3F9F]  }
0x1a: {  	s8 =	sadd.s32 $0xFFFFE003, lr  }
0x1b: {  	s9 =	sadd.s32 $0xFFFFFEF7, lr;
	s5 =	simm.s32 $0xFFFFFFFF;
	p2 =	slt.u32 s8, $0xFFFFF086  }
0x1c: {  	p1 =	slt.u32 s9, $0xF7A;
	s5 =	simm.s32 @!p2 $0x0  }
0x1d: {  	s5 =	simm.s32 @p1 $0x1;
	p0 =	seq.s32 s7, s2  }
0x1e: {  	s7 =	smul.u32 @!p0 $0xF7A, s2;
	p2 =	seq.s32 @!p0 s5, $0x0  }
0x1f: {  	s9 =	smul.u32 $0xF7A, s1;
	s8 =	simm.s32 @!p0 $0x1BF5;
	p2 =	por !p2, p0  }
0x20: {  	[sflag:s8] =	ssyncset.s32 @!p0 $0xFFFFF086;
	s6 =	sadd.s32 @!p0 s3, s7;
	s7 =	simm.s32 @!p0 $0x108  }
0x21: {  	s3 =	sadd.s32 s3, s9;
	s6 =	sadd.s32 @!p0 $0x88, s6;
	s7 =	simm.s32 @p2 $0x1082  }
0x22: {  	[simem:s7], [sflag:s8] =	dma.local @!p0 [hbm:s6], $0xF7A  }
0x23: {  	s9 =	sor.u32 $0xD0000000, s2;
	s6 =	simm.s32 $0x108;
	_ =	swait.ge @!p0 [sflag:s8], $0x0  }
0x24: {  	s3 =	sadd.s32 $0x88, s3;
	s6 =	simm.s32 @!p1 $0x1082;
	[sflag:s4] =	ssyncset.s32 $0xFFFFF086  }
0x25: {  	[simem:s6], [sflag:s4] =	dma.local [hbm:s3], $0xF7A  }
0x26: {  	[smem:$0x3F9F] =	sst s1;
	(tag) =	ssettag s2;
	_ =	strace s9  }
0x27: {  	s1 =	sld [smem:$0x3FAF]  }
0x28: {  	s2 =	sld [smem:$0x3FB0]  }
0x29: {  	s4 =	sld [smem:$0x3FB2]  }
0x2a: {  	p0 =	seq.s32 s5, $0x0;
	s5 =	sld [smem:$0x3FB3]  }
0x2b: {  	s6 =	sld [smem:$0x3FB4]  }
0x2c: {  	s7 =	sld [smem:$0x3FB5]  }
0x2d: {  	s3 =	simm.s32 $0x108;
	s8 =	sld [smem:$0x3FB6]  }
0x2e: {  	s3 =	simm.s32 @!p0 $0x1082;
	s9 =	sld [smem:$0x3FB7]  }
0x2f: {  	lr =	sadd.s32 s0, s3;
	s0 =	sld [smem:$0x3FAE]  }
0x30: {  	s3 =	sld [smem:$0x3FB1]  }
0x31: {  	[smem:$0x3FBA] =	sst s10  }
0x32: {  	s10 =	sld [smem:$0x3FB8];
	_ =	sdelay $0x3  }
0x33: {  	p0 =	seq.s32 s10, $0x1;
	s10 =	sld [smem:$0x3FBA];
	_ =	sdelay $0x3  }
0x34: {  	[smem:$0x3FBA] =	sst s10  }
0x35: {  	s10 =	sld [smem:$0x3FB9];
	_ =	sdelay $0x3  }
0x36: {  	p1 =	seq.s32 s10, $0x1;
	s10 =	sld [smem:$0x3FBA];
	_ =	sdelay $0x3  }
0x37: {  	[smem:$0x3FBA] =	sst s10  }
0x38: {  	s10 =	sld [smem:$0x3FBB]  }
0x39: {  	_ = 	snop;
	(pc) =	sbr.ind lr, $3  }
0x3a: {  	_ = 	snop  }
0x3b: {  	_ = 	snop  }
0x3c: {  	p2 =	seq.s32 s10, $0x1;
	s10 =	sld [smem:$0x3FBA]  }
0x3d: {  	_ =	shalt  }
0x3e: {  	_ =	shalt  }
0x3f: {  	_ =	shalt  }
0x40: {  	_ =	shalt  }
0x41: {  	_ =	shalt  }
0x42: {  	_ =	shalt  }
0x43: {  	_ =	shalt  }
0x44: {  	_ =	shalt  }
0x45: {  	_ =	shalt  }
0x46: {  	_ =	shalt  }
0x47: {  	_ =	shalt  }
0x48: {  	_ =	shalt  }
0x49: {  	_ =	shalt  }
0x4a: {  	_ =	shalt  }
0x4b: {  	_ =	shalt  }
0x4c: {  	_ =	shalt  }
0x4d: {  	_ =	shalt  }
0x4e: {  	_ =	shalt  }
0x4f: {  	_ =	shalt  }
0x50: {  	_ =	shalt  }
0x51: {  	_ =	shalt  }
0x52: {  	_ =	shalt  }
0x53: {  	_ =	shalt  }
0x54: {  	_ =	shalt  }
0x55: {  	_ =	shalt  }
0x56: {  	_ =	shalt  }
0x57: {  	_ =	shalt  }
0x58: {  	_ =	shalt  }
0x59: {  	_ =	shalt  }
0x5a: {  	_ =	shalt  }
0x5b: {  	_ =	shalt  }
0x5c: {  	_ =	shalt  }
0x5d: {  	_ =	shalt  }
0x5e: {  	_ =	shalt  }
0x5f: {  	_ =	shalt  }
0x60: {  	_ =	shalt  }
0x61: {  	_ =	shalt  }
0x62: {  	_ =	shalt  }
0x63: {  	_ =	shalt  }
0x64: {  	_ =	shalt  }
0x65: {  	_ =	shalt  }
0x66: {  	_ =	shalt  }
0x67: {  	_ =	shalt  }
0x68: {  	_ =	shalt  }
0x69: {  	_ =	shalt  }
0x6a: {  	_ =	shalt  }
0x6b: {  	_ =	shalt  }
0x6c: {  	_ =	shalt  }
0x6d: {  	_ =	shalt  }
0x6e: {  	_ =	shalt  }
0x6f: {  	_ =	shalt  }
0x70: {  	_ =	shalt  }
0x71: {  	_ =	shalt  }
0x72: {  	_ =	shalt  }
0x73: {  	_ =	shalt  }
0x74: {  	_ =	shalt  }
0x75: {  	_ =	shalt  }
0x76: {  	_ =	shalt  }
0x77: {  	_ =	shalt  }
0x78: {  	_ =	shalt  }
0x79: {  	_ =	shalt  }
0x7a: {  	_ =	shalt  }
0x7b: {  	_ =	shalt  }
0x7c: {  	_ =	shalt  }
0x7d: {  	_ =	shalt  }
0x7e: {  	_ =	shalt  }
0x7f: {  	_ =	shalt  }
0x80: {  	_ =	shalt  }
0x81: {  	_ =	shalt  }
0x82: {  	_ =	shalt  }
0x83: {  	_ =	shalt  }
0x84: {  	_ =	shalt  }
0x85: {  	_ =	shalt  }
0x86: {  	_ =	shalt  }
0x87: {  	_ =	shalt  }
.Lfunc_end0:
.L_simem_size_0:
called_computation_lowered:
.L_overlay_start_0:
0x88: {  	s2 =	sld [smem:$0x3FD9]  }
0x89: {  	s3 =	sld [smem:$0x3FFE];
	_ =	sdelay $0x1  }
0x8a: {  	s1 =	srdreg.scid  }
0x8b: {  	s0 =	sand.u32 $0x1, s1  }
0x8c: {  	s17 =	sshll.u32 s0, $0xA;
	s2 =	sadd.s32 s3, s2  }
0x8d: {  	s2 =	sadd.s32 s2, s17  }
0x8e: {  	[smem:$0x3FC6] =	sst s2  }
0x8f: {  	_ = 	snop  }
0x90: {  	s2 =	sld [smem:$0x3FC9];
	(tm) =	ssettm $0x1  }
0x91: {  	s18 =	sld [smem:$0x3FFB];
	_ =	sdelay $0x3  }
0x92: {  	_ =	strace s18  }
0x93: {  	s3 =	sld [smem:$0x3FFC];
	_ =	sdelay $0x3  }
0x94: {  	_ =	strace s3  }
0x95: {  	s3 =	sld [smem:$0x3FFD];
	_ =	sdelay $0x3  }
0x96: {  	_ =	strace s3  }
0x97: {  	_ =	strace $0x8FFFFFFF  }
0x98: {  	s19 =	sld [smem:$0x3FDB];
	_ =	sdelay $0x1  }
0x99: {  	s4 =	simm.s32 $_scs_section_size  }
0x9a: {  	s5 =	simm.s32 $_size__tile_overlayer_lowered;
	s6 =	simm.s32 $_tile_overlayer_lowered  }
0x9b: {  	s22 =	simm.s32 $0x1BFF;
	s21 =	sshll.u32 s6, $0x1;
	s3 =	sadd.s32 s4, s19  }
0x9c: {  	s7 =	simm.s32 $0x0;
	s20 =	sshll.u32 s5, $0x1;
	s5 =	sadd.s32 s21, s3  }
0x9d: {  	[timem:s7], [sflag:s22] =	dma.local [hbm:s5], s20  }
0x9e: {  	_ =	swait.ge [sflag:s22], s20  }
0x9f: {  	s4 =	ssub.s32 $0x0, s20;
	[sflag:s22] =	ssyncset.done $0x0  }
0xa0: {  	[sflag:s22] =	ssyncadd.s32 s4;
	_ =	sdelay $0x1  }
0xa1: {  	s23 =	simm.s32 $0x1B8B  }
0xa2: {  	_ =	swait.ge [sflag:s23], $0x1  }
0xa3: {  	[sflag:s23] =	ssyncset.done $0x0  }
0xa4: {  	s25 =	simm.s32 $0x1B8E;
	s24 =	sld [smem:$0x3FFE];
	[sflag:s23] =	ssyncadd.s32 $0xFFFFFFFF  }
0xa5: {  	s26 =	simm.s32 $execute0_lowered;
	[smem:$0x3FD2] =	sst s25  }
0xa6: {  	s5 =	sshll.u32 s26, $0x1;
	_ =	strace $0x80000046;
	[dreg:$0x1] =	wrdreg $0xFFFFFFFF  }
0xa7: {  	s28 =	simm.s32 $_size_execute0_lowered;
	s3 =	sadd.s32 s3, s5;
	[dreg:$0x0] =	wrdreg $0x0  }
0xa8: {  	s5 =	sshll.u32 s28, $0x1;
	[dreg:$0x2] =	wrdreg s3  }
0xa9: {  	[dreg:$0x3] =	wrdreg s5  }
0xaa: {  	[dreg:$0x4] =	wrdreg $0xC0  }
0xab: {  	_ =	task [dreg:s7], $0x5FFFF  }
0xac: {  	[dreg:$0x1] =	wrdreg $0xFFFFFFFF  }
0xad: {  	[dreg:$0x0] =	wrdreg $0x60  }
0xae: {  	[dreg:$0x2] =	wrdreg s2  }
0xaf: {  	[dreg:$0x3] =	wrdreg s24  }
0xb0: {  	[dreg:$0x4] =	wrdreg $0x9  }
0xb1: {  	_ =	task.clear_ibuf [dreg:s7], $0x5FFFF;
	_ =	strace $0x90000046  }
0xb2: {  	s29 =	simm.s32 $0x9;
	_ =	strace $0x80000048  }
0xb3: {  	_ =	swait.ge [sflag:s29], $0x1  }
0xb4: {  	[sflag:s29] =	ssyncadd.s32 $0xFFFFFFFF  }
0xb5: {  	_ =	strace $0x90000048  }
0xb6: {  	_ =	sfence  }
0xb7: {  	s30 =	sld [smem:$0x0];
	_ =	sdelay $0x2  }
0xb8: {  	s31 =	sshll.u32 s1, $0xD;
	s1 =	sshrl.u32 s1, $0x2  }
0xb9: {  	s3 =	sand.u32 $0x4000, s31;
	s1 =	sadd.s32 s1, s30  }
0xba: {  	s0 =	sor.u32 s3, s0;
	s1 =	sshll.u32 s1, $0x11  }
0xbb: {  	s0 =	sor.u32 s1, s0  }
0xbc: {  	s0 =	sadd.s32 $0x8F2B, s0  }
0xbd: {  	[sflag:s0] =	ssyncadd.remote.s32 $0x1  }
0xbe: {  	_ =	sfence.sel $0xFFFF  }
0xbf: {  	[dreg:$0x0] =	wrdreg $0xFFFFFFFF;
	(pc) =	sbr.abs _section_cstart, $3  }
0xc0: {  	[dreg:$0x1] =	wrdreg $0xFFFFFFFF  }
0xc1: {  	_ =	task.clear_ibuf [dreg:s7], $0x2FFFF;
	_ =	strace $0x9FFFFFFF  }
0xc2: {  	(tm) =	ssettm $0x7FFFFFFF  }
0xc3: {  	_ =	shalt  }
tec
execute0_lowered:
.L_overlay_start_1:
0x0: {  	(tag) =	ssettag $0x1  }
0x1: {  	s1 =	srdreg.scid  }
0x2: {  	s17 =	rddreg [dreg:$0x0];
	s0 =	stileid.u32;
	s6 =	sand.u32 $0x1, s1  }
0x3: {  	s4 =	rddreg [dreg:$0x1];
	s3 =	sshll.u32 s0, $0xA;
	s5 =	sshll.u32 s6, $0x9  }
0x4: {  	s2 =	simm.s32 $0x0;
	s22 =	simm.s32 $0x2;
	s12 =	sor.u32 s5, s3  }
0x5: {  	s23 =	simm.s32 $0x1;
	[smem:$0x7FF] =	sst s2;
	s5 =	sshll.u32 s12, $0x4  }
0x6: {  	s24 =	simm.s32 $0x18280;
	_ =	strace $0x80000047;
	s20 =	sadd.s32 s5, s4  }
0x7: {  	s25 =	simm.s32 $0x0;
	s3 =	sadd.s32 $0x400, s4;
	s4 =	sadd.s32 $0xF42800, s20  }
0x8: {  	s10 =	ssub.s32 $0x2, s6;
	s5 =	sadd.s32 $0xF42A00, s20;
	s6 =	sadd.s32 $0xF42C00, s20  }
0x9: {  	s11 =	sshrl.u32 s10, $0x1;
	s7 =	sadd.s32 $0xF42E00, s20;
	s8 =	sadd.s32 $0xF43200, s20  }
0xa: {  	s21 =	ssub.s32 s10, s11;
	s9 =	sadd.s32 $0xF43400, s20;
	s10 =	sadd.s32 $0xF43600, s20  }
0xb: {  	s18 =	sshrl.u32 s12, $0x3;
	s11 =	sadd.s32 $0xF43800, s20;
	s12 =	sadd.s32 $0xF43A00, s20  }
0xc: {  	s17 =	sadd.s32 s17, s18;
	s13 =	sadd.s32 $0xF43C00, s20;
	s15 =	sadd.s32 $0xF43E00, s20  }
0xd: {  	s14 =	sadd.s32 $0xF43000, s20;
	s16 =	sadd.s32 $0xF44000, s20;
	s18 =	sadd.s32 $0xF44200, s20  }
0xe: {  	s21 =	smax.u32 s21, $0x1;
	s19 =	sadd.s32 $0xF44400, s20;
	s20 =	sadd.s32 $0xF44600, s20  }
.LBB2_1:
0xf: {  	[tilespmem:s2], [sflag:$0x2] =	stream.linear.gather [hbm4b:s17+s2], $0x200, $0x38;
	[tilespmem:$0x19280] =	vst v63  }
0x10: {  	_ =	swait.ge [sflag:s22], $0x200  }
0x11: {  	[sflag:s22] =	ssyncset.done $0x0  }
0x12: {  	s26 =	simm.s32 $0x0;
	[sflag:s22] =	ssyncadd.s32 $0xFFFFFE00  }
0x13: {  	v0 =	vld [tilespmem:s26+$0x0];
	_ =	sdelay $0x4  }
0x14: {  	(v2sf) =	vpush v0, $0x0;
	_ =	sdelay $0xe  }
0x15: {  	s30 =	spop (v2sf)  }
0x16: {  	s26 =	sshll.u32 s30, $0x4  }
0x17: {  	s26 =	sand.u32 $0xFFFFF80, s26  }
0x18: {  	s28 =	simm.s32 $0x280;
	s31 =	simm.s32 $0x1;
	s26 =	sadd.s32 s3, s26  }
0x19: {  	[tilespmem:s28], [sflag:$0x1] =	stream.linear.gather [hbm4b:s26+s2], $0x400, $0x38;
	[tilespmem:$0x19280] =	vst v63  }
0x1a: {  	s29 =	simm.s32 $0x8;
	v0 =	vld [tilespmem:s31+$0x0]  }
.LBB2_2:
0x1b: {  	p0 =	sne.s32 s29, $0x7C;
	_ =	sdelay $0x3  }
0x1c: {  	(v2sf) =	vpush v0, $0x0;
	_ =	sdelay $0xe  }
0x1d: {  	s26 =	spop (v2sf)  }
.Ltmp0:
0x1e: {  	s26 =	sshll.u32 s26, $0x4;
	(pc) =	sbr.rel @p0 .LBB2_2-.Ltmp0, $4  }
0x1f: {  	s28 =	sadd.s32 $0x400, s28;
	s26 =	sand.u32 $0xFFFFF80, s26  }
0x20: {  	s30 =	sshra.s32 s29, $0x2;
	s31 =	sadd.s32 s3, s26;
	s26 =	simm.s32 $0x0  }
0x21: {  	[tilespmem:s28], [sflag:$0x1] =	stream.linear.gather [hbm4b:s31+s26], $0x400, $0x38;
	[tilespmem:$0x19280] =	vst v63  }
0x22: {  	s29 =	sadd.s32 $0x4, s29;
	v0 =	vld [tilespmem:s30+$0x0]  }
0x23: {  	_ =	sdelay $0x3  }
0x24: {  	(v2sf) =	vpush v0, $0x0;
	_ =	sdelay $0xe  }
0x25: {  	s29 =	spop (v2sf)  }
0x26: {  	p1 =	por $0x1, $0x1;
	s29 =	sshll.u32 s29, $0x4  }
.Ltmp1:
0x27: {  	s29 =	sand.u32 $0xFFFFF80, s29;
	(pc) =	sbr.rel @!p1 .LBB2_4-.Ltmp1, $4  }
0x28: {  	s28 =	sadd.s32 $0x400, s28;
	s29 =	sadd.s32 s3, s29  }
0x29: {  	[tilespmem:s28], [sflag:$0x1] =	stream.linear.gather [hbm4b:s29+s26], $0x400, $0x38;
	[tilespmem:$0x19280] =	vst v63  }
0x2a: {  	s28 =	simm.s32 $0x0  }
0x2b: {  	p0 =	por $0x0, $0x0;
	s29 =	simm.s32 $0x8280;
	v0 =	vld [tilespmem:s28+$0x20]  }
0x2c: {  	_ =	sdelay $0x3  }
0x2d: {  	(v2sf) =	vpush v0, $0x0;
	_ =	sdelay $0xe  }
0x2e: {  	s30 =	spop (v2sf)  }
0x2f: {  	p3 =	por $0x1, $0x1;
	s30 =	sshll.u32 s30, $0x4  }
.Ltmp2:
0x30: {  	s30 =	sand.u32 $0xFFFFF80, s30;
	(pc) =	sbr.rel @!p3 .LBB2_6-.Ltmp2, $4  }
0x31: {  	s30 =	sadd.s32 s3, s30  }
0x32: {  	[tilespmem:s29], [sflag:$0x1] =	stream.linear.gather [hbm4b:s30+s26], $0x400, $0x38;
	[tilespmem:$0x19280] =	vst v63  }
0x33: {  	s30 =	simm.s32 $0x1  }
0x34: {  	s31 =	simm.s32 $0x8;
	p2 =	por $0x1, $0x1;
	v0 =	vld [tilespmem:s30+$0x20];
	s30 =	simm.s32 $0x8280  }
.LBB2_7:
0x35: {  	p3 =	sne.s32 s31, $0x7C;
	_ =	sdelay $0x3  }
0x36: {  	(v2sf) =	vpush v0, $0x0;
	_ =	sdelay $0xe  }
0x37: {  	s1 =	spop (v2sf)  }
.Ltmp3:
0x38: {  	s1 =	sshll.u32 s1, $0x4;
	(pc) =	sbr.rel @p3 .LBB2_7-.Ltmp3, $4  }
0x39: {  	s1 =	sand.u32 $0xFFFFF80, s1  }
0x3a: {  	s0 =	sshra.s32 s31, $0x2;
	s30 =	sadd.s32 $0x400, s30;
	s1 =	sadd.s32 s3, s1  }
0x3b: {  	[tilespmem:s30], [sflag:$0x1] =	stream.linear.gather [hbm4b:s1+s26], $0x400, $0x38;
	[tilespmem:$0x19280] =	vst v63  }
0x3c: {  	s31 =	sadd.s32 $0x4, s31;
	v0 =	vld [tilespmem:s0+$0x20]  }
.LBB2_8:
0x3d: {  	_ =	sdelay $0x3  }
0x3e: {  	(v2sf) =	vpush v0, $0x0;
	_ =	sdelay $0xe  }
0x3f: {  	s0 =	spop (v2sf)  }
.Ltmp4:
0x40: {  	s0 =	sshll.u32 s0, $0x4;
	(pc) =	sbr.rel @!p1 .LBB2_9-.Ltmp4, $4  }
0x41: {  	s1 =	sadd.s32 @p2 $0x400, s30;
	s0 =	sand.u32 $0xFFFFF80, s0  }
0x42: {  	s29 =	smov.u32 @p2 s1;
	s0 =	sadd.s32 s3, s0  }
0x43: {  	[tilespmem:s29], [sflag:$0x1] =	stream.linear.gather [hbm4b:s0+s26], $0x400, $0x38;
	[tilespmem:$0x19280] =	vst v63  }
0x44: {  	s26 =	simm.s32 $0x10280;
	v0 =	vld [tilespmem:s28+$0x40]  }
0x45: {  	_ =	sdelay $0x3  }
0x46: {  	(v2sf) =	vpush v0, $0x0;
	_ =	sdelay $0xe  }
0x47: {  	p1 =	por $0x1, $0x1;
	s0 =	spop (v2sf)  }
.Ltmp5:
0x48: {  	s0 =	sshll.u32 s0, $0x4;
	(pc) =	sbr.rel @!p1 .LBB2_11-.Ltmp5, $4  }
0x49: {  	s0 =	sand.u32 $0xFFFFF80, s0  }
0x4a: {  	s31 =	simm.s32 $0x1;
	s0 =	sadd.s32 s3, s0  }
0x4b: {  	[tilespmem:s26], [sflag:$0x1] =	stream.linear.gather [hbm4b:s0+s2], $0x400, $0x38;
	[tilespmem:$0x19280] =	vst v63  }
0x4c: {  	s29 =	simm.s32 $0x8;
	p0 =	por $0x1, $0x1;
	s28 =	simm.s32 $0x10280;
	v0 =	vld [tilespmem:s31+$0x40]  }
.LBB2_12:
0x4d: {  	p1 =	sne.s32 s29, $0x7C;
	_ =	sdelay $0x3  }
0x4e: {  	(v2sf) =	vpush v0, $0x0;
	_ =	sdelay $0xe  }
0x4f: {  	s0 =	spop (v2sf)  }
.Ltmp6:
0x50: {  	s0 =	sshll.u32 s0, $0x4;
	(pc) =	sbr.rel @p1 .LBB2_12-.Ltmp6, $4  }
0x51: {  	s0 =	sand.u32 $0xFFFFF80, s0  }
0x52: {  	s1 =	sshra.s32 s29, $0x2;
	s28 =	sadd.s32 $0x400, s28;
	s0 =	sadd.s32 s3, s0  }
0x53: {  	[tilespmem:s28], [sflag:$0x1] =	stream.linear.gather [hbm4b:s0+s2], $0x400, $0x38;
	[tilespmem:$0x19280] =	vst v63  }
0x54: {  	s29 =	sadd.s32 $0x4, s29;
	v0 =	vld [tilespmem:s1+$0x40]  }
.LBB2_13:
0x55: {  	_ =	sdelay $0x3  }
0x56: {  	(v2sf) =	vpush v0, $0x0;
	_ =	sdelay $0xe  }
0x57: {  	s0 =	spop (v2sf)  }
0x58: {  	s0 =	sshll.u32 s0, $0x4  }
0x59: {  	s1 =	sadd.s32 @p0 $0x400, s28;
	s0 =	sand.u32 $0xFFFFF80, s0  }
0x5a: {  	s26 =	smov.u32 @p0 s1;
	s0 =	sadd.s32 s3, s0  }
0x5b: {  	[tilespmem:s26], [sflag:$0x1] =	stream.linear.gather [hbm4b:s0+s2], $0x400, $0x38;
	[tilespmem:$0x19280] =	vst v63  }
0x5c: {  	_ =	swait.ge [sflag:s23], $0x400  }
0x5d: {  	[sflag:s23] =	ssyncset.done $0x0  }
0x5e: {  	[sflag:s23] =	ssyncadd.s32 $0xFFFFFC00  }
0x5f: {  	_ =	swait.ge [sflag:s23], $0x400  }
0x60: {  	[sflag:s23] =	ssyncset.done $0x0  }
0x61: {  	[sflag:s23] =	ssyncadd.s32 $0xFFFFFC00  }
0x62: {  	_ =	swait.ge [sflag:s23], $0x400  }
0x63: {  	[sflag:s23] =	ssyncset.done $0x0  }
0x64: {  	[sflag:s23] =	ssyncadd.s32 $0xFFFFFC00  }
0x65: {  	_ =	swait.ge [sflag:s23], $0x400  }
0x66: {  	[sflag:s23] =	ssyncset.done $0x0  }
0x67: {  	[sflag:s23] =	ssyncadd.s32 $0xFFFFFC00  }
0x68: {  	_ =	swait.ge [sflag:s23], $0x400  }
0x69: {  	[sflag:s23] =	ssyncset.done $0x0  }
0x6a: {  	[sflag:s23] =	ssyncadd.s32 $0xFFFFFC00  }
0x6b: {  	_ =	swait.ge [sflag:s23], $0x400  }
0x6c: {  	[sflag:s23] =	ssyncset.done $0x0  }
0x6d: {  	[sflag:s23] =	ssyncadd.s32 $0xFFFFFC00  }
0x6e: {  	_ =	swait.ge [sflag:s23], $0x400  }
0x6f: {  	[sflag:s23] =	ssyncset.done $0x0  }
0x70: {  	[sflag:s23] =	ssyncadd.s32 $0xFFFFFC00  }
0x71: {  	_ =	swait.ge [sflag:s23], $0x400  }
0x72: {  	[sflag:s23] =	ssyncset.done $0x0  }
0x73: {  	[sflag:s23] =	ssyncadd.s32 $0xFFFFFC00  }
0x74: {  	_ =	swait.ge [sflag:s23], $0x400  }
0x75: {  	[sflag:s23] =	ssyncset.done $0x0  }
0x76: {  	[sflag:s23] =	ssyncadd.s32 $0xFFFFFC00  }
0x77: {  	_ =	swait.ge [sflag:s23], $0x400  }
0x78: {  	[sflag:s23] =	ssyncset.done $0x0  }
0x79: {  	[sflag:s23] =	ssyncadd.s32 $0xFFFFFC00  }
0x7a: {  	_ =	swait.ge [sflag:s23], $0x400  }
0x7b: {  	[sflag:s23] =	ssyncset.done $0x0  }
0x7c: {  	[sflag:s23] =	ssyncadd.s32 $0xFFFFFC00  }
0x7d: {  	_ =	swait.ge [sflag:s23], $0x400  }
0x7e: {  	[sflag:s23] =	ssyncset.done $0x0  }
0x7f: {  	[sflag:s23] =	ssyncadd.s32 $0xFFFFFC00  }
0x80: {  	_ =	swait.ge [sflag:s23], $0x400  }
0x81: {  	[sflag:s23] =	ssyncset.done $0x0  }
0x82: {  	[sflag:s23] =	ssyncadd.s32 $0xFFFFFC00  }
0x83: {  	_ =	swait.ge [sflag:s23], $0x400  }
0x84: {  	[sflag:s23] =	ssyncset.done $0x0  }
0x85: {  	[sflag:s23] =	ssyncadd.s32 $0xFFFFFC00  }
0x86: {  	_ =	swait.ge [sflag:s23], $0x400  }
0x87: {  	[sflag:s23] =	ssyncset.done $0x0  }
0x88: {  	[sflag:s23] =	ssyncadd.s32 $0xFFFFFC00  }
0x89: {  	_ =	swait.ge [sflag:s23], $0x400  }
0x8a: {  	[sflag:s23] =	ssyncset.done $0x0  }
0x8b: {  	[sflag:s23] =	ssyncadd.s32 $0xFFFFFC00  }
0x8c: {  	_ =	swait.ge [sflag:s23], $0x400  }
0x8d: {  	[sflag:s23] =	ssyncset.done $0x0  }
0x8e: {  	[sflag:s23] =	ssyncadd.s32 $0xFFFFFC00  }
0x8f: {  	_ =	swait.ge [sflag:s23], $0x400  }
0x90: {  	[sflag:s23] =	ssyncset.done $0x0  }
0x91: {  	[sflag:s23] =	ssyncadd.s32 $0xFFFFFC00  }
0x92: {  	_ =	swait.ge [sflag:s23], $0x400  }
0x93: {  	[sflag:s23] =	ssyncset.done $0x0  }
0x94: {  	[sflag:s23] =	ssyncadd.s32 $0xFFFFFC00  }
0x95: {  	_ =	swait.ge [sflag:s23], $0x400  }
0x96: {  	[sflag:s23] =	ssyncset.done $0x0  }
0x97: {  	[sflag:s23] =	ssyncadd.s32 $0xFFFFFC00  }
0x98: {  	_ =	swait.ge [sflag:s23], $0x400  }
0x99: {  	[sflag:s23] =	ssyncset.done $0x0  }
0x9a: {  	[sflag:s23] =	ssyncadd.s32 $0xFFFFFC00  }
0x9b: {  	_ =	swait.ge [sflag:s23], $0x400  }
0x9c: {  	[sflag:s23] =	ssyncset.done $0x0  }
0x9d: {  	[sflag:s23] =	ssyncadd.s32 $0xFFFFFC00  }
0x9e: {  	_ =	swait.ge [sflag:s23], $0x400  }
0x9f: {  	[sflag:s23] =	ssyncset.done $0x0  }
0xa0: {  	[sflag:s23] =	ssyncadd.s32 $0xFFFFFC00  }
0xa1: {  	_ =	swait.ge [sflag:s23], $0x400  }
0xa2: {  	[sflag:s23] =	ssyncset.done $0x0  }
0xa3: {  	[sflag:s23] =	ssyncadd.s32 $0xFFFFFC00  }
0xa4: {  	_ =	swait.ge [sflag:s23], $0x400  }
0xa5: {  	[sflag:s23] =	ssyncset.done $0x0  }
0xa6: {  	[sflag:s23] =	ssyncadd.s32 $0xFFFFFC00  }
0xa7: {  	_ =	swait.ge [sflag:s23], $0x400  }
0xa8: {  	[sflag:s23] =	ssyncset.done $0x0  }
0xa9: {  	[sflag:s23] =	ssyncadd.s32 $0xFFFFFC00  }
0xaa: {  	_ =	swait.ge [sflag:s23], $0x400  }
0xab: {  	[sflag:s23] =	ssyncset.done $0x0  }
0xac: {  	[sflag:s23] =	ssyncadd.s32 $0xFFFFFC00  }
0xad: {  	_ =	swait.ge [sflag:s23], $0x400  }
0xae: {  	[sflag:s23] =	ssyncset.done $0x0  }
0xaf: {  	[sflag:s23] =	ssyncadd.s32 $0xFFFFFC00  }
0xb0: {  	_ =	swait.ge [sflag:s23], $0x400  }
0xb1: {  	[sflag:s23] =	ssyncset.done $0x0  }
0xb2: {  	[sflag:s23] =	ssyncadd.s32 $0xFFFFFC00  }
0xb3: {  	_ =	swait.ge [sflag:s23], $0x400  }
0xb4: {  	[sflag:s23] =	ssyncset.done $0x0  }
0xb5: {  	[sflag:s23] =	ssyncadd.s32 $0xFFFFFC00  }
0xb6: {  	_ =	swait.ge [sflag:s23], $0x400  }
0xb7: {  	[sflag:s23] =	ssyncset.done $0x0  }
0xb8: {  	[sflag:s23] =	ssyncadd.s32 $0xFFFFFC00  }
0xb9: {  	_ =	swait.ge [sflag:s23], $0x400  }
0xba: {  	[sflag:s23] =	ssyncset.done $0x0  }
0xbb: {  	s26 =	simm.s32 $0x0;
	[sflag:s23] =	ssyncadd.s32 $0xFFFFFC00  }
0xbc: {  	v62 =	vld [tilespmem:s26+$0x0];
	_ =	sdelay $0x4  }
0xbd: {  	(v2sf) =	vpush v62, $0x0;
	_ =	sdelay $0xe  }
0xbe: {  	s31 =	spop (v2sf)  }
0xbf: {  	s0 =	sand.u32 $0x7, s31  }
0xc0: {  	s0 =	sshll.u32 s0, $0x7  }
0xc1: {  	s0 =	sadd.s32 $0x280, s0  }
0xc2: {  	v63 =	vld [tilespmem:s0+$0x0];
	_ =	sdelay $0x3  }
0xc3: {  	s26 =	simm.s32 $0x182A0  }
0xc4: {  	[tilespmem:s26+$0xFFFFFFE0] =	vst v63  }
0xc5: {  	v0 =	vld [tilespmem:s0+$0x10];
	_ =	sdelay $0x4  }
0xc6: {  	[tilespmem:s26+$0xFFFFFFF0] =	vst v0  }
0xc7: {  	v0 =	vld [tilespmem:s0+$0x20];
	_ =	sdelay $0x4  }
0xc8: {  	[tilespmem:s26+$0x0] =	vst v0  }
0xc9: {  	v0 =	vld [tilespmem:s0+$0x30];
	_ =	sdelay $0x4  }
0xca: {  	s28 =	simm.s32 $0x280;
	s30 =	simm.s32 $0x1;
	s29 =	simm.s32 $0x8;
	[tilespmem:s26+$0x10] =	vst v0  }
.LBB2_14:
0xcb: {  	p0 =	sne.s32 s29, $0x7C;
	v0 =	vld [tilespmem:s30+$0x0];
	_ =	sdelay $0x4  }
0xcc: {  	(v2sf) =	vpush v0, $0x0;
	_ =	sdelay $0xe  }
0xcd: {  	s0 =	spop (v2sf)  }
0xce: {  	s0 =	sand.u32 $0x7, s0  }
0xcf: {  	s28 =	sadd.s32 $0x400, s28;
	s0 =	sshll.u32 s0, $0x7  }
0xd0: {  	s0 =	sadd.s32 s0, s28  }
0xd1: {  	v0 =	vld [tilespmem:s0+$0x0];
	_ =	sdelay $0x3  }
0xd2: {  	s26 =	sadd.s32 $0x80, s26  }
0xd3: {  	[tilespmem:s26+$0xFFFFFFE0] =	vst v0  }
0xd4: {  	v0 =	vld [tilespmem:s0+$0x10];
	_ =	sdelay $0x4  }
0xd5: {  	[tilespmem:s26+$0xFFFFFFF0] =	vst v0  }
0xd6: {  	v0 =	vld [tilespmem:s0+$0x20];
	_ =	sdelay $0x4  }
0xd7: {  	[tilespmem:s26+$0x0] =	vst v0  }
0xd8: {  	v0 =	vld [tilespmem:s0+$0x30]  }
.Ltmp7:
0xd9: {  	(pc) =	sbr.rel @p0 .LBB2_14-.Ltmp7, $2  }
0xda: {  	_ =	sdelay $0x2  }
0xdb: {  	s30 =	sshra.s32 s29, $0x2;
	s29 =	sadd.s32 $0x4, s29;
	[tilespmem:s26+$0x10] =	vst v0  }
0xdc: {  	v0 =	vld [tilespmem:s30+$0x0];
	_ =	sdelay $0x4  }
0xdd: {  	(v2sf) =	vpush v0, $0x0;
	_ =	sdelay $0xe  }
0xde: {  	s0 =	spop (v2sf)  }
0xdf: {  	s0 =	sand.u32 $0x7, s0  }
0xe0: {  	s1 =	sadd.s32 $0x400, s28;
	s0 =	sshll.u32 s0, $0x7  }
0xe1: {  	s0 =	sadd.s32 s0, s1  }
0xe2: {  	v0 =	vld [tilespmem:s0+$0x0];
	_ =	sdelay $0x3  }
0xe3: {  	s31 =	sadd.s32 $0x80, s26  }
0xe4: {  	[tilespmem:s31+$0xFFFFFFE0] =	vst v0  }
0xe5: {  	v0 =	vld [tilespmem:s0+$0x10];
	_ =	sdelay $0x4  }
0xe6: {  	[tilespmem:s31+$0xFFFFFFF0] =	vst v0  }
0xe7: {  	v0 =	vld [tilespmem:s0+$0x20];
	_ =	sdelay $0x4  }
0xe8: {  	[tilespmem:s31+$0x0] =	vst v0  }
0xe9: {  	v0 =	vld [tilespmem:s0+$0x30];
	_ =	sdelay $0x4  }
0xea: {  	s26 =	simm.s32 $0x0;
	[tilespmem:s31+$0x10] =	vst v0  }
0xeb: {  	[hbm4b:s4+s26] =	stream.linear.scatter [tilespmem:s24], [sflag:$0x2], $0x1000, $0x38;
	[tilespmem:$0x19280] =	vst v63  }
0xec: {  	_ =	swait.ge [sflag:s22], $0x1000  }
0xed: {  	[sflag:s22] =	ssyncset.done $0x0  }
0xee: {  	s29 =	simm.s32 $0x0;
	[sflag:s22] =	ssyncadd.s32 $0xFFFFF000  }
0xef: {  	v0 =	vld [tilespmem:s29+$0x60];
	_ =	sdelay $0x4  }
0xf0: {  	(v2sf) =	vpush v0, $0x0;
	_ =	sdelay $0xe  }
0xf1: {  	s30 =	spop (v2sf)  }
0xf2: {  	s0 =	sshll.u32 s30, $0x4  }
0xf3: {  	s0 =	sand.u32 $0xFFFFF80, s0  }
0xf4: {  	s31 =	simm.s32 $0x1;
	s26 =	simm.s32 $0x280;
	s0 =	sadd.s32 s3, s0  }
0xf5: {  	[tilespmem:s26], [sflag:$0x1] =	stream.linear.gather [hbm4b:s0+s2], $0x400, $0x38;
	[tilespmem:$0x19280] =	vst v63  }
0xf6: {  	s28 =	simm.s32 $0x8;
	v0 =	vld [tilespmem:s31+$0x60]  }
.LBB2_16:
0xf7: {  	p0 =	sne.s32 s28, $0x7C;
	_ =	sdelay $0x3  }
0xf8: {  	(v2sf) =	vpush v0, $0x0;
	_ =	sdelay $0xe  }
0xf9: {  	s0 =	spop (v2sf)  }
.Ltmp8:
0xfa: {  	s0 =	sshll.u32 s0, $0x4;
	(pc) =	sbr.rel @p0 .LBB2_16-.Ltmp8, $4  }
0xfb: {  	s0 =	sand.u32 $0xFFFFF80, s0  }
0xfc: {  	s1 =	sshra.s32 s28, $0x2;
	s26 =	sadd.s32 $0x400, s26;
	s0 =	sadd.s32 s3, s0  }
0xfd: {  	[tilespmem:s26], [sflag:$0x1] =	stream.linear.gather [hbm4b:s0+s2], $0x400, $0x38;
	[tilespmem:$0x19280] =	vst v63  }
0xfe: {  	s28 =	sadd.s32 $0x4, s28;
	v0 =	vld [tilespmem:s1+$0x60]  }
0xff: {  	_ =	sdelay $0x3  }
0x100: {  	(v2sf) =	vpush v0, $0x0;
	_ =	sdelay $0xe  }
0x101: {  	s0 =	spop (v2sf)  }
0x102: {  	s0 =	sshll.u32 s0, $0x4  }
0x103: {  	s0 =	sand.u32 $0xFFFFF80, s0  }
0x104: {  	s1 =	sadd.s32 $0x400, s26;
	s0 =	sadd.s32 s3, s0  }
0x105: {  	[tilespmem:s1], [sflag:$0x1] =	stream.linear.gather [hbm4b:s0+s2], $0x400, $0x38;
	[tilespmem:$0x19280] =	vst v63  }
0x106: {  	_ =	swait.ge [sflag:s23], $0x400  }
0x107: {  	[sflag:s23] =	ssyncset.done $0x0  }
0x108: {  	[sflag:s23] =	ssyncadd.s32 $0xFFFFFC00  }
0x109: {  	_ =	swait.ge [sflag:s23], $0x400  }
0x10a: {  	[sflag:s23] =	ssyncset.done $0x0  }
0x10b: {  	[sflag:s23] =	ssyncadd.s32 $0xFFFFFC00  }
0x10c: {  	_ =	swait.ge [sflag:s23], $0x400  }
0x10d: {  	[sflag:s23] =	ssyncset.done $0x0  }
0x10e: {  	[sflag:s23] =	ssyncadd.s32 $0xFFFFFC00  }
0x10f: {  	_ =	swait.ge [sflag:s23], $0x400  }
0x110: {  	[sflag:s23] =	ssyncset.done $0x0  }
0x111: {  	[sflag:s23] =	ssyncadd.s32 $0xFFFFFC00  }
0x112: {  	_ =	swait.ge [sflag:s23], $0x400  }
0x113: {  	[sflag:s23] =	ssyncset.done $0x0  }
0x114: {  	[sflag:s23] =	ssyncadd.s32 $0xFFFFFC00  }
0x115: {  	_ =	swait.ge [sflag:s23], $0x400  }
0x116: {  	[sflag:s23] =	ssyncset.done $0x0  }
0x117: {  	[sflag:s23] =	ssyncadd.s32 $0xFFFFFC00  }
0x118: {  	_ =	swait.ge [sflag:s23], $0x400  }
0x119: {  	[sflag:s23] =	ssyncset.done $0x0  }
0x11a: {  	[sflag:s23] =	ssyncadd.s32 $0xFFFFFC00  }
0x11b: {  	_ =	swait.ge [sflag:s23], $0x400  }
0x11c: {  	[sflag:s23] =	ssyncset.done $0x0  }
0x11d: {  	[sflag:s23] =	ssyncadd.s32 $0xFFFFFC00  }
0x11e: {  	_ =	swait.ge [sflag:s23], $0x400  }
0x11f: {  	[sflag:s23] =	ssyncset.done $0x0  }
0x120: {  	[sflag:s23] =	ssyncadd.s32 $0xFFFFFC00  }
0x121: {  	_ =	swait.ge [sflag:s23], $0x400  }
0x122: {  	[sflag:s23] =	ssyncset.done $0x0  }
0x123: {  	[sflag:s23] =	ssyncadd.s32 $0xFFFFFC00  }
0x124: {  	_ =	swait.ge [sflag:s23], $0x400  }
0x125: {  	[sflag:s23] =	ssyncset.done $0x0  }
0x126: {  	[sflag:s23] =	ssyncadd.s32 $0xFFFFFC00  }
0x127: {  	_ =	swait.ge [sflag:s23], $0x400  }
0x128: {  	[sflag:s23] =	ssyncset.done $0x0  }
0x129: {  	[sflag:s23] =	ssyncadd.s32 $0xFFFFFC00  }
0x12a: {  	_ =	swait.ge [sflag:s23], $0x400  }
0x12b: {  	[sflag:s23] =	ssyncset.done $0x0  }
0x12c: {  	[sflag:s23] =	ssyncadd.s32 $0xFFFFFC00  }
0x12d: {  	_ =	swait.ge [sflag:s23], $0x400  }
0x12e: {  	[sflag:s23] =	ssyncset.done $0x0  }
0x12f: {  	[sflag:s23] =	ssyncadd.s32 $0xFFFFFC00  }
0x130: {  	_ =	swait.ge [sflag:s23], $0x400  }
0x131: {  	[sflag:s23] =	ssyncset.done $0x0  }
0x132: {  	[sflag:s23] =	ssyncadd.s32 $0xFFFFFC00  }
0x133: {  	_ =	swait.ge [sflag:s23], $0x400  }
0x134: {  	[sflag:s23] =	ssyncset.done $0x0  }
0x135: {  	[sflag:s23] =	ssyncadd.s32 $0xFFFFFC00  }
0x136: {  	_ =	swait.ge [sflag:s23], $0x400  }
0x137: {  	[sflag:s23] =	ssyncset.done $0x0  }
0x138: {  	[sflag:s23] =	ssyncadd.s32 $0xFFFFFC00  }
0x139: {  	_ =	swait.ge [sflag:s23], $0x400  }
0x13a: {  	[sflag:s23] =	ssyncset.done $0x0  }
0x13b: {  	[sflag:s23] =	ssyncadd.s32 $0xFFFFFC00  }
0x13c: {  	_ =	swait.ge [sflag:s23], $0x400  }
0x13d: {  	[sflag:s23] =	ssyncset.done $0x0  }
0x13e: {  	[sflag:s23] =	ssyncadd.s32 $0xFFFFFC00  }
0x13f: {  	_ =	swait.ge [sflag:s23], $0x400  }
0x140: {  	[sflag:s23] =	ssyncset.done $0x0  }
0x141: {  	[sflag:s23] =	ssyncadd.s32 $0xFFFFFC00  }
0x142: {  	_ =	swait.ge [sflag:s23], $0x400  }
0x143: {  	[sflag:s23] =	ssyncset.done $0x0  }
0x144: {  	[sflag:s23] =	ssyncadd.s32 $0xFFFFFC00  }
0x145: {  	_ =	swait.ge [sflag:s23], $0x400  }
0x146: {  	[sflag:s23] =	ssyncset.done $0x0  }
0x147: {  	[sflag:s23] =	ssyncadd.s32 $0xFFFFFC00  }
0x148: {  	_ =	swait.ge [sflag:s23], $0x400  }
0x149: {  	[sflag:s23] =	ssyncset.done $0x0  }
0x14a: {  	[sflag:s23] =	ssyncadd.s32 $0xFFFFFC00  }
0x14b: {  	_ =	swait.ge [sflag:s23], $0x400  }
0x14c: {  	[sflag:s23] =	ssyncset.done $0x0  }
0x14d: {  	[sflag:s23] =	ssyncadd.s32 $0xFFFFFC00  }
0x14e: {  	_ =	swait.ge [sflag:s23], $0x400  }
0x14f: {  	[sflag:s23] =	ssyncset.done $0x0  }
0x150: {  	[sflag:s23] =	ssyncadd.s32 $0xFFFFFC00  }
0x151: {  	_ =	swait.ge [sflag:s23], $0x400  }
0x152: {  	[sflag:s23] =	ssyncset.done $0x0  }
0x153: {  	[sflag:s23] =	ssyncadd.s32 $0xFFFFFC00  }
0x154: {  	_ =	swait.ge [sflag:s23], $0x400  }
0x155: {  	[sflag:s23] =	ssyncset.done $0x0  }
0x156: {  	[sflag:s23] =	ssyncadd.s32 $0xFFFFFC00  }
0x157: {  	_ =	swait.ge [sflag:s23], $0x400  }
0x158: {  	[sflag:s23] =	ssyncset.done $0x0  }
0x159: {  	[sflag:s23] =	ssyncadd.s32 $0xFFFFFC00  }
0x15a: {  	_ =	swait.ge [sflag:s23], $0x400  }
0x15b: {  	[sflag:s23] =	ssyncset.done $0x0  }
0x15c: {  	[sflag:s23] =	ssyncadd.s32 $0xFFFFFC00  }
0x15d: {  	_ =	swait.ge [sflag:s23], $0x400  }
0x15e: {  	[sflag:s23] =	ssyncset.done $0x0  }
0x15f: {  	[sflag:s23] =	ssyncadd.s32 $0xFFFFFC00  }
0x160: {  	_ =	swait.ge [sflag:s23], $0x400  }
0x161: {  	[sflag:s23] =	ssyncset.done $0x0  }
0x162: {  	[sflag:s23] =	ssyncadd.s32 $0xFFFFFC00  }
0x163: {  	_ =	swait.ge [sflag:s23], $0x400  }
0x164: {  	[sflag:s23] =	ssyncset.done $0x0  }
0x165: {  	s26 =	simm.s32 $0x20;
	[sflag:s23] =	ssyncadd.s32 $0xFFFFFC00  }
0x166: {  	v0 =	vld [tilespmem:s26+$0x0];
	_ =	sdelay $0x4  }
0x167: {  	(v2sf) =	vpush v0, $0x0;
	_ =	sdelay $0xe  }
0x168: {  	s31 =	spop (v2sf)  }
0x169: {  	s0 =	sand.u32 $0x7, s31  }
0x16a: {  	s0 =	sshll.u32 s0, $0x7  }
0x16b: {  	s0 =	sadd.s32 $0x0, s0  }
0x16c: {  	v0 =	vld [tilespmem:s0+$0x8280];
	_ =	sdelay $0x3  }
0x16d: {  	s26 =	simm.s32 $0x182A0  }
0x16e: {  	[tilespmem:s26+$0xFFFFFFE0] =	vst v0  }
0x16f: {  	v0 =	vld [tilespmem:s0+$0x8290];
	_ =	sdelay $0x4  }
0x170: {  	[tilespmem:s26+$0xFFFFFFF0] =	vst v0  }
0x171: {  	v0 =	vld [tilespmem:s0+$0x82A0];
	_ =	sdelay $0x4  }
0x172: {  	[tilespmem:s26+$0x0] =	vst v0  }
0x173: {  	v0 =	vld [tilespmem:s0+$0x82B0];
	_ =	sdelay $0x4  }
0x174: {  	s29 =	simm.s32 $0x21;
	[tilespmem:s26+$0x10] =	vst v0  }
0x175: {  	s28 =	simm.s32 $0x1000;
	s30 =	simm.s32 $0x2000;
	v0 =	vld [tilespmem:s29+$0x0]  }
.LBB2_18:
0x176: {  	p0 =	sne.s32 s30, $0x1F000;
	_ =	sdelay $0x3  }
0x177: {  	(v2sf) =	vpush v0, $0x0;
	_ =	sdelay $0xe  }
0x178: {  	s0 =	spop (v2sf)  }
0x179: {  	s0 =	sand.u32 $0x7, s0  }
0x17a: {  	s1 =	sshra.s32 s28, $0x2;
	s28 =	smov.u32 s30;
	s0 =	sshll.u32 s0, $0x7  }
0x17b: {  	s0 =	sadd.s32 s1, s0  }
0x17c: {  	v0 =	vld [tilespmem:s0+$0x8280];
	_ =	sdelay $0x3  }
0x17d: {  	s26 =	sadd.s32 $0x80, s26  }
0x17e: {  	[tilespmem:s26+$0xFFFFFFE0] =	vst v0  }
0x17f: {  	v0 =	vld [tilespmem:s0+$0x8290];
	_ =	sdelay $0x4  }
0x180: {  	[tilespmem:s26+$0xFFFFFFF0] =	vst v0  }
0x181: {  	v0 =	vld [tilespmem:s0+$0x82A0];
	_ =	sdelay $0x4  }
0x182: {  	[tilespmem:s26+$0x0] =	vst v0  }
0x183: {  	v0 =	vld [tilespmem:s0+$0x82B0];
	_ =	sdelay $0x1  }
.Ltmp9:
0x184: {  	(pc) =	sbr.rel @p0 .LBB2_18-.Ltmp9, $3  }
0x185: {  	_ =	sdelay $0x1  }
0x186: {  	s29 =	sadd.s32 $0x1, s29;
	[tilespmem:s26+$0x10] =	vst v0  }
0x187: {  	s30 =	sadd.s32 $0x1000, s30;
	v0 =	vld [tilespmem:s29+$0x0]  }
0x188: {  	_ =	sdelay $0x3  }
0x189: {  	(v2sf) =	vpush v0, $0x0;
	_ =	sdelay $0xe  }
0x18a: {  	s0 =	spop (v2sf)  }
0x18b: {  	s0 =	sand.u32 $0x7, s0  }
0x18c: {  	s1 =	sshra.s32 s28, $0x2;
	s0 =	sshll.u32 s0, $0x7  }
0x18d: {  	s0 =	sadd.s32 s1, s0  }
0x18e: {  	v0 =	vld [tilespmem:s0+$0x8280];
	_ =	sdelay $0x3  }
0x18f: {  	s31 =	sadd.s32 $0x80, s26  }
0x190: {  	[tilespmem:s31+$0xFFFFFFE0] =	vst v0  }
0x191: {  	v0 =	vld [tilespmem:s0+$0x8290];
	_ =	sdelay $0x4  }
0x192: {  	[tilespmem:s31+$0xFFFFFFF0] =	vst v0  }
0x193: {  	v0 =	vld [tilespmem:s0+$0x82A0];
	_ =	sdelay $0x4  }
0x194: {  	[tilespmem:s31+$0x0] =	vst v0  }
0x195: {  	v0 =	vld [tilespmem:s0+$0x82B0];
	_ =	sdelay $0x4  }
0x196: {  	s26 =	simm.s32 $0x0;
	[tilespmem:s31+$0x10] =	vst v0  }
0x197: {  	[hbm4b:s5+s26] =	stream.linear.scatter [tilespmem:s24], [sflag:$0x2], $0x1000, $0x38;
	[tilespmem:$0x19280] =	vst v63  }
0x198: {  	_ =	swait.ge [sflag:s22], $0x1000  }
0x199: {  	[sflag:s22] =	ssyncset.done $0x0  }
0x19a: {  	s29 =	simm.s32 $0x0;
	[sflag:s22] =	ssyncadd.s32 $0xFFFFF000  }
0x19b: {  	v0 =	vld [tilespmem:s29+$0x80];
	_ =	sdelay $0x4  }
0x19c: {  	(v2sf) =	vpush v0, $0x0;
	_ =	sdelay $0xe  }
0x19d: {  	s30 =	spop (v2sf)  }
0x19e: {  	s0 =	sshll.u32 s30, $0x4  }
0x19f: {  	s0 =	sand.u32 $0xFFFFF80, s0  }
0x1a0: {  	s31 =	simm.s32 $0x1;
	s26 =	simm.s32 $0x8280;
	s0 =	sadd.s32 s3, s0  }
0x1a1: {  	[tilespmem:s26], [sflag:$0x1] =	stream.linear.gather [hbm4b:s0+s2], $0x400, $0x38;
	[tilespmem:$0x19280] =	vst v63  }
0x1a2: {  	s28 =	simm.s32 $0x8;
	v0 =	vld [tilespmem:s31+$0x80]  }
.LBB2_20:
0x1a3: {  	p0 =	sne.s32 s28, $0x7C;
	_ =	sdelay $0x3  }
0x1a4: {  	(v2sf) =	vpush v0, $0x0;
	_ =	sdelay $0xe  }
0x1a5: {  	s0 =	spop (v2sf)  }
.Ltmp10:
0x1a6: {  	s0 =	sshll.u32 s0, $0x4;
	(pc) =	sbr.rel @p0 .LBB2_20-.Ltmp10, $4  }
0x1a7: {  	s0 =	sand.u32 $0xFFFFF80, s0  }
0x1a8: {  	s1 =	sshra.s32 s28, $0x2;
	s26 =	sadd.s32 $0x400, s26;
	s0 =	sadd.s32 s3, s0  }
0x1a9: {  	[tilespmem:s26], [sflag:$0x1] =	stream.linear.gather [hbm4b:s0+s2], $0x400, $0x38;
	[tilespmem:$0x19280] =	vst v63  }
0x1aa: {  	s28 =	sadd.s32 $0x4, s28;
	v0 =	vld [tilespmem:s1+$0x80]  }
0x1ab: {  	_ =	sdelay $0x3  }
0x1ac: {  	(v2sf) =	vpush v0, $0x0;
	_ =	sdelay $0xe  }
0x1ad: {  	s0 =	spop (v2sf)  }
0x1ae: {  	s0 =	sshll.u32 s0, $0x4  }
0x1af: {  	s0 =	sand.u32 $0xFFFFF80, s0  }
0x1b0: {  	s1 =	sadd.s32 $0x400, s26;
	s0 =	sadd.s32 s3, s0  }
0x1b1: {  	[tilespmem:s1], [sflag:$0x1] =	stream.linear.gather [hbm4b:s0+s2], $0x400, $0x38;
	[tilespmem:$0x19280] =	vst v63  }
0x1b2: {  	_ =	swait.ge [sflag:s23], $0x400  }
0x1b3: {  	[sflag:s23] =	ssyncset.done $0x0  }
0x1b4: {  	[sflag:s23] =	ssyncadd.s32 $0xFFFFFC00  }
0x1b5: {  	_ =	swait.ge [sflag:s23], $0x400  }
0x1b6: {  	[sflag:s23] =	ssyncset.done $0x0  }
0x1b7: {  	[sflag:s23] =	ssyncadd.s32 $0xFFFFFC00  }
0x1b8: {  	_ =	swait.ge [sflag:s23], $0x400  }
0x1b9: {  	[sflag:s23] =	ssyncset.done $0x0  }
0x1ba: {  	[sflag:s23] =	ssyncadd.s32 $0xFFFFFC00  }
0x1bb: {  	_ =	swait.ge [sflag:s23], $0x400  }
0x1bc: {  	[sflag:s23] =	ssyncset.done $0x0  }
0x1bd: {  	[sflag:s23] =	ssyncadd.s32 $0xFFFFFC00  }
0x1be: {  	_ =	swait.ge [sflag:s23], $0x400  }
0x1bf: {  	[sflag:s23] =	ssyncset.done $0x0  }
0x1c0: {  	[sflag:s23] =	ssyncadd.s32 $0xFFFFFC00  }
0x1c1: {  	_ =	swait.ge [sflag:s23], $0x400  }
0x1c2: {  	[sflag:s23] =	ssyncset.done $0x0  }
0x1c3: {  	[sflag:s23] =	ssyncadd.s32 $0xFFFFFC00  }
0x1c4: {  	_ =	swait.ge [sflag:s23], $0x400  }
0x1c5: {  	[sflag:s23] =	ssyncset.done $0x0  }
0x1c6: {  	[sflag:s23] =	ssyncadd.s32 $0xFFFFFC00  }
0x1c7: {  	_ =	swait.ge [sflag:s23], $0x400  }
0x1c8: {  	[sflag:s23] =	ssyncset.done $0x0  }
0x1c9: {  	[sflag:s23] =	ssyncadd.s32 $0xFFFFFC00  }
0x1ca: {  	_ =	swait.ge [sflag:s23], $0x400  }
0x1cb: {  	[sflag:s23] =	ssyncset.done $0x0  }
0x1cc: {  	[sflag:s23] =	ssyncadd.s32 $0xFFFFFC00  }
0x1cd: {  	_ =	swait.ge [sflag:s23], $0x400  }
0x1ce: {  	[sflag:s23] =	ssyncset.done $0x0  }
0x1cf: {  	[sflag:s23] =	ssyncadd.s32 $0xFFFFFC00  }
0x1d0: {  	_ =	swait.ge [sflag:s23], $0x400  }
0x1d1: {  	[sflag:s23] =	ssyncset.done $0x0  }
0x1d2: {  	[sflag:s23] =	ssyncadd.s32 $0xFFFFFC00  }
0x1d3: {  	_ =	swait.ge [sflag:s23], $0x400  }
0x1d4: {  	[sflag:s23] =	ssyncset.done $0x0  }
0x1d5: {  	[sflag:s23] =	ssyncadd.s32 $0xFFFFFC00  }
0x1d6: {  	_ =	swait.ge [sflag:s23], $0x400  }
0x1d7: {  	[sflag:s23] =	ssyncset.done $0x0  }
0x1d8: {  	[sflag:s23] =	ssyncadd.s32 $0xFFFFFC00  }
0x1d9: {  	_ =	swait.ge [sflag:s23], $0x400  }
0x1da: {  	[sflag:s23] =	ssyncset.done $0x0  }
0x1db: {  	[sflag:s23] =	ssyncadd.s32 $0xFFFFFC00  }
0x1dc: {  	_ =	swait.ge [sflag:s23], $0x400  }
0x1dd: {  	[sflag:s23] =	ssyncset.done $0x0  }
0x1de: {  	[sflag:s23] =	ssyncadd.s32 $0xFFFFFC00  }
0x1df: {  	_ =	swait.ge [sflag:s23], $0x400  }
0x1e0: {  	[sflag:s23] =	ssyncset.done $0x0  }
0x1e1: {  	[sflag:s23] =	ssyncadd.s32 $0xFFFFFC00  }
0x1e2: {  	_ =	swait.ge [sflag:s23], $0x400  }
0x1e3: {  	[sflag:s23] =	ssyncset.done $0x0  }
0x1e4: {  	[sflag:s23] =	ssyncadd.s32 $0xFFFFFC00  }
0x1e5: {  	_ =	swait.ge [sflag:s23], $0x400  }
0x1e6: {  	[sflag:s23] =	ssyncset.done $0x0  }
0x1e7: {  	[sflag:s23] =	ssyncadd.s32 $0xFFFFFC00  }
0x1e8: {  	_ =	swait.ge [sflag:s23], $0x400  }
0x1e9: {  	[sflag:s23] =	ssyncset.done $0x0  }
0x1ea: {  	[sflag:s23] =	ssyncadd.s32 $0xFFFFFC00  }
0x1eb: {  	_ =	swait.ge [sflag:s23], $0x400  }
0x1ec: {  	[sflag:s23] =	ssyncset.done $0x0  }
0x1ed: {  	[sflag:s23] =	ssyncadd.s32 $0xFFFFFC00  }
0x1ee: {  	_ =	swait.ge [sflag:s23], $0x400  }
0x1ef: {  	[sflag:s23] =	ssyncset.done $0x0  }
0x1f0: {  	[sflag:s23] =	ssyncadd.s32 $0xFFFFFC00  }
0x1f1: {  	_ =	swait.ge [sflag:s23], $0x400  }
0x1f2: {  	[sflag:s23] =	ssyncset.done $0x0  }
0x1f3: {  	[sflag:s23] =	ssyncadd.s32 $0xFFFFFC00  }
0x1f4: {  	_ =	swait.ge [sflag:s23], $0x400  }
0x1f5: {  	[sflag:s23] =	ssyncset.done $0x0  }
0x1f6: {  	[sflag:s23] =	ssyncadd.s32 $0xFFFFFC00  }
0x1f7: {  	_ =	swait.ge [sflag:s23], $0x400  }
0x1f8: {  	[sflag:s23] =	ssyncset.done $0x0  }
0x1f9: {  	[sflag:s23] =	ssyncadd.s32 $0xFFFFFC00  }
0x1fa: {  	_ =	swait.ge [sflag:s23], $0x400  }
0x1fb: {  	[sflag:s23] =	ssyncset.done $0x0  }
0x1fc: {  	[sflag:s23] =	ssyncadd.s32 $0xFFFFFC00  }
0x1fd: {  	_ =	swait.ge [sflag:s23], $0x400  }
0x1fe: {  	[sflag:s23] =	ssyncset.done $0x0  }
0x1ff: {  	[sflag:s23] =	ssyncadd.s32 $0xFFFFFC00  }
0x200: {  	_ =	swait.ge [sflag:s23], $0x400  }
0x201: {  	[sflag:s23] =	ssyncset.done $0x0  }
0x202: {  	[sflag:s23] =	ssyncadd.s32 $0xFFFFFC00  }
0x203: {  	_ =	swait.ge [sflag:s23], $0x400  }
0x204: {  	[sflag:s23] =	ssyncset.done $0x0  }
0x205: {  	[sflag:s23] =	ssyncadd.s32 $0xFFFFFC00  }
0x206: {  	_ =	swait.ge [sflag:s23], $0x400  }
0x207: {  	[sflag:s23] =	ssyncset.done $0x0  }
0x208: {  	[sflag:s23] =	ssyncadd.s32 $0xFFFFFC00  }
0x209: {  	_ =	swait.ge [sflag:s23], $0x400  }
0x20a: {  	[sflag:s23] =	ssyncset.done $0x0  }
0x20b: {  	[sflag:s23] =	ssyncadd.s32 $0xFFFFFC00  }
0x20c: {  	_ =	swait.ge [sflag:s23], $0x400  }
0x20d: {  	[sflag:s23] =	ssyncset.done $0x0  }
0x20e: {  	[sflag:s23] =	ssyncadd.s32 $0xFFFFFC00  }
0x20f: {  	_ =	swait.ge [sflag:s23], $0x400  }
0x210: {  	[sflag:s23] =	ssyncset.done $0x0  }
0x211: {  	s26 =	simm.s32 $0x40;
	[sflag:s23] =	ssyncadd.s32 $0xFFFFFC00  }
0x212: {  	v0 =	vld [tilespmem:s26+$0x0];
	_ =	sdelay $0x4  }
0x213: {  	(v2sf) =	vpush v0, $0x0;
	_ =	sdelay $0xe  }
0x214: {  	s31 =	spop (v2sf)  }
0x215: {  	s0 =	sand.u32 $0x7, s31  }
0x216: {  	s0 =	sshll.u32 s0, $0x7  }
0x217: {  	s0 =	sadd.s32 $0x0, s0  }
0x218: {  	v0 =	vld [tilespmem:s0+$0x10280];
	_ =	sdelay $0x3  }
0x219: {  	s26 =	simm.s32 $0x182A0  }
0x21a: {  	[tilespmem:s26+$0xFFFFFFE0] =	vst v0  }
0x21b: {  	v0 =	vld [tilespmem:s0+$0x10290];
	_ =	sdelay $0x4  }
0x21c: {  	[tilespmem:s26+$0xFFFFFFF0] =	vst v0  }
0x21d: {  	v0 =	vld [tilespmem:s0+$0x102A0];
	_ =	sdelay $0x4  }
0x21e: {  	[tilespmem:s26+$0x0] =	vst v0  }
0x21f: {  	v0 =	vld [tilespmem:s0+$0x102B0];
	_ =	sdelay $0x4  }
0x220: {  	s29 =	simm.s32 $0x41;
	[tilespmem:s26+$0x10] =	vst v0  }
0x221: {  	s28 =	simm.s32 $0x1000;
	s30 =	simm.s32 $0x2000;
	v0 =	vld [tilespmem:s29+$0x0]  }
.LBB2_22:
0x222: {  	p0 =	sne.s32 s30, $0x1F000;
	_ =	sdelay $0x3  }
0x223: {  	(v2sf) =	vpush v0, $0x0;
	_ =	sdelay $0xe  }
0x224: {  	s0 =	spop (v2sf)  }
0x225: {  	s0 =	sand.u32 $0x7, s0  }
0x226: {  	s1 =	sshra.s32 s28, $0x2;
	s28 =	smov.u32 s30;
	s0 =	sshll.u32 s0, $0x7  }
0x227: {  	s0 =	sadd.s32 s1, s0  }
0x228: {  	v0 =	vld [tilespmem:s0+$0x10280];
	_ =	sdelay $0x3  }
0x229: {  	s26 =	sadd.s32 $0x80, s26  }
0x22a: {  	[tilespmem:s26+$0xFFFFFFE0] =	vst v0  }
0x22b: {  	v0 =	vld [tilespmem:s0+$0x10290];
	_ =	sdelay $0x4  }
0x22c: {  	[tilespmem:s26+$0xFFFFFFF0] =	vst v0  }
0x22d: {  	v0 =	vld [tilespmem:s0+$0x102A0];
	_ =	sdelay $0x4  }
0x22e: {  	[tilespmem:s26+$0x0] =	vst v0  }
0x22f: {  	v0 =	vld [tilespmem:s0+$0x102B0];
	_ =	sdelay $0x1  }
.Ltmp11:
0x230: {  	(pc) =	sbr.rel @p0 .LBB2_22-.Ltmp11, $3  }
0x231: {  	_ =	sdelay $0x1  }
0x232: {  	s29 =	sadd.s32 $0x1, s29;
	[tilespmem:s26+$0x10] =	vst v0  }
0x233: {  	s30 =	sadd.s32 $0x1000, s30;
	v0 =	vld [tilespmem:s29+$0x0]  }
0x234: {  	_ =	sdelay $0x3  }
0x235: {  	(v2sf) =	vpush v0, $0x0;
	_ =	sdelay $0xe  }
0x236: {  	s0 =	spop (v2sf)  }
0x237: {  	s0 =	sand.u32 $0x7, s0  }
0x238: {  	s1 =	sshra.s32 s28, $0x2;
	s0 =	sshll.u32 s0, $0x7  }
0x239: {  	s0 =	sadd.s32 s1, s0  }
0x23a: {  	v0 =	vld [tilespmem:s0+$0x10280];
	_ =	sdelay $0x3  }
0x23b: {  	s31 =	sadd.s32 $0x80, s26  }
0x23c: {  	[tilespmem:s31+$0xFFFFFFE0] =	vst v0  }
0x23d: {  	v0 =	vld [tilespmem:s0+$0x10290];
	_ =	sdelay $0x4  }
0x23e: {  	[tilespmem:s31+$0xFFFFFFF0] =	vst v0  }
0x23f: {  	v0 =	vld [tilespmem:s0+$0x102A0];
	_ =	sdelay $0x4  }
0x240: {  	[tilespmem:s31+$0x0] =	vst v0  }
0x241: {  	v0 =	vld [tilespmem:s0+$0x102B0];
	_ =	sdelay $0x4  }
0x242: {  	s26 =	simm.s32 $0x0;
	[tilespmem:s31+$0x10] =	vst v0  }
0x243: {  	[hbm4b:s6+s26] =	stream.linear.scatter [tilespmem:s24], [sflag:$0x2], $0x1000, $0x38;
	[tilespmem:$0x19280] =	vst v63  }
0x244: {  	_ =	swait.ge [sflag:s22], $0x1000  }
0x245: {  	[sflag:s22] =	ssyncset.done $0x0  }
0x246: {  	s29 =	simm.s32 $0x0;
	[sflag:s22] =	ssyncadd.s32 $0xFFFFF000  }
0x247: {  	v0 =	vld [tilespmem:s29+$0xA0];
	_ =	sdelay $0x4  }
0x248: {  	(v2sf) =	vpush v0, $0x0;
	_ =	sdelay $0xe  }
0x249: {  	s30 =	spop (v2sf)  }
0x24a: {  	s0 =	sshll.u32 s30, $0x4  }
0x24b: {  	s0 =	sand.u32 $0xFFFFF80, s0  }
0x24c: {  	s31 =	simm.s32 $0x1;
	s26 =	simm.s32 $0x10280;
	s0 =	sadd.s32 s3, s0  }
0x24d: {  	[tilespmem:s26], [sflag:$0x1] =	stream.linear.gather [hbm4b:s0+s2], $0x400, $0x38;
	[tilespmem:$0x19280] =	vst v63  }
0x24e: {  	s28 =	simm.s32 $0x8;
	v0 =	vld [tilespmem:s31+$0xA0]  }
.LBB2_24:
0x24f: {  	p0 =	sne.s32 s28, $0x7C;
	_ =	sdelay $0x3  }
0x250: {  	(v2sf) =	vpush v0, $0x0;
	_ =	sdelay $0xe  }
0x251: {  	s0 =	spop (v2sf)  }
.Ltmp12:
0x252: {  	s0 =	sshll.u32 s0, $0x4;
	(pc) =	sbr.rel @p0 .LBB2_24-.Ltmp12, $4  }
0x253: {  	s0 =	sand.u32 $0xFFFFF80, s0  }
0x254: {  	s1 =	sshra.s32 s28, $0x2;
	s26 =	sadd.s32 $0x400, s26;
	s0 =	sadd.s32 s3, s0  }
0x255: {  	[tilespmem:s26], [sflag:$0x1] =	stream.linear.gather [hbm4b:s0+s2], $0x400, $0x38;
	[tilespmem:$0x19280] =	vst v63  }
0x256: {  	s28 =	sadd.s32 $0x4, s28;
	v0 =	vld [tilespmem:s1+$0xA0]  }
0x257: {  	_ =	sdelay $0x3  }
0x258: {  	(v2sf) =	vpush v0, $0x0;
	_ =	sdelay $0xe  }
0x259: {  	s0 =	spop (v2sf)  }
0x25a: {  	s0 =	sshll.u32 s0, $0x4  }
0x25b: {  	s0 =	sand.u32 $0xFFFFF80, s0  }
0x25c: {  	s1 =	sadd.s32 $0x400, s26;
	s0 =	sadd.s32 s3, s0  }
0x25d: {  	[tilespmem:s1], [sflag:$0x1] =	stream.linear.gather [hbm4b:s0+s2], $0x400, $0x38;
	[tilespmem:$0x19280] =	vst v63  }
0x25e: {  	_ =	swait.ge [sflag:s23], $0x400  }
0x25f: {  	[sflag:s23] =	ssyncset.done $0x0  }
0x260: {  	[sflag:s23] =	ssyncadd.s32 $0xFFFFFC00  }
0x261: {  	_ =	swait.ge [sflag:s23], $0x400  }
0x262: {  	[sflag:s23] =	ssyncset.done $0x0  }
0x263: {  	[sflag:s23] =	ssyncadd.s32 $0xFFFFFC00  }
0x264: {  	_ =	swait.ge [sflag:s23], $0x400  }
0x265: {  	[sflag:s23] =	ssyncset.done $0x0  }
0x266: {  	[sflag:s23] =	ssyncadd.s32 $0xFFFFFC00  }
0x267: {  	_ =	swait.ge [sflag:s23], $0x400  }
0x268: {  	[sflag:s23] =	ssyncset.done $0x0  }
0x269: {  	[sflag:s23] =	ssyncadd.s32 $0xFFFFFC00  }
0x26a: {  	_ =	swait.ge [sflag:s23], $0x400  }
0x26b: {  	[sflag:s23] =	ssyncset.done $0x0  }
0x26c: {  	[sflag:s23] =	ssyncadd.s32 $0xFFFFFC00  }
0x26d: {  	_ =	swait.ge [sflag:s23], $0x400  }
0x26e: {  	[sflag:s23] =	ssyncset.done $0x0  }
0x26f: {  	[sflag:s23] =	ssyncadd.s32 $0xFFFFFC00  }
0x270: {  	_ =	swait.ge [sflag:s23], $0x400  }
0x271: {  	[sflag:s23] =	ssyncset.done $0x0  }
0x272: {  	[sflag:s23] =	ssyncadd.s32 $0xFFFFFC00  }
0x273: {  	_ =	swait.ge [sflag:s23], $0x400  }
0x274: {  	[sflag:s23] =	ssyncset.done $0x0  }
0x275: {  	[sflag:s23] =	ssyncadd.s32 $0xFFFFFC00  }
0x276: {  	_ =	swait.ge [sflag:s23], $0x400  }
0x277: {  	[sflag:s23] =	ssyncset.done $0x0  }
0x278: {  	[sflag:s23] =	ssyncadd.s32 $0xFFFFFC00  }
0x279: {  	_ =	swait.ge [sflag:s23], $0x400  }
0x27a: {  	[sflag:s23] =	ssyncset.done $0x0  }
0x27b: {  	[sflag:s23] =	ssyncadd.s32 $0xFFFFFC00  }
0x27c: {  	_ =	swait.ge [sflag:s23], $0x400  }
0x27d: {  	[sflag:s23] =	ssyncset.done $0x0  }
0x27e: {  	[sflag:s23] =	ssyncadd.s32 $0xFFFFFC00  }
0x27f: {  	_ =	swait.ge [sflag:s23], $0x400  }
0x280: {  	[sflag:s23] =	ssyncset.done $0x0  }
0x281: {  	[sflag:s23] =	ssyncadd.s32 $0xFFFFFC00  }
0x282: {  	_ =	swait.ge [sflag:s23], $0x400  }
0x283: {  	[sflag:s23] =	ssyncset.done $0x0  }
0x284: {  	[sflag:s23] =	ssyncadd.s32 $0xFFFFFC00  }
0x285: {  	_ =	swait.ge [sflag:s23], $0x400  }
0x286: {  	[sflag:s23] =	ssyncset.done $0x0  }
0x287: {  	[sflag:s23] =	ssyncadd.s32 $0xFFFFFC00  }
0x288: {  	_ =	swait.ge [sflag:s23], $0x400  }
0x289: {  	[sflag:s23] =	ssyncset.done $0x0  }
0x28a: {  	[sflag:s23] =	ssyncadd.s32 $0xFFFFFC00  }
0x28b: {  	_ =	swait.ge [sflag:s23], $0x400  }
0x28c: {  	[sflag:s23] =	ssyncset.done $0x0  }
0x28d: {  	[sflag:s23] =	ssyncadd.s32 $0xFFFFFC00  }
0x28e: {  	_ =	swait.ge [sflag:s23], $0x400  }
0x28f: {  	[sflag:s23] =	ssyncset.done $0x0  }
0x290: {  	[sflag:s23] =	ssyncadd.s32 $0xFFFFFC00  }
0x291: {  	_ =	swait.ge [sflag:s23], $0x400  }
0x292: {  	[sflag:s23] =	ssyncset.done $0x0  }
0x293: {  	[sflag:s23] =	ssyncadd.s32 $0xFFFFFC00  }
0x294: {  	_ =	swait.ge [sflag:s23], $0x400  }
0x295: {  	[sflag:s23] =	ssyncset.done $0x0  }
0x296: {  	[sflag:s23] =	ssyncadd.s32 $0xFFFFFC00  }
0x297: {  	_ =	swait.ge [sflag:s23], $0x400  }
0x298: {  	[sflag:s23] =	ssyncset.done $0x0  }
0x299: {  	[sflag:s23] =	ssyncadd.s32 $0xFFFFFC00  }
0x29a: {  	_ =	swait.ge [sflag:s23], $0x400  }
0x29b: {  	[sflag:s23] =	ssyncset.done $0x0  }
0x29c: {  	[sflag:s23] =	ssyncadd.s32 $0xFFFFFC00  }
0x29d: {  	_ =	swait.ge [sflag:s23], $0x400  }
0x29e: {  	[sflag:s23] =	ssyncset.done $0x0  }
0x29f: {  	[sflag:s23] =	ssyncadd.s32 $0xFFFFFC00  }
0x2a0: {  	_ =	swait.ge [sflag:s23], $0x400  }
0x2a1: {  	[sflag:s23] =	ssyncset.done $0x0  }
0x2a2: {  	[sflag:s23] =	ssyncadd.s32 $0xFFFFFC00  }
0x2a3: {  	_ =	swait.ge [sflag:s23], $0x400  }
0x2a4: {  	[sflag:s23] =	ssyncset.done $0x0  }
0x2a5: {  	[sflag:s23] =	ssyncadd.s32 $0xFFFFFC00  }
0x2a6: {  	_ =	swait.ge [sflag:s23], $0x400  }
0x2a7: {  	[sflag:s23] =	ssyncset.done $0x0  }
0x2a8: {  	[sflag:s23] =	ssyncadd.s32 $0xFFFFFC00  }
0x2a9: {  	_ =	swait.ge [sflag:s23], $0x400  }
0x2aa: {  	[sflag:s23] =	ssyncset.done $0x0  }
0x2ab: {  	[sflag:s23] =	ssyncadd.s32 $0xFFFFFC00  }
0x2ac: {  	_ =	swait.ge [sflag:s23], $0x400  }
0x2ad: {  	[sflag:s23] =	ssyncset.done $0x0  }
0x2ae: {  	[sflag:s23] =	ssyncadd.s32 $0xFFFFFC00  }
0x2af: {  	_ =	swait.ge [sflag:s23], $0x400  }
0x2b0: {  	[sflag:s23] =	ssyncset.done $0x0  }
0x2b1: {  	[sflag:s23] =	ssyncadd.s32 $0xFFFFFC00  }
0x2b2: {  	_ =	swait.ge [sflag:s23], $0x400  }
0x2b3: {  	[sflag:s23] =	ssyncset.done $0x0  }
0x2b4: {  	[sflag:s23] =	ssyncadd.s32 $0xFFFFFC00  }
0x2b5: {  	_ =	swait.ge [sflag:s23], $0x400  }
0x2b6: {  	[sflag:s23] =	ssyncset.done $0x0  }
0x2b7: {  	[sflag:s23] =	ssyncadd.s32 $0xFFFFFC00  }
0x2b8: {  	_ =	swait.ge [sflag:s23], $0x400  }
0x2b9: {  	[sflag:s23] =	ssyncset.done $0x0  }
0x2ba: {  	[sflag:s23] =	ssyncadd.s32 $0xFFFFFC00  }
0x2bb: {  	_ =	swait.ge [sflag:s23], $0x400  }
0x2bc: {  	[sflag:s23] =	ssyncset.done $0x0  }
0x2bd: {  	s26 =	simm.s32 $0x0;
	[sflag:s23] =	ssyncadd.s32 $0xFFFFFC00  }
0x2be: {  	v62 =	vld [tilespmem:s26+$0x60];
	_ =	sdelay $0x4  }
0x2bf: {  	(v2sf) =	vpush v62, $0x0;
	_ =	sdelay $0xe  }
0x2c0: {  	s31 =	spop (v2sf)  }
0x2c1: {  	s0 =	sand.u32 $0x7, s31  }
0x2c2: {  	s0 =	sshll.u32 s0, $0x7  }
0x2c3: {  	s0 =	sadd.s32 $0x280, s0  }
0x2c4: {  	v63 =	vld [tilespmem:s0+$0x0];
	_ =	sdelay $0x3  }
0x2c5: {  	s26 =	simm.s32 $0x182A0  }
0x2c6: {  	[tilespmem:s26+$0xFFFFFFE0] =	vst v63  }
0x2c7: {  	v0 =	vld [tilespmem:s0+$0x10];
	_ =	sdelay $0x4  }
0x2c8: {  	[tilespmem:s26+$0xFFFFFFF0] =	vst v0  }
0x2c9: {  	v0 =	vld [tilespmem:s0+$0x20];
	_ =	sdelay $0x4  }
0x2ca: {  	[tilespmem:s26+$0x0] =	vst v0  }
0x2cb: {  	v0 =	vld [tilespmem:s0+$0x30];
	_ =	sdelay $0x4  }
0x2cc: {  	s28 =	simm.s32 $0x280;
	s30 =	simm.s32 $0x1;
	s29 =	simm.s32 $0x8;
	[tilespmem:s26+$0x10] =	vst v0  }
.LBB2_26:
0x2cd: {  	p0 =	sne.s32 s29, $0x7C;
	v0 =	vld [tilespmem:s30+$0x60];
	_ =	sdelay $0x4  }
0x2ce: {  	(v2sf) =	vpush v0, $0x0;
	_ =	sdelay $0xe  }
0x2cf: {  	s0 =	spop (v2sf)  }
0x2d0: {  	s0 =	sand.u32 $0x7, s0  }
0x2d1: {  	s28 =	sadd.s32 $0x400, s28;
	s0 =	sshll.u32 s0, $0x7  }
0x2d2: {  	s0 =	sadd.s32 s0, s28  }
0x2d3: {  	v0 =	vld [tilespmem:s0+$0x0];
	_ =	sdelay $0x3  }
0x2d4: {  	s26 =	sadd.s32 $0x80, s26  }
0x2d5: {  	[tilespmem:s26+$0xFFFFFFE0] =	vst v0  }
0x2d6: {  	v0 =	vld [tilespmem:s0+$0x10];
	_ =	sdelay $0x4  }
0x2d7: {  	[tilespmem:s26+$0xFFFFFFF0] =	vst v0  }
0x2d8: {  	v0 =	vld [tilespmem:s0+$0x20];
	_ =	sdelay $0x4  }
0x2d9: {  	[tilespmem:s26+$0x0] =	vst v0  }
0x2da: {  	v0 =	vld [tilespmem:s0+$0x30]  }
.Ltmp13:
0x2db: {  	(pc) =	sbr.rel @p0 .LBB2_26-.Ltmp13, $2  }
0x2dc: {  	_ =	sdelay $0x2  }
0x2dd: {  	s30 =	sshra.s32 s29, $0x2;
	s29 =	sadd.s32 $0x4, s29;
	[tilespmem:s26+$0x10] =	vst v0  }
0x2de: {  	v0 =	vld [tilespmem:s30+$0x60];
	_ =	sdelay $0x4  }
0x2df: {  	(v2sf) =	vpush v0, $0x0;
	_ =	sdelay $0xe  }
0x2e0: {  	s0 =	spop (v2sf)  }
0x2e1: {  	s0 =	sand.u32 $0x7, s0  }
0x2e2: {  	s1 =	sadd.s32 $0x400, s28;
	s0 =	sshll.u32 s0, $0x7  }
0x2e3: {  	s0 =	sadd.s32 s0, s1  }
0x2e4: {  	v0 =	vld [tilespmem:s0+$0x0];
	_ =	sdelay $0x3  }
0x2e5: {  	s31 =	sadd.s32 $0x80, s26  }
0x2e6: {  	[tilespmem:s31+$0xFFFFFFE0] =	vst v0  }
0x2e7: {  	v0 =	vld [tilespmem:s0+$0x10];
	_ =	sdelay $0x4  }
0x2e8: {  	[tilespmem:s31+$0xFFFFFFF0] =	vst v0  }
0x2e9: {  	v0 =	vld [tilespmem:s0+$0x20];
	_ =	sdelay $0x4  }
0x2ea: {  	[tilespmem:s31+$0x0] =	vst v0  }
0x2eb: {  	v0 =	vld [tilespmem:s0+$0x30];
	_ =	sdelay $0x4  }
0x2ec: {  	s26 =	simm.s32 $0x0;
	[tilespmem:s31+$0x10] =	vst v0  }
0x2ed: {  	[hbm4b:s7+s26] =	stream.linear.scatter [tilespmem:s24], [sflag:$0x2], $0x1000, $0x38;
	[tilespmem:$0x19280] =	vst v63  }
0x2ee: {  	_ =	swait.ge [sflag:s22], $0x1000  }
0x2ef: {  	[sflag:s22] =	ssyncset.done $0x0  }
0x2f0: {  	s29 =	simm.s32 $0x0;
	[sflag:s22] =	ssyncadd.s32 $0xFFFFF000  }
0x2f1: {  	v0 =	vld [tilespmem:s29+$0xC0];
	_ =	sdelay $0x4  }
0x2f2: {  	(v2sf) =	vpush v0, $0x0;
	_ =	sdelay $0xe  }
0x2f3: {  	s30 =	spop (v2sf)  }
0x2f4: {  	s0 =	sshll.u32 s30, $0x4  }
0x2f5: {  	s0 =	sand.u32 $0xFFFFF80, s0  }
0x2f6: {  	s31 =	simm.s32 $0x1;
	s26 =	simm.s32 $0x280;
	s0 =	sadd.s32 s3, s0  }
0x2f7: {  	[tilespmem:s26], [sflag:$0x1] =	stream.linear.gather [hbm4b:s0+s2], $0x400, $0x38;
	[tilespmem:$0x19280] =	vst v63  }
0x2f8: {  	s28 =	simm.s32 $0x8;
	v0 =	vld [tilespmem:s31+$0xC0]  }
.LBB2_28:
0x2f9: {  	p0 =	sne.s32 s28, $0x7C;
	_ =	sdelay $0x3  }
0x2fa: {  	(v2sf) =	vpush v0, $0x0;
	_ =	sdelay $0xe  }
0x2fb: {  	s0 =	spop (v2sf)  }
.Ltmp14:
0x2fc: {  	s0 =	sshll.u32 s0, $0x4;
	(pc) =	sbr.rel @p0 .LBB2_28-.Ltmp14, $4  }
0x2fd: {  	s0 =	sand.u32 $0xFFFFF80, s0  }
0x2fe: {  	s1 =	sshra.s32 s28, $0x2;
	s26 =	sadd.s32 $0x400, s26;
	s0 =	sadd.s32 s3, s0  }
0x2ff: {  	[tilespmem:s26], [sflag:$0x1] =	stream.linear.gather [hbm4b:s0+s2], $0x400, $0x38;
	[tilespmem:$0x19280] =	vst v63  }
0x300: {  	s28 =	sadd.s32 $0x4, s28;
	v0 =	vld [tilespmem:s1+$0xC0]  }
0x301: {  	_ =	sdelay $0x3  }
0x302: {  	(v2sf) =	vpush v0, $0x0;
	_ =	sdelay $0xe  }
0x303: {  	s0 =	spop (v2sf)  }
0x304: {  	s0 =	sshll.u32 s0, $0x4  }
0x305: {  	s0 =	sand.u32 $0xFFFFF80, s0  }
0x306: {  	s1 =	sadd.s32 $0x400, s26;
	s0 =	sadd.s32 s3, s0  }
0x307: {  	[tilespmem:s1], [sflag:$0x1] =	stream.linear.gather [hbm4b:s0+s2], $0x400, $0x38;
	[tilespmem:$0x19280] =	vst v63  }
0x308: {  	_ =	swait.ge [sflag:s23], $0x400  }
0x309: {  	[sflag:s23] =	ssyncset.done $0x0  }
0x30a: {  	[sflag:s23] =	ssyncadd.s32 $0xFFFFFC00  }
0x30b: {  	_ =	swait.ge [sflag:s23], $0x400  }
0x30c: {  	[sflag:s23] =	ssyncset.done $0x0  }
0x30d: {  	[sflag:s23] =	ssyncadd.s32 $0xFFFFFC00  }
0x30e: {  	_ =	swait.ge [sflag:s23], $0x400  }
0x30f: {  	[sflag:s23] =	ssyncset.done $0x0  }
0x310: {  	[sflag:s23] =	ssyncadd.s32 $0xFFFFFC00  }
0x311: {  	_ =	swait.ge [sflag:s23], $0x400  }
0x312: {  	[sflag:s23] =	ssyncset.done $0x0  }
0x313: {  	[sflag:s23] =	ssyncadd.s32 $0xFFFFFC00  }
0x314: {  	_ =	swait.ge [sflag:s23], $0x400  }
0x315: {  	[sflag:s23] =	ssyncset.done $0x0  }
0x316: {  	[sflag:s23] =	ssyncadd.s32 $0xFFFFFC00  }
0x317: {  	_ =	swait.ge [sflag:s23], $0x400  }
0x318: {  	[sflag:s23] =	ssyncset.done $0x0  }
0x319: {  	[sflag:s23] =	ssyncadd.s32 $0xFFFFFC00  }
0x31a: {  	_ =	swait.ge [sflag:s23], $0x400  }
0x31b: {  	[sflag:s23] =	ssyncset.done $0x0  }
0x31c: {  	[sflag:s23] =	ssyncadd.s32 $0xFFFFFC00  }
0x31d: {  	_ =	swait.ge [sflag:s23], $0x400  }
0x31e: {  	[sflag:s23] =	ssyncset.done $0x0  }
0x31f: {  	[sflag:s23] =	ssyncadd.s32 $0xFFFFFC00  }
0x320: {  	_ =	swait.ge [sflag:s23], $0x400  }
0x321: {  	[sflag:s23] =	ssyncset.done $0x0  }
0x322: {  	[sflag:s23] =	ssyncadd.s32 $0xFFFFFC00  }
0x323: {  	_ =	swait.ge [sflag:s23], $0x400  }
0x324: {  	[sflag:s23] =	ssyncset.done $0x0  }
0x325: {  	[sflag:s23] =	ssyncadd.s32 $0xFFFFFC00  }
0x326: {  	_ =	swait.ge [sflag:s23], $0x400  }
0x327: {  	[sflag:s23] =	ssyncset.done $0x0  }
0x328: {  	[sflag:s23] =	ssyncadd.s32 $0xFFFFFC00  }
0x329: {  	_ =	swait.ge [sflag:s23], $0x400  }
0x32a: {  	[sflag:s23] =	ssyncset.done $0x0  }
0x32b: {  	[sflag:s23] =	ssyncadd.s32 $0xFFFFFC00  }
0x32c: {  	_ =	swait.ge [sflag:s23], $0x400  }
0x32d: {  	[sflag:s23] =	ssyncset.done $0x0  }
0x32e: {  	[sflag:s23] =	ssyncadd.s32 $0xFFFFFC00  }
0x32f: {  	_ =	swait.ge [sflag:s23], $0x400  }
0x330: {  	[sflag:s23] =	ssyncset.done $0x0  }
0x331: {  	[sflag:s23] =	ssyncadd.s32 $0xFFFFFC00  }
0x332: {  	_ =	swait.ge [sflag:s23], $0x400  }
0x333: {  	[sflag:s23] =	ssyncset.done $0x0  }
0x334: {  	[sflag:s23] =	ssyncadd.s32 $0xFFFFFC00  }
0x335: {  	_ =	swait.ge [sflag:s23], $0x400  }
0x336: {  	[sflag:s23] =	ssyncset.done $0x0  }
0x337: {  	[sflag:s23] =	ssyncadd.s32 $0xFFFFFC00  }
0x338: {  	_ =	swait.ge [sflag:s23], $0x400  }
0x339: {  	[sflag:s23] =	ssyncset.done $0x0  }
0x33a: {  	[sflag:s23] =	ssyncadd.s32 $0xFFFFFC00  }
0x33b: {  	_ =	swait.ge [sflag:s23], $0x400  }
0x33c: {  	[sflag:s23] =	ssyncset.done $0x0  }
0x33d: {  	[sflag:s23] =	ssyncadd.s32 $0xFFFFFC00  }
0x33e: {  	_ =	swait.ge [sflag:s23], $0x400  }
0x33f: {  	[sflag:s23] =	ssyncset.done $0x0  }
0x340: {  	[sflag:s23] =	ssyncadd.s32 $0xFFFFFC00  }
0x341: {  	_ =	swait.ge [sflag:s23], $0x400  }
0x342: {  	[sflag:s23] =	ssyncset.done $0x0  }
0x343: {  	[sflag:s23] =	ssyncadd.s32 $0xFFFFFC00  }
0x344: {  	_ =	swait.ge [sflag:s23], $0x400  }
0x345: {  	[sflag:s23] =	ssyncset.done $0x0  }
0x346: {  	[sflag:s23] =	ssyncadd.s32 $0xFFFFFC00  }
0x347: {  	_ =	swait.ge [sflag:s23], $0x400  }
0x348: {  	[sflag:s23] =	ssyncset.done $0x0  }
0x349: {  	[sflag:s23] =	ssyncadd.s32 $0xFFFFFC00  }
0x34a: {  	_ =	swait.ge [sflag:s23], $0x400  }
0x34b: {  	[sflag:s23] =	ssyncset.done $0x0  }
0x34c: {  	[sflag:s23] =	ssyncadd.s32 $0xFFFFFC00  }
0x34d: {  	_ =	swait.ge [sflag:s23], $0x400  }
0x34e: {  	[sflag:s23] =	ssyncset.done $0x0  }
0x34f: {  	[sflag:s23] =	ssyncadd.s32 $0xFFFFFC00  }
0x350: {  	_ =	swait.ge [sflag:s23], $0x400  }
0x351: {  	[sflag:s23] =	ssyncset.done $0x0  }
0x352: {  	[sflag:s23] =	ssyncadd.s32 $0xFFFFFC00  }
0x353: {  	_ =	swait.ge [sflag:s23], $0x400  }
0x354: {  	[sflag:s23] =	ssyncset.done $0x0  }
0x355: {  	[sflag:s23] =	ssyncadd.s32 $0xFFFFFC00  }
0x356: {  	_ =	swait.ge [sflag:s23], $0x400  }
0x357: {  	[sflag:s23] =	ssyncset.done $0x0  }
0x358: {  	[sflag:s23] =	ssyncadd.s32 $0xFFFFFC00  }
0x359: {  	_ =	swait.ge [sflag:s23], $0x400  }
0x35a: {  	[sflag:s23] =	ssyncset.done $0x0  }
0x35b: {  	[sflag:s23] =	ssyncadd.s32 $0xFFFFFC00  }
0x35c: {  	_ =	swait.ge [sflag:s23], $0x400  }
0x35d: {  	[sflag:s23] =	ssyncset.done $0x0  }
0x35e: {  	[sflag:s23] =	ssyncadd.s32 $0xFFFFFC00  }
0x35f: {  	_ =	swait.ge [sflag:s23], $0x400  }
0x360: {  	[sflag:s23] =	ssyncset.done $0x0  }
0x361: {  	[sflag:s23] =	ssyncadd.s32 $0xFFFFFC00  }
0x362: {  	_ =	swait.ge [sflag:s23], $0x400  }
0x363: {  	[sflag:s23] =	ssyncset.done $0x0  }
0x364: {  	[sflag:s23] =	ssyncadd.s32 $0xFFFFFC00  }
0x365: {  	_ =	swait.ge [sflag:s23], $0x400  }
0x366: {  	[sflag:s23] =	ssyncset.done $0x0  }
0x367: {  	s26 =	simm.s32 $0x80;
	[sflag:s23] =	ssyncadd.s32 $0xFFFFFC00  }
0x368: {  	v0 =	vld [tilespmem:s26+$0x0];
	_ =	sdelay $0x4  }
0x369: {  	(v2sf) =	vpush v0, $0x0;
	_ =	sdelay $0xe  }
0x36a: {  	s31 =	spop (v2sf)  }
0x36b: {  	s0 =	sand.u32 $0x7, s31  }
0x36c: {  	s0 =	sshll.u32 s0, $0x7  }
0x36d: {  	s0 =	sadd.s32 $0x0, s0  }
0x36e: {  	v0 =	vld [tilespmem:s0+$0x8280];
	_ =	sdelay $0x3  }
0x36f: {  	s26 =	simm.s32 $0x182A0  }
0x370: {  	[tilespmem:s26+$0xFFFFFFE0] =	vst v0  }
0x371: {  	v0 =	vld [tilespmem:s0+$0x8290];
	_ =	sdelay $0x4  }
0x372: {  	[tilespmem:s26+$0xFFFFFFF0] =	vst v0  }
0x373: {  	v0 =	vld [tilespmem:s0+$0x82A0];
	_ =	sdelay $0x4  }
0x374: {  	[tilespmem:s26+$0x0] =	vst v0  }
0x375: {  	v0 =	vld [tilespmem:s0+$0x82B0];
	_ =	sdelay $0x4  }
0x376: {  	s29 =	simm.s32 $0x81;
	[tilespmem:s26+$0x10] =	vst v0  }
0x377: {  	s28 =	simm.s32 $0x1000;
	s30 =	simm.s32 $0x2000;
	v0 =	vld [tilespmem:s29+$0x0]  }
.LBB2_30:
0x378: {  	p0 =	sne.s32 s30, $0x1F000;
	_ =	sdelay $0x3  }
0x379: {  	(v2sf) =	vpush v0, $0x0;
	_ =	sdelay $0xe  }
0x37a: {  	s0 =	spop (v2sf)  }
0x37b: {  	s0 =	sand.u32 $0x7, s0  }
0x37c: {  	s1 =	sshra.s32 s28, $0x2;
	s28 =	smov.u32 s30;
	s0 =	sshll.u32 s0, $0x7  }
0x37d: {  	s0 =	sadd.s32 s1, s0  }
0x37e: {  	v0 =	vld [tilespmem:s0+$0x8280];
	_ =	sdelay $0x3  }
0x37f: {  	s26 =	sadd.s32 $0x80, s26  }
0x380: {  	[tilespmem:s26+$0xFFFFFFE0] =	vst v0  }
0x381: {  	v0 =	vld [tilespmem:s0+$0x8290];
	_ =	sdelay $0x4  }
0x382: {  	[tilespmem:s26+$0xFFFFFFF0] =	vst v0  }
0x383: {  	v0 =	vld [tilespmem:s0+$0x82A0];
	_ =	sdelay $0x4  }
0x384: {  	[tilespmem:s26+$0x0] =	vst v0  }
0x385: {  	v0 =	vld [tilespmem:s0+$0x82B0];
	_ =	sdelay $0x1  }
.Ltmp15:
0x386: {  	(pc) =	sbr.rel @p0 .LBB2_30-.Ltmp15, $3  }
0x387: {  	_ =	sdelay $0x1  }
0x388: {  	s29 =	sadd.s32 $0x1, s29;
	[tilespmem:s26+$0x10] =	vst v0  }
0x389: {  	s30 =	sadd.s32 $0x1000, s30;
	v0 =	vld [tilespmem:s29+$0x0]  }
0x38a: {  	_ =	sdelay $0x3  }
0x38b: {  	(v2sf) =	vpush v0, $0x0;
	_ =	sdelay $0xe  }
0x38c: {  	s0 =	spop (v2sf)  }
0x38d: {  	s0 =	sand.u32 $0x7, s0  }
0x38e: {  	s1 =	sshra.s32 s28, $0x2;
	s0 =	sshll.u32 s0, $0x7  }
0x38f: {  	s0 =	sadd.s32 s1, s0  }
0x390: {  	v0 =	vld [tilespmem:s0+$0x8280];
	_ =	sdelay $0x3  }
0x391: {  	s31 =	sadd.s32 $0x80, s26  }
0x392: {  	[tilespmem:s31+$0xFFFFFFE0] =	vst v0  }
0x393: {  	v0 =	vld [tilespmem:s0+$0x8290];
	_ =	sdelay $0x4  }
0x394: {  	[tilespmem:s31+$0xFFFFFFF0] =	vst v0  }
0x395: {  	v0 =	vld [tilespmem:s0+$0x82A0];
	_ =	sdelay $0x4  }
0x396: {  	[tilespmem:s31+$0x0] =	vst v0  }
0x397: {  	v0 =	vld [tilespmem:s0+$0x82B0];
	_ =	sdelay $0x4  }
0x398: {  	s26 =	simm.s32 $0x0;
	[tilespmem:s31+$0x10] =	vst v0  }
0x399: {  	[hbm4b:s14+s26] =	stream.linear.scatter [tilespmem:s24], [sflag:$0x2], $0x1000, $0x38;
	[tilespmem:$0x19280] =	vst v63  }
0x39a: {  	_ =	swait.ge [sflag:s22], $0x1000  }
0x39b: {  	[sflag:s22] =	ssyncset.done $0x0  }
0x39c: {  	s29 =	simm.s32 $0x0;
	[sflag:s22] =	ssyncadd.s32 $0xFFFFF000  }
0x39d: {  	v0 =	vld [tilespmem:s29+$0xE0];
	_ =	sdelay $0x4  }
0x39e: {  	(v2sf) =	vpush v0, $0x0;
	_ =	sdelay $0xe  }
0x39f: {  	s30 =	spop (v2sf)  }
0x3a0: {  	s0 =	sshll.u32 s30, $0x4  }
0x3a1: {  	s0 =	sand.u32 $0xFFFFF80, s0  }
0x3a2: {  	s31 =	simm.s32 $0x1;
	s26 =	simm.s32 $0x8280;
	s0 =	sadd.s32 s3, s0  }
0x3a3: {  	[tilespmem:s26], [sflag:$0x1] =	stream.linear.gather [hbm4b:s0+s2], $0x400, $0x38;
	[tilespmem:$0x19280] =	vst v63  }
0x3a4: {  	s28 =	simm.s32 $0x8;
	v0 =	vld [tilespmem:s31+$0xE0]  }
.LBB2_32:
0x3a5: {  	p0 =	sne.s32 s28, $0x7C;
	_ =	sdelay $0x3  }
0x3a6: {  	(v2sf) =	vpush v0, $0x0;
	_ =	sdelay $0xe  }
0x3a7: {  	s0 =	spop (v2sf)  }
.Ltmp16:
0x3a8: {  	s0 =	sshll.u32 s0, $0x4;
	(pc) =	sbr.rel @p0 .LBB2_32-.Ltmp16, $4  }
0x3a9: {  	s0 =	sand.u32 $0xFFFFF80, s0  }
0x3aa: {  	s1 =	sshra.s32 s28, $0x2;
	s26 =	sadd.s32 $0x400, s26;
	s0 =	sadd.s32 s3, s0  }
0x3ab: {  	[tilespmem:s26], [sflag:$0x1] =	stream.linear.gather [hbm4b:s0+s2], $0x400, $0x38;
	[tilespmem:$0x19280] =	vst v63  }
0x3ac: {  	s28 =	sadd.s32 $0x4, s28;
	v0 =	vld [tilespmem:s1+$0xE0]  }
0x3ad: {  	_ =	sdelay $0x3  }
0x3ae: {  	(v2sf) =	vpush v0, $0x0;
	_ =	sdelay $0xe  }
0x3af: {  	s0 =	spop (v2sf)  }
0x3b0: {  	s0 =	sshll.u32 s0, $0x4  }
0x3b1: {  	s0 =	sand.u32 $0xFFFFF80, s0  }
0x3b2: {  	s1 =	sadd.s32 $0x400, s26;
	s0 =	sadd.s32 s3, s0  }
0x3b3: {  	[tilespmem:s1], [sflag:$0x1] =	stream.linear.gather [hbm4b:s0+s2], $0x400, $0x38;
	[tilespmem:$0x19280] =	vst v63  }
0x3b4: {  	_ =	swait.ge [sflag:s23], $0x400  }
0x3b5: {  	[sflag:s23] =	ssyncset.done $0x0  }
0x3b6: {  	[sflag:s23] =	ssyncadd.s32 $0xFFFFFC00  }
0x3b7: {  	_ =	swait.ge [sflag:s23], $0x400  }
0x3b8: {  	[sflag:s23] =	ssyncset.done $0x0  }
0x3b9: {  	[sflag:s23] =	ssyncadd.s32 $0xFFFFFC00  }
0x3ba: {  	_ =	swait.ge [sflag:s23], $0x400  }
0x3bb: {  	[sflag:s23] =	ssyncset.done $0x0  }
0x3bc: {  	[sflag:s23] =	ssyncadd.s32 $0xFFFFFC00  }
0x3bd: {  	_ =	swait.ge [sflag:s23], $0x400  }
0x3be: {  	[sflag:s23] =	ssyncset.done $0x0  }
0x3bf: {  	[sflag:s23] =	ssyncadd.s32 $0xFFFFFC00  }
0x3c0: {  	_ =	swait.ge [sflag:s23], $0x400  }
0x3c1: {  	[sflag:s23] =	ssyncset.done $0x0  }
0x3c2: {  	[sflag:s23] =	ssyncadd.s32 $0xFFFFFC00  }
0x3c3: {  	_ =	swait.ge [sflag:s23], $0x400  }
0x3c4: {  	[sflag:s23] =	ssyncset.done $0x0  }
0x3c5: {  	[sflag:s23] =	ssyncadd.s32 $0xFFFFFC00  }
0x3c6: {  	_ =	swait.ge [sflag:s23], $0x400  }
0x3c7: {  	[sflag:s23] =	ssyncset.done $0x0  }
0x3c8: {  	[sflag:s23] =	ssyncadd.s32 $0xFFFFFC00  }
0x3c9: {  	_ =	swait.ge [sflag:s23], $0x400  }
0x3ca: {  	[sflag:s23] =	ssyncset.done $0x0  }
0x3cb: {  	[sflag:s23] =	ssyncadd.s32 $0xFFFFFC00  }
0x3cc: {  	_ =	swait.ge [sflag:s23], $0x400  }
0x3cd: {  	[sflag:s23] =	ssyncset.done $0x0  }
0x3ce: {  	[sflag:s23] =	ssyncadd.s32 $0xFFFFFC00  }
0x3cf: {  	_ =	swait.ge [sflag:s23], $0x400  }
0x3d0: {  	[sflag:s23] =	ssyncset.done $0x0  }
0x3d1: {  	[sflag:s23] =	ssyncadd.s32 $0xFFFFFC00  }
0x3d2: {  	_ =	swait.ge [sflag:s23], $0x400  }
0x3d3: {  	[sflag:s23] =	ssyncset.done $0x0  }
0x3d4: {  	[sflag:s23] =	ssyncadd.s32 $0xFFFFFC00  }
0x3d5: {  	_ =	swait.ge [sflag:s23], $0x400  }
0x3d6: {  	[sflag:s23] =	ssyncset.done $0x0  }
0x3d7: {  	[sflag:s23] =	ssyncadd.s32 $0xFFFFFC00  }
0x3d8: {  	_ =	swait.ge [sflag:s23], $0x400  }
0x3d9: {  	[sflag:s23] =	ssyncset.done $0x0  }
0x3da: {  	[sflag:s23] =	ssyncadd.s32 $0xFFFFFC00  }
0x3db: {  	_ =	swait.ge [sflag:s23], $0x400  }
0x3dc: {  	[sflag:s23] =	ssyncset.done $0x0  }
0x3dd: {  	[sflag:s23] =	ssyncadd.s32 $0xFFFFFC00  }
0x3de: {  	_ =	swait.ge [sflag:s23], $0x400  }
0x3df: {  	[sflag:s23] =	ssyncset.done $0x0  }
0x3e0: {  	[sflag:s23] =	ssyncadd.s32 $0xFFFFFC00  }
0x3e1: {  	_ =	swait.ge [sflag:s23], $0x400  }
0x3e2: {  	[sflag:s23] =	ssyncset.done $0x0  }
0x3e3: {  	[sflag:s23] =	ssyncadd.s32 $0xFFFFFC00  }
0x3e4: {  	_ =	swait.ge [sflag:s23], $0x400  }
0x3e5: {  	[sflag:s23] =	ssyncset.done $0x0  }
0x3e6: {  	[sflag:s23] =	ssyncadd.s32 $0xFFFFFC00  }
0x3e7: {  	_ =	swait.ge [sflag:s23], $0x400  }
0x3e8: {  	[sflag:s23] =	ssyncset.done $0x0  }
0x3e9: {  	[sflag:s23] =	ssyncadd.s32 $0xFFFFFC00  }
0x3ea: {  	_ =	swait.ge [sflag:s23], $0x400  }
0x3eb: {  	[sflag:s23] =	ssyncset.done $0x0  }
0x3ec: {  	[sflag:s23] =	ssyncadd.s32 $0xFFFFFC00  }
0x3ed: {  	_ =	swait.ge [sflag:s23], $0x400  }
0x3ee: {  	[sflag:s23] =	ssyncset.done $0x0  }
0x3ef: {  	[sflag:s23] =	ssyncadd.s32 $0xFFFFFC00  }
0x3f0: {  	_ =	swait.ge [sflag:s23], $0x400  }
0x3f1: {  	[sflag:s23] =	ssyncset.done $0x0  }
0x3f2: {  	[sflag:s23] =	ssyncadd.s32 $0xFFFFFC00  }
0x3f3: {  	_ =	swait.ge [sflag:s23], $0x400  }
0x3f4: {  	[sflag:s23] =	ssyncset.done $0x0  }
0x3f5: {  	[sflag:s23] =	ssyncadd.s32 $0xFFFFFC00  }
0x3f6: {  	_ =	swait.ge [sflag:s23], $0x400  }
0x3f7: {  	[sflag:s23] =	ssyncset.done $0x0  }
0x3f8: {  	[sflag:s23] =	ssyncadd.s32 $0xFFFFFC00  }
0x3f9: {  	_ =	swait.ge [sflag:s23], $0x400  }
0x3fa: {  	[sflag:s23] =	ssyncset.done $0x0  }
0x3fb: {  	[sflag:s23] =	ssyncadd.s32 $0xFFFFFC00  }
0x3fc: {  	_ =	swait.ge [sflag:s23], $0x400  }
0x3fd: {  	[sflag:s23] =	ssyncset.done $0x0  }
0x3fe: {  	[sflag:s23] =	ssyncadd.s32 $0xFFFFFC00  }
0x3ff: {  	_ =	swait.ge [sflag:s23], $0x400  }
0x400: {  	[sflag:s23] =	ssyncset.done $0x0  }
0x401: {  	[sflag:s23] =	ssyncadd.s32 $0xFFFFFC00  }
0x402: {  	_ =	swait.ge [sflag:s23], $0x400  }
0x403: {  	[sflag:s23] =	ssyncset.done $0x0  }
0x404: {  	[sflag:s23] =	ssyncadd.s32 $0xFFFFFC00  }
0x405: {  	_ =	swait.ge [sflag:s23], $0x400  }
0x406: {  	[sflag:s23] =	ssyncset.done $0x0  }
0x407: {  	[sflag:s23] =	ssyncadd.s32 $0xFFFFFC00  }
0x408: {  	_ =	swait.ge [sflag:s23], $0x400  }
0x409: {  	[sflag:s23] =	ssyncset.done $0x0  }
0x40a: {  	[sflag:s23] =	ssyncadd.s32 $0xFFFFFC00  }
0x40b: {  	_ =	swait.ge [sflag:s23], $0x400  }
0x40c: {  	[sflag:s23] =	ssyncset.done $0x0  }
0x40d: {  	[sflag:s23] =	ssyncadd.s32 $0xFFFFFC00  }
0x40e: {  	_ =	swait.ge [sflag:s23], $0x400  }
0x40f: {  	[sflag:s23] =	ssyncset.done $0x0  }
0x410: {  	[sflag:s23] =	ssyncadd.s32 $0xFFFFFC00  }
0x411: {  	_ =	swait.ge [sflag:s23], $0x400  }
0x412: {  	[sflag:s23] =	ssyncset.done $0x0  }
0x413: {  	s26 =	simm.s32 $0xA0;
	[sflag:s23] =	ssyncadd.s32 $0xFFFFFC00  }
0x414: {  	v0 =	vld [tilespmem:s26+$0x0];
	_ =	sdelay $0x4  }
0x415: {  	(v2sf) =	vpush v0, $0x0;
	_ =	sdelay $0xe  }
0x416: {  	s31 =	spop (v2sf)  }
0x417: {  	s0 =	sand.u32 $0x7, s31  }
0x418: {  	s0 =	sshll.u32 s0, $0x7  }
0x419: {  	s0 =	sadd.s32 $0x0, s0  }
0x41a: {  	v0 =	vld [tilespmem:s0+$0x10280];
	_ =	sdelay $0x3  }
0x41b: {  	s26 =	simm.s32 $0x182A0  }
0x41c: {  	[tilespmem:s26+$0xFFFFFFE0] =	vst v0  }
0x41d: {  	v0 =	vld [tilespmem:s0+$0x10290];
	_ =	sdelay $0x4  }
0x41e: {  	[tilespmem:s26+$0xFFFFFFF0] =	vst v0  }
0x41f: {  	v0 =	vld [tilespmem:s0+$0x102A0];
	_ =	sdelay $0x4  }
0x420: {  	[tilespmem:s26+$0x0] =	vst v0  }
0x421: {  	v0 =	vld [tilespmem:s0+$0x102B0];
	_ =	sdelay $0x4  }
0x422: {  	s29 =	simm.s32 $0xA1;
	[tilespmem:s26+$0x10] =	vst v0  }
0x423: {  	s28 =	simm.s32 $0x1000;
	s30 =	simm.s32 $0x2000;
	v0 =	vld [tilespmem:s29+$0x0]  }
.LBB2_34:
0x424: {  	p0 =	sne.s32 s30, $0x1F000;
	_ =	sdelay $0x3  }
0x425: {  	(v2sf) =	vpush v0, $0x0;
	_ =	sdelay $0xe  }
0x426: {  	s0 =	spop (v2sf)  }
0x427: {  	s0 =	sand.u32 $0x7, s0  }
0x428: {  	s1 =	sshra.s32 s28, $0x2;
	s28 =	smov.u32 s30;
	s0 =	sshll.u32 s0, $0x7  }
0x429: {  	s0 =	sadd.s32 s1, s0  }
0x42a: {  	v0 =	vld [tilespmem:s0+$0x10280];
	_ =	sdelay $0x3  }
0x42b: {  	s26 =	sadd.s32 $0x80, s26  }
0x42c: {  	[tilespmem:s26+$0xFFFFFFE0] =	vst v0  }
0x42d: {  	v0 =	vld [tilespmem:s0+$0x10290];
	_ =	sdelay $0x4  }
0x42e: {  	[tilespmem:s26+$0xFFFFFFF0] =	vst v0  }
0x42f: {  	v0 =	vld [tilespmem:s0+$0x102A0];
	_ =	sdelay $0x4  }
0x430: {  	[tilespmem:s26+$0x0] =	vst v0  }
0x431: {  	v0 =	vld [tilespmem:s0+$0x102B0];
	_ =	sdelay $0x1  }
.Ltmp17:
0x432: {  	(pc) =	sbr.rel @p0 .LBB2_34-.Ltmp17, $3  }
0x433: {  	_ =	sdelay $0x1  }
0x434: {  	s29 =	sadd.s32 $0x1, s29;
	[tilespmem:s26+$0x10] =	vst v0  }
0x435: {  	s30 =	sadd.s32 $0x1000, s30;
	v0 =	vld [tilespmem:s29+$0x0]  }
0x436: {  	_ =	sdelay $0x3  }
0x437: {  	(v2sf) =	vpush v0, $0x0;
	_ =	sdelay $0xe  }
0x438: {  	s0 =	spop (v2sf)  }
0x439: {  	s0 =	sand.u32 $0x7, s0  }
0x43a: {  	s1 =	sshra.s32 s28, $0x2;
	s0 =	sshll.u32 s0, $0x7  }
0x43b: {  	s0 =	sadd.s32 s1, s0  }
0x43c: {  	v0 =	vld [tilespmem:s0+$0x10280];
	_ =	sdelay $0x3  }
0x43d: {  	s31 =	sadd.s32 $0x80, s26  }
0x43e: {  	[tilespmem:s31+$0xFFFFFFE0] =	vst v0  }
0x43f: {  	v0 =	vld [tilespmem:s0+$0x10290];
	_ =	sdelay $0x4  }
0x440: {  	[tilespmem:s31+$0xFFFFFFF0] =	vst v0  }
0x441: {  	v0 =	vld [tilespmem:s0+$0x102A0];
	_ =	sdelay $0x4  }
0x442: {  	[tilespmem:s31+$0x0] =	vst v0  }
0x443: {  	v0 =	vld [tilespmem:s0+$0x102B0];
	_ =	sdelay $0x4  }
0x444: {  	s26 =	simm.s32 $0x0;
	[tilespmem:s31+$0x10] =	vst v0  }
0x445: {  	[hbm4b:s8+s26] =	stream.linear.scatter [tilespmem:s24], [sflag:$0x2], $0x1000, $0x38;
	[tilespmem:$0x19280] =	vst v63  }
0x446: {  	_ =	swait.ge [sflag:s22], $0x1000  }
0x447: {  	[sflag:s22] =	ssyncset.done $0x0  }
0x448: {  	s29 =	simm.s32 $0x0;
	[sflag:s22] =	ssyncadd.s32 $0xFFFFF000  }
0x449: {  	v0 =	vld [tilespmem:s29+$0x100];
	_ =	sdelay $0x4  }
0x44a: {  	(v2sf) =	vpush v0, $0x0;
	_ =	sdelay $0xe  }
0x44b: {  	s30 =	spop (v2sf)  }
0x44c: {  	s0 =	sshll.u32 s30, $0x4  }
0x44d: {  	s0 =	sand.u32 $0xFFFFF80, s0  }
0x44e: {  	s31 =	simm.s32 $0x1;
	s26 =	simm.s32 $0x10280;
	s0 =	sadd.s32 s3, s0  }
0x44f: {  	[tilespmem:s26], [sflag:$0x1] =	stream.linear.gather [hbm4b:s0+s2], $0x400, $0x38;
	[tilespmem:$0x19280] =	vst v63  }
0x450: {  	s28 =	simm.s32 $0x8;
	v0 =	vld [tilespmem:s31+$0x100]  }
.LBB2_36:
0x451: {  	p0 =	sne.s32 s28, $0x7C;
	_ =	sdelay $0x3  }
0x452: {  	(v2sf) =	vpush v0, $0x0;
	_ =	sdelay $0xe  }
0x453: {  	s0 =	spop (v2sf)  }
.Ltmp18:
0x454: {  	s0 =	sshll.u32 s0, $0x4;
	(pc) =	sbr.rel @p0 .LBB2_36-.Ltmp18, $4  }
0x455: {  	s0 =	sand.u32 $0xFFFFF80, s0  }
0x456: {  	s1 =	sshra.s32 s28, $0x2;
	s26 =	sadd.s32 $0x400, s26;
	s0 =	sadd.s32 s3, s0  }
0x457: {  	[tilespmem:s26], [sflag:$0x1] =	stream.linear.gather [hbm4b:s0+s2], $0x400, $0x38;
	[tilespmem:$0x19280] =	vst v63  }
0x458: {  	s28 =	sadd.s32 $0x4, s28;
	v0 =	vld [tilespmem:s1+$0x100]  }
0x459: {  	_ =	sdelay $0x3  }
0x45a: {  	(v2sf) =	vpush v0, $0x0;
	_ =	sdelay $0xe  }
0x45b: {  	s0 =	spop (v2sf)  }
0x45c: {  	s0 =	sshll.u32 s0, $0x4  }
0x45d: {  	s0 =	sand.u32 $0xFFFFF80, s0  }
0x45e: {  	s1 =	sadd.s32 $0x400, s26;
	s0 =	sadd.s32 s3, s0  }
0x45f: {  	[tilespmem:s1], [sflag:$0x1] =	stream.linear.gather [hbm4b:s0+s2], $0x400, $0x38;
	[tilespmem:$0x19280] =	vst v63  }
0x460: {  	_ =	swait.ge [sflag:s23], $0x400  }
0x461: {  	[sflag:s23] =	ssyncset.done $0x0  }
0x462: {  	[sflag:s23] =	ssyncadd.s32 $0xFFFFFC00  }
0x463: {  	_ =	swait.ge [sflag:s23], $0x400  }
0x464: {  	[sflag:s23] =	ssyncset.done $0x0  }
0x465: {  	[sflag:s23] =	ssyncadd.s32 $0xFFFFFC00  }
0x466: {  	_ =	swait.ge [sflag:s23], $0x400  }
0x467: {  	[sflag:s23] =	ssyncset.done $0x0  }
0x468: {  	[sflag:s23] =	ssyncadd.s32 $0xFFFFFC00  }
0x469: {  	_ =	swait.ge [sflag:s23], $0x400  }
0x46a: {  	[sflag:s23] =	ssyncset.done $0x0  }
0x46b: {  	[sflag:s23] =	ssyncadd.s32 $0xFFFFFC00  }
0x46c: {  	_ =	swait.ge [sflag:s23], $0x400  }
0x46d: {  	[sflag:s23] =	ssyncset.done $0x0  }
0x46e: {  	[sflag:s23] =	ssyncadd.s32 $0xFFFFFC00  }
0x46f: {  	_ =	swait.ge [sflag:s23], $0x400  }
0x470: {  	[sflag:s23] =	ssyncset.done $0x0  }
0x471: {  	[sflag:s23] =	ssyncadd.s32 $0xFFFFFC00  }
0x472: {  	_ =	swait.ge [sflag:s23], $0x400  }
0x473: {  	[sflag:s23] =	ssyncset.done $0x0  }
0x474: {  	[sflag:s23] =	ssyncadd.s32 $0xFFFFFC00  }
0x475: {  	_ =	swait.ge [sflag:s23], $0x400  }
0x476: {  	[sflag:s23] =	ssyncset.done $0x0  }
0x477: {  	[sflag:s23] =	ssyncadd.s32 $0xFFFFFC00  }
0x478: {  	_ =	swait.ge [sflag:s23], $0x400  }
0x479: {  	[sflag:s23] =	ssyncset.done $0x0  }
0x47a: {  	[sflag:s23] =	ssyncadd.s32 $0xFFFFFC00  }
0x47b: {  	_ =	swait.ge [sflag:s23], $0x400  }
0x47c: {  	[sflag:s23] =	ssyncset.done $0x0  }
0x47d: {  	[sflag:s23] =	ssyncadd.s32 $0xFFFFFC00  }
0x47e: {  	_ =	swait.ge [sflag:s23], $0x400  }
0x47f: {  	[sflag:s23] =	ssyncset.done $0x0  }
0x480: {  	[sflag:s23] =	ssyncadd.s32 $0xFFFFFC00  }
0x481: {  	_ =	swait.ge [sflag:s23], $0x400  }
0x482: {  	[sflag:s23] =	ssyncset.done $0x0  }
0x483: {  	[sflag:s23] =	ssyncadd.s32 $0xFFFFFC00  }
0x484: {  	_ =	swait.ge [sflag:s23], $0x400  }
0x485: {  	[sflag:s23] =	ssyncset.done $0x0  }
0x486: {  	[sflag:s23] =	ssyncadd.s32 $0xFFFFFC00  }
0x487: {  	_ =	swait.ge [sflag:s23], $0x400  }
0x488: {  	[sflag:s23] =	ssyncset.done $0x0  }
0x489: {  	[sflag:s23] =	ssyncadd.s32 $0xFFFFFC00  }
0x48a: {  	_ =	swait.ge [sflag:s23], $0x400  }
0x48b: {  	[sflag:s23] =	ssyncset.done $0x0  }
0x48c: {  	[sflag:s23] =	ssyncadd.s32 $0xFFFFFC00  }
0x48d: {  	_ =	swait.ge [sflag:s23], $0x400  }
0x48e: {  	[sflag:s23] =	ssyncset.done $0x0  }
0x48f: {  	[sflag:s23] =	ssyncadd.s32 $0xFFFFFC00  }
0x490: {  	_ =	swait.ge [sflag:s23], $0x400  }
0x491: {  	[sflag:s23] =	ssyncset.done $0x0  }
0x492: {  	[sflag:s23] =	ssyncadd.s32 $0xFFFFFC00  }
0x493: {  	_ =	swait.ge [sflag:s23], $0x400  }
0x494: {  	[sflag:s23] =	ssyncset.done $0x0  }
0x495: {  	[sflag:s23] =	ssyncadd.s32 $0xFFFFFC00  }
0x496: {  	_ =	swait.ge [sflag:s23], $0x400  }
0x497: {  	[sflag:s23] =	ssyncset.done $0x0  }
0x498: {  	[sflag:s23] =	ssyncadd.s32 $0xFFFFFC00  }
0x499: {  	_ =	swait.ge [sflag:s23], $0x400  }
0x49a: {  	[sflag:s23] =	ssyncset.done $0x0  }
0x49b: {  	[sflag:s23] =	ssyncadd.s32 $0xFFFFFC00  }
0x49c: {  	_ =	swait.ge [sflag:s23], $0x400  }
0x49d: {  	[sflag:s23] =	ssyncset.done $0x0  }
0x49e: {  	[sflag:s23] =	ssyncadd.s32 $0xFFFFFC00  }
0x49f: {  	_ =	swait.ge [sflag:s23], $0x400  }
0x4a0: {  	[sflag:s23] =	ssyncset.done $0x0  }
0x4a1: {  	[sflag:s23] =	ssyncadd.s32 $0xFFFFFC00  }
0x4a2: {  	_ =	swait.ge [sflag:s23], $0x400  }
0x4a3: {  	[sflag:s23] =	ssyncset.done $0x0  }
0x4a4: {  	[sflag:s23] =	ssyncadd.s32 $0xFFFFFC00  }
0x4a5: {  	_ =	swait.ge [sflag:s23], $0x400  }
0x4a6: {  	[sflag:s23] =	ssyncset.done $0x0  }
0x4a7: {  	[sflag:s23] =	ssyncadd.s32 $0xFFFFFC00  }
0x4a8: {  	_ =	swait.ge [sflag:s23], $0x400  }
0x4a9: {  	[sflag:s23] =	ssyncset.done $0x0  }
0x4aa: {  	[sflag:s23] =	ssyncadd.s32 $0xFFFFFC00  }
0x4ab: {  	_ =	swait.ge [sflag:s23], $0x400  }
0x4ac: {  	[sflag:s23] =	ssyncset.done $0x0  }
0x4ad: {  	[sflag:s23] =	ssyncadd.s32 $0xFFFFFC00  }
0x4ae: {  	_ =	swait.ge [sflag:s23], $0x400  }
0x4af: {  	[sflag:s23] =	ssyncset.done $0x0  }
0x4b0: {  	[sflag:s23] =	ssyncadd.s32 $0xFFFFFC00  }
0x4b1: {  	_ =	swait.ge [sflag:s23], $0x400  }
0x4b2: {  	[sflag:s23] =	ssyncset.done $0x0  }
0x4b3: {  	[sflag:s23] =	ssyncadd.s32 $0xFFFFFC00  }
0x4b4: {  	_ =	swait.ge [sflag:s23], $0x400  }
0x4b5: {  	[sflag:s23] =	ssyncset.done $0x0  }
0x4b6: {  	[sflag:s23] =	ssyncadd.s32 $0xFFFFFC00  }
0x4b7: {  	_ =	swait.ge [sflag:s23], $0x400  }
0x4b8: {  	[sflag:s23] =	ssyncset.done $0x0  }
0x4b9: {  	[sflag:s23] =	ssyncadd.s32 $0xFFFFFC00  }
0x4ba: {  	_ =	swait.ge [sflag:s23], $0x400  }
0x4bb: {  	[sflag:s23] =	ssyncset.done $0x0  }
0x4bc: {  	[sflag:s23] =	ssyncadd.s32 $0xFFFFFC00  }
0x4bd: {  	_ =	swait.ge [sflag:s23], $0x400  }
0x4be: {  	[sflag:s23] =	ssyncset.done $0x0  }
0x4bf: {  	s26 =	simm.s32 $0x0;
	[sflag:s23] =	ssyncadd.s32 $0xFFFFFC00  }
0x4c0: {  	v62 =	vld [tilespmem:s26+$0xC0];
	_ =	sdelay $0x4  }
0x4c1: {  	(v2sf) =	vpush v62, $0x0;
	_ =	sdelay $0xe  }
0x4c2: {  	s31 =	spop (v2sf)  }
0x4c3: {  	s0 =	sand.u32 $0x7, s31  }
0x4c4: {  	s0 =	sshll.u32 s0, $0x7  }
0x4c5: {  	s0 =	sadd.s32 $0x280, s0  }
0x4c6: {  	v63 =	vld [tilespmem:s0+$0x0];
	_ =	sdelay $0x3  }
0x4c7: {  	s26 =	simm.s32 $0x182A0  }
0x4c8: {  	[tilespmem:s26+$0xFFFFFFE0] =	vst v63  }
0x4c9: {  	v0 =	vld [tilespmem:s0+$0x10];
	_ =	sdelay $0x4  }
0x4ca: {  	[tilespmem:s26+$0xFFFFFFF0] =	vst v0  }
0x4cb: {  	v0 =	vld [tilespmem:s0+$0x20];
	_ =	sdelay $0x4  }
0x4cc: {  	[tilespmem:s26+$0x0] =	vst v0  }
0x4cd: {  	v0 =	vld [tilespmem:s0+$0x30];
	_ =	sdelay $0x4  }
0x4ce: {  	s28 =	simm.s32 $0x280;
	s30 =	simm.s32 $0x1;
	s29 =	simm.s32 $0x8;
	[tilespmem:s26+$0x10] =	vst v0  }
.LBB2_38:
0x4cf: {  	p0 =	sne.s32 s29, $0x7C;
	v0 =	vld [tilespmem:s30+$0xC0];
	_ =	sdelay $0x4  }
0x4d0: {  	(v2sf) =	vpush v0, $0x0;
	_ =	sdelay $0xe  }
0x4d1: {  	s0 =	spop (v2sf)  }
0x4d2: {  	s0 =	sand.u32 $0x7, s0  }
0x4d3: {  	s28 =	sadd.s32 $0x400, s28;
	s0 =	sshll.u32 s0, $0x7  }
0x4d4: {  	s0 =	sadd.s32 s0, s28  }
0x4d5: {  	v0 =	vld [tilespmem:s0+$0x0];
	_ =	sdelay $0x3  }
0x4d6: {  	s26 =	sadd.s32 $0x80, s26  }
0x4d7: {  	[tilespmem:s26+$0xFFFFFFE0] =	vst v0  }
0x4d8: {  	v0 =	vld [tilespmem:s0+$0x10];
	_ =	sdelay $0x4  }
0x4d9: {  	[tilespmem:s26+$0xFFFFFFF0] =	vst v0  }
0x4da: {  	v0 =	vld [tilespmem:s0+$0x20];
	_ =	sdelay $0x4  }
0x4db: {  	[tilespmem:s26+$0x0] =	vst v0  }
0x4dc: {  	v0 =	vld [tilespmem:s0+$0x30]  }
.Ltmp19:
0x4dd: {  	(pc) =	sbr.rel @p0 .LBB2_38-.Ltmp19, $2  }
0x4de: {  	_ =	sdelay $0x2  }
0x4df: {  	s30 =	sshra.s32 s29, $0x2;
	s29 =	sadd.s32 $0x4, s29;
	[tilespmem:s26+$0x10] =	vst v0  }
0x4e0: {  	v0 =	vld [tilespmem:s30+$0xC0];
	_ =	sdelay $0x4  }
0x4e1: {  	(v2sf) =	vpush v0, $0x0;
	_ =	sdelay $0xe  }
0x4e2: {  	s0 =	spop (v2sf)  }
0x4e3: {  	s0 =	sand.u32 $0x7, s0  }
0x4e4: {  	s1 =	sadd.s32 $0x400, s28;
	s0 =	sshll.u32 s0, $0x7  }
0x4e5: {  	s0 =	sadd.s32 s0, s1  }
0x4e6: {  	v0 =	vld [tilespmem:s0+$0x0];
	_ =	sdelay $0x3  }
0x4e7: {  	s31 =	sadd.s32 $0x80, s26  }
0x4e8: {  	[tilespmem:s31+$0xFFFFFFE0] =	vst v0  }
0x4e9: {  	v0 =	vld [tilespmem:s0+$0x10];
	_ =	sdelay $0x4  }
0x4ea: {  	[tilespmem:s31+$0xFFFFFFF0] =	vst v0  }
0x4eb: {  	v0 =	vld [tilespmem:s0+$0x20];
	_ =	sdelay $0x4  }
0x4ec: {  	[tilespmem:s31+$0x0] =	vst v0  }
0x4ed: {  	v0 =	vld [tilespmem:s0+$0x30];
	_ =	sdelay $0x4  }
0x4ee: {  	s26 =	simm.s32 $0x0;
	[tilespmem:s31+$0x10] =	vst v0  }
0x4ef: {  	[hbm4b:s9+s26] =	stream.linear.scatter [tilespmem:s24], [sflag:$0x2], $0x1000, $0x38;
	[tilespmem:$0x19280] =	vst v63  }
0x4f0: {  	_ =	swait.ge [sflag:s22], $0x1000  }
0x4f1: {  	[sflag:s22] =	ssyncset.done $0x0  }
0x4f2: {  	s29 =	simm.s32 $0x0;
	[sflag:s22] =	ssyncadd.s32 $0xFFFFF000  }
0x4f3: {  	v0 =	vld [tilespmem:s29+$0x120];
	_ =	sdelay $0x4  }
0x4f4: {  	(v2sf) =	vpush v0, $0x0;
	_ =	sdelay $0xe  }
0x4f5: {  	s30 =	spop (v2sf)  }
0x4f6: {  	s0 =	sshll.u32 s30, $0x4  }
0x4f7: {  	s0 =	sand.u32 $0xFFFFF80, s0  }
0x4f8: {  	s31 =	simm.s32 $0x1;
	s26 =	simm.s32 $0x280;
	s0 =	sadd.s32 s3, s0  }
0x4f9: {  	[tilespmem:s26], [sflag:$0x1] =	stream.linear.gather [hbm4b:s0+s2], $0x400, $0x38;
	[tilespmem:$0x19280] =	vst v63  }
0x4fa: {  	s28 =	simm.s32 $0x8;
	v0 =	vld [tilespmem:s31+$0x120]  }
.LBB2_40:
0x4fb: {  	p0 =	sne.s32 s28, $0x7C;
	_ =	sdelay $0x3  }
0x4fc: {  	(v2sf) =	vpush v0, $0x0;
	_ =	sdelay $0xe  }
0x4fd: {  	s0 =	spop (v2sf)  }
.Ltmp20:
0x4fe: {  	s0 =	sshll.u32 s0, $0x4;
	(pc) =	sbr.rel @p0 .LBB2_40-.Ltmp20, $4  }
0x4ff: {  	s0 =	sand.u32 $0xFFFFF80, s0  }
0x500: {  	s1 =	sshra.s32 s28, $0x2;
	s26 =	sadd.s32 $0x400, s26;
	s0 =	sadd.s32 s3, s0  }
0x501: {  	[tilespmem:s26], [sflag:$0x1] =	stream.linear.gather [hbm4b:s0+s2], $0x400, $0x38;
	[tilespmem:$0x19280] =	vst v63  }
0x502: {  	s28 =	sadd.s32 $0x4, s28;
	v0 =	vld [tilespmem:s1+$0x120]  }
0x503: {  	_ =	sdelay $0x3  }
0x504: {  	(v2sf) =	vpush v0, $0x0;
	_ =	sdelay $0xe  }
0x505: {  	s0 =	spop (v2sf)  }
0x506: {  	s0 =	sshll.u32 s0, $0x4  }
0x507: {  	s0 =	sand.u32 $0xFFFFF80, s0  }
0x508: {  	s1 =	sadd.s32 $0x400, s26;
	s0 =	sadd.s32 s3, s0  }
0x509: {  	[tilespmem:s1], [sflag:$0x1] =	stream.linear.gather [hbm4b:s0+s2], $0x400, $0x38;
	[tilespmem:$0x19280] =	vst v63  }
0x50a: {  	_ =	swait.ge [sflag:s23], $0x400  }
0x50b: {  	[sflag:s23] =	ssyncset.done $0x0  }
0x50c: {  	[sflag:s23] =	ssyncadd.s32 $0xFFFFFC00  }
0x50d: {  	_ =	swait.ge [sflag:s23], $0x400  }
0x50e: {  	[sflag:s23] =	ssyncset.done $0x0  }
0x50f: {  	[sflag:s23] =	ssyncadd.s32 $0xFFFFFC00  }
0x510: {  	_ =	swait.ge [sflag:s23], $0x400  }
0x511: {  	[sflag:s23] =	ssyncset.done $0x0  }
0x512: {  	[sflag:s23] =	ssyncadd.s32 $0xFFFFFC00  }
0x513: {  	_ =	swait.ge [sflag:s23], $0x400  }
0x514: {  	[sflag:s23] =	ssyncset.done $0x0  }
0x515: {  	[sflag:s23] =	ssyncadd.s32 $0xFFFFFC00  }
0x516: {  	_ =	swait.ge [sflag:s23], $0x400  }
0x517: {  	[sflag:s23] =	ssyncset.done $0x0  }
0x518: {  	[sflag:s23] =	ssyncadd.s32 $0xFFFFFC00  }
0x519: {  	_ =	swait.ge [sflag:s23], $0x400  }
0x51a: {  	[sflag:s23] =	ssyncset.done $0x0  }
0x51b: {  	[sflag:s23] =	ssyncadd.s32 $0xFFFFFC00  }
0x51c: {  	_ =	swait.ge [sflag:s23], $0x400  }
0x51d: {  	[sflag:s23] =	ssyncset.done $0x0  }
0x51e: {  	[sflag:s23] =	ssyncadd.s32 $0xFFFFFC00  }
0x51f: {  	_ =	swait.ge [sflag:s23], $0x400  }
0x520: {  	[sflag:s23] =	ssyncset.done $0x0  }
0x521: {  	[sflag:s23] =	ssyncadd.s32 $0xFFFFFC00  }
0x522: {  	_ =	swait.ge [sflag:s23], $0x400  }
0x523: {  	[sflag:s23] =	ssyncset.done $0x0  }
0x524: {  	[sflag:s23] =	ssyncadd.s32 $0xFFFFFC00  }
0x525: {  	_ =	swait.ge [sflag:s23], $0x400  }
0x526: {  	[sflag:s23] =	ssyncset.done $0x0  }
0x527: {  	[sflag:s23] =	ssyncadd.s32 $0xFFFFFC00  }
0x528: {  	_ =	swait.ge [sflag:s23], $0x400  }
0x529: {  	[sflag:s23] =	ssyncset.done $0x0  }
0x52a: {  	[sflag:s23] =	ssyncadd.s32 $0xFFFFFC00  }
0x52b: {  	_ =	swait.ge [sflag:s23], $0x400  }
0x52c: {  	[sflag:s23] =	ssyncset.done $0x0  }
0x52d: {  	[sflag:s23] =	ssyncadd.s32 $0xFFFFFC00  }
0x52e: {  	_ =	swait.ge [sflag:s23], $0x400  }
0x52f: {  	[sflag:s23] =	ssyncset.done $0x0  }
0x530: {  	[sflag:s23] =	ssyncadd.s32 $0xFFFFFC00  }
0x531: {  	_ =	swait.ge [sflag:s23], $0x400  }
0x532: {  	[sflag:s23] =	ssyncset.done $0x0  }
0x533: {  	[sflag:s23] =	ssyncadd.s32 $0xFFFFFC00  }
0x534: {  	_ =	swait.ge [sflag:s23], $0x400  }
0x535: {  	[sflag:s23] =	ssyncset.done $0x0  }
0x536: {  	[sflag:s23] =	ssyncadd.s32 $0xFFFFFC00  }
0x537: {  	_ =	swait.ge [sflag:s23], $0x400  }
0x538: {  	[sflag:s23] =	ssyncset.done $0x0  }
0x539: {  	[sflag:s23] =	ssyncadd.s32 $0xFFFFFC00  }
0x53a: {  	_ =	swait.ge [sflag:s23], $0x400  }
0x53b: {  	[sflag:s23] =	ssyncset.done $0x0  }
0x53c: {  	[sflag:s23] =	ssyncadd.s32 $0xFFFFFC00  }
0x53d: {  	_ =	swait.ge [sflag:s23], $0x400  }
0x53e: {  	[sflag:s23] =	ssyncset.done $0x0  }
0x53f: {  	[sflag:s23] =	ssyncadd.s32 $0xFFFFFC00  }
0x540: {  	_ =	swait.ge [sflag:s23], $0x400  }
0x541: {  	[sflag:s23] =	ssyncset.done $0x0  }
0x542: {  	[sflag:s23] =	ssyncadd.s32 $0xFFFFFC00  }
0x543: {  	_ =	swait.ge [sflag:s23], $0x400  }
0x544: {  	[sflag:s23] =	ssyncset.done $0x0  }
0x545: {  	[sflag:s23] =	ssyncadd.s32 $0xFFFFFC00  }
0x546: {  	_ =	swait.ge [sflag:s23], $0x400  }
0x547: {  	[sflag:s23] =	ssyncset.done $0x0  }
0x548: {  	[sflag:s23] =	ssyncadd.s32 $0xFFFFFC00  }
0x549: {  	_ =	swait.ge [sflag:s23], $0x400  }
0x54a: {  	[sflag:s23] =	ssyncset.done $0x0  }
0x54b: {  	[sflag:s23] =	ssyncadd.s32 $0xFFFFFC00  }
0x54c: {  	_ =	swait.ge [sflag:s23], $0x400  }
0x54d: {  	[sflag:s23] =	ssyncset.done $0x0  }
0x54e: {  	[sflag:s23] =	ssyncadd.s32 $0xFFFFFC00  }
0x54f: {  	_ =	swait.ge [sflag:s23], $0x400  }
0x550: {  	[sflag:s23] =	ssyncset.done $0x0  }
0x551: {  	[sflag:s23] =	ssyncadd.s32 $0xFFFFFC00  }
0x552: {  	_ =	swait.ge [sflag:s23], $0x400  }
0x553: {  	[sflag:s23] =	ssyncset.done $0x0  }
0x554: {  	[sflag:s23] =	ssyncadd.s32 $0xFFFFFC00  }
0x555: {  	_ =	swait.ge [sflag:s23], $0x400  }
0x556: {  	[sflag:s23] =	ssyncset.done $0x0  }
0x557: {  	[sflag:s23] =	ssyncadd.s32 $0xFFFFFC00  }
0x558: {  	_ =	swait.ge [sflag:s23], $0x400  }
0x559: {  	[sflag:s23] =	ssyncset.done $0x0  }
0x55a: {  	[sflag:s23] =	ssyncadd.s32 $0xFFFFFC00  }
0x55b: {  	_ =	swait.ge [sflag:s23], $0x400  }
0x55c: {  	[sflag:s23] =	ssyncset.done $0x0  }
0x55d: {  	[sflag:s23] =	ssyncadd.s32 $0xFFFFFC00  }
0x55e: {  	_ =	swait.ge [sflag:s23], $0x400  }
0x55f: {  	[sflag:s23] =	ssyncset.done $0x0  }
0x560: {  	[sflag:s23] =	ssyncadd.s32 $0xFFFFFC00  }
0x561: {  	_ =	swait.ge [sflag:s23], $0x400  }
0x562: {  	[sflag:s23] =	ssyncset.done $0x0  }
0x563: {  	[sflag:s23] =	ssyncadd.s32 $0xFFFFFC00  }
0x564: {  	_ =	swait.ge [sflag:s23], $0x400  }
0x565: {  	[sflag:s23] =	ssyncset.done $0x0  }
0x566: {  	[sflag:s23] =	ssyncadd.s32 $0xFFFFFC00  }
0x567: {  	_ =	swait.ge [sflag:s23], $0x400  }
0x568: {  	[sflag:s23] =	ssyncset.done $0x0  }
0x569: {  	s26 =	simm.s32 $0xE0;
	[sflag:s23] =	ssyncadd.s32 $0xFFFFFC00  }
0x56a: {  	v0 =	vld [tilespmem:s26+$0x0];
	_ =	sdelay $0x4  }
0x56b: {  	(v2sf) =	vpush v0, $0x0;
	_ =	sdelay $0xe  }
0x56c: {  	s31 =	spop (v2sf)  }
0x56d: {  	s0 =	sand.u32 $0x7, s31  }
0x56e: {  	s0 =	sshll.u32 s0, $0x7  }
0x56f: {  	s0 =	sadd.s32 $0x0, s0  }
0x570: {  	v0 =	vld [tilespmem:s0+$0x8280];
	_ =	sdelay $0x3  }
0x571: {  	s26 =	simm.s32 $0x182A0  }
0x572: {  	[tilespmem:s26+$0xFFFFFFE0] =	vst v0  }
0x573: {  	v0 =	vld [tilespmem:s0+$0x8290];
	_ =	sdelay $0x4  }
0x574: {  	[tilespmem:s26+$0xFFFFFFF0] =	vst v0  }
0x575: {  	v0 =	vld [tilespmem:s0+$0x82A0];
	_ =	sdelay $0x4  }
0x576: {  	[tilespmem:s26+$0x0] =	vst v0  }
0x577: {  	v0 =	vld [tilespmem:s0+$0x82B0];
	_ =	sdelay $0x4  }
0x578: {  	s29 =	simm.s32 $0xE1;
	[tilespmem:s26+$0x10] =	vst v0  }
0x579: {  	s28 =	simm.s32 $0x1000;
	s30 =	simm.s32 $0x2000;
	v0 =	vld [tilespmem:s29+$0x0]  }
.LBB2_42:
0x57a: {  	p0 =	sne.s32 s30, $0x1F000;
	_ =	sdelay $0x3  }
0x57b: {  	(v2sf) =	vpush v0, $0x0;
	_ =	sdelay $0xe  }
0x57c: {  	s0 =	spop (v2sf)  }
0x57d: {  	s0 =	sand.u32 $0x7, s0  }
0x57e: {  	s1 =	sshra.s32 s28, $0x2;
	s28 =	smov.u32 s30;
	s0 =	sshll.u32 s0, $0x7  }
0x57f: {  	s0 =	sadd.s32 s1, s0  }
0x580: {  	v0 =	vld [tilespmem:s0+$0x8280];
	_ =	sdelay $0x3  }
0x581: {  	s26 =	sadd.s32 $0x80, s26  }
0x582: {  	[tilespmem:s26+$0xFFFFFFE0] =	vst v0  }
0x583: {  	v0 =	vld [tilespmem:s0+$0x8290];
	_ =	sdelay $0x4  }
0x584: {  	[tilespmem:s26+$0xFFFFFFF0] =	vst v0  }
0x585: {  	v0 =	vld [tilespmem:s0+$0x82A0];
	_ =	sdelay $0x4  }
0x586: {  	[tilespmem:s26+$0x0] =	vst v0  }
0x587: {  	v0 =	vld [tilespmem:s0+$0x82B0];
	_ =	sdelay $0x1  }
.Ltmp21:
0x588: {  	(pc) =	sbr.rel @p0 .LBB2_42-.Ltmp21, $3  }
0x589: {  	_ =	sdelay $0x1  }
0x58a: {  	s29 =	sadd.s32 $0x1, s29;
	[tilespmem:s26+$0x10] =	vst v0  }
0x58b: {  	s30 =	sadd.s32 $0x1000, s30;
	v0 =	vld [tilespmem:s29+$0x0]  }
0x58c: {  	_ =	sdelay $0x3  }
0x58d: {  	(v2sf) =	vpush v0, $0x0;
	_ =	sdelay $0xe  }
0x58e: {  	s0 =	spop (v2sf)  }
0x58f: {  	s0 =	sand.u32 $0x7, s0  }
0x590: {  	s1 =	sshra.s32 s28, $0x2;
	s0 =	sshll.u32 s0, $0x7  }
0x591: {  	s0 =	sadd.s32 s1, s0  }
0x592: {  	v0 =	vld [tilespmem:s0+$0x8280];
	_ =	sdelay $0x3  }
0x593: {  	s31 =	sadd.s32 $0x80, s26  }
0x594: {  	[tilespmem:s31+$0xFFFFFFE0] =	vst v0  }
0x595: {  	v0 =	vld [tilespmem:s0+$0x8290];
	_ =	sdelay $0x4  }
0x596: {  	[tilespmem:s31+$0xFFFFFFF0] =	vst v0  }
0x597: {  	v0 =	vld [tilespmem:s0+$0x82A0];
	_ =	sdelay $0x4  }
0x598: {  	[tilespmem:s31+$0x0] =	vst v0  }
0x599: {  	v0 =	vld [tilespmem:s0+$0x82B0];
	_ =	sdelay $0x4  }
0x59a: {  	s26 =	simm.s32 $0x0;
	[tilespmem:s31+$0x10] =	vst v0  }
0x59b: {  	[hbm4b:s10+s26] =	stream.linear.scatter [tilespmem:s24], [sflag:$0x2], $0x1000, $0x38;
	[tilespmem:$0x19280] =	vst v63  }
0x59c: {  	_ =	swait.ge [sflag:s22], $0x1000  }
0x59d: {  	[sflag:s22] =	ssyncset.done $0x0  }
0x59e: {  	s29 =	simm.s32 $0x0;
	[sflag:s22] =	ssyncadd.s32 $0xFFFFF000  }
0x59f: {  	v0 =	vld [tilespmem:s29+$0x140];
	_ =	sdelay $0x4  }
0x5a0: {  	(v2sf) =	vpush v0, $0x0;
	_ =	sdelay $0xe  }
0x5a1: {  	s30 =	spop (v2sf)  }
0x5a2: {  	s0 =	sshll.u32 s30, $0x4  }
0x5a3: {  	s0 =	sand.u32 $0xFFFFF80, s0  }
0x5a4: {  	s31 =	simm.s32 $0x1;
	s26 =	simm.s32 $0x8280;
	s0 =	sadd.s32 s3, s0  }
0x5a5: {  	[tilespmem:s26], [sflag:$0x1] =	stream.linear.gather [hbm4b:s0+s2], $0x400, $0x38;
	[tilespmem:$0x19280] =	vst v63  }
0x5a6: {  	s28 =	simm.s32 $0x8;
	v0 =	vld [tilespmem:s31+$0x140]  }
.LBB2_44:
0x5a7: {  	p0 =	sne.s32 s28, $0x7C;
	_ =	sdelay $0x3  }
0x5a8: {  	(v2sf) =	vpush v0, $0x0;
	_ =	sdelay $0xe  }
0x5a9: {  	s0 =	spop (v2sf)  }
.Ltmp22:
0x5aa: {  	s0 =	sshll.u32 s0, $0x4;
	(pc) =	sbr.rel @p0 .LBB2_44-.Ltmp22, $4  }
0x5ab: {  	s0 =	sand.u32 $0xFFFFF80, s0  }
0x5ac: {  	s1 =	sshra.s32 s28, $0x2;
	s26 =	sadd.s32 $0x400, s26;
	s0 =	sadd.s32 s3, s0  }
0x5ad: {  	[tilespmem:s26], [sflag:$0x1] =	stream.linear.gather [hbm4b:s0+s2], $0x400, $0x38;
	[tilespmem:$0x19280] =	vst v63  }
0x5ae: {  	s28 =	sadd.s32 $0x4, s28;
	v0 =	vld [tilespmem:s1+$0x140]  }
0x5af: {  	_ =	sdelay $0x3  }
0x5b0: {  	(v2sf) =	vpush v0, $0x0;
	_ =	sdelay $0xe  }
0x5b1: {  	s0 =	spop (v2sf)  }
0x5b2: {  	s0 =	sshll.u32 s0, $0x4  }
0x5b3: {  	s0 =	sand.u32 $0xFFFFF80, s0  }
0x5b4: {  	s1 =	sadd.s32 $0x400, s26;
	s0 =	sadd.s32 s3, s0  }
0x5b5: {  	[tilespmem:s1], [sflag:$0x1] =	stream.linear.gather [hbm4b:s0+s2], $0x400, $0x38;
	[tilespmem:$0x19280] =	vst v63  }
0x5b6: {  	_ =	swait.ge [sflag:s23], $0x400  }
0x5b7: {  	[sflag:s23] =	ssyncset.done $0x0  }
0x5b8: {  	[sflag:s23] =	ssyncadd.s32 $0xFFFFFC00  }
0x5b9: {  	_ =	swait.ge [sflag:s23], $0x400  }
0x5ba: {  	[sflag:s23] =	ssyncset.done $0x0  }
0x5bb: {  	[sflag:s23] =	ssyncadd.s32 $0xFFFFFC00  }
0x5bc: {  	_ =	swait.ge [sflag:s23], $0x400  }
0x5bd: {  	[sflag:s23] =	ssyncset.done $0x0  }
0x5be: {  	[sflag:s23] =	ssyncadd.s32 $0xFFFFFC00  }
0x5bf: {  	_ =	swait.ge [sflag:s23], $0x400  }
0x5c0: {  	[sflag:s23] =	ssyncset.done $0x0  }
0x5c1: {  	[sflag:s23] =	ssyncadd.s32 $0xFFFFFC00  }
0x5c2: {  	_ =	swait.ge [sflag:s23], $0x400  }
0x5c3: {  	[sflag:s23] =	ssyncset.done $0x0  }
0x5c4: {  	[sflag:s23] =	ssyncadd.s32 $0xFFFFFC00  }
0x5c5: {  	_ =	swait.ge [sflag:s23], $0x400  }
0x5c6: {  	[sflag:s23] =	ssyncset.done $0x0  }
0x5c7: {  	[sflag:s23] =	ssyncadd.s32 $0xFFFFFC00  }
0x5c8: {  	_ =	swait.ge [sflag:s23], $0x400  }
0x5c9: {  	[sflag:s23] =	ssyncset.done $0x0  }
0x5ca: {  	[sflag:s23] =	ssyncadd.s32 $0xFFFFFC00  }
0x5cb: {  	_ =	swait.ge [sflag:s23], $0x400  }
0x5cc: {  	[sflag:s23] =	ssyncset.done $0x0  }
0x5cd: {  	[sflag:s23] =	ssyncadd.s32 $0xFFFFFC00  }
0x5ce: {  	_ =	swait.ge [sflag:s23], $0x400  }
0x5cf: {  	[sflag:s23] =	ssyncset.done $0x0  }
0x5d0: {  	[sflag:s23] =	ssyncadd.s32 $0xFFFFFC00  }
0x5d1: {  	_ =	swait.ge [sflag:s23], $0x400  }
0x5d2: {  	[sflag:s23] =	ssyncset.done $0x0  }
0x5d3: {  	[sflag:s23] =	ssyncadd.s32 $0xFFFFFC00  }
0x5d4: {  	_ =	swait.ge [sflag:s23], $0x400  }
0x5d5: {  	[sflag:s23] =	ssyncset.done $0x0  }
0x5d6: {  	[sflag:s23] =	ssyncadd.s32 $0xFFFFFC00  }
0x5d7: {  	_ =	swait.ge [sflag:s23], $0x400  }
0x5d8: {  	[sflag:s23] =	ssyncset.done $0x0  }
0x5d9: {  	[sflag:s23] =	ssyncadd.s32 $0xFFFFFC00  }
0x5da: {  	_ =	swait.ge [sflag:s23], $0x400  }
0x5db: {  	[sflag:s23] =	ssyncset.done $0x0  }
0x5dc: {  	[sflag:s23] =	ssyncadd.s32 $0xFFFFFC00  }
0x5dd: {  	_ =	swait.ge [sflag:s23], $0x400  }
0x5de: {  	[sflag:s23] =	ssyncset.done $0x0  }
0x5df: {  	[sflag:s23] =	ssyncadd.s32 $0xFFFFFC00  }
0x5e0: {  	_ =	swait.ge [sflag:s23], $0x400  }
0x5e1: {  	[sflag:s23] =	ssyncset.done $0x0  }
0x5e2: {  	[sflag:s23] =	ssyncadd.s32 $0xFFFFFC00  }
0x5e3: {  	_ =	swait.ge [sflag:s23], $0x400  }
0x5e4: {  	[sflag:s23] =	ssyncset.done $0x0  }
0x5e5: {  	[sflag:s23] =	ssyncadd.s32 $0xFFFFFC00  }
0x5e6: {  	_ =	swait.ge [sflag:s23], $0x400  }
0x5e7: {  	[sflag:s23] =	ssyncset.done $0x0  }
0x5e8: {  	[sflag:s23] =	ssyncadd.s32 $0xFFFFFC00  }
0x5e9: {  	_ =	swait.ge [sflag:s23], $0x400  }
0x5ea: {  	[sflag:s23] =	ssyncset.done $0x0  }
0x5eb: {  	[sflag:s23] =	ssyncadd.s32 $0xFFFFFC00  }
0x5ec: {  	_ =	swait.ge [sflag:s23], $0x400  }
0x5ed: {  	[sflag:s23] =	ssyncset.done $0x0  }
0x5ee: {  	[sflag:s23] =	ssyncadd.s32 $0xFFFFFC00  }
0x5ef: {  	_ =	swait.ge [sflag:s23], $0x400  }
0x5f0: {  	[sflag:s23] =	ssyncset.done $0x0  }
0x5f1: {  	[sflag:s23] =	ssyncadd.s32 $0xFFFFFC00  }
0x5f2: {  	_ =	swait.ge [sflag:s23], $0x400  }
0x5f3: {  	[sflag:s23] =	ssyncset.done $0x0  }
0x5f4: {  	[sflag:s23] =	ssyncadd.s32 $0xFFFFFC00  }
0x5f5: {  	_ =	swait.ge [sflag:s23], $0x400  }
0x5f6: {  	[sflag:s23] =	ssyncset.done $0x0  }
0x5f7: {  	[sflag:s23] =	ssyncadd.s32 $0xFFFFFC00  }
0x5f8: {  	_ =	swait.ge [sflag:s23], $0x400  }
0x5f9: {  	[sflag:s23] =	ssyncset.done $0x0  }
0x5fa: {  	[sflag:s23] =	ssyncadd.s32 $0xFFFFFC00  }
0x5fb: {  	_ =	swait.ge [sflag:s23], $0x400  }
0x5fc: {  	[sflag:s23] =	ssyncset.done $0x0  }
0x5fd: {  	[sflag:s23] =	ssyncadd.s32 $0xFFFFFC00  }
0x5fe: {  	_ =	swait.ge [sflag:s23], $0x400  }
0x5ff: {  	[sflag:s23] =	ssyncset.done $0x0  }
0x600: {  	[sflag:s23] =	ssyncadd.s32 $0xFFFFFC00  }
0x601: {  	_ =	swait.ge [sflag:s23], $0x400  }
0x602: {  	[sflag:s23] =	ssyncset.done $0x0  }
0x603: {  	[sflag:s23] =	ssyncadd.s32 $0xFFFFFC00  }
0x604: {  	_ =	swait.ge [sflag:s23], $0x400  }
0x605: {  	[sflag:s23] =	ssyncset.done $0x0  }
0x606: {  	[sflag:s23] =	ssyncadd.s32 $0xFFFFFC00  }
0x607: {  	_ =	swait.ge [sflag:s23], $0x400  }
0x608: {  	[sflag:s23] =	ssyncset.done $0x0  }
0x609: {  	[sflag:s23] =	ssyncadd.s32 $0xFFFFFC00  }
0x60a: {  	_ =	swait.ge [sflag:s23], $0x400  }
0x60b: {  	[sflag:s23] =	ssyncset.done $0x0  }
0x60c: {  	[sflag:s23] =	ssyncadd.s32 $0xFFFFFC00  }
0x60d: {  	_ =	swait.ge [sflag:s23], $0x400  }
0x60e: {  	[sflag:s23] =	ssyncset.done $0x0  }
0x60f: {  	[sflag:s23] =	ssyncadd.s32 $0xFFFFFC00  }
0x610: {  	_ =	swait.ge [sflag:s23], $0x400  }
0x611: {  	[sflag:s23] =	ssyncset.done $0x0  }
0x612: {  	[sflag:s23] =	ssyncadd.s32 $0xFFFFFC00  }
0x613: {  	_ =	swait.ge [sflag:s23], $0x400  }
0x614: {  	[sflag:s23] =	ssyncset.done $0x0  }
0x615: {  	s26 =	simm.s32 $0x100;
	[sflag:s23] =	ssyncadd.s32 $0xFFFFFC00  }
0x616: {  	v0 =	vld [tilespmem:s26+$0x0];
	_ =	sdelay $0x4  }
0x617: {  	(v2sf) =	vpush v0, $0x0;
	_ =	sdelay $0xe  }
0x618: {  	s31 =	spop (v2sf)  }
0x619: {  	s0 =	sand.u32 $0x7, s31  }
0x61a: {  	s0 =	sshll.u32 s0, $0x7  }
0x61b: {  	s0 =	sadd.s32 $0x0, s0  }
0x61c: {  	v0 =	vld [tilespmem:s0+$0x10280];
	_ =	sdelay $0x3  }
0x61d: {  	s26 =	simm.s32 $0x182A0  }
0x61e: {  	[tilespmem:s26+$0xFFFFFFE0] =	vst v0  }
0x61f: {  	v0 =	vld [tilespmem:s0+$0x10290];
	_ =	sdelay $0x4  }
0x620: {  	[tilespmem:s26+$0xFFFFFFF0] =	vst v0  }
0x621: {  	v0 =	vld [tilespmem:s0+$0x102A0];
	_ =	sdelay $0x4  }
0x622: {  	[tilespmem:s26+$0x0] =	vst v0  }
0x623: {  	v0 =	vld [tilespmem:s0+$0x102B0];
	_ =	sdelay $0x4  }
0x624: {  	s29 =	simm.s32 $0x101;
	[tilespmem:s26+$0x10] =	vst v0  }
0x625: {  	s28 =	simm.s32 $0x1000;
	s30 =	simm.s32 $0x2000;
	v0 =	vld [tilespmem:s29+$0x0]  }
.LBB2_46:
0x626: {  	p0 =	sne.s32 s30, $0x1F000;
	_ =	sdelay $0x3  }
0x627: {  	(v2sf) =	vpush v0, $0x0;
	_ =	sdelay $0xe  }
0x628: {  	s0 =	spop (v2sf)  }
0x629: {  	s0 =	sand.u32 $0x7, s0  }
0x62a: {  	s1 =	sshra.s32 s28, $0x2;
	s28 =	smov.u32 s30;
	s0 =	sshll.u32 s0, $0x7  }
0x62b: {  	s0 =	sadd.s32 s1, s0  }
0x62c: {  	v0 =	vld [tilespmem:s0+$0x10280];
	_ =	sdelay $0x3  }
0x62d: {  	s26 =	sadd.s32 $0x80, s26  }
0x62e: {  	[tilespmem:s26+$0xFFFFFFE0] =	vst v0  }
0x62f: {  	v0 =	vld [tilespmem:s0+$0x10290];
	_ =	sdelay $0x4  }
0x630: {  	[tilespmem:s26+$0xFFFFFFF0] =	vst v0  }
0x631: {  	v0 =	vld [tilespmem:s0+$0x102A0];
	_ =	sdelay $0x4  }
0x632: {  	[tilespmem:s26+$0x0] =	vst v0  }
0x633: {  	v0 =	vld [tilespmem:s0+$0x102B0];
	_ =	sdelay $0x1  }
.Ltmp23:
0x634: {  	(pc) =	sbr.rel @p0 .LBB2_46-.Ltmp23, $3  }
0x635: {  	_ =	sdelay $0x1  }
0x636: {  	s29 =	sadd.s32 $0x1, s29;
	[tilespmem:s26+$0x10] =	vst v0  }
0x637: {  	s30 =	sadd.s32 $0x1000, s30;
	v0 =	vld [tilespmem:s29+$0x0]  }
0x638: {  	_ =	sdelay $0x3  }
0x639: {  	(v2sf) =	vpush v0, $0x0;
	_ =	sdelay $0xe  }
0x63a: {  	s0 =	spop (v2sf)  }
0x63b: {  	s0 =	sand.u32 $0x7, s0  }
0x63c: {  	s1 =	sshra.s32 s28, $0x2;
	s0 =	sshll.u32 s0, $0x7  }
0x63d: {  	s0 =	sadd.s32 s1, s0  }
0x63e: {  	v0 =	vld [tilespmem:s0+$0x10280];
	_ =	sdelay $0x3  }
0x63f: {  	s31 =	sadd.s32 $0x80, s26  }
0x640: {  	[tilespmem:s31+$0xFFFFFFE0] =	vst v0  }
0x641: {  	v0 =	vld [tilespmem:s0+$0x10290];
	_ =	sdelay $0x4  }
0x642: {  	[tilespmem:s31+$0xFFFFFFF0] =	vst v0  }
0x643: {  	v0 =	vld [tilespmem:s0+$0x102A0];
	_ =	sdelay $0x4  }
0x644: {  	[tilespmem:s31+$0x0] =	vst v0  }
0x645: {  	v0 =	vld [tilespmem:s0+$0x102B0];
	_ =	sdelay $0x4  }
0x646: {  	s26 =	simm.s32 $0x0;
	[tilespmem:s31+$0x10] =	vst v0  }
0x647: {  	[hbm4b:s11+s26] =	stream.linear.scatter [tilespmem:s24], [sflag:$0x2], $0x1000, $0x38;
	[tilespmem:$0x19280] =	vst v63  }
0x648: {  	_ =	swait.ge [sflag:s22], $0x1000  }
0x649: {  	[sflag:s22] =	ssyncset.done $0x0  }
0x64a: {  	s29 =	simm.s32 $0x0;
	[sflag:s22] =	ssyncadd.s32 $0xFFFFF000  }
0x64b: {  	v0 =	vld [tilespmem:s29+$0x160];
	_ =	sdelay $0x4  }
0x64c: {  	(v2sf) =	vpush v0, $0x0;
	_ =	sdelay $0xe  }
0x64d: {  	s30 =	spop (v2sf)  }
0x64e: {  	s0 =	sshll.u32 s30, $0x4  }
0x64f: {  	s0 =	sand.u32 $0xFFFFF80, s0  }
0x650: {  	s31 =	simm.s32 $0x1;
	s26 =	simm.s32 $0x10280;
	s0 =	sadd.s32 s3, s0  }
0x651: {  	[tilespmem:s26], [sflag:$0x1] =	stream.linear.gather [hbm4b:s0+s2], $0x400, $0x38;
	[tilespmem:$0x19280] =	vst v63  }
0x652: {  	s28 =	simm.s32 $0x8;
	v0 =	vld [tilespmem:s31+$0x160]  }
.LBB2_48:
0x653: {  	p0 =	sne.s32 s28, $0x7C;
	_ =	sdelay $0x3  }
0x654: {  	(v2sf) =	vpush v0, $0x0;
	_ =	sdelay $0xe  }
0x655: {  	s0 =	spop (v2sf)  }
.Ltmp24:
0x656: {  	s0 =	sshll.u32 s0, $0x4;
	(pc) =	sbr.rel @p0 .LBB2_48-.Ltmp24, $4  }
0x657: {  	s0 =	sand.u32 $0xFFFFF80, s0  }
0x658: {  	s1 =	sshra.s32 s28, $0x2;
	s26 =	sadd.s32 $0x400, s26;
	s0 =	sadd.s32 s3, s0  }
0x659: {  	[tilespmem:s26], [sflag:$0x1] =	stream.linear.gather [hbm4b:s0+s2], $0x400, $0x38;
	[tilespmem:$0x19280] =	vst v63  }
0x65a: {  	s28 =	sadd.s32 $0x4, s28;
	v0 =	vld [tilespmem:s1+$0x160]  }
0x65b: {  	_ =	sdelay $0x3  }
0x65c: {  	(v2sf) =	vpush v0, $0x0;
	_ =	sdelay $0xe  }
0x65d: {  	s0 =	spop (v2sf)  }
0x65e: {  	s0 =	sshll.u32 s0, $0x4  }
0x65f: {  	s0 =	sand.u32 $0xFFFFF80, s0  }
0x660: {  	s1 =	sadd.s32 $0x400, s26;
	s0 =	sadd.s32 s3, s0  }
0x661: {  	[tilespmem:s1], [sflag:$0x1] =	stream.linear.gather [hbm4b:s0+s2], $0x400, $0x38;
	[tilespmem:$0x19280] =	vst v63  }
0x662: {  	_ =	swait.ge [sflag:s23], $0x400  }
0x663: {  	[sflag:s23] =	ssyncset.done $0x0  }
0x664: {  	[sflag:s23] =	ssyncadd.s32 $0xFFFFFC00  }
0x665: {  	_ =	swait.ge [sflag:s23], $0x400  }
0x666: {  	[sflag:s23] =	ssyncset.done $0x0  }
0x667: {  	[sflag:s23] =	ssyncadd.s32 $0xFFFFFC00  }
0x668: {  	_ =	swait.ge [sflag:s23], $0x400  }
0x669: {  	[sflag:s23] =	ssyncset.done $0x0  }
0x66a: {  	[sflag:s23] =	ssyncadd.s32 $0xFFFFFC00  }
0x66b: {  	_ =	swait.ge [sflag:s23], $0x400  }
0x66c: {  	[sflag:s23] =	ssyncset.done $0x0  }
0x66d: {  	[sflag:s23] =	ssyncadd.s32 $0xFFFFFC00  }
0x66e: {  	_ =	swait.ge [sflag:s23], $0x400  }
0x66f: {  	[sflag:s23] =	ssyncset.done $0x0  }
0x670: {  	[sflag:s23] =	ssyncadd.s32 $0xFFFFFC00  }
0x671: {  	_ =	swait.ge [sflag:s23], $0x400  }
0x672: {  	[sflag:s23] =	ssyncset.done $0x0  }
0x673: {  	[sflag:s23] =	ssyncadd.s32 $0xFFFFFC00  }
0x674: {  	_ =	swait.ge [sflag:s23], $0x400  }
0x675: {  	[sflag:s23] =	ssyncset.done $0x0  }
0x676: {  	[sflag:s23] =	ssyncadd.s32 $0xFFFFFC00  }
0x677: {  	_ =	swait.ge [sflag:s23], $0x400  }
0x678: {  	[sflag:s23] =	ssyncset.done $0x0  }
0x679: {  	[sflag:s23] =	ssyncadd.s32 $0xFFFFFC00  }
0x67a: {  	_ =	swait.ge [sflag:s23], $0x400  }
0x67b: {  	[sflag:s23] =	ssyncset.done $0x0  }
0x67c: {  	[sflag:s23] =	ssyncadd.s32 $0xFFFFFC00  }
0x67d: {  	_ =	swait.ge [sflag:s23], $0x400  }
0x67e: {  	[sflag:s23] =	ssyncset.done $0x0  }
0x67f: {  	[sflag:s23] =	ssyncadd.s32 $0xFFFFFC00  }
0x680: {  	_ =	swait.ge [sflag:s23], $0x400  }
0x681: {  	[sflag:s23] =	ssyncset.done $0x0  }
0x682: {  	[sflag:s23] =	ssyncadd.s32 $0xFFFFFC00  }
0x683: {  	_ =	swait.ge [sflag:s23], $0x400  }
0x684: {  	[sflag:s23] =	ssyncset.done $0x0  }
0x685: {  	[sflag:s23] =	ssyncadd.s32 $0xFFFFFC00  }
0x686: {  	_ =	swait.ge [sflag:s23], $0x400  }
0x687: {  	[sflag:s23] =	ssyncset.done $0x0  }
0x688: {  	[sflag:s23] =	ssyncadd.s32 $0xFFFFFC00  }
0x689: {  	_ =	swait.ge [sflag:s23], $0x400  }
0x68a: {  	[sflag:s23] =	ssyncset.done $0x0  }
0x68b: {  	[sflag:s23] =	ssyncadd.s32 $0xFFFFFC00  }
0x68c: {  	_ =	swait.ge [sflag:s23], $0x400  }
0x68d: {  	[sflag:s23] =	ssyncset.done $0x0  }
0x68e: {  	[sflag:s23] =	ssyncadd.s32 $0xFFFFFC00  }
0x68f: {  	_ =	swait.ge [sflag:s23], $0x400  }
0x690: {  	[sflag:s23] =	ssyncset.done $0x0  }
0x691: {  	[sflag:s23] =	ssyncadd.s32 $0xFFFFFC00  }
0x692: {  	_ =	swait.ge [sflag:s23], $0x400  }
0x693: {  	[sflag:s23] =	ssyncset.done $0x0  }
0x694: {  	[sflag:s23] =	ssyncadd.s32 $0xFFFFFC00  }
0x695: {  	_ =	swait.ge [sflag:s23], $0x400  }
0x696: {  	[sflag:s23] =	ssyncset.done $0x0  }
0x697: {  	[sflag:s23] =	ssyncadd.s32 $0xFFFFFC00  }
0x698: {  	_ =	swait.ge [sflag:s23], $0x400  }
0x699: {  	[sflag:s23] =	ssyncset.done $0x0  }
0x69a: {  	[sflag:s23] =	ssyncadd.s32 $0xFFFFFC00  }
0x69b: {  	_ =	swait.ge [sflag:s23], $0x400  }
0x69c: {  	[sflag:s23] =	ssyncset.done $0x0  }
0x69d: {  	[sflag:s23] =	ssyncadd.s32 $0xFFFFFC00  }
0x69e: {  	_ =	swait.ge [sflag:s23], $0x400  }
0x69f: {  	[sflag:s23] =	ssyncset.done $0x0  }
0x6a0: {  	[sflag:s23] =	ssyncadd.s32 $0xFFFFFC00  }
0x6a1: {  	_ =	swait.ge [sflag:s23], $0x400  }
0x6a2: {  	[sflag:s23] =	ssyncset.done $0x0  }
0x6a3: {  	[sflag:s23] =	ssyncadd.s32 $0xFFFFFC00  }
0x6a4: {  	_ =	swait.ge [sflag:s23], $0x400  }
0x6a5: {  	[sflag:s23] =	ssyncset.done $0x0  }
0x6a6: {  	[sflag:s23] =	ssyncadd.s32 $0xFFFFFC00  }
0x6a7: {  	_ =	swait.ge [sflag:s23], $0x400  }
0x6a8: {  	[sflag:s23] =	ssyncset.done $0x0  }
0x6a9: {  	[sflag:s23] =	ssyncadd.s32 $0xFFFFFC00  }
0x6aa: {  	_ =	swait.ge [sflag:s23], $0x400  }
0x6ab: {  	[sflag:s23] =	ssyncset.done $0x0  }
0x6ac: {  	[sflag:s23] =	ssyncadd.s32 $0xFFFFFC00  }
0x6ad: {  	_ =	swait.ge [sflag:s23], $0x400  }
0x6ae: {  	[sflag:s23] =	ssyncset.done $0x0  }
0x6af: {  	[sflag:s23] =	ssyncadd.s32 $0xFFFFFC00  }
0x6b0: {  	_ =	swait.ge [sflag:s23], $0x400  }
0x6b1: {  	[sflag:s23] =	ssyncset.done $0x0  }
0x6b2: {  	[sflag:s23] =	ssyncadd.s32 $0xFFFFFC00  }
0x6b3: {  	_ =	swait.ge [sflag:s23], $0x400  }
0x6b4: {  	[sflag:s23] =	ssyncset.done $0x0  }
0x6b5: {  	[sflag:s23] =	ssyncadd.s32 $0xFFFFFC00  }
0x6b6: {  	_ =	swait.ge [sflag:s23], $0x400  }
0x6b7: {  	[sflag:s23] =	ssyncset.done $0x0  }
0x6b8: {  	[sflag:s23] =	ssyncadd.s32 $0xFFFFFC00  }
0x6b9: {  	_ =	swait.ge [sflag:s23], $0x400  }
0x6ba: {  	[sflag:s23] =	ssyncset.done $0x0  }
0x6bb: {  	[sflag:s23] =	ssyncadd.s32 $0xFFFFFC00  }
0x6bc: {  	_ =	swait.ge [sflag:s23], $0x400  }
0x6bd: {  	[sflag:s23] =	ssyncset.done $0x0  }
0x6be: {  	[sflag:s23] =	ssyncadd.s32 $0xFFFFFC00  }
0x6bf: {  	_ =	swait.ge [sflag:s23], $0x400  }
0x6c0: {  	[sflag:s23] =	ssyncset.done $0x0  }
0x6c1: {  	s26 =	simm.s32 $0x0;
	[sflag:s23] =	ssyncadd.s32 $0xFFFFFC00  }
0x6c2: {  	v62 =	vld [tilespmem:s26+$0x120];
	_ =	sdelay $0x4  }
0x6c3: {  	(v2sf) =	vpush v62, $0x0;
	_ =	sdelay $0xe  }
0x6c4: {  	s31 =	spop (v2sf)  }
0x6c5: {  	s0 =	sand.u32 $0x7, s31  }
0x6c6: {  	s0 =	sshll.u32 s0, $0x7  }
0x6c7: {  	s0 =	sadd.s32 $0x280, s0  }
0x6c8: {  	v63 =	vld [tilespmem:s0+$0x0];
	_ =	sdelay $0x3  }
0x6c9: {  	s26 =	simm.s32 $0x182A0  }
0x6ca: {  	[tilespmem:s26+$0xFFFFFFE0] =	vst v63  }
0x6cb: {  	v0 =	vld [tilespmem:s0+$0x10];
	_ =	sdelay $0x4  }
0x6cc: {  	[tilespmem:s26+$0xFFFFFFF0] =	vst v0  }
0x6cd: {  	v0 =	vld [tilespmem:s0+$0x20];
	_ =	sdelay $0x4  }
0x6ce: {  	[tilespmem:s26+$0x0] =	vst v0  }
0x6cf: {  	v0 =	vld [tilespmem:s0+$0x30];
	_ =	sdelay $0x4  }
0x6d0: {  	s28 =	simm.s32 $0x280;
	s30 =	simm.s32 $0x1;
	s29 =	simm.s32 $0x8;
	[tilespmem:s26+$0x10] =	vst v0  }
.LBB2_50:
0x6d1: {  	p0 =	sne.s32 s29, $0x7C;
	v0 =	vld [tilespmem:s30+$0x120];
	_ =	sdelay $0x4  }
0x6d2: {  	(v2sf) =	vpush v0, $0x0;
	_ =	sdelay $0xe  }
0x6d3: {  	s0 =	spop (v2sf)  }
0x6d4: {  	s0 =	sand.u32 $0x7, s0  }
0x6d5: {  	s28 =	sadd.s32 $0x400, s28;
	s0 =	sshll.u32 s0, $0x7  }
0x6d6: {  	s0 =	sadd.s32 s0, s28  }
0x6d7: {  	v0 =	vld [tilespmem:s0+$0x0];
	_ =	sdelay $0x3  }
0x6d8: {  	s26 =	sadd.s32 $0x80, s26  }
0x6d9: {  	[tilespmem:s26+$0xFFFFFFE0] =	vst v0  }
0x6da: {  	v0 =	vld [tilespmem:s0+$0x10];
	_ =	sdelay $0x4  }
0x6db: {  	[tilespmem:s26+$0xFFFFFFF0] =	vst v0  }
0x6dc: {  	v0 =	vld [tilespmem:s0+$0x20];
	_ =	sdelay $0x4  }
0x6dd: {  	[tilespmem:s26+$0x0] =	vst v0  }
0x6de: {  	v0 =	vld [tilespmem:s0+$0x30]  }
.Ltmp25:
0x6df: {  	(pc) =	sbr.rel @p0 .LBB2_50-.Ltmp25, $2  }
0x6e0: {  	_ =	sdelay $0x2  }
0x6e1: {  	s30 =	sshra.s32 s29, $0x2;
	s29 =	sadd.s32 $0x4, s29;
	[tilespmem:s26+$0x10] =	vst v0  }
0x6e2: {  	v0 =	vld [tilespmem:s30+$0x120];
	_ =	sdelay $0x4  }
0x6e3: {  	(v2sf) =	vpush v0, $0x0;
	_ =	sdelay $0xe  }
0x6e4: {  	s0 =	spop (v2sf)  }
0x6e5: {  	s0 =	sand.u32 $0x7, s0  }
0x6e6: {  	s1 =	sadd.s32 $0x400, s28;
	s0 =	sshll.u32 s0, $0x7  }
0x6e7: {  	s0 =	sadd.s32 s0, s1  }
0x6e8: {  	v0 =	vld [tilespmem:s0+$0x0];
	_ =	sdelay $0x3  }
0x6e9: {  	s31 =	sadd.s32 $0x80, s26  }
0x6ea: {  	[tilespmem:s31+$0xFFFFFFE0] =	vst v0  }
0x6eb: {  	v0 =	vld [tilespmem:s0+$0x10];
	_ =	sdelay $0x4  }
0x6ec: {  	[tilespmem:s31+$0xFFFFFFF0] =	vst v0  }
0x6ed: {  	v0 =	vld [tilespmem:s0+$0x20];
	_ =	sdelay $0x4  }
0x6ee: {  	[tilespmem:s31+$0x0] =	vst v0  }
0x6ef: {  	v0 =	vld [tilespmem:s0+$0x30];
	_ =	sdelay $0x4  }
0x6f0: {  	s26 =	simm.s32 $0x0;
	[tilespmem:s31+$0x10] =	vst v0  }
0x6f1: {  	[hbm4b:s12+s26] =	stream.linear.scatter [tilespmem:s24], [sflag:$0x2], $0x1000, $0x38;
	[tilespmem:$0x19280] =	vst v63  }
0x6f2: {  	_ =	swait.ge [sflag:s22], $0x1000  }
0x6f3: {  	[sflag:s22] =	ssyncset.done $0x0  }
0x6f4: {  	s29 =	simm.s32 $0x0;
	[sflag:s22] =	ssyncadd.s32 $0xFFFFF000  }
0x6f5: {  	v0 =	vld [tilespmem:s29+$0x180];
	_ =	sdelay $0x4  }
0x6f6: {  	(v2sf) =	vpush v0, $0x0;
	_ =	sdelay $0xe  }
0x6f7: {  	s30 =	spop (v2sf)  }
0x6f8: {  	s0 =	sshll.u32 s30, $0x4  }
0x6f9: {  	s0 =	sand.u32 $0xFFFFF80, s0  }
0x6fa: {  	s31 =	simm.s32 $0x1;
	s26 =	simm.s32 $0x280;
	s0 =	sadd.s32 s3, s0  }
0x6fb: {  	[tilespmem:s26], [sflag:$0x1] =	stream.linear.gather [hbm4b:s0+s2], $0x400, $0x38;
	[tilespmem:$0x19280] =	vst v63  }
0x6fc: {  	s28 =	simm.s32 $0x8;
	v0 =	vld [tilespmem:s31+$0x180]  }
.LBB2_52:
0x6fd: {  	p0 =	sne.s32 s28, $0x7C;
	_ =	sdelay $0x3  }
0x6fe: {  	(v2sf) =	vpush v0, $0x0;
	_ =	sdelay $0xe  }
0x6ff: {  	s0 =	spop (v2sf)  }
.Ltmp26:
0x700: {  	s0 =	sshll.u32 s0, $0x4;
	(pc) =	sbr.rel @p0 .LBB2_52-.Ltmp26, $4  }
0x701: {  	s0 =	sand.u32 $0xFFFFF80, s0  }
0x702: {  	s1 =	sshra.s32 s28, $0x2;
	s26 =	sadd.s32 $0x400, s26;
	s0 =	sadd.s32 s3, s0  }
0x703: {  	[tilespmem:s26], [sflag:$0x1] =	stream.linear.gather [hbm4b:s0+s2], $0x400, $0x38;
	[tilespmem:$0x19280] =	vst v63  }
0x704: {  	s28 =	sadd.s32 $0x4, s28;
	v0 =	vld [tilespmem:s1+$0x180]  }
0x705: {  	_ =	sdelay $0x3  }
0x706: {  	(v2sf) =	vpush v0, $0x0;
	_ =	sdelay $0xe  }
0x707: {  	s0 =	spop (v2sf)  }
0x708: {  	s0 =	sshll.u32 s0, $0x4  }
0x709: {  	s0 =	sand.u32 $0xFFFFF80, s0  }
0x70a: {  	s1 =	sadd.s32 $0x400, s26;
	s0 =	sadd.s32 s3, s0  }
0x70b: {  	[tilespmem:s1], [sflag:$0x1] =	stream.linear.gather [hbm4b:s0+s2], $0x400, $0x38;
	[tilespmem:$0x19280] =	vst v63  }
0x70c: {  	_ =	swait.ge [sflag:s23], $0x400  }
0x70d: {  	[sflag:s23] =	ssyncset.done $0x0  }
0x70e: {  	[sflag:s23] =	ssyncadd.s32 $0xFFFFFC00  }
0x70f: {  	_ =	swait.ge [sflag:s23], $0x400  }
0x710: {  	[sflag:s23] =	ssyncset.done $0x0  }
0x711: {  	[sflag:s23] =	ssyncadd.s32 $0xFFFFFC00  }
0x712: {  	_ =	swait.ge [sflag:s23], $0x400  }
0x713: {  	[sflag:s23] =	ssyncset.done $0x0  }
0x714: {  	[sflag:s23] =	ssyncadd.s32 $0xFFFFFC00  }
0x715: {  	_ =	swait.ge [sflag:s23], $0x400  }
0x716: {  	[sflag:s23] =	ssyncset.done $0x0  }
0x717: {  	[sflag:s23] =	ssyncadd.s32 $0xFFFFFC00  }
0x718: {  	_ =	swait.ge [sflag:s23], $0x400  }
0x719: {  	[sflag:s23] =	ssyncset.done $0x0  }
0x71a: {  	[sflag:s23] =	ssyncadd.s32 $0xFFFFFC00  }
0x71b: {  	_ =	swait.ge [sflag:s23], $0x400  }
0x71c: {  	[sflag:s23] =	ssyncset.done $0x0  }
0x71d: {  	[sflag:s23] =	ssyncadd.s32 $0xFFFFFC00  }
0x71e: {  	_ =	swait.ge [sflag:s23], $0x400  }
0x71f: {  	[sflag:s23] =	ssyncset.done $0x0  }
0x720: {  	[sflag:s23] =	ssyncadd.s32 $0xFFFFFC00  }
0x721: {  	_ =	swait.ge [sflag:s23], $0x400  }
0x722: {  	[sflag:s23] =	ssyncset.done $0x0  }
0x723: {  	[sflag:s23] =	ssyncadd.s32 $0xFFFFFC00  }
0x724: {  	_ =	swait.ge [sflag:s23], $0x400  }
0x725: {  	[sflag:s23] =	ssyncset.done $0x0  }
0x726: {  	[sflag:s23] =	ssyncadd.s32 $0xFFFFFC00  }
0x727: {  	_ =	swait.ge [sflag:s23], $0x400  }
0x728: {  	[sflag:s23] =	ssyncset.done $0x0  }
0x729: {  	[sflag:s23] =	ssyncadd.s32 $0xFFFFFC00  }
0x72a: {  	_ =	swait.ge [sflag:s23], $0x400  }
0x72b: {  	[sflag:s23] =	ssyncset.done $0x0  }
0x72c: {  	[sflag:s23] =	ssyncadd.s32 $0xFFFFFC00  }
0x72d: {  	_ =	swait.ge [sflag:s23], $0x400  }
0x72e: {  	[sflag:s23] =	ssyncset.done $0x0  }
0x72f: {  	[sflag:s23] =	ssyncadd.s32 $0xFFFFFC00  }
0x730: {  	_ =	swait.ge [sflag:s23], $0x400  }
0x731: {  	[sflag:s23] =	ssyncset.done $0x0  }
0x732: {  	[sflag:s23] =	ssyncadd.s32 $0xFFFFFC00  }
0x733: {  	_ =	swait.ge [sflag:s23], $0x400  }
0x734: {  	[sflag:s23] =	ssyncset.done $0x0  }
0x735: {  	[sflag:s23] =	ssyncadd.s32 $0xFFFFFC00  }
0x736: {  	_ =	swait.ge [sflag:s23], $0x400  }
0x737: {  	[sflag:s23] =	ssyncset.done $0x0  }
0x738: {  	[sflag:s23] =	ssyncadd.s32 $0xFFFFFC00  }
0x739: {  	_ =	swait.ge [sflag:s23], $0x400  }
0x73a: {  	[sflag:s23] =	ssyncset.done $0x0  }
0x73b: {  	[sflag:s23] =	ssyncadd.s32 $0xFFFFFC00  }
0x73c: {  	_ =	swait.ge [sflag:s23], $0x400  }
0x73d: {  	[sflag:s23] =	ssyncset.done $0x0  }
0x73e: {  	[sflag:s23] =	ssyncadd.s32 $0xFFFFFC00  }
0x73f: {  	_ =	swait.ge [sflag:s23], $0x400  }
0x740: {  	[sflag:s23] =	ssyncset.done $0x0  }
0x741: {  	[sflag:s23] =	ssyncadd.s32 $0xFFFFFC00  }
0x742: {  	_ =	swait.ge [sflag:s23], $0x400  }
0x743: {  	[sflag:s23] =	ssyncset.done $0x0  }
0x744: {  	[sflag:s23] =	ssyncadd.s32 $0xFFFFFC00  }
0x745: {  	_ =	swait.ge [sflag:s23], $0x400  }
0x746: {  	[sflag:s23] =	ssyncset.done $0x0  }
0x747: {  	[sflag:s23] =	ssyncadd.s32 $0xFFFFFC00  }
0x748: {  	_ =	swait.ge [sflag:s23], $0x400  }
0x749: {  	[sflag:s23] =	ssyncset.done $0x0  }
0x74a: {  	[sflag:s23] =	ssyncadd.s32 $0xFFFFFC00  }
0x74b: {  	_ =	swait.ge [sflag:s23], $0x400  }
0x74c: {  	[sflag:s23] =	ssyncset.done $0x0  }
0x74d: {  	[sflag:s23] =	ssyncadd.s32 $0xFFFFFC00  }
0x74e: {  	_ =	swait.ge [sflag:s23], $0x400  }
0x74f: {  	[sflag:s23] =	ssyncset.done $0x0  }
0x750: {  	[sflag:s23] =	ssyncadd.s32 $0xFFFFFC00  }
0x751: {  	_ =	swait.ge [sflag:s23], $0x400  }
0x752: {  	[sflag:s23] =	ssyncset.done $0x0  }
0x753: {  	[sflag:s23] =	ssyncadd.s32 $0xFFFFFC00  }
0x754: {  	_ =	swait.ge [sflag:s23], $0x400  }
0x755: {  	[sflag:s23] =	ssyncset.done $0x0  }
0x756: {  	[sflag:s23] =	ssyncadd.s32 $0xFFFFFC00  }
0x757: {  	_ =	swait.ge [sflag:s23], $0x400  }
0x758: {  	[sflag:s23] =	ssyncset.done $0x0  }
0x759: {  	[sflag:s23] =	ssyncadd.s32 $0xFFFFFC00  }
0x75a: {  	_ =	swait.ge [sflag:s23], $0x400  }
0x75b: {  	[sflag:s23] =	ssyncset.done $0x0  }
0x75c: {  	[sflag:s23] =	ssyncadd.s32 $0xFFFFFC00  }
0x75d: {  	_ =	swait.ge [sflag:s23], $0x400  }
0x75e: {  	[sflag:s23] =	ssyncset.done $0x0  }
0x75f: {  	[sflag:s23] =	ssyncadd.s32 $0xFFFFFC00  }
0x760: {  	_ =	swait.ge [sflag:s23], $0x400  }
0x761: {  	[sflag:s23] =	ssyncset.done $0x0  }
0x762: {  	[sflag:s23] =	ssyncadd.s32 $0xFFFFFC00  }
0x763: {  	_ =	swait.ge [sflag:s23], $0x400  }
0x764: {  	[sflag:s23] =	ssyncset.done $0x0  }
0x765: {  	[sflag:s23] =	ssyncadd.s32 $0xFFFFFC00  }
0x766: {  	_ =	swait.ge [sflag:s23], $0x400  }
0x767: {  	[sflag:s23] =	ssyncset.done $0x0  }
0x768: {  	[sflag:s23] =	ssyncadd.s32 $0xFFFFFC00  }
0x769: {  	_ =	swait.ge [sflag:s23], $0x400  }
0x76a: {  	[sflag:s23] =	ssyncset.done $0x0  }
0x76b: {  	s26 =	simm.s32 $0x140;
	[sflag:s23] =	ssyncadd.s32 $0xFFFFFC00  }
0x76c: {  	v0 =	vld [tilespmem:s26+$0x0];
	_ =	sdelay $0x4  }
0x76d: {  	(v2sf) =	vpush v0, $0x0;
	_ =	sdelay $0xe  }
0x76e: {  	s31 =	spop (v2sf)  }
0x76f: {  	s0 =	sand.u32 $0x7, s31  }
0x770: {  	s0 =	sshll.u32 s0, $0x7  }
0x771: {  	s0 =	sadd.s32 $0x0, s0  }
0x772: {  	v0 =	vld [tilespmem:s0+$0x8280];
	_ =	sdelay $0x3  }
0x773: {  	s26 =	simm.s32 $0x182A0  }
0x774: {  	[tilespmem:s26+$0xFFFFFFE0] =	vst v0  }
0x775: {  	v0 =	vld [tilespmem:s0+$0x8290];
	_ =	sdelay $0x4  }
0x776: {  	[tilespmem:s26+$0xFFFFFFF0] =	vst v0  }
0x777: {  	v0 =	vld [tilespmem:s0+$0x82A0];
	_ =	sdelay $0x4  }
0x778: {  	[tilespmem:s26+$0x0] =	vst v0  }
0x779: {  	v0 =	vld [tilespmem:s0+$0x82B0];
	_ =	sdelay $0x4  }
0x77a: {  	s29 =	simm.s32 $0x141;
	[tilespmem:s26+$0x10] =	vst v0  }
0x77b: {  	s28 =	simm.s32 $0x1000;
	s30 =	simm.s32 $0x2000;
	v0 =	vld [tilespmem:s29+$0x0]  }
.LBB2_54:
0x77c: {  	p0 =	sne.s32 s30, $0x1F000;
	_ =	sdelay $0x3  }
0x77d: {  	(v2sf) =	vpush v0, $0x0;
	_ =	sdelay $0xe  }
0x77e: {  	s0 =	spop (v2sf)  }
0x77f: {  	s0 =	sand.u32 $0x7, s0  }
0x780: {  	s1 =	sshra.s32 s28, $0x2;
	s28 =	smov.u32 s30;
	s0 =	sshll.u32 s0, $0x7  }
0x781: {  	s0 =	sadd.s32 s1, s0  }
0x782: {  	v0 =	vld [tilespmem:s0+$0x8280];
	_ =	sdelay $0x3  }
0x783: {  	s26 =	sadd.s32 $0x80, s26  }
0x784: {  	[tilespmem:s26+$0xFFFFFFE0] =	vst v0  }
0x785: {  	v0 =	vld [tilespmem:s0+$0x8290];
	_ =	sdelay $0x4  }
0x786: {  	[tilespmem:s26+$0xFFFFFFF0] =	vst v0  }
0x787: {  	v0 =	vld [tilespmem:s0+$0x82A0];
	_ =	sdelay $0x4  }
0x788: {  	[tilespmem:s26+$0x0] =	vst v0  }
0x789: {  	v0 =	vld [tilespmem:s0+$0x82B0];
	_ =	sdelay $0x1  }
.Ltmp27:
0x78a: {  	(pc) =	sbr.rel @p0 .LBB2_54-.Ltmp27, $3  }
0x78b: {  	_ =	sdelay $0x1  }
0x78c: {  	s29 =	sadd.s32 $0x1, s29;
	[tilespmem:s26+$0x10] =	vst v0  }
0x78d: {  	s30 =	sadd.s32 $0x1000, s30;
	v0 =	vld [tilespmem:s29+$0x0]  }
0x78e: {  	_ =	sdelay $0x3  }
0x78f: {  	(v2sf) =	vpush v0, $0x0;
	_ =	sdelay $0xe  }
0x790: {  	s0 =	spop (v2sf)  }
0x791: {  	s0 =	sand.u32 $0x7, s0  }
0x792: {  	s1 =	sshra.s32 s28, $0x2;
	s0 =	sshll.u32 s0, $0x7  }
0x793: {  	s0 =	sadd.s32 s1, s0  }
0x794: {  	v0 =	vld [tilespmem:s0+$0x8280];
	_ =	sdelay $0x3  }
0x795: {  	s31 =	sadd.s32 $0x80, s26  }
0x796: {  	[tilespmem:s31+$0xFFFFFFE0] =	vst v0  }
0x797: {  	v0 =	vld [tilespmem:s0+$0x8290];
	_ =	sdelay $0x4  }
0x798: {  	[tilespmem:s31+$0xFFFFFFF0] =	vst v0  }
0x799: {  	v0 =	vld [tilespmem:s0+$0x82A0];
	_ =	sdelay $0x4  }
0x79a: {  	[tilespmem:s31+$0x0] =	vst v0  }
0x79b: {  	v0 =	vld [tilespmem:s0+$0x82B0];
	_ =	sdelay $0x4  }
0x79c: {  	s26 =	simm.s32 $0x0;
	[tilespmem:s31+$0x10] =	vst v0  }
0x79d: {  	[hbm4b:s13+s26] =	stream.linear.scatter [tilespmem:s24], [sflag:$0x2], $0x1000, $0x38;
	[tilespmem:$0x19280] =	vst v63  }
0x79e: {  	_ =	swait.ge [sflag:s22], $0x1000  }
0x79f: {  	[sflag:s22] =	ssyncset.done $0x0  }
0x7a0: {  	s29 =	simm.s32 $0x0;
	[sflag:s22] =	ssyncadd.s32 $0xFFFFF000  }
0x7a1: {  	v0 =	vld [tilespmem:s29+$0x1A0];
	_ =	sdelay $0x4  }
0x7a2: {  	(v2sf) =	vpush v0, $0x0;
	_ =	sdelay $0xe  }
0x7a3: {  	s30 =	spop (v2sf)  }
0x7a4: {  	s0 =	sshll.u32 s30, $0x4  }
0x7a5: {  	s0 =	sand.u32 $0xFFFFF80, s0  }
0x7a6: {  	s31 =	simm.s32 $0x1;
	s26 =	simm.s32 $0x8280;
	s0 =	sadd.s32 s3, s0  }
0x7a7: {  	[tilespmem:s26], [sflag:$0x1] =	stream.linear.gather [hbm4b:s0+s2], $0x400, $0x38;
	[tilespmem:$0x19280] =	vst v63  }
0x7a8: {  	s28 =	simm.s32 $0x8;
	v0 =	vld [tilespmem:s31+$0x1A0]  }
.LBB2_56:
0x7a9: {  	p0 =	sne.s32 s28, $0x7C;
	_ =	sdelay $0x3  }
0x7aa: {  	(v2sf) =	vpush v0, $0x0;
	_ =	sdelay $0xe  }
0x7ab: {  	s0 =	spop (v2sf)  }
.Ltmp28:
0x7ac: {  	s0 =	sshll.u32 s0, $0x4;
	(pc) =	sbr.rel @p0 .LBB2_56-.Ltmp28, $4  }
0x7ad: {  	s0 =	sand.u32 $0xFFFFF80, s0  }
0x7ae: {  	s1 =	sshra.s32 s28, $0x2;
	s26 =	sadd.s32 $0x400, s26;
	s0 =	sadd.s32 s3, s0  }
0x7af: {  	[tilespmem:s26], [sflag:$0x1] =	stream.linear.gather [hbm4b:s0+s2], $0x400, $0x38;
	[tilespmem:$0x19280] =	vst v63  }
0x7b0: {  	s28 =	sadd.s32 $0x4, s28;
	v0 =	vld [tilespmem:s1+$0x1A0]  }
0x7b1: {  	_ =	sdelay $0x3  }
0x7b2: {  	(v2sf) =	vpush v0, $0x0;
	_ =	sdelay $0xe  }
0x7b3: {  	s0 =	spop (v2sf)  }
0x7b4: {  	s0 =	sshll.u32 s0, $0x4  }
0x7b5: {  	s0 =	sand.u32 $0xFFFFF80, s0  }
0x7b6: {  	s1 =	sadd.s32 $0x400, s26;
	s0 =	sadd.s32 s3, s0  }
0x7b7: {  	[tilespmem:s1], [sflag:$0x1] =	stream.linear.gather [hbm4b:s0+s2], $0x400, $0x38;
	[tilespmem:$0x19280] =	vst v63  }
0x7b8: {  	_ =	swait.ge [sflag:s23], $0x400  }
0x7b9: {  	[sflag:s23] =	ssyncset.done $0x0  }
0x7ba: {  	[sflag:s23] =	ssyncadd.s32 $0xFFFFFC00  }
0x7bb: {  	_ =	swait.ge [sflag:s23], $0x400  }
0x7bc: {  	[sflag:s23] =	ssyncset.done $0x0  }
0x7bd: {  	[sflag:s23] =	ssyncadd.s32 $0xFFFFFC00  }
0x7be: {  	_ =	swait.ge [sflag:s23], $0x400  }
0x7bf: {  	[sflag:s23] =	ssyncset.done $0x0  }
0x7c0: {  	[sflag:s23] =	ssyncadd.s32 $0xFFFFFC00  }
0x7c1: {  	_ =	swait.ge [sflag:s23], $0x400  }
0x7c2: {  	[sflag:s23] =	ssyncset.done $0x0  }
0x7c3: {  	[sflag:s23] =	ssyncadd.s32 $0xFFFFFC00  }
0x7c4: {  	_ =	swait.ge [sflag:s23], $0x400  }
0x7c5: {  	[sflag:s23] =	ssyncset.done $0x0  }
0x7c6: {  	[sflag:s23] =	ssyncadd.s32 $0xFFFFFC00  }
0x7c7: {  	_ =	swait.ge [sflag:s23], $0x400  }
0x7c8: {  	[sflag:s23] =	ssyncset.done $0x0  }
0x7c9: {  	[sflag:s23] =	ssyncadd.s32 $0xFFFFFC00  }
0x7ca: {  	_ =	swait.ge [sflag:s23], $0x400  }
0x7cb: {  	[sflag:s23] =	ssyncset.done $0x0  }
0x7cc: {  	[sflag:s23] =	ssyncadd.s32 $0xFFFFFC00  }
0x7cd: {  	_ =	swait.ge [sflag:s23], $0x400  }
0x7ce: {  	[sflag:s23] =	ssyncset.done $0x0  }
0x7cf: {  	[sflag:s23] =	ssyncadd.s32 $0xFFFFFC00  }
0x7d0: {  	_ =	swait.ge [sflag:s23], $0x400  }
0x7d1: {  	[sflag:s23] =	ssyncset.done $0x0  }
0x7d2: {  	[sflag:s23] =	ssyncadd.s32 $0xFFFFFC00  }
0x7d3: {  	_ =	swait.ge [sflag:s23], $0x400  }
0x7d4: {  	[sflag:s23] =	ssyncset.done $0x0  }
0x7d5: {  	[sflag:s23] =	ssyncadd.s32 $0xFFFFFC00  }
0x7d6: {  	_ =	swait.ge [sflag:s23], $0x400  }
0x7d7: {  	[sflag:s23] =	ssyncset.done $0x0  }
0x7d8: {  	[sflag:s23] =	ssyncadd.s32 $0xFFFFFC00  }
0x7d9: {  	_ =	swait.ge [sflag:s23], $0x400  }
0x7da: {  	[sflag:s23] =	ssyncset.done $0x0  }
0x7db: {  	[sflag:s23] =	ssyncadd.s32 $0xFFFFFC00  }
0x7dc: {  	_ =	swait.ge [sflag:s23], $0x400  }
0x7dd: {  	[sflag:s23] =	ssyncset.done $0x0  }
0x7de: {  	[sflag:s23] =	ssyncadd.s32 $0xFFFFFC00  }
0x7df: {  	_ =	swait.ge [sflag:s23], $0x400  }
0x7e0: {  	[sflag:s23] =	ssyncset.done $0x0  }
0x7e1: {  	[sflag:s23] =	ssyncadd.s32 $0xFFFFFC00  }
0x7e2: {  	_ =	swait.ge [sflag:s23], $0x400  }
0x7e3: {  	[sflag:s23] =	ssyncset.done $0x0  }
0x7e4: {  	[sflag:s23] =	ssyncadd.s32 $0xFFFFFC00  }
0x7e5: {  	_ =	swait.ge [sflag:s23], $0x400  }
0x7e6: {  	[sflag:s23] =	ssyncset.done $0x0  }
0x7e7: {  	[sflag:s23] =	ssyncadd.s32 $0xFFFFFC00  }
0x7e8: {  	_ =	swait.ge [sflag:s23], $0x400  }
0x7e9: {  	[sflag:s23] =	ssyncset.done $0x0  }
0x7ea: {  	[sflag:s23] =	ssyncadd.s32 $0xFFFFFC00  }
0x7eb: {  	_ =	swait.ge [sflag:s23], $0x400  }
0x7ec: {  	[sflag:s23] =	ssyncset.done $0x0  }
0x7ed: {  	[sflag:s23] =	ssyncadd.s32 $0xFFFFFC00  }
0x7ee: {  	_ =	swait.ge [sflag:s23], $0x400  }
0x7ef: {  	[sflag:s23] =	ssyncset.done $0x0  }
0x7f0: {  	[sflag:s23] =	ssyncadd.s32 $0xFFFFFC00  }
0x7f1: {  	_ =	swait.ge [sflag:s23], $0x400  }
0x7f2: {  	[sflag:s23] =	ssyncset.done $0x0  }
0x7f3: {  	[sflag:s23] =	ssyncadd.s32 $0xFFFFFC00  }
0x7f4: {  	_ =	swait.ge [sflag:s23], $0x400  }
0x7f5: {  	[sflag:s23] =	ssyncset.done $0x0  }
0x7f6: {  	[sflag:s23] =	ssyncadd.s32 $0xFFFFFC00  }
0x7f7: {  	_ =	swait.ge [sflag:s23], $0x400  }
0x7f8: {  	[sflag:s23] =	ssyncset.done $0x0  }
0x7f9: {  	[sflag:s23] =	ssyncadd.s32 $0xFFFFFC00  }
0x7fa: {  	_ =	swait.ge [sflag:s23], $0x400  }
0x7fb: {  	[sflag:s23] =	ssyncset.done $0x0  }
0x7fc: {  	[sflag:s23] =	ssyncadd.s32 $0xFFFFFC00  }
0x7fd: {  	_ =	swait.ge [sflag:s23], $0x400  }
0x7fe: {  	[sflag:s23] =	ssyncset.done $0x0  }
0x7ff: {  	[sflag:s23] =	ssyncadd.s32 $0xFFFFFC00  }
0x800: {  	_ =	swait.ge [sflag:s23], $0x400  }
0x801: {  	[sflag:s23] =	ssyncset.done $0x0  }
0x802: {  	[sflag:s23] =	ssyncadd.s32 $0xFFFFFC00  }
0x803: {  	_ =	swait.ge [sflag:s23], $0x400  }
0x804: {  	[sflag:s23] =	ssyncset.done $0x0  }
0x805: {  	[sflag:s23] =	ssyncadd.s32 $0xFFFFFC00  }
0x806: {  	_ =	swait.ge [sflag:s23], $0x400  }
0x807: {  	[sflag:s23] =	ssyncset.done $0x0  }
0x808: {  	[sflag:s23] =	ssyncadd.s32 $0xFFFFFC00  }
0x809: {  	_ =	swait.ge [sflag:s23], $0x400  }
0x80a: {  	[sflag:s23] =	ssyncset.done $0x0  }
0x80b: {  	[sflag:s23] =	ssyncadd.s32 $0xFFFFFC00  }
0x80c: {  	_ =	swait.ge [sflag:s23], $0x400  }
0x80d: {  	[sflag:s23] =	ssyncset.done $0x0  }
0x80e: {  	[sflag:s23] =	ssyncadd.s32 $0xFFFFFC00  }
0x80f: {  	_ =	swait.ge [sflag:s23], $0x400  }
0x810: {  	[sflag:s23] =	ssyncset.done $0x0  }
0x811: {  	[sflag:s23] =	ssyncadd.s32 $0xFFFFFC00  }
0x812: {  	_ =	swait.ge [sflag:s23], $0x400  }
0x813: {  	[sflag:s23] =	ssyncset.done $0x0  }
0x814: {  	[sflag:s23] =	ssyncadd.s32 $0xFFFFFC00  }
0x815: {  	_ =	swait.ge [sflag:s23], $0x400  }
0x816: {  	[sflag:s23] =	ssyncset.done $0x0  }
0x817: {  	s26 =	simm.s32 $0x160;
	[sflag:s23] =	ssyncadd.s32 $0xFFFFFC00  }
0x818: {  	v0 =	vld [tilespmem:s26+$0x0];
	_ =	sdelay $0x4  }
0x819: {  	(v2sf) =	vpush v0, $0x0;
	_ =	sdelay $0xe  }
0x81a: {  	s31 =	spop (v2sf)  }
0x81b: {  	s0 =	sand.u32 $0x7, s31  }
0x81c: {  	s0 =	sshll.u32 s0, $0x7  }
0x81d: {  	s0 =	sadd.s32 $0x0, s0  }
0x81e: {  	v0 =	vld [tilespmem:s0+$0x10280];
	_ =	sdelay $0x3  }
0x81f: {  	s26 =	simm.s32 $0x182A0  }
0x820: {  	[tilespmem:s26+$0xFFFFFFE0] =	vst v0  }
0x821: {  	v0 =	vld [tilespmem:s0+$0x10290];
	_ =	sdelay $0x4  }
0x822: {  	[tilespmem:s26+$0xFFFFFFF0] =	vst v0  }
0x823: {  	v0 =	vld [tilespmem:s0+$0x102A0];
	_ =	sdelay $0x4  }
0x824: {  	[tilespmem:s26+$0x0] =	vst v0  }
0x825: {  	v0 =	vld [tilespmem:s0+$0x102B0];
	_ =	sdelay $0x4  }
0x826: {  	s29 =	simm.s32 $0x161;
	[tilespmem:s26+$0x10] =	vst v0  }
0x827: {  	s28 =	simm.s32 $0x1000;
	s30 =	simm.s32 $0x2000;
	v0 =	vld [tilespmem:s29+$0x0]  }
.LBB2_58:
0x828: {  	p0 =	sne.s32 s30, $0x1F000;
	_ =	sdelay $0x3  }
0x829: {  	(v2sf) =	vpush v0, $0x0;
	_ =	sdelay $0xe  }
0x82a: {  	s0 =	spop (v2sf)  }
0x82b: {  	s0 =	sand.u32 $0x7, s0  }
0x82c: {  	s1 =	sshra.s32 s28, $0x2;
	s28 =	smov.u32 s30;
	s0 =	sshll.u32 s0, $0x7  }
0x82d: {  	s0 =	sadd.s32 s1, s0  }
0x82e: {  	v0 =	vld [tilespmem:s0+$0x10280];
	_ =	sdelay $0x3  }
0x82f: {  	s26 =	sadd.s32 $0x80, s26  }
0x830: {  	[tilespmem:s26+$0xFFFFFFE0] =	vst v0  }
0x831: {  	v0 =	vld [tilespmem:s0+$0x10290];
	_ =	sdelay $0x4  }
0x832: {  	[tilespmem:s26+$0xFFFFFFF0] =	vst v0  }
0x833: {  	v0 =	vld [tilespmem:s0+$0x102A0];
	_ =	sdelay $0x4  }
0x834: {  	[tilespmem:s26+$0x0] =	vst v0  }
0x835: {  	v0 =	vld [tilespmem:s0+$0x102B0];
	_ =	sdelay $0x1  }
.Ltmp29:
0x836: {  	(pc) =	sbr.rel @p0 .LBB2_58-.Ltmp29, $3  }
0x837: {  	_ =	sdelay $0x1  }
0x838: {  	s29 =	sadd.s32 $0x1, s29;
	[tilespmem:s26+$0x10] =	vst v0  }
0x839: {  	s30 =	sadd.s32 $0x1000, s30;
	v0 =	vld [tilespmem:s29+$0x0]  }
0x83a: {  	_ =	sdelay $0x3  }
0x83b: {  	(v2sf) =	vpush v0, $0x0;
	_ =	sdelay $0xe  }
0x83c: {  	s0 =	spop (v2sf)  }
0x83d: {  	s0 =	sand.u32 $0x7, s0  }
0x83e: {  	s1 =	sshra.s32 s28, $0x2;
	s0 =	sshll.u32 s0, $0x7  }
0x83f: {  	s0 =	sadd.s32 s1, s0  }
0x840: {  	v0 =	vld [tilespmem:s0+$0x10280];
	_ =	sdelay $0x3  }
0x841: {  	s31 =	sadd.s32 $0x80, s26  }
0x842: {  	[tilespmem:s31+$0xFFFFFFE0] =	vst v0  }
0x843: {  	v0 =	vld [tilespmem:s0+$0x10290];
	_ =	sdelay $0x4  }
0x844: {  	[tilespmem:s31+$0xFFFFFFF0] =	vst v0  }
0x845: {  	v0 =	vld [tilespmem:s0+$0x102A0];
	_ =	sdelay $0x4  }
0x846: {  	[tilespmem:s31+$0x0] =	vst v0  }
0x847: {  	v0 =	vld [tilespmem:s0+$0x102B0];
	_ =	sdelay $0x4  }
0x848: {  	s26 =	simm.s32 $0x0;
	[tilespmem:s31+$0x10] =	vst v0  }
0x849: {  	[hbm4b:s15+s26] =	stream.linear.scatter [tilespmem:s24], [sflag:$0x2], $0x1000, $0x38;
	[tilespmem:$0x19280] =	vst v63  }
0x84a: {  	_ =	swait.ge [sflag:s22], $0x1000  }
0x84b: {  	[sflag:s22] =	ssyncset.done $0x0  }
0x84c: {  	s29 =	simm.s32 $0x0;
	[sflag:s22] =	ssyncadd.s32 $0xFFFFF000  }
0x84d: {  	v0 =	vld [tilespmem:s29+$0x1C0];
	_ =	sdelay $0x4  }
0x84e: {  	(v2sf) =	vpush v0, $0x0;
	_ =	sdelay $0xe  }
0x84f: {  	s30 =	spop (v2sf)  }
0x850: {  	s0 =	sshll.u32 s30, $0x4  }
0x851: {  	s0 =	sand.u32 $0xFFFFF80, s0  }
0x852: {  	s31 =	simm.s32 $0x1;
	s26 =	simm.s32 $0x10280;
	s0 =	sadd.s32 s3, s0  }
0x853: {  	[tilespmem:s26], [sflag:$0x1] =	stream.linear.gather [hbm4b:s0+s2], $0x400, $0x38;
	[tilespmem:$0x19280] =	vst v63  }
0x854: {  	s28 =	simm.s32 $0x8;
	v0 =	vld [tilespmem:s31+$0x1C0]  }
.LBB2_60:
0x855: {  	p0 =	sne.s32 s28, $0x7C;
	_ =	sdelay $0x3  }
0x856: {  	(v2sf) =	vpush v0, $0x0;
	_ =	sdelay $0xe  }
0x857: {  	s0 =	spop (v2sf)  }
.Ltmp30:
0x858: {  	s0 =	sshll.u32 s0, $0x4;
	(pc) =	sbr.rel @p0 .LBB2_60-.Ltmp30, $4  }
0x859: {  	s0 =	sand.u32 $0xFFFFF80, s0  }
0x85a: {  	s1 =	sshra.s32 s28, $0x2;
	s26 =	sadd.s32 $0x400, s26;
	s0 =	sadd.s32 s3, s0  }
0x85b: {  	[tilespmem:s26], [sflag:$0x1] =	stream.linear.gather [hbm4b:s0+s2], $0x400, $0x38;
	[tilespmem:$0x19280] =	vst v63  }
0x85c: {  	s28 =	sadd.s32 $0x4, s28;
	v0 =	vld [tilespmem:s1+$0x1C0]  }
0x85d: {  	_ =	sdelay $0x3  }
0x85e: {  	(v2sf) =	vpush v0, $0x0;
	_ =	sdelay $0xe  }
0x85f: {  	s0 =	spop (v2sf)  }
0x860: {  	s0 =	sshll.u32 s0, $0x4  }
0x861: {  	s0 =	sand.u32 $0xFFFFF80, s0  }
0x862: {  	s1 =	sadd.s32 $0x400, s26;
	s0 =	sadd.s32 s3, s0  }
0x863: {  	[tilespmem:s1], [sflag:$0x1] =	stream.linear.gather [hbm4b:s0+s2], $0x400, $0x38;
	[tilespmem:$0x19280] =	vst v63  }
0x864: {  	_ =	swait.ge [sflag:s23], $0x400  }
0x865: {  	[sflag:s23] =	ssyncset.done $0x0  }
0x866: {  	[sflag:s23] =	ssyncadd.s32 $0xFFFFFC00  }
0x867: {  	_ =	swait.ge [sflag:s23], $0x400  }
0x868: {  	[sflag:s23] =	ssyncset.done $0x0  }
0x869: {  	[sflag:s23] =	ssyncadd.s32 $0xFFFFFC00  }
0x86a: {  	_ =	swait.ge [sflag:s23], $0x400  }
0x86b: {  	[sflag:s23] =	ssyncset.done $0x0  }
0x86c: {  	[sflag:s23] =	ssyncadd.s32 $0xFFFFFC00  }
0x86d: {  	_ =	swait.ge [sflag:s23], $0x400  }
0x86e: {  	[sflag:s23] =	ssyncset.done $0x0  }
0x86f: {  	[sflag:s23] =	ssyncadd.s32 $0xFFFFFC00  }
0x870: {  	_ =	swait.ge [sflag:s23], $0x400  }
0x871: {  	[sflag:s23] =	ssyncset.done $0x0  }
0x872: {  	[sflag:s23] =	ssyncadd.s32 $0xFFFFFC00  }
0x873: {  	_ =	swait.ge [sflag:s23], $0x400  }
0x874: {  	[sflag:s23] =	ssyncset.done $0x0  }
0x875: {  	[sflag:s23] =	ssyncadd.s32 $0xFFFFFC00  }
0x876: {  	_ =	swait.ge [sflag:s23], $0x400  }
0x877: {  	[sflag:s23] =	ssyncset.done $0x0  }
0x878: {  	[sflag:s23] =	ssyncadd.s32 $0xFFFFFC00  }
0x879: {  	_ =	swait.ge [sflag:s23], $0x400  }
0x87a: {  	[sflag:s23] =	ssyncset.done $0x0  }
0x87b: {  	[sflag:s23] =	ssyncadd.s32 $0xFFFFFC00  }
0x87c: {  	_ =	swait.ge [sflag:s23], $0x400  }
0x87d: {  	[sflag:s23] =	ssyncset.done $0x0  }
0x87e: {  	[sflag:s23] =	ssyncadd.s32 $0xFFFFFC00  }
0x87f: {  	_ =	swait.ge [sflag:s23], $0x400  }
0x880: {  	[sflag:s23] =	ssyncset.done $0x0  }
0x881: {  	[sflag:s23] =	ssyncadd.s32 $0xFFFFFC00  }
0x882: {  	_ =	swait.ge [sflag:s23], $0x400  }
0x883: {  	[sflag:s23] =	ssyncset.done $0x0  }
0x884: {  	[sflag:s23] =	ssyncadd.s32 $0xFFFFFC00  }
0x885: {  	_ =	swait.ge [sflag:s23], $0x400  }
0x886: {  	[sflag:s23] =	ssyncset.done $0x0  }
0x887: {  	[sflag:s23] =	ssyncadd.s32 $0xFFFFFC00  }
0x888: {  	_ =	swait.ge [sflag:s23], $0x400  }
0x889: {  	[sflag:s23] =	ssyncset.done $0x0  }
0x88a: {  	[sflag:s23] =	ssyncadd.s32 $0xFFFFFC00  }
0x88b: {  	_ =	swait.ge [sflag:s23], $0x400  }
0x88c: {  	[sflag:s23] =	ssyncset.done $0x0  }
0x88d: {  	[sflag:s23] =	ssyncadd.s32 $0xFFFFFC00  }
0x88e: {  	_ =	swait.ge [sflag:s23], $0x400  }
0x88f: {  	[sflag:s23] =	ssyncset.done $0x0  }
0x890: {  	[sflag:s23] =	ssyncadd.s32 $0xFFFFFC00  }
0x891: {  	_ =	swait.ge [sflag:s23], $0x400  }
0x892: {  	[sflag:s23] =	ssyncset.done $0x0  }
0x893: {  	[sflag:s23] =	ssyncadd.s32 $0xFFFFFC00  }
0x894: {  	_ =	swait.ge [sflag:s23], $0x400  }
0x895: {  	[sflag:s23] =	ssyncset.done $0x0  }
0x896: {  	[sflag:s23] =	ssyncadd.s32 $0xFFFFFC00  }
0x897: {  	_ =	swait.ge [sflag:s23], $0x400  }
0x898: {  	[sflag:s23] =	ssyncset.done $0x0  }
0x899: {  	[sflag:s23] =	ssyncadd.s32 $0xFFFFFC00  }
0x89a: {  	_ =	swait.ge [sflag:s23], $0x400  }
0x89b: {  	[sflag:s23] =	ssyncset.done $0x0  }
0x89c: {  	[sflag:s23] =	ssyncadd.s32 $0xFFFFFC00  }
0x89d: {  	_ =	swait.ge [sflag:s23], $0x400  }
0x89e: {  	[sflag:s23] =	ssyncset.done $0x0  }
0x89f: {  	[sflag:s23] =	ssyncadd.s32 $0xFFFFFC00  }
0x8a0: {  	_ =	swait.ge [sflag:s23], $0x400  }
0x8a1: {  	[sflag:s23] =	ssyncset.done $0x0  }
0x8a2: {  	[sflag:s23] =	ssyncadd.s32 $0xFFFFFC00  }
0x8a3: {  	_ =	swait.ge [sflag:s23], $0x400  }
0x8a4: {  	[sflag:s23] =	ssyncset.done $0x0  }
0x8a5: {  	[sflag:s23] =	ssyncadd.s32 $0xFFFFFC00  }
0x8a6: {  	_ =	swait.ge [sflag:s23], $0x400  }
0x8a7: {  	[sflag:s23] =	ssyncset.done $0x0  }
0x8a8: {  	[sflag:s23] =	ssyncadd.s32 $0xFFFFFC00  }
0x8a9: {  	_ =	swait.ge [sflag:s23], $0x400  }
0x8aa: {  	[sflag:s23] =	ssyncset.done $0x0  }
0x8ab: {  	[sflag:s23] =	ssyncadd.s32 $0xFFFFFC00  }
0x8ac: {  	_ =	swait.ge [sflag:s23], $0x400  }
0x8ad: {  	[sflag:s23] =	ssyncset.done $0x0  }
0x8ae: {  	[sflag:s23] =	ssyncadd.s32 $0xFFFFFC00  }
0x8af: {  	_ =	swait.ge [sflag:s23], $0x400  }
0x8b0: {  	[sflag:s23] =	ssyncset.done $0x0  }
0x8b1: {  	[sflag:s23] =	ssyncadd.s32 $0xFFFFFC00  }
0x8b2: {  	_ =	swait.ge [sflag:s23], $0x400  }
0x8b3: {  	[sflag:s23] =	ssyncset.done $0x0  }
0x8b4: {  	[sflag:s23] =	ssyncadd.s32 $0xFFFFFC00  }
0x8b5: {  	_ =	swait.ge [sflag:s23], $0x400  }
0x8b6: {  	[sflag:s23] =	ssyncset.done $0x0  }
0x8b7: {  	[sflag:s23] =	ssyncadd.s32 $0xFFFFFC00  }
0x8b8: {  	_ =	swait.ge [sflag:s23], $0x400  }
0x8b9: {  	[sflag:s23] =	ssyncset.done $0x0  }
0x8ba: {  	[sflag:s23] =	ssyncadd.s32 $0xFFFFFC00  }
0x8bb: {  	_ =	swait.ge [sflag:s23], $0x400  }
0x8bc: {  	[sflag:s23] =	ssyncset.done $0x0  }
0x8bd: {  	[sflag:s23] =	ssyncadd.s32 $0xFFFFFC00  }
0x8be: {  	_ =	swait.ge [sflag:s23], $0x400  }
0x8bf: {  	[sflag:s23] =	ssyncset.done $0x0  }
0x8c0: {  	[sflag:s23] =	ssyncadd.s32 $0xFFFFFC00  }
0x8c1: {  	_ =	swait.ge [sflag:s23], $0x400  }
0x8c2: {  	[sflag:s23] =	ssyncset.done $0x0  }
0x8c3: {  	s26 =	simm.s32 $0x0;
	[sflag:s23] =	ssyncadd.s32 $0xFFFFFC00  }
0x8c4: {  	v62 =	vld [tilespmem:s26+$0x180];
	_ =	sdelay $0x4  }
0x8c5: {  	(v2sf) =	vpush v62, $0x0;
	_ =	sdelay $0xe  }
0x8c6: {  	s31 =	spop (v2sf)  }
0x8c7: {  	s0 =	sand.u32 $0x7, s31  }
0x8c8: {  	s0 =	sshll.u32 s0, $0x7  }
0x8c9: {  	s0 =	sadd.s32 $0x280, s0  }
0x8ca: {  	v63 =	vld [tilespmem:s0+$0x0];
	_ =	sdelay $0x3  }
0x8cb: {  	s26 =	simm.s32 $0x182A0  }
0x8cc: {  	[tilespmem:s26+$0xFFFFFFE0] =	vst v63  }
0x8cd: {  	v0 =	vld [tilespmem:s0+$0x10];
	_ =	sdelay $0x4  }
0x8ce: {  	[tilespmem:s26+$0xFFFFFFF0] =	vst v0  }
0x8cf: {  	v0 =	vld [tilespmem:s0+$0x20];
	_ =	sdelay $0x4  }
0x8d0: {  	[tilespmem:s26+$0x0] =	vst v0  }
0x8d1: {  	v0 =	vld [tilespmem:s0+$0x30];
	_ =	sdelay $0x4  }
0x8d2: {  	s28 =	simm.s32 $0x280;
	s30 =	simm.s32 $0x1;
	s29 =	simm.s32 $0x8;
	[tilespmem:s26+$0x10] =	vst v0  }
.LBB2_62:
0x8d3: {  	p0 =	sne.s32 s29, $0x7C;
	v0 =	vld [tilespmem:s30+$0x180];
	_ =	sdelay $0x4  }
0x8d4: {  	(v2sf) =	vpush v0, $0x0;
	_ =	sdelay $0xe  }
0x8d5: {  	s0 =	spop (v2sf)  }
0x8d6: {  	s0 =	sand.u32 $0x7, s0  }
0x8d7: {  	s28 =	sadd.s32 $0x400, s28;
	s0 =	sshll.u32 s0, $0x7  }
0x8d8: {  	s0 =	sadd.s32 s0, s28  }
0x8d9: {  	v0 =	vld [tilespmem:s0+$0x0];
	_ =	sdelay $0x3  }
0x8da: {  	s26 =	sadd.s32 $0x80, s26  }
0x8db: {  	[tilespmem:s26+$0xFFFFFFE0] =	vst v0  }
0x8dc: {  	v0 =	vld [tilespmem:s0+$0x10];
	_ =	sdelay $0x4  }
0x8dd: {  	[tilespmem:s26+$0xFFFFFFF0] =	vst v0  }
0x8de: {  	v0 =	vld [tilespmem:s0+$0x20];
	_ =	sdelay $0x4  }
0x8df: {  	[tilespmem:s26+$0x0] =	vst v0  }
0x8e0: {  	v0 =	vld [tilespmem:s0+$0x30]  }
.Ltmp31:
0x8e1: {  	(pc) =	sbr.rel @p0 .LBB2_62-.Ltmp31, $2  }
0x8e2: {  	_ =	sdelay $0x2  }
0x8e3: {  	s30 =	sshra.s32 s29, $0x2;
	s29 =	sadd.s32 $0x4, s29;
	[tilespmem:s26+$0x10] =	vst v0  }
0x8e4: {  	v0 =	vld [tilespmem:s30+$0x180];
	_ =	sdelay $0x4  }
0x8e5: {  	(v2sf) =	vpush v0, $0x0;
	_ =	sdelay $0xe  }
0x8e6: {  	s0 =	spop (v2sf)  }
0x8e7: {  	s0 =	sand.u32 $0x7, s0  }
0x8e8: {  	s1 =	sadd.s32 $0x400, s28;
	s0 =	sshll.u32 s0, $0x7  }
0x8e9: {  	s0 =	sadd.s32 s0, s1  }
0x8ea: {  	v0 =	vld [tilespmem:s0+$0x0];
	_ =	sdelay $0x3  }
0x8eb: {  	s31 =	sadd.s32 $0x80, s26  }
0x8ec: {  	[tilespmem:s31+$0xFFFFFFE0] =	vst v0  }
0x8ed: {  	v0 =	vld [tilespmem:s0+$0x10];
	_ =	sdelay $0x4  }
0x8ee: {  	[tilespmem:s31+$0xFFFFFFF0] =	vst v0  }
0x8ef: {  	v0 =	vld [tilespmem:s0+$0x20];
	_ =	sdelay $0x4  }
0x8f0: {  	[tilespmem:s31+$0x0] =	vst v0  }
0x8f1: {  	v0 =	vld [tilespmem:s0+$0x30];
	_ =	sdelay $0x4  }
0x8f2: {  	s26 =	simm.s32 $0x0;
	[tilespmem:s31+$0x10] =	vst v0  }
0x8f3: {  	[hbm4b:s16+s26] =	stream.linear.scatter [tilespmem:s24], [sflag:$0x2], $0x1000, $0x38;
	[tilespmem:$0x19280] =	vst v63  }
0x8f4: {  	_ =	swait.ge [sflag:s22], $0x1000  }
0x8f5: {  	[sflag:s22] =	ssyncset.done $0x0  }
0x8f6: {  	s29 =	simm.s32 $0x0;
	[sflag:s22] =	ssyncadd.s32 $0xFFFFF000  }
0x8f7: {  	v0 =	vld [tilespmem:s29+$0x1E0];
	_ =	sdelay $0x4  }
0x8f8: {  	(v2sf) =	vpush v0, $0x0;
	_ =	sdelay $0xe  }
0x8f9: {  	s30 =	spop (v2sf)  }
0x8fa: {  	s0 =	sshll.u32 s30, $0x4  }
0x8fb: {  	s0 =	sand.u32 $0xFFFFF80, s0  }
0x8fc: {  	s31 =	simm.s32 $0x1;
	s26 =	simm.s32 $0x280;
	s0 =	sadd.s32 s3, s0  }
0x8fd: {  	[tilespmem:s26], [sflag:$0x1] =	stream.linear.gather [hbm4b:s0+s2], $0x400, $0x38;
	[tilespmem:$0x19280] =	vst v63  }
0x8fe: {  	s28 =	simm.s32 $0x8;
	v0 =	vld [tilespmem:s31+$0x1E0]  }
.LBB2_64:
0x8ff: {  	p0 =	sne.s32 s28, $0x7C;
	_ =	sdelay $0x3  }
0x900: {  	(v2sf) =	vpush v0, $0x0;
	_ =	sdelay $0xe  }
0x901: {  	s0 =	spop (v2sf)  }
.Ltmp32:
0x902: {  	s0 =	sshll.u32 s0, $0x4;
	(pc) =	sbr.rel @p0 .LBB2_64-.Ltmp32, $4  }
0x903: {  	s0 =	sand.u32 $0xFFFFF80, s0  }
0x904: {  	s1 =	sshra.s32 s28, $0x2;
	s26 =	sadd.s32 $0x400, s26;
	s0 =	sadd.s32 s3, s0  }
0x905: {  	[tilespmem:s26], [sflag:$0x1] =	stream.linear.gather [hbm4b:s0+s2], $0x400, $0x38;
	[tilespmem:$0x19280] =	vst v63  }
0x906: {  	s28 =	sadd.s32 $0x4, s28;
	v0 =	vld [tilespmem:s1+$0x1E0]  }
0x907: {  	_ =	sdelay $0x3  }
0x908: {  	(v2sf) =	vpush v0, $0x0;
	_ =	sdelay $0xe  }
0x909: {  	s0 =	spop (v2sf)  }
0x90a: {  	s0 =	sshll.u32 s0, $0x4  }
0x90b: {  	s0 =	sand.u32 $0xFFFFF80, s0  }
0x90c: {  	s1 =	sadd.s32 $0x400, s26;
	s0 =	sadd.s32 s3, s0  }
0x90d: {  	[tilespmem:s1], [sflag:$0x1] =	stream.linear.gather [hbm4b:s0+s2], $0x400, $0x38;
	[tilespmem:$0x19280] =	vst v63  }
0x90e: {  	_ =	swait.ge [sflag:s23], $0x400  }
0x90f: {  	[sflag:s23] =	ssyncset.done $0x0  }
0x910: {  	[sflag:s23] =	ssyncadd.s32 $0xFFFFFC00  }
0x911: {  	_ =	swait.ge [sflag:s23], $0x400  }
0x912: {  	[sflag:s23] =	ssyncset.done $0x0  }
0x913: {  	[sflag:s23] =	ssyncadd.s32 $0xFFFFFC00  }
0x914: {  	_ =	swait.ge [sflag:s23], $0x400  }
0x915: {  	[sflag:s23] =	ssyncset.done $0x0  }
0x916: {  	[sflag:s23] =	ssyncadd.s32 $0xFFFFFC00  }
0x917: {  	_ =	swait.ge [sflag:s23], $0x400  }
0x918: {  	[sflag:s23] =	ssyncset.done $0x0  }
0x919: {  	[sflag:s23] =	ssyncadd.s32 $0xFFFFFC00  }
0x91a: {  	_ =	swait.ge [sflag:s23], $0x400  }
0x91b: {  	[sflag:s23] =	ssyncset.done $0x0  }
0x91c: {  	[sflag:s23] =	ssyncadd.s32 $0xFFFFFC00  }
0x91d: {  	_ =	swait.ge [sflag:s23], $0x400  }
0x91e: {  	[sflag:s23] =	ssyncset.done $0x0  }
0x91f: {  	[sflag:s23] =	ssyncadd.s32 $0xFFFFFC00  }
0x920: {  	_ =	swait.ge [sflag:s23], $0x400  }
0x921: {  	[sflag:s23] =	ssyncset.done $0x0  }
0x922: {  	[sflag:s23] =	ssyncadd.s32 $0xFFFFFC00  }
0x923: {  	_ =	swait.ge [sflag:s23], $0x400  }
0x924: {  	[sflag:s23] =	ssyncset.done $0x0  }
0x925: {  	[sflag:s23] =	ssyncadd.s32 $0xFFFFFC00  }
0x926: {  	_ =	swait.ge [sflag:s23], $0x400  }
0x927: {  	[sflag:s23] =	ssyncset.done $0x0  }
0x928: {  	[sflag:s23] =	ssyncadd.s32 $0xFFFFFC00  }
0x929: {  	_ =	swait.ge [sflag:s23], $0x400  }
0x92a: {  	[sflag:s23] =	ssyncset.done $0x0  }
0x92b: {  	[sflag:s23] =	ssyncadd.s32 $0xFFFFFC00  }
0x92c: {  	_ =	swait.ge [sflag:s23], $0x400  }
0x92d: {  	[sflag:s23] =	ssyncset.done $0x0  }
0x92e: {  	[sflag:s23] =	ssyncadd.s32 $0xFFFFFC00  }
0x92f: {  	_ =	swait.ge [sflag:s23], $0x400  }
0x930: {  	[sflag:s23] =	ssyncset.done $0x0  }
0x931: {  	[sflag:s23] =	ssyncadd.s32 $0xFFFFFC00  }
0x932: {  	_ =	swait.ge [sflag:s23], $0x400  }
0x933: {  	[sflag:s23] =	ssyncset.done $0x0  }
0x934: {  	[sflag:s23] =	ssyncadd.s32 $0xFFFFFC00  }
0x935: {  	_ =	swait.ge [sflag:s23], $0x400  }
0x936: {  	[sflag:s23] =	ssyncset.done $0x0  }
0x937: {  	[sflag:s23] =	ssyncadd.s32 $0xFFFFFC00  }
0x938: {  	_ =	swait.ge [sflag:s23], $0x400  }
0x939: {  	[sflag:s23] =	ssyncset.done $0x0  }
0x93a: {  	[sflag:s23] =	ssyncadd.s32 $0xFFFFFC00  }
0x93b: {  	_ =	swait.ge [sflag:s23], $0x400  }
0x93c: {  	[sflag:s23] =	ssyncset.done $0x0  }
0x93d: {  	[sflag:s23] =	ssyncadd.s32 $0xFFFFFC00  }
0x93e: {  	_ =	swait.ge [sflag:s23], $0x400  }
0x93f: {  	[sflag:s23] =	ssyncset.done $0x0  }
0x940: {  	[sflag:s23] =	ssyncadd.s32 $0xFFFFFC00  }
0x941: {  	_ =	swait.ge [sflag:s23], $0x400  }
0x942: {  	[sflag:s23] =	ssyncset.done $0x0  }
0x943: {  	[sflag:s23] =	ssyncadd.s32 $0xFFFFFC00  }
0x944: {  	_ =	swait.ge [sflag:s23], $0x400  }
0x945: {  	[sflag:s23] =	ssyncset.done $0x0  }
0x946: {  	[sflag:s23] =	ssyncadd.s32 $0xFFFFFC00  }
0x947: {  	_ =	swait.ge [sflag:s23], $0x400  }
0x948: {  	[sflag:s23] =	ssyncset.done $0x0  }
0x949: {  	[sflag:s23] =	ssyncadd.s32 $0xFFFFFC00  }
0x94a: {  	_ =	swait.ge [sflag:s23], $0x400  }
0x94b: {  	[sflag:s23] =	ssyncset.done $0x0  }
0x94c: {  	[sflag:s23] =	ssyncadd.s32 $0xFFFFFC00  }
0x94d: {  	_ =	swait.ge [sflag:s23], $0x400  }
0x94e: {  	[sflag:s23] =	ssyncset.done $0x0  }
0x94f: {  	[sflag:s23] =	ssyncadd.s32 $0xFFFFFC00  }
0x950: {  	_ =	swait.ge [sflag:s23], $0x400  }
0x951: {  	[sflag:s23] =	ssyncset.done $0x0  }
0x952: {  	[sflag:s23] =	ssyncadd.s32 $0xFFFFFC00  }
0x953: {  	_ =	swait.ge [sflag:s23], $0x400  }
0x954: {  	[sflag:s23] =	ssyncset.done $0x0  }
0x955: {  	[sflag:s23] =	ssyncadd.s32 $0xFFFFFC00  }
0x956: {  	_ =	swait.ge [sflag:s23], $0x400  }
0x957: {  	[sflag:s23] =	ssyncset.done $0x0  }
0x958: {  	[sflag:s23] =	ssyncadd.s32 $0xFFFFFC00  }
0x959: {  	_ =	swait.ge [sflag:s23], $0x400  }
0x95a: {  	[sflag:s23] =	ssyncset.done $0x0  }
0x95b: {  	[sflag:s23] =	ssyncadd.s32 $0xFFFFFC00  }
0x95c: {  	_ =	swait.ge [sflag:s23], $0x400  }
0x95d: {  	[sflag:s23] =	ssyncset.done $0x0  }
0x95e: {  	[sflag:s23] =	ssyncadd.s32 $0xFFFFFC00  }
0x95f: {  	_ =	swait.ge [sflag:s23], $0x400  }
0x960: {  	[sflag:s23] =	ssyncset.done $0x0  }
0x961: {  	[sflag:s23] =	ssyncadd.s32 $0xFFFFFC00  }
0x962: {  	_ =	swait.ge [sflag:s23], $0x400  }
0x963: {  	[sflag:s23] =	ssyncset.done $0x0  }
0x964: {  	[sflag:s23] =	ssyncadd.s32 $0xFFFFFC00  }
0x965: {  	_ =	swait.ge [sflag:s23], $0x400  }
0x966: {  	[sflag:s23] =	ssyncset.done $0x0  }
0x967: {  	[sflag:s23] =	ssyncadd.s32 $0xFFFFFC00  }
0x968: {  	_ =	swait.ge [sflag:s23], $0x400  }
0x969: {  	[sflag:s23] =	ssyncset.done $0x0  }
0x96a: {  	[sflag:s23] =	ssyncadd.s32 $0xFFFFFC00  }
0x96b: {  	_ =	swait.ge [sflag:s23], $0x400  }
0x96c: {  	[sflag:s23] =	ssyncset.done $0x0  }
0x96d: {  	s26 =	simm.s32 $0x1A0;
	[sflag:s23] =	ssyncadd.s32 $0xFFFFFC00  }
0x96e: {  	v0 =	vld [tilespmem:s26+$0x0];
	_ =	sdelay $0x4  }
0x96f: {  	(v2sf) =	vpush v0, $0x0;
	_ =	sdelay $0xe  }
0x970: {  	s31 =	spop (v2sf)  }
0x971: {  	s0 =	sand.u32 $0x7, s31  }
0x972: {  	s0 =	sshll.u32 s0, $0x7  }
0x973: {  	s0 =	sadd.s32 $0x0, s0  }
0x974: {  	v0 =	vld [tilespmem:s0+$0x8280];
	_ =	sdelay $0x3  }
0x975: {  	s26 =	simm.s32 $0x182A0  }
0x976: {  	[tilespmem:s26+$0xFFFFFFE0] =	vst v0  }
0x977: {  	v0 =	vld [tilespmem:s0+$0x8290];
	_ =	sdelay $0x4  }
0x978: {  	[tilespmem:s26+$0xFFFFFFF0] =	vst v0  }
0x979: {  	v0 =	vld [tilespmem:s0+$0x82A0];
	_ =	sdelay $0x4  }
0x97a: {  	[tilespmem:s26+$0x0] =	vst v0  }
0x97b: {  	v0 =	vld [tilespmem:s0+$0x82B0];
	_ =	sdelay $0x4  }
0x97c: {  	s29 =	simm.s32 $0x1A1;
	[tilespmem:s26+$0x10] =	vst v0  }
0x97d: {  	s28 =	simm.s32 $0x1000;
	s30 =	simm.s32 $0x2000;
	v0 =	vld [tilespmem:s29+$0x0]  }
.LBB2_66:
0x97e: {  	p0 =	sne.s32 s30, $0x1F000;
	_ =	sdelay $0x3  }
0x97f: {  	(v2sf) =	vpush v0, $0x0;
	_ =	sdelay $0xe  }
0x980: {  	s0 =	spop (v2sf)  }
0x981: {  	s0 =	sand.u32 $0x7, s0  }
0x982: {  	s1 =	sshra.s32 s28, $0x2;
	s28 =	smov.u32 s30;
	s0 =	sshll.u32 s0, $0x7  }
0x983: {  	s0 =	sadd.s32 s1, s0  }
0x984: {  	v0 =	vld [tilespmem:s0+$0x8280];
	_ =	sdelay $0x3  }
0x985: {  	s26 =	sadd.s32 $0x80, s26  }
0x986: {  	[tilespmem:s26+$0xFFFFFFE0] =	vst v0  }
0x987: {  	v0 =	vld [tilespmem:s0+$0x8290];
	_ =	sdelay $0x4  }
0x988: {  	[tilespmem:s26+$0xFFFFFFF0] =	vst v0  }
0x989: {  	v0 =	vld [tilespmem:s0+$0x82A0];
	_ =	sdelay $0x4  }
0x98a: {  	[tilespmem:s26+$0x0] =	vst v0  }
0x98b: {  	v0 =	vld [tilespmem:s0+$0x82B0];
	_ =	sdelay $0x1  }
.Ltmp33:
0x98c: {  	(pc) =	sbr.rel @p0 .LBB2_66-.Ltmp33, $3  }
0x98d: {  	_ =	sdelay $0x1  }
0x98e: {  	s29 =	sadd.s32 $0x1, s29;
	[tilespmem:s26+$0x10] =	vst v0  }
0x98f: {  	s30 =	sadd.s32 $0x1000, s30;
	v0 =	vld [tilespmem:s29+$0x0]  }
0x990: {  	_ =	sdelay $0x3  }
0x991: {  	(v2sf) =	vpush v0, $0x0;
	_ =	sdelay $0xe  }
0x992: {  	s0 =	spop (v2sf)  }
0x993: {  	s0 =	sand.u32 $0x7, s0  }
0x994: {  	s1 =	sshra.s32 s28, $0x2;
	s0 =	sshll.u32 s0, $0x7  }
0x995: {  	s0 =	sadd.s32 s1, s0  }
0x996: {  	v0 =	vld [tilespmem:s0+$0x8280];
	_ =	sdelay $0x3  }
0x997: {  	s31 =	sadd.s32 $0x80, s26  }
0x998: {  	[tilespmem:s31+$0xFFFFFFE0] =	vst v0  }
0x999: {  	v0 =	vld [tilespmem:s0+$0x8290];
	_ =	sdelay $0x4  }
0x99a: {  	[tilespmem:s31+$0xFFFFFFF0] =	vst v0  }
0x99b: {  	v0 =	vld [tilespmem:s0+$0x82A0];
	_ =	sdelay $0x4  }
0x99c: {  	[tilespmem:s31+$0x0] =	vst v0  }
0x99d: {  	v0 =	vld [tilespmem:s0+$0x82B0];
	_ =	sdelay $0x4  }
0x99e: {  	s1 =	simm.s32 $0x0;
	[tilespmem:s31+$0x10] =	vst v0  }
0x99f: {  	[hbm4b:s18+s1] =	stream.linear.scatter [tilespmem:s24], [sflag:$0x2], $0x1000, $0x38;
	[tilespmem:$0x19280] =	vst v63  }
0x9a0: {  	_ =	swait.ge [sflag:s22], $0x1000  }
0x9a1: {  	[sflag:s22] =	ssyncset.done $0x0  }
0x9a2: {  	[sflag:s22] =	ssyncadd.s32 $0xFFFFF000  }
0x9a3: {  	_ =	swait.ge [sflag:s23], $0x400  }
0x9a4: {  	[sflag:s23] =	ssyncset.done $0x0  }
0x9a5: {  	[sflag:s23] =	ssyncadd.s32 $0xFFFFFC00  }
0x9a6: {  	_ =	swait.ge [sflag:s23], $0x400  }
0x9a7: {  	[sflag:s23] =	ssyncset.done $0x0  }
0x9a8: {  	[sflag:s23] =	ssyncadd.s32 $0xFFFFFC00  }
0x9a9: {  	_ =	swait.ge [sflag:s23], $0x400  }
0x9aa: {  	[sflag:s23] =	ssyncset.done $0x0  }
0x9ab: {  	[sflag:s23] =	ssyncadd.s32 $0xFFFFFC00  }
0x9ac: {  	_ =	swait.ge [sflag:s23], $0x400  }
0x9ad: {  	[sflag:s23] =	ssyncset.done $0x0  }
0x9ae: {  	[sflag:s23] =	ssyncadd.s32 $0xFFFFFC00  }
0x9af: {  	_ =	swait.ge [sflag:s23], $0x400  }
0x9b0: {  	[sflag:s23] =	ssyncset.done $0x0  }
0x9b1: {  	[sflag:s23] =	ssyncadd.s32 $0xFFFFFC00  }
0x9b2: {  	_ =	swait.ge [sflag:s23], $0x400  }
0x9b3: {  	[sflag:s23] =	ssyncset.done $0x0  }
0x9b4: {  	[sflag:s23] =	ssyncadd.s32 $0xFFFFFC00  }
0x9b5: {  	_ =	swait.ge [sflag:s23], $0x400  }
0x9b6: {  	[sflag:s23] =	ssyncset.done $0x0  }
0x9b7: {  	[sflag:s23] =	ssyncadd.s32 $0xFFFFFC00  }
0x9b8: {  	_ =	swait.ge [sflag:s23], $0x400  }
0x9b9: {  	[sflag:s23] =	ssyncset.done $0x0  }
0x9ba: {  	[sflag:s23] =	ssyncadd.s32 $0xFFFFFC00  }
0x9bb: {  	_ =	swait.ge [sflag:s23], $0x400  }
0x9bc: {  	[sflag:s23] =	ssyncset.done $0x0  }
0x9bd: {  	[sflag:s23] =	ssyncadd.s32 $0xFFFFFC00  }
0x9be: {  	_ =	swait.ge [sflag:s23], $0x400  }
0x9bf: {  	[sflag:s23] =	ssyncset.done $0x0  }
0x9c0: {  	[sflag:s23] =	ssyncadd.s32 $0xFFFFFC00  }
0x9c1: {  	_ =	swait.ge [sflag:s23], $0x400  }
0x9c2: {  	[sflag:s23] =	ssyncset.done $0x0  }
0x9c3: {  	[sflag:s23] =	ssyncadd.s32 $0xFFFFFC00  }
0x9c4: {  	_ =	swait.ge [sflag:s23], $0x400  }
0x9c5: {  	[sflag:s23] =	ssyncset.done $0x0  }
0x9c6: {  	[sflag:s23] =	ssyncadd.s32 $0xFFFFFC00  }
0x9c7: {  	_ =	swait.ge [sflag:s23], $0x400  }
0x9c8: {  	[sflag:s23] =	ssyncset.done $0x0  }
0x9c9: {  	[sflag:s23] =	ssyncadd.s32 $0xFFFFFC00  }
0x9ca: {  	_ =	swait.ge [sflag:s23], $0x400  }
0x9cb: {  	[sflag:s23] =	ssyncset.done $0x0  }
0x9cc: {  	[sflag:s23] =	ssyncadd.s32 $0xFFFFFC00  }
0x9cd: {  	_ =	swait.ge [sflag:s23], $0x400  }
0x9ce: {  	[sflag:s23] =	ssyncset.done $0x0  }
0x9cf: {  	[sflag:s23] =	ssyncadd.s32 $0xFFFFFC00  }
0x9d0: {  	_ =	swait.ge [sflag:s23], $0x400  }
0x9d1: {  	[sflag:s23] =	ssyncset.done $0x0  }
0x9d2: {  	[sflag:s23] =	ssyncadd.s32 $0xFFFFFC00  }
0x9d3: {  	_ =	swait.ge [sflag:s23], $0x400  }
0x9d4: {  	[sflag:s23] =	ssyncset.done $0x0  }
0x9d5: {  	[sflag:s23] =	ssyncadd.s32 $0xFFFFFC00  }
0x9d6: {  	_ =	swait.ge [sflag:s23], $0x400  }
0x9d7: {  	[sflag:s23] =	ssyncset.done $0x0  }
0x9d8: {  	[sflag:s23] =	ssyncadd.s32 $0xFFFFFC00  }
0x9d9: {  	_ =	swait.ge [sflag:s23], $0x400  }
0x9da: {  	[sflag:s23] =	ssyncset.done $0x0  }
0x9db: {  	[sflag:s23] =	ssyncadd.s32 $0xFFFFFC00  }
0x9dc: {  	_ =	swait.ge [sflag:s23], $0x400  }
0x9dd: {  	[sflag:s23] =	ssyncset.done $0x0  }
0x9de: {  	[sflag:s23] =	ssyncadd.s32 $0xFFFFFC00  }
0x9df: {  	_ =	swait.ge [sflag:s23], $0x400  }
0x9e0: {  	[sflag:s23] =	ssyncset.done $0x0  }
0x9e1: {  	[sflag:s23] =	ssyncadd.s32 $0xFFFFFC00  }
0x9e2: {  	_ =	swait.ge [sflag:s23], $0x400  }
0x9e3: {  	[sflag:s23] =	ssyncset.done $0x0  }
0x9e4: {  	[sflag:s23] =	ssyncadd.s32 $0xFFFFFC00  }
0x9e5: {  	_ =	swait.ge [sflag:s23], $0x400  }
0x9e6: {  	[sflag:s23] =	ssyncset.done $0x0  }
0x9e7: {  	[sflag:s23] =	ssyncadd.s32 $0xFFFFFC00  }
0x9e8: {  	_ =	swait.ge [sflag:s23], $0x400  }
0x9e9: {  	[sflag:s23] =	ssyncset.done $0x0  }
0x9ea: {  	[sflag:s23] =	ssyncadd.s32 $0xFFFFFC00  }
0x9eb: {  	_ =	swait.ge [sflag:s23], $0x400  }
0x9ec: {  	[sflag:s23] =	ssyncset.done $0x0  }
0x9ed: {  	[sflag:s23] =	ssyncadd.s32 $0xFFFFFC00  }
0x9ee: {  	_ =	swait.ge [sflag:s23], $0x400  }
0x9ef: {  	[sflag:s23] =	ssyncset.done $0x0  }
0x9f0: {  	[sflag:s23] =	ssyncadd.s32 $0xFFFFFC00  }
0x9f1: {  	_ =	swait.ge [sflag:s23], $0x400  }
0x9f2: {  	[sflag:s23] =	ssyncset.done $0x0  }
0x9f3: {  	[sflag:s23] =	ssyncadd.s32 $0xFFFFFC00  }
0x9f4: {  	_ =	swait.ge [sflag:s23], $0x400  }
0x9f5: {  	[sflag:s23] =	ssyncset.done $0x0  }
0x9f6: {  	[sflag:s23] =	ssyncadd.s32 $0xFFFFFC00  }
0x9f7: {  	_ =	swait.ge [sflag:s23], $0x400  }
0x9f8: {  	[sflag:s23] =	ssyncset.done $0x0  }
0x9f9: {  	[sflag:s23] =	ssyncadd.s32 $0xFFFFFC00  }
0x9fa: {  	_ =	swait.ge [sflag:s23], $0x400  }
0x9fb: {  	[sflag:s23] =	ssyncset.done $0x0  }
0x9fc: {  	[sflag:s23] =	ssyncadd.s32 $0xFFFFFC00  }
0x9fd: {  	_ =	swait.ge [sflag:s23], $0x400  }
0x9fe: {  	[sflag:s23] =	ssyncset.done $0x0  }
0x9ff: {  	[sflag:s23] =	ssyncadd.s32 $0xFFFFFC00  }
0xa00: {  	_ =	swait.ge [sflag:s23], $0x400  }
0xa01: {  	[sflag:s23] =	ssyncset.done $0x0  }
0xa02: {  	s26 =	simm.s32 $0x1C0;
	[sflag:s23] =	ssyncadd.s32 $0xFFFFFC00  }
0xa03: {  	v0 =	vld [tilespmem:s26+$0x0];
	_ =	sdelay $0x4  }
0xa04: {  	(v2sf) =	vpush v0, $0x0;
	_ =	sdelay $0xe  }
0xa05: {  	s31 =	spop (v2sf)  }
0xa06: {  	s0 =	sand.u32 $0x7, s31  }
0xa07: {  	s0 =	sshll.u32 s0, $0x7  }
0xa08: {  	s0 =	sadd.s32 $0x0, s0  }
0xa09: {  	v0 =	vld [tilespmem:s0+$0x10280];
	_ =	sdelay $0x3  }
0xa0a: {  	s26 =	simm.s32 $0x182A0  }
0xa0b: {  	[tilespmem:s26+$0xFFFFFFE0] =	vst v0  }
0xa0c: {  	v0 =	vld [tilespmem:s0+$0x10290];
	_ =	sdelay $0x4  }
0xa0d: {  	[tilespmem:s26+$0xFFFFFFF0] =	vst v0  }
0xa0e: {  	v0 =	vld [tilespmem:s0+$0x102A0];
	_ =	sdelay $0x4  }
0xa0f: {  	[tilespmem:s26+$0x0] =	vst v0  }
0xa10: {  	v0 =	vld [tilespmem:s0+$0x102B0];
	_ =	sdelay $0x4  }
0xa11: {  	s29 =	simm.s32 $0x1C1;
	[tilespmem:s26+$0x10] =	vst v0  }
0xa12: {  	s28 =	simm.s32 $0x1000;
	s30 =	simm.s32 $0x2000;
	v0 =	vld [tilespmem:s29+$0x0]  }
.LBB2_68:
0xa13: {  	p0 =	sne.s32 s30, $0x1F000;
	_ =	sdelay $0x3  }
0xa14: {  	(v2sf) =	vpush v0, $0x0;
	_ =	sdelay $0xe  }
0xa15: {  	s0 =	spop (v2sf)  }
0xa16: {  	s0 =	sand.u32 $0x7, s0  }
0xa17: {  	s1 =	sshra.s32 s28, $0x2;
	s28 =	smov.u32 s30;
	s0 =	sshll.u32 s0, $0x7  }
0xa18: {  	s0 =	sadd.s32 s1, s0  }
0xa19: {  	v0 =	vld [tilespmem:s0+$0x10280];
	_ =	sdelay $0x3  }
0xa1a: {  	s26 =	sadd.s32 $0x80, s26  }
0xa1b: {  	[tilespmem:s26+$0xFFFFFFE0] =	vst v0  }
0xa1c: {  	v0 =	vld [tilespmem:s0+$0x10290];
	_ =	sdelay $0x4  }
0xa1d: {  	[tilespmem:s26+$0xFFFFFFF0] =	vst v0  }
0xa1e: {  	v0 =	vld [tilespmem:s0+$0x102A0];
	_ =	sdelay $0x4  }
0xa1f: {  	[tilespmem:s26+$0x0] =	vst v0  }
0xa20: {  	v0 =	vld [tilespmem:s0+$0x102B0];
	_ =	sdelay $0x1  }
.Ltmp34:
0xa21: {  	(pc) =	sbr.rel @p0 .LBB2_68-.Ltmp34, $3  }
0xa22: {  	_ =	sdelay $0x1  }
0xa23: {  	s29 =	sadd.s32 $0x1, s29;
	[tilespmem:s26+$0x10] =	vst v0  }
0xa24: {  	s30 =	sadd.s32 $0x1000, s30;
	v0 =	vld [tilespmem:s29+$0x0]  }
0xa25: {  	_ =	sdelay $0x3  }
0xa26: {  	(v2sf) =	vpush v0, $0x0;
	_ =	sdelay $0xe  }
0xa27: {  	s0 =	spop (v2sf)  }
0xa28: {  	s0 =	sand.u32 $0x7, s0  }
0xa29: {  	s1 =	sshra.s32 s28, $0x2;
	s0 =	sshll.u32 s0, $0x7  }
0xa2a: {  	s0 =	sadd.s32 s1, s0  }
0xa2b: {  	v61 =	vld [tilespmem:s0+$0x10280];
	_ =	sdelay $0x3  }
0xa2c: {  	s31 =	sadd.s32 $0x80, s26  }
0xa2d: {  	[tilespmem:s31+$0xFFFFFFE0] =	vst v61  }
0xa2e: {  	v0 =	vld [tilespmem:s0+$0x10290];
	_ =	sdelay $0x4  }
0xa2f: {  	[tilespmem:s31+$0xFFFFFFF0] =	vst v0  }
0xa30: {  	v0 =	vld [tilespmem:s0+$0x102A0];
	_ =	sdelay $0x4  }
0xa31: {  	[tilespmem:s31+$0x0] =	vst v0  }
0xa32: {  	v0 =	vld [tilespmem:s0+$0x102B0];
	_ =	sdelay $0x4  }
0xa33: {  	s1 =	simm.s32 $0x0;
	[tilespmem:s31+$0x10] =	vst v0  }
0xa34: {  	[hbm4b:s19+s1] =	stream.linear.scatter [tilespmem:s24], [sflag:$0x2], $0x1000, $0x38;
	[tilespmem:$0x19280] =	vst v63  }
0xa35: {  	_ =	swait.ge [sflag:s22], $0x1000  }
0xa36: {  	[sflag:s22] =	ssyncset.done $0x0  }
0xa37: {  	[sflag:s22] =	ssyncadd.s32 $0xFFFFF000  }
0xa38: {  	_ =	swait.ge [sflag:s23], $0x400  }
0xa39: {  	[sflag:s23] =	ssyncset.done $0x0  }
0xa3a: {  	[sflag:s23] =	ssyncadd.s32 $0xFFFFFC00  }
0xa3b: {  	_ =	swait.ge [sflag:s23], $0x400  }
0xa3c: {  	[sflag:s23] =	ssyncset.done $0x0  }
0xa3d: {  	[sflag:s23] =	ssyncadd.s32 $0xFFFFFC00  }
0xa3e: {  	_ =	swait.ge [sflag:s23], $0x400  }
0xa3f: {  	[sflag:s23] =	ssyncset.done $0x0  }
0xa40: {  	[sflag:s23] =	ssyncadd.s32 $0xFFFFFC00  }
0xa41: {  	_ =	swait.ge [sflag:s23], $0x400  }
0xa42: {  	[sflag:s23] =	ssyncset.done $0x0  }
0xa43: {  	[sflag:s23] =	ssyncadd.s32 $0xFFFFFC00  }
0xa44: {  	_ =	swait.ge [sflag:s23], $0x400  }
0xa45: {  	[sflag:s23] =	ssyncset.done $0x0  }
0xa46: {  	[sflag:s23] =	ssyncadd.s32 $0xFFFFFC00  }
0xa47: {  	_ =	swait.ge [sflag:s23], $0x400  }
0xa48: {  	[sflag:s23] =	ssyncset.done $0x0  }
0xa49: {  	[sflag:s23] =	ssyncadd.s32 $0xFFFFFC00  }
0xa4a: {  	_ =	swait.ge [sflag:s23], $0x400  }
0xa4b: {  	[sflag:s23] =	ssyncset.done $0x0  }
0xa4c: {  	[sflag:s23] =	ssyncadd.s32 $0xFFFFFC00  }
0xa4d: {  	_ =	swait.ge [sflag:s23], $0x400  }
0xa4e: {  	[sflag:s23] =	ssyncset.done $0x0  }
0xa4f: {  	[sflag:s23] =	ssyncadd.s32 $0xFFFFFC00  }
0xa50: {  	_ =	swait.ge [sflag:s23], $0x400  }
0xa51: {  	[sflag:s23] =	ssyncset.done $0x0  }
0xa52: {  	[sflag:s23] =	ssyncadd.s32 $0xFFFFFC00  }
0xa53: {  	_ =	swait.ge [sflag:s23], $0x400  }
0xa54: {  	[sflag:s23] =	ssyncset.done $0x0  }
0xa55: {  	[sflag:s23] =	ssyncadd.s32 $0xFFFFFC00  }
0xa56: {  	_ =	swait.ge [sflag:s23], $0x400  }
0xa57: {  	[sflag:s23] =	ssyncset.done $0x0  }
0xa58: {  	[sflag:s23] =	ssyncadd.s32 $0xFFFFFC00  }
0xa59: {  	_ =	swait.ge [sflag:s23], $0x400  }
0xa5a: {  	[sflag:s23] =	ssyncset.done $0x0  }
0xa5b: {  	[sflag:s23] =	ssyncadd.s32 $0xFFFFFC00  }
0xa5c: {  	_ =	swait.ge [sflag:s23], $0x400  }
0xa5d: {  	[sflag:s23] =	ssyncset.done $0x0  }
0xa5e: {  	[sflag:s23] =	ssyncadd.s32 $0xFFFFFC00  }
0xa5f: {  	_ =	swait.ge [sflag:s23], $0x400  }
0xa60: {  	[sflag:s23] =	ssyncset.done $0x0  }
0xa61: {  	[sflag:s23] =	ssyncadd.s32 $0xFFFFFC00  }
0xa62: {  	_ =	swait.ge [sflag:s23], $0x400  }
0xa63: {  	[sflag:s23] =	ssyncset.done $0x0  }
0xa64: {  	[sflag:s23] =	ssyncadd.s32 $0xFFFFFC00  }
0xa65: {  	_ =	swait.ge [sflag:s23], $0x400  }
0xa66: {  	[sflag:s23] =	ssyncset.done $0x0  }
0xa67: {  	[sflag:s23] =	ssyncadd.s32 $0xFFFFFC00  }
0xa68: {  	_ =	swait.ge [sflag:s23], $0x400  }
0xa69: {  	[sflag:s23] =	ssyncset.done $0x0  }
0xa6a: {  	[sflag:s23] =	ssyncadd.s32 $0xFFFFFC00  }
0xa6b: {  	_ =	swait.ge [sflag:s23], $0x400  }
0xa6c: {  	[sflag:s23] =	ssyncset.done $0x0  }
0xa6d: {  	[sflag:s23] =	ssyncadd.s32 $0xFFFFFC00  }
0xa6e: {  	_ =	swait.ge [sflag:s23], $0x400  }
0xa6f: {  	[sflag:s23] =	ssyncset.done $0x0  }
0xa70: {  	[sflag:s23] =	ssyncadd.s32 $0xFFFFFC00  }
0xa71: {  	_ =	swait.ge [sflag:s23], $0x400  }
0xa72: {  	[sflag:s23] =	ssyncset.done $0x0  }
0xa73: {  	[sflag:s23] =	ssyncadd.s32 $0xFFFFFC00  }
0xa74: {  	_ =	swait.ge [sflag:s23], $0x400  }
0xa75: {  	[sflag:s23] =	ssyncset.done $0x0  }
0xa76: {  	[sflag:s23] =	ssyncadd.s32 $0xFFFFFC00  }
0xa77: {  	_ =	swait.ge [sflag:s23], $0x400  }
0xa78: {  	[sflag:s23] =	ssyncset.done $0x0  }
0xa79: {  	[sflag:s23] =	ssyncadd.s32 $0xFFFFFC00  }
0xa7a: {  	_ =	swait.ge [sflag:s23], $0x400  }
0xa7b: {  	[sflag:s23] =	ssyncset.done $0x0  }
0xa7c: {  	[sflag:s23] =	ssyncadd.s32 $0xFFFFFC00  }
0xa7d: {  	_ =	swait.ge [sflag:s23], $0x400  }
0xa7e: {  	[sflag:s23] =	ssyncset.done $0x0  }
0xa7f: {  	[sflag:s23] =	ssyncadd.s32 $0xFFFFFC00  }
0xa80: {  	_ =	swait.ge [sflag:s23], $0x400  }
0xa81: {  	[sflag:s23] =	ssyncset.done $0x0  }
0xa82: {  	[sflag:s23] =	ssyncadd.s32 $0xFFFFFC00  }
0xa83: {  	_ =	swait.ge [sflag:s23], $0x400  }
0xa84: {  	[sflag:s23] =	ssyncset.done $0x0  }
0xa85: {  	[sflag:s23] =	ssyncadd.s32 $0xFFFFFC00  }
0xa86: {  	_ =	swait.ge [sflag:s23], $0x400  }
0xa87: {  	[sflag:s23] =	ssyncset.done $0x0  }
0xa88: {  	[sflag:s23] =	ssyncadd.s32 $0xFFFFFC00  }
0xa89: {  	_ =	swait.ge [sflag:s23], $0x400  }
0xa8a: {  	[sflag:s23] =	ssyncset.done $0x0  }
0xa8b: {  	[sflag:s23] =	ssyncadd.s32 $0xFFFFFC00  }
0xa8c: {  	_ =	swait.ge [sflag:s23], $0x400  }
0xa8d: {  	[sflag:s23] =	ssyncset.done $0x0  }
0xa8e: {  	[sflag:s23] =	ssyncadd.s32 $0xFFFFFC00  }
0xa8f: {  	_ =	swait.ge [sflag:s23], $0x400  }
0xa90: {  	[sflag:s23] =	ssyncset.done $0x0  }
0xa91: {  	[sflag:s23] =	ssyncadd.s32 $0xFFFFFC00  }
0xa92: {  	_ =	swait.ge [sflag:s23], $0x400  }
0xa93: {  	[sflag:s23] =	ssyncset.done $0x0  }
0xa94: {  	[sflag:s23] =	ssyncadd.s32 $0xFFFFFC00  }
0xa95: {  	_ =	swait.ge [sflag:s23], $0x400  }
0xa96: {  	[sflag:s23] =	ssyncset.done $0x0  }
0xa97: {  	s26 =	simm.s32 $0x0;
	[sflag:s23] =	ssyncadd.s32 $0xFFFFFC00  }
0xa98: {  	v62 =	vld [tilespmem:s26+$0x1E0];
	_ =	sdelay $0x4  }
0xa99: {  	(v2sf) =	vpush v62, $0x0;
	_ =	sdelay $0xe  }
0xa9a: {  	s31 =	spop (v2sf)  }
0xa9b: {  	s0 =	sand.u32 $0x7, s31  }
0xa9c: {  	s0 =	sshll.u32 s0, $0x7  }
0xa9d: {  	s0 =	sadd.s32 $0x280, s0  }
0xa9e: {  	v63 =	vld [tilespmem:s0+$0x0];
	_ =	sdelay $0x3  }
0xa9f: {  	s26 =	simm.s32 $0x182A0  }
0xaa0: {  	[tilespmem:s26+$0xFFFFFFE0] =	vst v63  }
0xaa1: {  	v0 =	vld [tilespmem:s0+$0x10];
	_ =	sdelay $0x4  }
0xaa2: {  	[tilespmem:s26+$0xFFFFFFF0] =	vst v0  }
0xaa3: {  	v0 =	vld [tilespmem:s0+$0x20];
	_ =	sdelay $0x4  }
0xaa4: {  	[tilespmem:s26+$0x0] =	vst v0  }
0xaa5: {  	v0 =	vld [tilespmem:s0+$0x30];
	_ =	sdelay $0x4  }
0xaa6: {  	s28 =	simm.s32 $0x280;
	s30 =	simm.s32 $0x1;
	s29 =	simm.s32 $0x8;
	[tilespmem:s26+$0x10] =	vst v0  }
.LBB2_70:
0xaa7: {  	p0 =	sne.s32 s29, $0x7C;
	v0 =	vld [tilespmem:s30+$0x1E0];
	_ =	sdelay $0x4  }
0xaa8: {  	(v2sf) =	vpush v0, $0x0;
	_ =	sdelay $0xe  }
0xaa9: {  	s0 =	spop (v2sf)  }
0xaaa: {  	s0 =	sand.u32 $0x7, s0  }
0xaab: {  	s28 =	sadd.s32 $0x400, s28;
	s0 =	sshll.u32 s0, $0x7  }
0xaac: {  	s0 =	sadd.s32 s0, s28  }
0xaad: {  	v0 =	vld [tilespmem:s0+$0x0];
	_ =	sdelay $0x3  }
0xaae: {  	s26 =	sadd.s32 $0x80, s26  }
0xaaf: {  	[tilespmem:s26+$0xFFFFFFE0] =	vst v0  }
0xab0: {  	v0 =	vld [tilespmem:s0+$0x10];
	_ =	sdelay $0x4  }
0xab1: {  	[tilespmem:s26+$0xFFFFFFF0] =	vst v0  }
0xab2: {  	v0 =	vld [tilespmem:s0+$0x20];
	_ =	sdelay $0x4  }
0xab3: {  	[tilespmem:s26+$0x0] =	vst v0  }
0xab4: {  	v0 =	vld [tilespmem:s0+$0x30]  }
.Ltmp35:
0xab5: {  	(pc) =	sbr.rel @p0 .LBB2_70-.Ltmp35, $2  }
0xab6: {  	_ =	sdelay $0x2  }
0xab7: {  	s30 =	sshra.s32 s29, $0x2;
	s29 =	sadd.s32 $0x4, s29;
	[tilespmem:s26+$0x10] =	vst v0  }
0xab8: {  	v0 =	vld [tilespmem:s30+$0x1E0];
	_ =	sdelay $0x4  }
0xab9: {  	(v2sf) =	vpush v0, $0x0;
	_ =	sdelay $0xe  }
0xaba: {  	s0 =	spop (v2sf)  }
0xabb: {  	s0 =	sand.u32 $0x7, s0  }
0xabc: {  	s1 =	sadd.s32 $0x400, s28;
	s0 =	sshll.u32 s0, $0x7  }
0xabd: {  	s0 =	sadd.s32 s0, s1  }
0xabe: {  	v63 =	vld [tilespmem:s0+$0x0];
	_ =	sdelay $0x3  }
0xabf: {  	s31 =	sadd.s32 $0x80, s26  }
0xac0: {  	[tilespmem:s31+$0xFFFFFFE0] =	vst v63  }
0xac1: {  	v0 =	vld [tilespmem:s0+$0x10];
	_ =	sdelay $0x4  }
0xac2: {  	[tilespmem:s31+$0xFFFFFFF0] =	vst v0  }
0xac3: {  	v0 =	vld [tilespmem:s0+$0x20];
	_ =	sdelay $0x4  }
0xac4: {  	[tilespmem:s31+$0x0] =	vst v0  }
0xac5: {  	v0 =	vld [tilespmem:s0+$0x30];
	_ =	sdelay $0x3  }
0xac6: {  	s25 =	sadd.s32 $0x1, s25  }
0xac7: {  	p0 =	sne.s32 s25, s21;
	[tilespmem:s31+$0x10] =	vst v0  }
0xac8: {  	[hbm4b:s20+s2] =	stream.linear.scatter [tilespmem:s24], [sflag:$0x2], $0x1000, $0x38;
	[tilespmem:$0x19280] =	vst v63  }
.Ltmp36:
0xac9: {  	_ = 	snop;
	(pc) =	sbr.rel @p0 .LBB2_1-.Ltmp36, $4  }
.Ltmp37:
0xaca: {  	_ = 	snop;
	(pc) =	sbr.rel @!p0 .LBB2_72-.Ltmp37, $4  }
0xacb: {  	_ =	swait.ge [sflag:s22], $0x1000  }
0xacc: {  	[sflag:s22] =	ssyncset.done $0x0  }
0xacd: {  	[sflag:s22] =	ssyncadd.s32 $0xFFFFF000  }
0xace: {  	_ = 	snop  }
.LBB2_4:
.Ltmp38:
0xacf: {  	(pc) =	sbr.rel .LBB2_8-.Ltmp38, $2  }
0xad0: {  	_ =	sdelay $0x2  }
0xad1: {  	s30 =	simm.s32 $0x8280;
	p2 =	por $0x0, $0x0  }
.LBB2_9:
.Ltmp39:
0xad2: {  	(pc) =	sbr.rel .LBB2_13-.Ltmp39, $2  }
0xad3: {  	_ =	sdelay $0x2  }
0xad4: {  	s28 =	simm.s32 $0x10280  }
.LBB2_6:
.Ltmp40:
0xad5: {  	(pc) =	sbr.rel .LBB2_8-.Ltmp40, $2  }
0xad6: {  	_ =	sdelay $0x2  }
0xad7: {  	s30 =	simm.s32 $0x8280  }
.LBB2_11:
.Ltmp41:
0xad8: {  	(pc) =	sbr.rel .LBB2_13-.Ltmp41, $2  }
0xad9: {  	_ =	sdelay $0x2  }
0xada: {  	s28 =	simm.s32 $0x10280  }
.LBB2_72:
0xadb: {  	_ =	sfence.sel $0x180000  }
0xadc: {  	[bflag:$0x0] =	sbarrier.arrive $0xFFFF  }
0xadd: {  	_ =	strace $0x90000047  }
0xade: {  	s0 =	stileid.u32;
	[bflag:$0x2] =	sbarrier.arrive $0xFFFF  }
0xadf: {  	p0 =	sne.s32 s0, $0x0;
	s0 =	rddreg [dreg:$0x2]  }
0xae0: {  	s0 =	sadd.s32 @!p0 $0x100000, s0  }
0xae1: {  	[sflag:s0] =	ssyncadd.tile.s32 @!p0 $0x1;
	_ =	shalt  }
.Lfunc_end2:
_tile_overlayer_lowered:
.L_overlay_start_2:
0xae2: {  	(tag) =	ssettag $0x2  }
0xae3: {  	s0 =	rddreg [dreg:$0x0];
	s2 =	stileid.u32  }
0xae4: {  	s1 =	rddreg [dreg:$0x1];
	p0 =	sne.s32 s2, $0x0  }
0xae5: {  	s3 =	rddreg [dreg:$0x2];
	[bflag:$0x3] =	sbarrier.arrive $0xFFFF;
	s2 =	simm.s32 @!p0 $0x1C02  }
0xae6: {  	[timem:s3], [sflag:s2] =	dma.local @!p0 [hbm:s0], s1  }
0xae7: {  	s0 =	simm.s32 @!p0 $0x2  }
0xae8: {  	_ =	swait.ge @!p0 [sflag:s0], s1  }
0xae9: {  	s1 =	ssub.s32 @!p0 $0x0, s1;
	[sflag:s0] =	ssyncset.done @!p0 $0x0  }
0xaea: {  	[sflag:s0] =	ssyncadd.s32 @!p0 s1  }
0xaeb: {  	[bflag:$0x3] =	sbarrier.arrive $0xFFFF  }
0xaec: {  	_ =	shalt  }

</sc_bundles>
